<compile_context>
chip_gen: v7x
topology: tpu7x:2x2x1
jax: 0.10.2.dev20260603
libtpu: 0.0.44.dev20260713+nightly
codegen_flags: <defaults>
</compile_context>

<pallas_src>
import functools

import jax
import jax.numpy as jnp
from jax import lax
from jax.experimental import pallas as pl
from jax.experimental.pallas import tpu as pltpu
from jax.experimental.pallas import tpu_sc as plsc

EPS = 1e-5
M_SEG = 500
NC = 2
NS = 16
NW = NC * NS
CPL = 128 // NW

_SC_PARAMS = pltpu.CompilerParams(needs_layout_passes=False)


def _mesh():
    return plsc.VectorSubcoreMesh(core_axis_name="c", subcore_axis_name="s")


def _wid():
    return lax.axis_index("s") * NC + lax.axis_index("c")


def _zero_acc(acc, nwords):
    z = jnp.zeros((16,), jnp.float32)

    @plsc.parallel_loop(0, nwords // 16, unroll=5)
    def _(i):
        for cc in range(CPL):
            acc[cc, pl.ds(i * 16, 16)] = z


def _make_spmm(n, e, chunk):
    nchunk = e // chunk
    groups = chunk // 16

    @functools.partial(
        pl.kernel,
        out_type=jax.ShapeDtypeStruct((128, n), jnp.float32),
        mesh=_mesh(),
        scratch_types=[
            pltpu.VMEM((CPL, n), jnp.float32),
            pltpu.VMEM((CPL, n), jnp.float32),
            pltpu.VMEM((chunk,), jnp.int32),
            pltpu.VMEM((chunk,), jnp.int32),
            pltpu.VMEM((chunk,), jnp.float32),
            pltpu.VMEM((chunk,), jnp.float32),
            pltpu.SemaphoreType.DMA,
            pltpu.SemaphoreType.DMA,
        ],
        compiler_params=_SC_PARAMS,
    )
    def spmm(xt_hbm, rc_hbm, val_hbm, out_hbm,
             xv, acc, rcb0, rcb1, valb0, valb1, sem0, sem1):
        w = _wid()
        pltpu.async_copy(xt_hbm.at[pl.ds(w * CPL, CPL)], xv, sem0)
        _zero_acc(acc, n)
        pltpu.make_async_copy(xt_hbm.at[pl.ds(0, CPL)], xv, sem0).wait()
        sems = (sem0, sem1)
        rcbs, valbs = (rcb0, rcb1), (valb0, valb1)

        def start(g, slot):
            s = sems[slot]
            pltpu.async_copy(rc_hbm.at[pl.ds(g * chunk, chunk)], rcbs[slot], s)
            pltpu.async_copy(val_hbm.at[pl.ds(g * chunk, chunk)], valbs[slot], s)

        def wait(slot):
            s = sems[slot]
            pltpu.make_async_copy(rc_hbm.at[pl.ds(0, chunk)], rcbs[slot], s).wait()
            pltpu.make_async_copy(val_hbm.at[pl.ds(0, chunk)], valbs[slot], s).wait()

        def process(slot):
            rcb, vb = rcbs[slot], valbs[slot]

            @plsc.parallel_loop(0, groups, unroll=10)
            def _(i):
                ds = pl.ds(i * 16, 16)
                rc = rcb[ds]
                rvec = lax.shift_right_logical(rc, 14)
                cvec = rc & 16383
                vvec = vb[ds]
                for cc in range(CPL):
                    ci = jnp.full((16,), cc, jnp.int32)
                    g = plsc.load_gather(xv, [ci, cvec])
                    plsc.addupdate_scatter(acc, [ci, rvec], g * vvec)

        start(0, 0)

        def pair(j, _):
            g0 = j * 2
            start(g0 + 1, 1)
            wait(0)
            process(0)

            @pl.when(g0 + 2 < nchunk)
            def _():
                start(g0 + 2, 0)

            wait(1)
            process(1)
            return 0

        lax.fori_loop(0, nchunk // 2, pair, 0)
        pltpu.sync_copy(acc, out_hbm.at[pl.ds(w * CPL, CPL)])

    return spmm


def _make_segsum(n, t):
    @functools.partial(
        pl.kernel,
        out_type=jax.ShapeDtypeStruct((128, t), jnp.float32),
        mesh=_mesh(),
        scratch_types=[
            pltpu.VMEM((CPL, n), jnp.float32),
            pltpu.VMEM((n,), jnp.int32),
            pltpu.VMEM((CPL, t), jnp.float32),
            pltpu.SemaphoreType.DMA,
        ],
        compiler_params=_SC_PARAMS,
    )
    def seg(x_hbm, batch_hbm, out_hbm, xv, bv, acc, sem):
        w = _wid()
        pltpu.async_copy(x_hbm.at[pl.ds(w * CPL, CPL)], xv, sem)
        pltpu.async_copy(batch_hbm, bv, sem)
        _zero_acc(acc, t)
        pltpu.make_async_copy(x_hbm.at[pl.ds(0, CPL)], xv, sem).wait()
        pltpu.make_async_copy(batch_hbm, bv, sem).wait()

        @plsc.parallel_loop(0, n // 16, unroll=8)
        def _(i):
            ds = pl.ds(i * 16, 16)
            bvec = bv[ds]
            for cc in range(CPL):
                ci = jnp.full((16,), cc, jnp.int32)
                plsc.addupdate_scatter(acc, [ci, bvec], xv[cc, ds])
        pltpu.sync_copy(acc, out_hbm.at[pl.ds(w * CPL, CPL)])

    return seg


def _make_gat(n, t):
    @functools.partial(
        pl.kernel,
        out_type=(jax.ShapeDtypeStruct((128, t), jnp.float32),
                  jax.ShapeDtypeStruct((t,), jnp.float32)),
        mesh=_mesh(),
        scratch_types=[
            pltpu.VMEM((CPL, n), jnp.float32),
            pltpu.VMEM((n,), jnp.float32),
            pltpu.VMEM((t,), jnp.float32),
            pltpu.VMEM((n,), jnp.int32),
            pltpu.VMEM((CPL, t), jnp.float32),
            pltpu.VMEM((t,), jnp.float32),
            pltpu.SemaphoreType.DMA,
        ],
        compiler_params=_SC_PARAMS,
    )
    def gat(hs_hbm, asrc_hbm, adst_hbm, batch_hbm, u_hbm, den_hbm,
            xv, asv, adv, bv, accu, accd, sem):
        w = _wid()
        pltpu.async_copy(hs_hbm.at[pl.ds(w * CPL, CPL)], xv, sem)
        pltpu.async_copy(asrc_hbm, asv, sem)
        pltpu.async_copy(adst_hbm, adv, sem)
        pltpu.async_copy(batch_hbm, bv, sem)
        _zero_acc(accu, t)
        z = jnp.zeros((16,), jnp.float32)

        @plsc.parallel_loop(0, t // 16, unroll=5)
        def _(i):
            accd[pl.ds(i * 16, 16)] = z

        pltpu.make_async_copy(hs_hbm.at[pl.ds(0, CPL)], xv, sem).wait()
        pltpu.make_async_copy(asrc_hbm, asv, sem).wait()
        pltpu.make_async_copy(adst_hbm, adv, sem).wait()
        pltpu.make_async_copy(batch_hbm, bv, sem).wait()

        def edge_pass(with_den):
            @plsc.parallel_loop(0, n // 16, unroll=8)
            def _(i):
                ds = pl.ds(i * 16, 16)
                bvec = bv[ds]
                ev = asv[ds] + plsc.load_gather(adv, [bvec])
                ev = jnp.where(ev > 0, ev, 0.01 * ev)
                ex = jnp.exp(ev)
                if with_den:
                    plsc.addupdate_scatter(accd, [bvec], ex)
                for cc in range(CPL):
                    ci = jnp.full((16,), cc, jnp.int32)
                    plsc.addupdate_scatter(accu, [ci, bvec], xv[cc, ds] * ex)

        @pl.when(w == 0)
        def _():
            edge_pass(True)

        @pl.when(w != 0)
        def _():
            edge_pass(False)

        pltpu.sync_copy(accu, u_hbm.at[pl.ds(w * CPL, CPL)])

        @pl.when(w == 0)
        def _():
            pltpu.sync_copy(accd, den_hbm)

    return gat


def _bn_t(h, g, b):
    mu = jnp.mean(h, axis=1, keepdims=True)
    var = jnp.mean((h - mu) ** 2, axis=1, keepdims=True)
    return (h - mu) * lax.rsqrt(var + EPS) * g + b


def _mmT(w, x):
    return lax.dot_general(w, x, (((0,), (0,)), ((), ())),
                           preferred_element_type=jnp.float32)


def _elu(x):
    return jnp.where(x > 0, x, jnp.exp(jnp.where(x > 0, 0.0, x)) - 1.0)


def _gru_t(x, h, wih, whh, bih, bhh):
    gi = _mmT(wih, x) + bih
    gh = _mmT(whh, h) + bhh
    r = jax.nn.sigmoid(gi[0:128] + gh[0:128])
    zz = jax.nn.sigmoid(gi[128:256] + gh[128:256])
    nn_ = jnp.tanh(gi[256:384] + r * gh[256:384])
    return (1.0 - zz) * nn_ + zz * h


def _gcn_update(ax_T, w, b, g, bb):
    n = ax_T.shape[1]

    def body(ax_ref, w_ref, b_ref, g_ref, bb_ref, o_ref):
        h = jnp.maximum(_mmT(w_ref[...], ax_ref[...]) + b_ref[...], 0.0)
        o_ref[...] = _bn_t(h, g_ref[...], bb_ref[...])

    return pl.pallas_call(
        body, out_shape=jax.ShapeDtypeStruct((128, n), jnp.float32),
    )(ax_T, w, b, g, bb)


def _post_gcn2(ax_T, w, b, g, bb, g0, b0, ws, a_s):
    n = ax_T.shape[1]

    def body(ax_ref, w_ref, b_ref, g_ref, bb_ref, g0_ref, b0_ref, ws_ref,
             as_ref, xb0_ref, hs_ref, asrc_ref):
        h = jnp.maximum(_mmT(w_ref[...], ax_ref[...]) + b_ref[...], 0.0)
        x2 = _bn_t(h, g_ref[...], bb_ref[...])
        xb0 = _bn_t(x2, g0_ref[...], b0_ref[...])
        hs = _mmT(ws_ref[...], xb0)
        xb0_ref[...] = xb0
        hs_ref[...] = hs
        asrc_ref[...] = jnp.sum(hs * as_ref[...], axis=0, keepdims=True)

    return pl.pallas_call(
        body,
        out_shape=(jax.ShapeDtypeStruct((128, n), jnp.float32),
                   jax.ShapeDtypeStruct((128, n), jnp.float32),
                   jax.ShapeDtypeStruct((1, n), jnp.float32)),
    )(ax_T, w, b, g, bb, g0, b0, ws, a_s)


def _mid_pool(segx_T, g1, b1, wd, a_d):
    t = segx_T.shape[1]

    def body(sx_ref, g1_ref, b1_ref, wd_ref, ad_ref, mb_ref, adst_ref):
        mean = jnp.maximum(sx_ref[...], 0.0)
        mb = _bn_t(mean, g1_ref[...], b1_ref[...])
        hd = _mmT(wd_ref[...], mb)
        mb_ref[...] = mb
        adst_ref[...] = jnp.sum(hd * ad_ref[...], axis=0, keepdims=True)

    return pl.pallas_call(
        body,
        out_shape=(jax.ShapeDtypeStruct((128, t), jnp.float32),
                   jax.ShapeDtypeStruct((1, t), jnp.float32)),
    )(segx_T, g1, b1, wd, a_d)


def _final(u_T, den, meanb_T, bias_tt, wih_tt, whh_tt, bih_tt, bhh_tt,
           g2_tt, b2_tt, mol, batch2, pred):
    t = u_T.shape[1]
    m = M_SEG

    def body(u_ref, den_ref, mb_ref, bias_ref, wih_ref, whh_ref, bih_ref,
             bhh_ref, g2_ref, b2_ref,
             g0m_ref, b0m_ref, g1m_ref, b1m_ref, g2m_ref, b2m_ref,
             wsm_ref, wdm_ref, asm_ref, adm_ref, biasm_ref,
             wihm_ref, whhm_ref, bihm_ref, bhhm_ref,
             batch_ref, w1_ref, b1p_ref, w2_ref, b2p_ref, o_ref):
        meanb = mb_ref[...]
        gat = u_ref[...] / (den_ref[...] + 1e-16) + bias_ref[...]
        g = _elu(gat)
        gg = _gru_t(g, meanb, wih_ref[...], whh_ref[...], bih_ref[...],
                    bhh_ref[...])
        tt = _bn_t(jnp.maximum(gg, 0.0), g2_ref[...], b2_ref[...])
        xb = _bn_t(tt, g0m_ref[...], b0m_ref[...])
        sel = (lax.broadcasted_iota(jnp.int32, (m, t), 0) ==
               jnp.broadcast_to(batch_ref[...], (m, t))).astype(jnp.float32)
        segx = lax.dot_general(xb, sel, (((1,), (1,)), ((), ())),
                               preferred_element_type=jnp.float32)
        meanm = jnp.maximum(segx, 0.0)
        meanmb = _bn_t(meanm, g1m_ref[...], b1m_ref[...])
        hs = _mmT(wsm_ref[...], xb)
        asrc = jnp.sum(hs * asm_ref[...], axis=0, keepdims=True)
        hd = _mmT(wdm_ref[...], meanmb)
        adst = jnp.sum(hd * adm_ref[...], axis=0, keepdims=True)
        ev = asrc + lax.dot_general(adst, sel, (((1,), (0,)), ((), ())),
                                    preferred_element_type=jnp.float32)
        ev = jnp.where(ev > 0, ev, 0.01 * ev)
        ex = jnp.exp(ev)
        denm = lax.dot_general(ex, sel, (((1,), (1,)), ((), ())),
                               preferred_element_type=jnp.float32)
        um = lax.dot_general(hs * ex, sel, (((1,), (1,)), ((), ())),
                             preferred_element_type=jnp.float32)
        gatm = um / (denm + 1e-16) + biasm_ref[...]
        gm = _elu(gatm)
        ggm = _gru_t(gm, meanmb, wihm_ref[...], whhm_ref[...], bihm_ref[...],
                     bhhm_ref[...])
        molv = _bn_t(jnp.maximum(ggm, 0.0), g2m_ref[...], b2m_ref[...])
        h1 = jnp.maximum(_mmT(w1_ref[...], molv) + b1p_ref[...], 0.0)
        o_ref[...] = _mmT(w2_ref[...], h1) + b2p_ref[...]

    return pl.pallas_call(
        body, out_shape=jax.ShapeDtypeStruct((1, m), jnp.float32),
    )(u_T, den, meanb_T, bias_tt, wih_tt, whh_tt, bih_tt, bhh_tt, g2_tt,
      b2_tt, mol['bn0_g'], mol['bn0_b'], mol['bn1_g'], mol['bn1_b'],
      mol['bn2_g'], mol['bn2_b'], mol['Ws'], mol['Wd'], mol['a_s'],
      mol['a_d'], mol['bias'], mol['Wih'], mol['Whh'], mol['bih'],
      mol['bhh'], batch2, pred['W1'], pred['b1'], pred['W2'], pred['b2'])


def _col(v):
    return v.reshape(-1, 1)


def kernel(node_attr, adj_index, adj_value, tt_node_batch, tt_graph_batch,
           params):
    n, d = node_attr.shape
    e = adj_value.shape[0]
    t = tt_graph_batch.shape[0]
    m = M_SEG

    row = adj_index[0]
    col = adj_index[1]
    x0_T = jnp.swapaxes(node_attr, 0, 1)

    spmm = _make_spmm(n, e, 8000)
    segsum = _make_segsum(n, t)
    gatk = _make_gat(n, t)

    p1, p2, ptt, pmol = (params['gcn1'], params['gcn2'], params['tt'],
                         params['mol'])

    rc = row * 16384 + col
    ax1 = spmm(x0_T, rc, adj_value)
    x1 = _gcn_update(ax1, p1['W'], _col(p1['b']), _col(p1['bn_g']),
                     _col(p1['bn_b']))
    ax2 = spmm(x1, rc, adj_value)
    xb0, hs, asrc = _post_gcn2(
        ax2, p2['W'], _col(p2['b']), _col(p2['bn_g']), _col(p2['bn_b']),
        _col(ptt['bn0_g']), _col(ptt['bn0_b']), ptt['Ws'], _col(ptt['a_s']))
    segx = segsum(xb0, tt_node_batch)
    meanb, adst = _mid_pool(segx, _col(ptt['bn1_g']), _col(ptt['bn1_b']),
                            ptt['Wd'], _col(ptt['a_d']))
    u, den = gatk(hs, asrc.reshape(n), adst.reshape(t), tt_node_batch)
    mol_in = {k: (_col(v) if v.ndim == 1 else v) for k, v in pmol.items()}
    pred_in = {k: (_col(v) if v.ndim == 1 else v)
               for k, v in params['pred'].items()}
    y = _final(u, den.reshape(1, t), meanb, _col(ptt['bias']), ptt['Wih'],
               ptt['Whh'], _col(ptt['bih']), _col(ptt['bhh']),
               _col(ptt['bn2_g']), _col(ptt['bn2_b']), mol_in,
               tt_graph_batch.reshape(1, t), pred_in)
    return y.reshape(m, 1)

# --- scband reference (transcript-rebuilt; emitter-appended) ---
"""Pipeline reference for scband-ttmer-net-65077344469254 (READ-ONLY COPY).

The authoritative reference and input builder live on the scoring server;
editing this copy changes nothing except your own understanding.
"""

import jax, jax.numpy as jnp
import numpy as np

N = 10000
E = 320000
D = 128
T = 2000
M = 500
EPS = 1e-5


def _bn(x, g, b):
    mu = jnp.mean(x, axis=0)
    var = jnp.var(x, axis=0)
    return (x - mu) / jnp.sqrt(var + EPS) * g + b


def _gat(x_src, x_dst, src, dst, p, n_dst):
    hs = x_src @ p['Ws']
    hd = x_dst @ p['Wd']
    a_src = hs @ p['a_s']
    a_dst = hd @ p['a_d']
    e = a_src[src] + a_dst[dst]
    e = jnp.where(e > 0, e, 0.01 * e)
    m = jax.ops.segment_max(e, dst, num_segments=n_dst)
    m = jnp.where(jnp.isfinite(m), m, 0.0)
    ex = jnp.exp(e - m[dst])
    den = jax.ops.segment_sum(ex, dst, num_segments=n_dst)
    alpha = ex / (den[dst] + 1e-16)
    out = jax.ops.segment_sum(alpha[:, None] * hs[src], dst, num_segments=n_dst)
    return out + p['bias']


def _gru(x, h, p):
    gi = x @ p['Wih'] + p['bih']
    gh = h @ p['Whh'] + p['bhh']
    i_r, i_z, i_n = jnp.split(gi, 3, axis=1)
    h_r, h_z, h_n = jnp.split(gh, 3, axis=1)
    r = jax.nn.sigmoid(i_r + h_r)
    z = jax.nn.sigmoid(i_z + h_z)
    n = jnp.tanh(i_n + r * h_n)
    return (1.0 - z) * n + z * h


def _pool(x, batch, p, n_out):
    x = _bn(x, p['bn0_g'], p['bn0_b'])
    mean = jax.ops.segment_sum(x, batch, num_segments=n_out)
    mean = jax.nn.relu(mean)
    mean = _bn(mean, p['bn1_g'], p['bn1_b'])
    src = jnp.arange(x.shape[0])
    g = _gat(x, mean, src, batch, p, n_out)
    g = jax.nn.elu(g)
    g = _gru(g, mean, p)
    g = jax.nn.relu(g)
    g = _bn(g, p['bn2_g'], p['bn2_b'])
    return g


def _forward(node_attr, adj_index, adj_value, tt_node_batch, tt_graph_batch, params):
    x = node_attr
    row = adj_index[0]
    col = adj_index[1]
    for name in ('gcn1', 'gcn2'):
        p = params[name]
        ax = jax.ops.segment_sum(adj_value[:, None] * x[col], row, num_segments=N)
        x = ax @ p['W'] + p['b']
        x = jax.nn.relu(x)
        x = _bn(x, p['bn_g'], p['bn_b'])
    tt = _pool(x, tt_node_batch, params['tt'], T)
    mol = _pool(tt, tt_graph_batch, params['mol'], M)
    pr = params['pred']
    y = jax.nn.relu(mol @ pr['W1'] + pr['b1'])
    y = y @ pr['W2'] + pr['b2']
    return y


def setup_inputs(seed: int = 0):
    key = jax.random.key(seed)
    ki = iter(jax.random.split(key, 64))

    def nrm(shape, scale=0.1):
        return jax.random.normal(next(ki), shape, dtype=jnp.float32) * scale

    def pool_params():
        return {
            'bn0_g': jnp.ones((D,), jnp.float32), 'bn0_b': jnp.zeros((D,), jnp.float32),
            'bn1_g': jnp.ones((D,), jnp.float32), 'bn1_b': jnp.zeros((D,), jnp.float32),
            'bn2_g': jnp.ones((D,), jnp.float32), 'bn2_b': jnp.zeros((D,), jnp.float32),
            'Ws': nrm((D, D)), 'Wd': nrm((D, D)),
            'a_s': nrm((D,)), 'a_d': nrm((D,)),
            'bias': jnp.zeros((D,), jnp.float32),
            'Wih': nrm((D, 3 * D)), 'Whh': nrm((D, 3 * D)),
            'bih': jnp.zeros((3 * D,), jnp.float32), 'bhh': jnp.zeros((3 * D,), jnp.float32),
        }

    params = {
        'gcn1': {'W': nrm((D, D)), 'b': jnp.zeros((D,), jnp.float32),
                 'bn_g': jnp.ones((D,), jnp.float32), 'bn_b': jnp.zeros((D,), jnp.float32)},
        'gcn2': {'W': nrm((D, D)), 'b': jnp.zeros((D,), jnp.float32),
                 'bn_g': jnp.ones((D,), jnp.float32), 'bn_b': jnp.zeros((D,), jnp.float32)},
        'tt': pool_params(),
        'mol': pool_params(),
        'pred': {'W1': nrm((D, 64)), 'b1': jnp.zeros((64,), jnp.float32),
                 'W2': nrm((64, 1)), 'b2': jnp.zeros((1,), jnp.float32)},
    }
    node_attr = jax.random.normal(next(ki), (N, D), dtype=jnp.float32)
    adj_index = jax.random.randint(next(ki), (2, E), 0, N, dtype=jnp.int32)
    adj_value = jax.random.uniform(next(ki), (E,), dtype=jnp.float32)
    tt_node_batch = jnp.sort(jax.random.randint(next(ki), (N,), 0, T, dtype=jnp.int32))
    tt_graph_batch = jnp.sort(jax.random.randint(next(ki), (T,), 0, M, dtype=jnp.int32))
    return {'node_attr': node_attr, 'adj_index': adj_index, 'adj_value': adj_value,
            'tt_node_batch': tt_node_batch, 'tt_graph_batch': tt_graph_batch, 'params': params}


def reference(node_attr, adj_index, adj_value, tt_node_batch, tt_graph_batch, params):
    return _forward(node_attr, adj_index, adj_value, tt_node_batch, tt_graph_batch, params)

if __name__ == "__main__":
    import jax
    _d = setup_inputs()
    print(jax.jit(kernel)(*tuple(_d.values())))

</pallas_src>

<mosaic_0001>
#map = affine_map<(d0, d1) -> (0, 0)>
#map1 = affine_map<(d0, d1) -> (0)>
module attributes {stable_mosaic.version = 14 : i64} {
  func.func @spmm(%arg0: i32, %arg1: i32, %arg2: memref<128x10000xf32, #tpu.memory_space<hbm>>, %arg3: memref<320000xi32, #tpu.memory_space<hbm>>, %arg4: memref<320000xf32, #tpu.memory_space<hbm>>, %arg5: memref<128x10000xf32, #tpu.memory_space<hbm>>, %arg6: memref<4x10000xf32, #tpu.memory_space<vmem>>, %arg7: memref<4x10000xf32, #tpu.memory_space<vmem>>, %arg8: memref<8000xi32, #tpu.memory_space<vmem>>, %arg9: memref<8000xi32, #tpu.memory_space<vmem>>, %arg10: memref<8000xf32, #tpu.memory_space<vmem>>, %arg11: memref<8000xf32, #tpu.memory_space<vmem>>, %arg12: memref<!tpu.dma_semaphore, #tpu.memory_space<semaphore_mem>>, %arg13: memref<!tpu.dma_semaphore, #tpu.memory_space<semaphore_mem>>) attributes {dimension_semantics = [#tpu.dimension_semantics<core_parallel>, #tpu.dimension_semantics<subcore_parallel>], iteration_bounds = array<i64: 2, 16>, scalar_prefetch = 0 : i64, scratch_operands = 8 : i64, tpu.core_type = #tpu.core_type<sc_vector_subcore>, window_params = [{transform_indices = #map}, {transform_indices = #map1}, {transform_indices = #map1}, {transform_indices = #map}]} {
    %mul3A = arith.constant 2 : i32
    %mul3A_0 = arith.muli %arg1, %mul3A : i32
    %add3A = arith.addi %mul3A_0, %arg0 : i32
    %mul3A_1 = arith.constant 4 : i32
    %mul3A_2 = arith.muli %add3A, %mul3A_1 : i32
    %dma_start3A = arith.constant 0 : i32
    %dma_start3A_3 = tpu.memref_slice %arg2[%mul3A_2, %dma_start3A] : memref<128x10000xf32, #tpu.memory_space<hbm>> -> memref<4x10000xf32, #tpu.memory_space<hbm>>
    %dma_start3A_4 = arith.constant 0 : i32
    %dma_start3A_5 = tpu.memref_slice %arg2[%mul3A_2, %dma_start3A_4] : memref<128x10000xf32, #tpu.memory_space<hbm>> -> memref<4x10000xf32, #tpu.memory_space<hbm>>
    tpu.enqueue_dma source(%dma_start3A_5 : memref<4x10000xf32, #tpu.memory_space<hbm>>) target(%arg6 : memref<4x10000xf32, #tpu.memory_space<vmem>>) target_semaphore(%arg12 : memref<!tpu.dma_semaphore, #tpu.memory_space<semaphore_mem>>)
    %broadcast_in_dim3A = arith.constant 0.000000e+00 : f32
    %broadcast_in_dim3A_6 = vector.broadcast %broadcast_in_dim3A : f32 to vector<16xf32>
    %parallel_loop3A = arith.constant 0 : i32
    %parallel_loop3A_7 = arith.constant 625 : i32
    %parallel_loop3A_8 = arith.constant 1 : i32
    scf.for %parallel_loop3A_30 = %parallel_loop3A to %parallel_loop3A_7 step %parallel_loop3A_8  : i32 {
      %parallel_loop3A_31 = arith.constant 16 : i32
      %parallel_loop3A_32 = arith.muli %parallel_loop3A_30, %parallel_loop3A_31 : i32
      %parallel_loop3A_33 = arith.constant 0 : i32
      %parallel_loop3A_34 = arith.index_cast %parallel_loop3A_33 : i32 to index
      %parallel_loop3A_35 = arith.index_cast %parallel_loop3A_32 : i32 to index
      %parallel_loop3A_36 = tpu.vector_load %arg7[%parallel_loop3A_34, %parallel_loop3A_35] {strides = array<i32>} : memref<4x10000xf32, #tpu.memory_space<vmem>>, vector<16xf32>,
      tpu.vector_store %arg7[%parallel_loop3A_34, %parallel_loop3A_35], %broadcast_in_dim3A_6 {strides = array<i32>} : memref<4x10000xf32, #tpu.memory_space<vmem>>, vector<16xf32>,
      %parallel_loop3A_37 = arith.constant 16 : i32
      %parallel_loop3A_38 = arith.muli %parallel_loop3A_30, %parallel_loop3A_37 : i32
      %parallel_loop3A_39 = arith.constant 1 : i32
      %parallel_loop3A_40 = arith.index_cast %parallel_loop3A_39 : i32 to index
      %parallel_loop3A_41 = arith.index_cast %parallel_loop3A_38 : i32 to index
      %parallel_loop3A_42 = tpu.vector_load %arg7[%parallel_loop3A_40, %parallel_loop3A_41] {strides = array<i32>} : memref<4x10000xf32, #tpu.memory_space<vmem>>, vector<16xf32>,
      tpu.vector_store %arg7[%parallel_loop3A_40, %parallel_loop3A_41], %broadcast_in_dim3A_6 {strides = array<i32>} : memref<4x10000xf32, #tpu.memory_space<vmem>>, vector<16xf32>,
      %parallel_loop3A_43 = arith.constant 16 : i32
      %parallel_loop3A_44 = arith.muli %parallel_loop3A_30, %parallel_loop3A_43 : i32
      %parallel_loop3A_45 = arith.constant 2 : i32
      %parallel_loop3A_46 = arith.index_cast %parallel_loop3A_45 : i32 to index
      %parallel_loop3A_47 = arith.index_cast %parallel_loop3A_44 : i32 to index
      %parallel_loop3A_48 = tpu.vector_load %arg7[%parallel_loop3A_46, %parallel_loop3A_47] {strides = array<i32>} : memref<4x10000xf32, #tpu.memory_space<vmem>>, vector<16xf32>,
      tpu.vector_store %arg7[%parallel_loop3A_46, %parallel_loop3A_47], %broadcast_in_dim3A_6 {strides = array<i32>} : memref<4x10000xf32, #tpu.memory_space<vmem>>, vector<16xf32>,
      %parallel_loop3A_49 = arith.constant 16 : i32
      %parallel_loop3A_50 = arith.muli %parallel_loop3A_30, %parallel_loop3A_49 : i32
      %parallel_loop3A_51 = arith.constant 3 : i32
      %parallel_loop3A_52 = arith.index_cast %parallel_loop3A_51 : i32 to index
      %parallel_loop3A_53 = arith.index_cast %parallel_loop3A_50 : i32 to index
      %parallel_loop3A_54 = tpu.vector_load %arg7[%parallel_loop3A_52, %parallel_loop3A_53] {strides = array<i32>} : memref<4x10000xf32, #tpu.memory_space<vmem>>, vector<16xf32>,
      tpu.vector_store %arg7[%parallel_loop3A_52, %parallel_loop3A_53], %broadcast_in_dim3A_6 {strides = array<i32>} : memref<4x10000xf32, #tpu.memory_space<vmem>>, vector<16xf32>,
    } {sc.loop_unroll_factor = 5 : i64, sc.parallel_access}
    %dma_wait3A = arith.constant 0 : i32
    %dma_wait3A_9 = arith.constant 0 : i32
    %dma_wait3A_10 = tpu.memref_slice %arg2[%dma_wait3A, %dma_wait3A_9] : memref<128x10000xf32, #tpu.memory_space<hbm>> -> memref<4x10000xf32, #tpu.memory_space<hbm>>
    %dma_wait3A_11 = arith.constant 0 : i32
    %dma_wait3A_12 = arith.constant 0 : i32
    %dma_wait3A_13 = tpu.memref_slice %arg2[%dma_wait3A_11, %dma_wait3A_12] : memref<128x10000xf32, #tpu.memory_space<hbm>> -> memref<4x10000xf32, #tpu.memory_space<hbm>>
    tpu.wait_dma2 semaphore(%arg12 : memref<!tpu.dma_semaphore, #tpu.memory_space<semaphore_mem>>) src(%dma_wait3A_13 : memref<4x10000xf32, #tpu.memory_space<hbm>>) dst(%arg6 : memref<4x10000xf32, #tpu.memory_space<vmem>>)
    %dma_start3A_14 = arith.constant 0 : i32
    %dma_start3A_15 = tpu.memref_slice %arg3[%dma_start3A_14] : memref<320000xi32, #tpu.memory_space<hbm>> -> memref<8000xi32, #tpu.memory_space<hbm>>
    %dma_start3A_16 = arith.constant 0 : i32
    %dma_start3A_17 = tpu.memref_slice %arg3[%dma_start3A_16] : memref<320000xi32, #tpu.memory_space<hbm>> -> memref<8000xi32, #tpu.memory_space<hbm>>
    tpu.enqueue_dma source(%dma_start3A_17 : memref<8000xi32, #tpu.memory_space<hbm>>) target(%arg8 : memref<8000xi32, #tpu.memory_space<vmem>>) target_semaphore(%arg12 : memref<!tpu.dma_semaphore, #tpu.memory_space<semaphore_mem>>)
    %dma_start3A_18 = arith.constant 0 : i32
    %dma_start3A_19 = tpu.memref_slice %arg4[%dma_start3A_18] : memref<320000xf32, #tpu.memory_space<hbm>> -> memref<8000xf32, #tpu.memory_space<hbm>>
    %dma_start3A_20 = arith.constant 0 : i32
    %dma_start3A_21 = tpu.memref_slice %arg4[%dma_start3A_20] : memref<320000xf32, #tpu.memory_space<hbm>> -> memref<8000xf32, #tpu.memory_space<hbm>>
    tpu.enqueue_dma source(%dma_start3A_21 : memref<8000xf32, #tpu.memory_space<hbm>>) target(%arg10 : memref<8000xf32, #tpu.memory_space<vmem>>) target_semaphore(%arg12 : memref<!tpu.dma_semaphore, #tpu.memory_space<semaphore_mem>>)
    %scan3A = arith.constant 0 : i32
    %scan3A_22 = arith.constant 0 : i32
    %scan3A_23 = arith.constant 20 : i32
    %scan3A_24 = arith.addi %scan3A_22, %scan3A_23 : i32
    %scan3A_25 = arith.constant 1 : i32
    %scan3A_26 = scf.for %scan3A_30 = %scan3A_22 to %scan3A_24 step %scan3A_25 iter_args(%scan3A_31 = %scan3A) -> (i32)  : i32 {
      %mul3A_32 = arith.constant 2 : i32
      %mul3A_33 = arith.muli %scan3A_30, %mul3A_32 : i32
      %add3A_34 = arith.constant 1 : i32
      %add3A_35 = arith.addi %mul3A_33, %add3A_34 : i32
      %mul3A_36 = arith.constant 8000 : i32
      %mul3A_37 = arith.muli %add3A_35, %mul3A_36 : i32
      %dma_start3A_38 = tpu.memref_slice %arg3[%mul3A_37] : memref<320000xi32, #tpu.memory_space<hbm>> -> memref<8000xi32, #tpu.memory_space<hbm>>
      %dma_start3A_39 = tpu.memref_slice %arg3[%mul3A_37] : memref<320000xi32, #tpu.memory_space<hbm>> -> memref<8000xi32, #tpu.memory_space<hbm>>
      tpu.enqueue_dma source(%dma_start3A_39 : memref<8000xi32, #tpu.memory_space<hbm>>) target(%arg9 : memref<8000xi32, #tpu.memory_space<vmem>>) target_semaphore(%arg13 : memref<!tpu.dma_semaphore, #tpu.memory_space<semaphore_mem>>)
      %mul3A_40 = arith.constant 8000 : i32
      %mul3A_41 = arith.muli %add3A_35, %mul3A_40 : i32
      %dma_start3A_42 = tpu.memref_slice %arg4[%mul3A_41] : memref<320000xf32, #tpu.memory_space<hbm>> -> memref<8000xf32, #tpu.memory_space<hbm>>
      %dma_start3A_43 = tpu.memref_slice %arg4[%mul3A_41] : memref<320000xf32, #tpu.memory_space<hbm>> -> memref<8000xf32, #tpu.memory_space<hbm>>
      tpu.enqueue_dma source(%dma_start3A_43 : memref<8000xf32, #tpu.memory_space<hbm>>) target(%arg11 : memref<8000xf32, #tpu.memory_space<vmem>>) target_semaphore(%arg13 : memref<!tpu.dma_semaphore, #tpu.memory_space<semaphore_mem>>)
      %dma_wait3A_44 = arith.constant 0 : i32
      %dma_wait3A_45 = tpu.memref_slice %arg3[%dma_wait3A_44] : memref<320000xi32, #tpu.memory_space<hbm>> -> memref<8000xi32, #tpu.memory_space<hbm>>
      %dma_wait3A_46 = arith.constant 0 : i32
      %dma_wait3A_47 = tpu.memref_slice %arg3[%dma_wait3A_46] : memref<320000xi32, #tpu.memory_space<hbm>> -> memref<8000xi32, #tpu.memory_space<hbm>>
      tpu.wait_dma2 semaphore(%arg12 : memref<!tpu.dma_semaphore, #tpu.memory_space<semaphore_mem>>) src(%dma_wait3A_47 : memref<8000xi32, #tpu.memory_space<hbm>>) dst(%arg8 : memref<8000xi32, #tpu.memory_space<vmem>>)
      %dma_wait3A_48 = arith.constant 0 : i32
      %dma_wait3A_49 = tpu.memref_slice %arg4[%dma_wait3A_48] : memref<320000xf32, #tpu.memory_space<hbm>> -> memref<8000xf32, #tpu.memory_space<hbm>>
      %dma_wait3A_50 = arith.constant 0 : i32
      %dma_wait3A_51 = tpu.memref_slice %arg4[%dma_wait3A_50] : memref<320000xf32, #tpu.memory_space<hbm>> -> memref<8000xf32, #tpu.memory_space<hbm>>
      tpu.wait_dma2 semaphore(%arg12 : memref<!tpu.dma_semaphore, #tpu.memory_space<semaphore_mem>>) src(%dma_wait3A_51 : memref<8000xf32, #tpu.memory_space<hbm>>) dst(%arg10 : memref<8000xf32, #tpu.memory_space<vmem>>)
      %parallel_loop3A_52 = arith.constant 0 : i32
      %parallel_loop3A_53 = arith.constant 500 : i32
      %parallel_loop3A_54 = arith.constant 1 : i32
      scf.for %parallel_loop3A_71 = %parallel_loop3A_52 to %parallel_loop3A_53 step %parallel_loop3A_54  : i32 {
        %parallel_loop3A_72 = arith.constant 16 : i32
        %parallel_loop3A_73 = arith.muli %parallel_loop3A_71, %parallel_loop3A_72 : i32
        %parallel_loop3A_74 = arith.index_cast %parallel_loop3A_73 : i32 to index
        %parallel_loop3A_75 = tpu.vector_load %arg8[%parallel_loop3A_74] {strides = array<i32>} : memref<8000xi32, #tpu.memory_space<vmem>>, vector<16xi32>,
        %parallel_loop3A_76 = arith.constant 14 : i32
        %parallel_loop3A_77 = vector.broadcast %parallel_loop3A_76 : i32 to vector<16xi32>
        %parallel_loop3A_78 = arith.shrui %parallel_loop3A_75, %parallel_loop3A_77 : vector<16xi32>
        %parallel_loop3A_79 = arith.constant 16383 : i32
        %parallel_loop3A_80 = vector.broadcast %parallel_loop3A_79 : i32 to vector<16xi32>
        %parallel_loop3A_81 = arith.andi %parallel_loop3A_75, %parallel_loop3A_80 : vector<16xi32>
        %parallel_loop3A_82 = arith.index_cast %parallel_loop3A_73 : i32 to index
        %parallel_loop3A_83 = tpu.vector_load %arg10[%parallel_loop3A_82] {strides = array<i32>} : memref<8000xf32, #tpu.memory_space<vmem>>, vector<16xf32>,
        %parallel_loop3A_84 = arith.constant 0 : i32
        %parallel_loop3A_85 = vector.broadcast %parallel_loop3A_84 : i32 to vector<16xi32>
        %parallel_loop3A_86 = tpu.vector_load_idx %arg6[%parallel_loop3A_85, %parallel_loop3A_81] : memref<4x10000xf32, #tpu.memory_space<vmem>>[vector<16xi32>, vector<16xi32>], vector<16xf32>,
        %parallel_loop3A_87 = arith.mulf %parallel_loop3A_86, %parallel_loop3A_83 : vector<16xf32>
        tpu.vector_store_idx %arg7[%parallel_loop3A_85, %parallel_loop3A_78], %parallel_loop3A_87 {add = true} : memref<4x10000xf32, #tpu.memory_space<vmem>>[vector<16xi32>, vector<16xi32>], vector<16xf32>,
        %parallel_loop3A_88 = arith.constant 1 : i32
        %parallel_loop3A_89 = vector.broadcast %parallel_loop3A_88 : i32 to vector<16xi32>
        %parallel_loop3A_90 = tpu.vector_load_idx %arg6[%parallel_loop3A_89, %parallel_loop3A_81] : memref<4x10000xf32, #tpu.memory_space<vmem>>[vector<16xi32>, vector<16xi32>], vector<16xf32>,
        %parallel_loop3A_91 = arith.mulf %parallel_loop3A_90, %parallel_loop3A_83 : vector<16xf32>
        tpu.vector_store_idx %arg7[%parallel_loop3A_89, %parallel_loop3A_78], %parallel_loop3A_91 {add = true} : memref<4x10000xf32, #tpu.memory_space<vmem>>[vector<16xi32>, vector<16xi32>], vector<16xf32>,
        %parallel_loop3A_92 = arith.constant 2 : i32
        %parallel_loop3A_93 = vector.broadcast %parallel_loop3A_92 : i32 to vector<16xi32>
        %parallel_loop3A_94 = tpu.vector_load_idx %arg6[%parallel_loop3A_93, %parallel_loop3A_81] : memref<4x10000xf32, #tpu.memory_space<vmem>>[vector<16xi32>, vector<16xi32>], vector<16xf32>,
        %parallel_loop3A_95 = arith.mulf %parallel_loop3A_94, %parallel_loop3A_83 : vector<16xf32>
        tpu.vector_store_idx %arg7[%parallel_loop3A_93, %parallel_loop3A_78], %parallel_loop3A_95 {add = true} : memref<4x10000xf32, #tpu.memory_space<vmem>>[vector<16xi32>, vector<16xi32>], vector<16xf32>,
        %parallel_loop3A_96 = arith.constant 3 : i32
        %parallel_loop3A_97 = vector.broadcast %parallel_loop3A_96 : i32 to vector<16xi32>
        %parallel_loop3A_98 = tpu.vector_load_idx %arg6[%parallel_loop3A_97, %parallel_loop3A_81] : memref<4x10000xf32, #tpu.memory_space<vmem>>[vector<16xi32>, vector<16xi32>], vector<16xf32>,
        %parallel_loop3A_99 = arith.mulf %parallel_loop3A_98, %parallel_loop3A_83 : vector<16xf32>
        tpu.vector_store_idx %arg7[%parallel_loop3A_97, %parallel_loop3A_78], %parallel_loop3A_99 {add = true} : memref<4x10000xf32, #tpu.memory_space<vmem>>[vector<16xi32>, vector<16xi32>], vector<16xf32>,
      } {sc.loop_unroll_factor = 10 : i64, sc.parallel_access}
      %add3A_55 = arith.constant 2 : i32
      %add3A_56 = arith.addi %mul3A_33, %add3A_55 : i32
      %lt3A = arith.constant 40 : i32
      %lt3A_57 = arith.cmpi slt, %add3A_56, %lt3A : i32
      %convert_element_type3A = arith.extui %lt3A_57 : i1 to i32
      %cond3A = arith.constant 0 : i32
      %cond3A_58 = arith.cmpi ne, %convert_element_type3A, %cond3A : i32
      scf.if %cond3A_58 {
        %add3A_71 = arith.constant 2 : i32
        %add3A_72 = arith.addi %mul3A_33, %add3A_71 : i32
        %mul3A_73 = arith.constant 8000 : i32
        %mul3A_74 = arith.muli %add3A_72, %mul3A_73 : i32
        %dma_start3A_75 = tpu.memref_slice %arg3[%mul3A_74] : memref<320000xi32, #tpu.memory_space<hbm>> -> memref<8000xi32, #tpu.memory_space<hbm>>
        %dma_start3A_76 = tpu.memref_slice %arg3[%mul3A_74] : memref<320000xi32, #tpu.memory_space<hbm>> -> memref<8000xi32, #tpu.memory_space<hbm>>
        tpu.enqueue_dma source(%dma_start3A_76 : memref<8000xi32, #tpu.memory_space<hbm>>) target(%arg8 : memref<8000xi32, #tpu.memory_space<vmem>>) target_semaphore(%arg12 : memref<!tpu.dma_semaphore, #tpu.memory_space<semaphore_mem>>)
        %mul3A_77 = arith.constant 8000 : i32
        %mul3A_78 = arith.muli %add3A_72, %mul3A_77 : i32
        %dma_start3A_79 = tpu.memref_slice %arg4[%mul3A_78] : memref<320000xf32, #tpu.memory_space<hbm>> -> memref<8000xf32, #tpu.memory_space<hbm>>
        %dma_start3A_80 = tpu.memref_slice %arg4[%mul3A_78] : memref<320000xf32, #tpu.memory_space<hbm>> -> memref<8000xf32, #tpu.memory_space<hbm>>
        tpu.enqueue_dma source(%dma_start3A_80 : memref<8000xf32, #tpu.memory_space<hbm>>) target(%arg10 : memref<8000xf32, #tpu.memory_space<vmem>>) target_semaphore(%arg12 : memref<!tpu.dma_semaphore, #tpu.memory_space<semaphore_mem>>)
      } else {
      }
      %dma_wait3A_59 = arith.constant 0 : i32
      %dma_wait3A_60 = tpu.memref_slice %arg3[%dma_wait3A_59] : memref<320000xi32, #tpu.memory_space<hbm>> -> memref<8000xi32, #tpu.memory_space<hbm>>
      %dma_wait3A_61 = arith.constant 0 : i32
      %dma_wait3A_62 = tpu.memref_slice %arg3[%dma_wait3A_61] : memref<320000xi32, #tpu.memory_space<hbm>> -> memref<8000xi32, #tpu.memory_space<hbm>>
      tpu.wait_dma2 semaphore(%arg13 : memref<!tpu.dma_semaphore, #tpu.memory_space<semaphore_mem>>) src(%dma_wait3A_62 : memref<8000xi32, #tpu.memory_space<hbm>>) dst(%arg9 : memref<8000xi32, #tpu.memory_space<vmem>>)
      %dma_wait3A_63 = arith.constant 0 : i32
      %dma_wait3A_64 = tpu.memref_slice %arg4[%dma_wait3A_63] : memref<320000xf32, #tpu.memory_space<hbm>> -> memref<8000xf32, #tpu.memory_space<hbm>>
      %dma_wait3A_65 = arith.constant 0 : i32
      %dma_wait3A_66 = tpu.memref_slice %arg4[%dma_wait3A_65] : memref<320000xf32, #tpu.memory_space<hbm>> -> memref<8000xf32, #tpu.memory_space<hbm>>
      tpu.wait_dma2 semaphore(%arg13 : memref<!tpu.dma_semaphore, #tpu.memory_space<semaphore_mem>>) src(%dma_wait3A_66 : memref<8000xf32, #tpu.memory_space<hbm>>) dst(%arg11 : memref<8000xf32, #tpu.memory_space<vmem>>)
      %parallel_loop3A_67 = arith.constant 0 : i32
      %parallel_loop3A_68 = arith.constant 500 : i32
      %parallel_loop3A_69 = arith.constant 1 : i32
      scf.for %parallel_loop3A_71 = %parallel_loop3A_67 to %parallel_loop3A_68 step %parallel_loop3A_69  : i32 {
        %parallel_loop3A_72 = arith.constant 16 : i32
        %parallel_loop3A_73 = arith.muli %parallel_loop3A_71, %parallel_loop3A_72 : i32
        %parallel_loop3A_74 = arith.index_cast %parallel_loop3A_73 : i32 to index
        %parallel_loop3A_75 = tpu.vector_load %arg9[%parallel_loop3A_74] {strides = array<i32>} : memref<8000xi32, #tpu.memory_space<vmem>>, vector<16xi32>,
        %parallel_loop3A_76 = arith.constant 14 : i32
        %parallel_loop3A_77 = vector.broadcast %parallel_loop3A_76 : i32 to vector<16xi32>
        %parallel_loop3A_78 = arith.shrui %parallel_loop3A_75, %parallel_loop3A_77 : vector<16xi32>
        %parallel_loop3A_79 = arith.constant 16383 : i32
        %parallel_loop3A_80 = vector.broadcast %parallel_loop3A_79 : i32 to vector<16xi32>
        %parallel_loop3A_81 = arith.andi %parallel_loop3A_75, %parallel_loop3A_80 : vector<16xi32>
        %parallel_loop3A_82 = arith.index_cast %parallel_loop3A_73 : i32 to index
        %parallel_loop3A_83 = tpu.vector_load %arg11[%parallel_loop3A_82] {strides = array<i32>} : memref<8000xf32, #tpu.memory_space<vmem>>, vector<16xf32>,
        %parallel_loop3A_84 = arith.constant 0 : i32
        %parallel_loop3A_85 = vector.broadcast %parallel_loop3A_84 : i32 to vector<16xi32>
        %parallel_loop3A_86 = tpu.vector_load_idx %arg6[%parallel_loop3A_85, %parallel_loop3A_81] : memref<4x10000xf32, #tpu.memory_space<vmem>>[vector<16xi32>, vector<16xi32>], vector<16xf32>,
        %parallel_loop3A_87 = arith.mulf %parallel_loop3A_86, %parallel_loop3A_83 : vector<16xf32>
        tpu.vector_store_idx %arg7[%parallel_loop3A_85, %parallel_loop3A_78], %parallel_loop3A_87 {add = true} : memref<4x10000xf32, #tpu.memory_space<vmem>>[vector<16xi32>, vector<16xi32>], vector<16xf32>,
        %parallel_loop3A_88 = arith.constant 1 : i32
        %parallel_loop3A_89 = vector.broadcast %parallel_loop3A_88 : i32 to vector<16xi32>
        %parallel_loop3A_90 = tpu.vector_load_idx %arg6[%parallel_loop3A_89, %parallel_loop3A_81] : memref<4x10000xf32, #tpu.memory_space<vmem>>[vector<16xi32>, vector<16xi32>], vector<16xf32>,
        %parallel_loop3A_91 = arith.mulf %parallel_loop3A_90, %parallel_loop3A_83 : vector<16xf32>
        tpu.vector_store_idx %arg7[%parallel_loop3A_89, %parallel_loop3A_78], %parallel_loop3A_91 {add = true} : memref<4x10000xf32, #tpu.memory_space<vmem>>[vector<16xi32>, vector<16xi32>], vector<16xf32>,
        %parallel_loop3A_92 = arith.constant 2 : i32
        %parallel_loop3A_93 = vector.broadcast %parallel_loop3A_92 : i32 to vector<16xi32>
        %parallel_loop3A_94 = tpu.vector_load_idx %arg6[%parallel_loop3A_93, %parallel_loop3A_81] : memref<4x10000xf32, #tpu.memory_space<vmem>>[vector<16xi32>, vector<16xi32>], vector<16xf32>,
        %parallel_loop3A_95 = arith.mulf %parallel_loop3A_94, %parallel_loop3A_83 : vector<16xf32>
        tpu.vector_store_idx %arg7[%parallel_loop3A_93, %parallel_loop3A_78], %parallel_loop3A_95 {add = true} : memref<4x10000xf32, #tpu.memory_space<vmem>>[vector<16xi32>, vector<16xi32>], vector<16xf32>,
        %parallel_loop3A_96 = arith.constant 3 : i32
        %parallel_loop3A_97 = vector.broadcast %parallel_loop3A_96 : i32 to vector<16xi32>
        %parallel_loop3A_98 = tpu.vector_load_idx %arg6[%parallel_loop3A_97, %parallel_loop3A_81] : memref<4x10000xf32, #tpu.memory_space<vmem>>[vector<16xi32>, vector<16xi32>], vector<16xf32>,
        %parallel_loop3A_99 = arith.mulf %parallel_loop3A_98, %parallel_loop3A_83 : vector<16xf32>
        tpu.vector_store_idx %arg7[%parallel_loop3A_97, %parallel_loop3A_78], %parallel_loop3A_99 {add = true} : memref<4x10000xf32, #tpu.memory_space<vmem>>[vector<16xi32>, vector<16xi32>], vector<16xf32>,
      } {sc.loop_unroll_factor = 10 : i64, sc.parallel_access}
      %scan3A_70 = arith.constant 0 : i32
      scf.yield %scan3A_70 : i32
    }
    %scan3A_27 = arith.constant 20 : i32
    %mul3A_28 = arith.constant 4 : i32
    %mul3A_29 = arith.muli %add3A, %mul3A_28 : i32
    "tpu.region"() ({
      %run_scoped3A = tpu.sem_alloc : memref<!tpu.dma_semaphore, #tpu.memory_space<semaphore_mem>>
      %dma_start3A_30 = arith.constant 0 : i32
      %dma_start3A_31 = tpu.memref_slice %arg5[%mul3A_29, %dma_start3A_30] : memref<128x10000xf32, #tpu.memory_space<hbm>> -> memref<4x10000xf32, #tpu.memory_space<hbm>>
      %dma_start3A_32 = arith.constant 0 : i32
      %dma_start3A_33 = tpu.memref_slice %arg5[%mul3A_29, %dma_start3A_32] : memref<128x10000xf32, #tpu.memory_space<hbm>> -> memref<4x10000xf32, #tpu.memory_space<hbm>>
      tpu.enqueue_dma source(%arg7 : memref<4x10000xf32, #tpu.memory_space<vmem>>) target(%dma_start3A_33 : memref<4x10000xf32, #tpu.memory_space<hbm>>) target_semaphore(%run_scoped3A : memref<!tpu.dma_semaphore, #tpu.memory_space<semaphore_mem>>)
      %dma_wait3A_34 = arith.constant 0 : i32
      %dma_wait3A_35 = tpu.memref_slice %arg5[%mul3A_29, %dma_wait3A_34] : memref<128x10000xf32, #tpu.memory_space<hbm>> -> memref<4x10000xf32, #tpu.memory_space<hbm>>
      %dma_wait3A_36 = arith.constant 0 : i32
      %dma_wait3A_37 = tpu.memref_slice %arg5[%mul3A_29, %dma_wait3A_36] : memref<128x10000xf32, #tpu.memory_space<hbm>> -> memref<4x10000xf32, #tpu.memory_space<hbm>>
      tpu.wait_dma2 semaphore(%run_scoped3A : memref<!tpu.dma_semaphore, #tpu.memory_space<semaphore_mem>>) src(%arg7 : memref<4x10000xf32, #tpu.memory_space<vmem>>) dst(%dma_wait3A_37 : memref<4x10000xf32, #tpu.memory_space<hbm>>)
      tpu.yield
    }) : () -> ()
    return
  }
}

#map = affine_map<(d0, d1) -> (0, 0)>
#map1 = affine_map<(d0, d1) -> (0)>
module attributes {stable_mosaic.version = 14 : i64} {
  func.func @spmm(%arg0: i32, %arg1: i32, %arg2: memref<128x10000xf32, #tpu.memory_space<hbm>>, %arg3: memref<320000xi32, #tpu.memory_space<hbm>>, %arg4: memref<320000xf32, #tpu.memory_space<hbm>>, %arg5: memref<128x10000xf32, #tpu.memory_space<hbm>>, %arg6: memref<4x10000xf32, #tpu.memory_space<vmem>>, %arg7: memref<4x10000xf32, #tpu.memory_space<vmem>>, %arg8: memref<8000xi32, #tpu.memory_space<vmem>>, %arg9: memref<8000xi32, #tpu.memory_space<vmem>>, %arg10: memref<8000xf32, #tpu.memory_space<vmem>>, %arg11: memref<8000xf32, #tpu.memory_space<vmem>>, %arg12: memref<!tpu.dma_semaphore, #tpu.memory_space<semaphore_mem>>, %arg13: memref<!tpu.dma_semaphore, #tpu.memory_space<semaphore_mem>>) attributes {dimension_semantics = [#tpu.dimension_semantics<core_parallel>, #tpu.dimension_semantics<subcore_parallel>], iteration_bounds = array<i64: 2, 16>, scalar_prefetch = 0 : i64, scratch_operands = 8 : i64, tpu.core_type = #tpu.core_type<sc_vector_subcore>, window_params = [{transform_indices = #map}, {transform_indices = #map1}, {transform_indices = #map1}, {transform_indices = #map}]} {
    %mul3A = arith.constant 2 : i32
    %mul3A_0 = arith.muli %arg1, %mul3A : i32
    %add3A = arith.addi %mul3A_0, %arg0 : i32
    %mul3A_1 = arith.constant 4 : i32
    %mul3A_2 = arith.muli %add3A, %mul3A_1 : i32
    %dma_start3A = arith.constant 0 : i32
    %dma_start3A_3 = tpu.memref_slice %arg2[%mul3A_2, %dma_start3A] : memref<128x10000xf32, #tpu.memory_space<hbm>> -> memref<4x10000xf32, #tpu.memory_space<hbm>>
    %dma_start3A_4 = arith.constant 0 : i32
    %dma_start3A_5 = tpu.memref_slice %arg2[%mul3A_2, %dma_start3A_4] : memref<128x10000xf32, #tpu.memory_space<hbm>> -> memref<4x10000xf32, #tpu.memory_space<hbm>>
    tpu.enqueue_dma source(%dma_start3A_5 : memref<4x10000xf32, #tpu.memory_space<hbm>>) target(%arg6 : memref<4x10000xf32, #tpu.memory_space<vmem>>) target_semaphore(%arg12 : memref<!tpu.dma_semaphore, #tpu.memory_space<semaphore_mem>>)
    %broadcast_in_dim3A = arith.constant 0.000000e+00 : f32
    %broadcast_in_dim3A_6 = vector.broadcast %broadcast_in_dim3A : f32 to vector<16xf32>
    %parallel_loop3A = arith.constant 0 : i32
    %parallel_loop3A_7 = arith.constant 625 : i32
    %parallel_loop3A_8 = arith.constant 1 : i32
    scf.for %parallel_loop3A_30 = %parallel_loop3A to %parallel_loop3A_7 step %parallel_loop3A_8  : i32 {
      %parallel_loop3A_31 = arith.constant 16 : i32
      %parallel_loop3A_32 = arith.muli %parallel_loop3A_30, %parallel_loop3A_31 : i32
      %parallel_loop3A_33 = arith.constant 0 : i32
      %parallel_loop3A_34 = arith.index_cast %parallel_loop3A_33 : i32 to index
      %parallel_loop3A_35 = arith.index_cast %parallel_loop3A_32 : i32 to index
      %parallel_loop3A_36 = tpu.vector_load %arg7[%parallel_loop3A_34, %parallel_loop3A_35] {strides = array<i32>} : memref<4x10000xf32, #tpu.memory_space<vmem>>, vector<16xf32>,
      tpu.vector_store %arg7[%parallel_loop3A_34, %parallel_loop3A_35], %broadcast_in_dim3A_6 {strides = array<i32>} : memref<4x10000xf32, #tpu.memory_space<vmem>>, vector<16xf32>,
      %parallel_loop3A_37 = arith.constant 16 : i32
      %parallel_loop3A_38 = arith.muli %parallel_loop3A_30, %parallel_loop3A_37 : i32
      %parallel_loop3A_39 = arith.constant 1 : i32
      %parallel_loop3A_40 = arith.index_cast %parallel_loop3A_39 : i32 to index
      %parallel_loop3A_41 = arith.index_cast %parallel_loop3A_38 : i32 to index
      %parallel_loop3A_42 = tpu.vector_load %arg7[%parallel_loop3A_40, %parallel_loop3A_41] {strides = array<i32>} : memref<4x10000xf32, #tpu.memory_space<vmem>>, vector<16xf32>,
      tpu.vector_store %arg7[%parallel_loop3A_40, %parallel_loop3A_41], %broadcast_in_dim3A_6 {strides = array<i32>} : memref<4x10000xf32, #tpu.memory_space<vmem>>, vector<16xf32>,
      %parallel_loop3A_43 = arith.constant 16 : i32
      %parallel_loop3A_44 = arith.muli %parallel_loop3A_30, %parallel_loop3A_43 : i32
      %parallel_loop3A_45 = arith.constant 2 : i32
      %parallel_loop3A_46 = arith.index_cast %parallel_loop3A_45 : i32 to index
      %parallel_loop3A_47 = arith.index_cast %parallel_loop3A_44 : i32 to index
      %parallel_loop3A_48 = tpu.vector_load %arg7[%parallel_loop3A_46, %parallel_loop3A_47] {strides = array<i32>} : memref<4x10000xf32, #tpu.memory_space<vmem>>, vector<16xf32>,
      tpu.vector_store %arg7[%parallel_loop3A_46, %parallel_loop3A_47], %broadcast_in_dim3A_6 {strides = array<i32>} : memref<4x10000xf32, #tpu.memory_space<vmem>>, vector<16xf32>,
      %parallel_loop3A_49 = arith.constant 16 : i32
      %parallel_loop3A_50 = arith.muli %parallel_loop3A_30, %parallel_loop3A_49 : i32
      %parallel_loop3A_51 = arith.constant 3 : i32
      %parallel_loop3A_52 = arith.index_cast %parallel_loop3A_51 : i32 to index
      %parallel_loop3A_53 = arith.index_cast %parallel_loop3A_50 : i32 to index
      %parallel_loop3A_54 = tpu.vector_load %arg7[%parallel_loop3A_52, %parallel_loop3A_53] {strides = array<i32>} : memref<4x10000xf32, #tpu.memory_space<vmem>>, vector<16xf32>,
      tpu.vector_store %arg7[%parallel_loop3A_52, %parallel_loop3A_53], %broadcast_in_dim3A_6 {strides = array<i32>} : memref<4x10000xf32, #tpu.memory_space<vmem>>, vector<16xf32>,
    } {sc.loop_unroll_factor = 5 : i64, sc.parallel_access}
    %dma_wait3A = arith.constant 0 : i32
    %dma_wait3A_9 = arith.constant 0 : i32
    %dma_wait3A_10 = tpu.memref_slice %arg2[%dma_wait3A, %dma_wait3A_9] : memref<128x10000xf32, #tpu.memory_space<hbm>> -> memref<4x10000xf32, #tpu.memory_space<hbm>>
    %dma_wait3A_11 = arith.constant 0 : i32
    %dma_wait3A_12 = arith.constant 0 : i32
    %dma_wait3A_13 = tpu.memref_slice %arg2[%dma_wait3A_11, %dma_wait3A_12] : memref<128x10000xf32, #tpu.memory_space<hbm>> -> memref<4x10000xf32, #tpu.memory_space<hbm>>
    tpu.wait_dma2 semaphore(%arg12 : memref<!tpu.dma_semaphore, #tpu.memory_space<semaphore_mem>>) src(%dma_wait3A_13 : memref<4x10000xf32, #tpu.memory_space<hbm>>) dst(%arg6 : memref<4x10000xf32, #tpu.memory_space<vmem>>)
    %dma_start3A_14 = arith.constant 0 : i32
    %dma_start3A_15 = tpu.memref_slice %arg3[%dma_start3A_14] : memref<320000xi32, #tpu.memory_space<hbm>> -> memref<8000xi32, #tpu.memory_space<hbm>>
    %dma_start3A_16 = arith.constant 0 : i32
    %dma_start3A_17 = tpu.memref_slice %arg3[%dma_start3A_16] : memref<320000xi32, #tpu.memory_space<hbm>> -> memref<8000xi32, #tpu.memory_space<hbm>>
    tpu.enqueue_dma source(%dma_start3A_17 : memref<8000xi32, #tpu.memory_space<hbm>>) target(%arg8 : memref<8000xi32, #tpu.memory_space<vmem>>) target_semaphore(%arg12 : memref<!tpu.dma_semaphore, #tpu.memory_space<semaphore_mem>>)
    %dma_start3A_18 = arith.constant 0 : i32
    %dma_start3A_19 = tpu.memref_slice %arg4[%dma_start3A_18] : memref<320000xf32, #tpu.memory_space<hbm>> -> memref<8000xf32, #tpu.memory_space<hbm>>
    %dma_start3A_20 = arith.constant 0 : i32
    %dma_start3A_21 = tpu.memref_slice %arg4[%dma_start3A_20] : memref<320000xf32, #tpu.memory_space<hbm>> -> memref<8000xf32, #tpu.memory_space<hbm>>
    tpu.enqueue_dma source(%dma_start3A_21 : memref<8000xf32, #tpu.memory_space<hbm>>) target(%arg10 : memref<8000xf32, #tpu.memory_space<vmem>>) target_semaphore(%arg12 : memref<!tpu.dma_semaphore, #tpu.memory_space<semaphore_mem>>)
    %scan3A = arith.constant 0 : i32
    %scan3A_22 = arith.constant 0 : i32
    %scan3A_23 = arith.constant 20 : i32
    %scan3A_24 = arith.addi %scan3A_22, %scan3A_23 : i32
    %scan3A_25 = arith.constant 1 : i32
    %scan3A_26 = scf.for %scan3A_30 = %scan3A_22 to %scan3A_24 step %scan3A_25 iter_args(%scan3A_31 = %scan3A) -> (i32)  : i32 {
      %mul3A_32 = arith.constant 2 : i32
      %mul3A_33 = arith.muli %scan3A_30, %mul3A_32 : i32
      %add3A_34 = arith.constant 1 : i32
      %add3A_35 = arith.addi %mul3A_33, %add3A_34 : i32
      %mul3A_36 = arith.constant 8000 : i32
      %mul3A_37 = arith.muli %add3A_35, %mul3A_36 : i32
      %dma_start3A_38 = tpu.memref_slice %arg3[%mul3A_37] : memref<320000xi32, #tpu.memory_space<hbm>> -> memref<8000xi32, #tpu.memory_space<hbm>>
      %dma_start3A_39 = tpu.memref_slice %arg3[%mul3A_37] : memref<320000xi32, #tpu.memory_space<hbm>> -> memref<8000xi32, #tpu.memory_space<hbm>>
      tpu.enqueue_dma source(%dma_start3A_39 : memref<8000xi32, #tpu.memory_space<hbm>>) target(%arg9 : memref<8000xi32, #tpu.memory_space<vmem>>) target_semaphore(%arg13 : memref<!tpu.dma_semaphore, #tpu.memory_space<semaphore_mem>>)
      %mul3A_40 = arith.constant 8000 : i32
      %mul3A_41 = arith.muli %add3A_35, %mul3A_40 : i32
      %dma_start3A_42 = tpu.memref_slice %arg4[%mul3A_41] : memref<320000xf32, #tpu.memory_space<hbm>> -> memref<8000xf32, #tpu.memory_space<hbm>>
      %dma_start3A_43 = tpu.memref_slice %arg4[%mul3A_41] : memref<320000xf32, #tpu.memory_space<hbm>> -> memref<8000xf32, #tpu.memory_space<hbm>>
      tpu.enqueue_dma source(%dma_start3A_43 : memref<8000xf32, #tpu.memory_space<hbm>>) target(%arg11 : memref<8000xf32, #tpu.memory_space<vmem>>) target_semaphore(%arg13 : memref<!tpu.dma_semaphore, #tpu.memory_space<semaphore_mem>>)
      %dma_wait3A_44 = arith.constant 0 : i32
      %dma_wait3A_45 = tpu.memref_slice %arg3[%dma_wait3A_44] : memref<320000xi32, #tpu.memory_space<hbm>> -> memref<8000xi32, #tpu.memory_space<hbm>>
      %dma_wait3A_46 = arith.constant 0 : i32
      %dma_wait3A_47 = tpu.memref_slice %arg3[%dma_wait3A_46] : memref<320000xi32, #tpu.memory_space<hbm>> -> memref<8000xi32, #tpu.memory_space<hbm>>
      tpu.wait_dma2 semaphore(%arg12 : memref<!tpu.dma_semaphore, #tpu.memory_space<semaphore_mem>>) src(%dma_wait3A_47 : memref<8000xi32, #tpu.memory_space<hbm>>) dst(%arg8 : memref<8000xi32, #tpu.memory_space<vmem>>)
      %dma_wait3A_48 = arith.constant 0 : i32
      %dma_wait3A_49 = tpu.memref_slice %arg4[%dma_wait3A_48] : memref<320000xf32, #tpu.memory_space<hbm>> -> memref<8000xf32, #tpu.memory_space<hbm>>
      %dma_wait3A_50 = arith.constant 0 : i32
      %dma_wait3A_51 = tpu.memref_slice %arg4[%dma_wait3A_50] : memref<320000xf32, #tpu.memory_space<hbm>> -> memref<8000xf32, #tpu.memory_space<hbm>>
      tpu.wait_dma2 semaphore(%arg12 : memref<!tpu.dma_semaphore, #tpu.memory_space<semaphore_mem>>) src(%dma_wait3A_51 : memref<8000xf32, #tpu.memory_space<hbm>>) dst(%arg10 : memref<8000xf32, #tpu.memory_space<vmem>>)
      %parallel_loop3A_52 = arith.constant 0 : i32
      %parallel_loop3A_53 = arith.constant 500 : i32
      %parallel_loop3A_54 = arith.constant 1 : i32
      scf.for %parallel_loop3A_71 = %parallel_loop3A_52 to %parallel_loop3A_53 step %parallel_loop3A_54  : i32 {
        %parallel_loop3A_72 = arith.constant 16 : i32
        %parallel_loop3A_73 = arith.muli %parallel_loop3A_71, %parallel_loop3A_72 : i32
        %parallel_loop3A_74 = arith.index_cast %parallel_loop3A_73 : i32 to index
        %parallel_loop3A_75 = tpu.vector_load %arg8[%parallel_loop3A_74] {strides = array<i32>} : memref<8000xi32, #tpu.memory_space<vmem>>, vector<16xi32>,
        %parallel_loop3A_76 = arith.constant 14 : i32
        %parallel_loop3A_77 = vector.broadcast %parallel_loop3A_76 : i32 to vector<16xi32>
        %parallel_loop3A_78 = arith.shrui %parallel_loop3A_75, %parallel_loop3A_77 : vector<16xi32>
        %parallel_loop3A_79 = arith.constant 16383 : i32
        %parallel_loop3A_80 = vector.broadcast %parallel_loop3A_79 : i32 to vector<16xi32>
        %parallel_loop3A_81 = arith.andi %parallel_loop3A_75, %parallel_loop3A_80 : vector<16xi32>
        %parallel_loop3A_82 = arith.index_cast %parallel_loop3A_73 : i32 to index
        %parallel_loop3A_83 = tpu.vector_load %arg10[%parallel_loop3A_82] {strides = array<i32>} : memref<8000xf32, #tpu.memory_space<vmem>>, vector<16xf32>,
        %parallel_loop3A_84 = arith.constant 0 : i32
        %parallel_loop3A_85 = vector.broadcast %parallel_loop3A_84 : i32 to vector<16xi32>
        %parallel_loop3A_86 = tpu.vector_load_idx %arg6[%parallel_loop3A_85, %parallel_loop3A_81] : memref<4x10000xf32, #tpu.memory_space<vmem>>[vector<16xi32>, vector<16xi32>], vector<16xf32>,
        %parallel_loop3A_87 = arith.mulf %parallel_loop3A_86, %parallel_loop3A_83 : vector<16xf32>
        tpu.vector_store_idx %arg7[%parallel_loop3A_85, %parallel_loop3A_78], %parallel_loop3A_87 {add = true} : memref<4x10000xf32, #tpu.memory_space<vmem>>[vector<16xi32>, vector<16xi32>], vector<16xf32>,
        %parallel_loop3A_88 = arith.constant 1 : i32
        %parallel_loop3A_89 = vector.broadcast %parallel_loop3A_88 : i32 to vector<16xi32>
        %parallel_loop3A_90 = tpu.vector_load_idx %arg6[%parallel_loop3A_89, %parallel_loop3A_81] : memref<4x10000xf32, #tpu.memory_space<vmem>>[vector<16xi32>, vector<16xi32>], vector<16xf32>,
        %parallel_loop3A_91 = arith.mulf %parallel_loop3A_90, %parallel_loop3A_83 : vector<16xf32>
        tpu.vector_store_idx %arg7[%parallel_loop3A_89, %parallel_loop3A_78], %parallel_loop3A_91 {add = true} : memref<4x10000xf32, #tpu.memory_space<vmem>>[vector<16xi32>, vector<16xi32>], vector<16xf32>,
        %parallel_loop3A_92 = arith.constant 2 : i32
        %parallel_loop3A_93 = vector.broadcast %parallel_loop3A_92 : i32 to vector<16xi32>
        %parallel_loop3A_94 = tpu.vector_load_idx %arg6[%parallel_loop3A_93, %parallel_loop3A_81] : memref<4x10000xf32, #tpu.memory_space<vmem>>[vector<16xi32>, vector<16xi32>], vector<16xf32>,
        %parallel_loop3A_95 = arith.mulf %parallel_loop3A_94, %parallel_loop3A_83 : vector<16xf32>
        tpu.vector_store_idx %arg7[%parallel_loop3A_93, %parallel_loop3A_78], %parallel_loop3A_95 {add = true} : memref<4x10000xf32, #tpu.memory_space<vmem>>[vector<16xi32>, vector<16xi32>], vector<16xf32>,
        %parallel_loop3A_96 = arith.constant 3 : i32
        %parallel_loop3A_97 = vector.broadcast %parallel_loop3A_96 : i32 to vector<16xi32>
        %parallel_loop3A_98 = tpu.vector_load_idx %arg6[%parallel_loop3A_97, %parallel_loop3A_81] : memref<4x10000xf32, #tpu.memory_space<vmem>>[vector<16xi32>, vector<16xi32>], vector<16xf32>,
        %parallel_loop3A_99 = arith.mulf %parallel_loop3A_98, %parallel_loop3A_83 : vector<16xf32>
        tpu.vector_store_idx %arg7[%parallel_loop3A_97, %parallel_loop3A_78], %parallel_loop3A_99 {add = true} : memref<4x10000xf32, #tpu.memory_space<vmem>>[vector<16xi32>, vector<16xi32>], vector<16xf32>,
      } {sc.loop_unroll_factor = 10 : i64, sc.parallel_access}
      %add3A_55 = arith.constant 2 : i32
      %add3A_56 = arith.addi %mul3A_33, %add3A_55 : i32
      %lt3A = arith.constant 40 : i32
      %lt3A_57 = arith.cmpi slt, %add3A_56, %lt3A : i32
      %convert_element_type3A = arith.extui %lt3A_57 : i1 to i32
      %cond3A = arith.constant 0 : i32
      %cond3A_58 = arith.cmpi ne, %convert_element_type3A, %cond3A : i32
      scf.if %cond3A_58 {
        %add3A_71 = arith.constant 2 : i32
        %add3A_72 = arith.addi %mul3A_33, %add3A_71 : i32
        %mul3A_73 = arith.constant 8000 : i32
        %mul3A_74 = arith.muli %add3A_72, %mul3A_73 : i32
        %dma_start3A_75 = tpu.memref_slice %arg3[%mul3A_74] : memref<320000xi32, #tpu.memory_space<hbm>> -> memref<8000xi32, #tpu.memory_space<hbm>>
        %dma_start3A_76 = tpu.memref_slice %arg3[%mul3A_74] : memref<320000xi32, #tpu.memory_space<hbm>> -> memref<8000xi32, #tpu.memory_space<hbm>>
        tpu.enqueue_dma source(%dma_start3A_76 : memref<8000xi32, #tpu.memory_space<hbm>>) target(%arg8 : memref<8000xi32, #tpu.memory_space<vmem>>) target_semaphore(%arg12 : memref<!tpu.dma_semaphore, #tpu.memory_space<semaphore_mem>>)
        %mul3A_77 = arith.constant 8000 : i32
        %mul3A_78 = arith.muli %add3A_72, %mul3A_77 : i32
        %dma_start3A_79 = tpu.memref_slice %arg4[%mul3A_78] : memref<320000xf32, #tpu.memory_space<hbm>> -> memref<8000xf32, #tpu.memory_space<hbm>>
        %dma_start3A_80 = tpu.memref_slice %arg4[%mul3A_78] : memref<320000xf32, #tpu.memory_space<hbm>> -> memref<8000xf32, #tpu.memory_space<hbm>>
        tpu.enqueue_dma source(%dma_start3A_80 : memref<8000xf32, #tpu.memory_space<hbm>>) target(%arg10 : memref<8000xf32, #tpu.memory_space<vmem>>) target_semaphore(%arg12 : memref<!tpu.dma_semaphore, #tpu.memory_space<semaphore_mem>>)
      } else {
      }
      %dma_wait3A_59 = arith.constant 0 : i32
      %dma_wait3A_60 = tpu.memref_slice %arg3[%dma_wait3A_59] : memref<320000xi32, #tpu.memory_space<hbm>> -> memref<8000xi32, #tpu.memory_space<hbm>>
      %dma_wait3A_61 = arith.constant 0 : i32
      %dma_wait3A_62 = tpu.memref_slice %arg3[%dma_wait3A_61] : memref<320000xi32, #tpu.memory_space<hbm>> -> memref<8000xi32, #tpu.memory_space<hbm>>
      tpu.wait_dma2 semaphore(%arg13 : memref<!tpu.dma_semaphore, #tpu.memory_space<semaphore_mem>>) src(%dma_wait3A_62 : memref<8000xi32, #tpu.memory_space<hbm>>) dst(%arg9 : memref<8000xi32, #tpu.memory_space<vmem>>)
      %dma_wait3A_63 = arith.constant 0 : i32
      %dma_wait3A_64 = tpu.memref_slice %arg4[%dma_wait3A_63] : memref<320000xf32, #tpu.memory_space<hbm>> -> memref<8000xf32, #tpu.memory_space<hbm>>
      %dma_wait3A_65 = arith.constant 0 : i32
      %dma_wait3A_66 = tpu.memref_slice %arg4[%dma_wait3A_65] : memref<320000xf32, #tpu.memory_space<hbm>> -> memref<8000xf32, #tpu.memory_space<hbm>>
      tpu.wait_dma2 semaphore(%arg13 : memref<!tpu.dma_semaphore, #tpu.memory_space<semaphore_mem>>) src(%dma_wait3A_66 : memref<8000xf32, #tpu.memory_space<hbm>>) dst(%arg11 : memref<8000xf32, #tpu.memory_space<vmem>>)
      %parallel_loop3A_67 = arith.constant 0 : i32
      %parallel_loop3A_68 = arith.constant 500 : i32
      %parallel_loop3A_69 = arith.constant 1 : i32
      scf.for %parallel_loop3A_71 = %parallel_loop3A_67 to %parallel_loop3A_68 step %parallel_loop3A_69  : i32 {
        %parallel_loop3A_72 = arith.constant 16 : i32
        %parallel_loop3A_73 = arith.muli %parallel_loop3A_71, %parallel_loop3A_72 : i32
        %parallel_loop3A_74 = arith.index_cast %parallel_loop3A_73 : i32 to index
        %parallel_loop3A_75 = tpu.vector_load %arg9[%parallel_loop3A_74] {strides = array<i32>} : memref<8000xi32, #tpu.memory_space<vmem>>, vector<16xi32>,
        %parallel_loop3A_76 = arith.constant 14 : i32
        %parallel_loop3A_77 = vector.broadcast %parallel_loop3A_76 : i32 to vector<16xi32>
        %parallel_loop3A_78 = arith.shrui %parallel_loop3A_75, %parallel_loop3A_77 : vector<16xi32>
        %parallel_loop3A_79 = arith.constant 16383 : i32
        %parallel_loop3A_80 = vector.broadcast %parallel_loop3A_79 : i32 to vector<16xi32>
        %parallel_loop3A_81 = arith.andi %parallel_loop3A_75, %parallel_loop3A_80 : vector<16xi32>
        %parallel_loop3A_82 = arith.index_cast %parallel_loop3A_73 : i32 to index
        %parallel_loop3A_83 = tpu.vector_load %arg11[%parallel_loop3A_82] {strides = array<i32>} : memref<8000xf32, #tpu.memory_space<vmem>>, vector<16xf32>,
        %parallel_loop3A_84 = arith.constant 0 : i32
        %parallel_loop3A_85 = vector.broadcast %parallel_loop3A_84 : i32 to vector<16xi32>
        %parallel_loop3A_86 = tpu.vector_load_idx %arg6[%parallel_loop3A_85, %parallel_loop3A_81] : memref<4x10000xf32, #tpu.memory_space<vmem>>[vector<16xi32>, vector<16xi32>], vector<16xf32>,
        %parallel_loop3A_87 = arith.mulf %parallel_loop3A_86, %parallel_loop3A_83 : vector<16xf32>
        tpu.vector_store_idx %arg7[%parallel_loop3A_85, %parallel_loop3A_78], %parallel_loop3A_87 {add = true} : memref<4x10000xf32, #tpu.memory_space<vmem>>[vector<16xi32>, vector<16xi32>], vector<16xf32>,
        %parallel_loop3A_88 = arith.constant 1 : i32
        %parallel_loop3A_89 = vector.broadcast %parallel_loop3A_88 : i32 to vector<16xi32>
        %parallel_loop3A_90 = tpu.vector_load_idx %arg6[%parallel_loop3A_89, %parallel_loop3A_81] : memref<4x10000xf32, #tpu.memory_space<vmem>>[vector<16xi32>, vector<16xi32>], vector<16xf32>,
        %parallel_loop3A_91 = arith.mulf %parallel_loop3A_90, %parallel_loop3A_83 : vector<16xf32>
        tpu.vector_store_idx %arg7[%parallel_loop3A_89, %parallel_loop3A_78], %parallel_loop3A_91 {add = true} : memref<4x10000xf32, #tpu.memory_space<vmem>>[vector<16xi32>, vector<16xi32>], vector<16xf32>,
        %parallel_loop3A_92 = arith.constant 2 : i32
        %parallel_loop3A_93 = vector.broadcast %parallel_loop3A_92 : i32 to vector<16xi32>
        %parallel_loop3A_94 = tpu.vector_load_idx %arg6[%parallel_loop3A_93, %parallel_loop3A_81] : memref<4x10000xf32, #tpu.memory_space<vmem>>[vector<16xi32>, vector<16xi32>], vector<16xf32>,
        %parallel_loop3A_95 = arith.mulf %parallel_loop3A_94, %parallel_loop3A_83 : vector<16xf32>
        tpu.vector_store_idx %arg7[%parallel_loop3A_93, %parallel_loop3A_78], %parallel_loop3A_95 {add = true} : memref<4x10000xf32, #tpu.memory_space<vmem>>[vector<16xi32>, vector<16xi32>], vector<16xf32>,
        %parallel_loop3A_96 = arith.constant 3 : i32
        %parallel_loop3A_97 = vector.broadcast %parallel_loop3A_96 : i32 to vector<16xi32>
        %parallel_loop3A_98 = tpu.vector_load_idx %arg6[%parallel_loop3A_97, %parallel_loop3A_81] : memref<4x10000xf32, #tpu.memory_space<vmem>>[vector<16xi32>, vector<16xi32>], vector<16xf32>,
        %parallel_loop3A_99 = arith.mulf %parallel_loop3A_98, %parallel_loop3A_83 : vector<16xf32>
        tpu.vector_store_idx %arg7[%parallel_loop3A_97, %parallel_loop3A_78], %parallel_loop3A_99 {add = true} : memref<4x10000xf32, #tpu.memory_space<vmem>>[vector<16xi32>, vector<16xi32>], vector<16xf32>,
      } {sc.loop_unroll_factor = 10 : i64, sc.parallel_access}
      %scan3A_70 = arith.constant 0 : i32
      scf.yield %scan3A_70 : i32
    }
    %scan3A_27 = arith.constant 20 : i32
    %mul3A_28 = arith.constant 4 : i32
    %mul3A_29 = arith.muli %add3A, %mul3A_28 : i32
    "tpu.region"() ({
      %run_scoped3A = tpu.sem_alloc : memref<!tpu.dma_semaphore, #tpu.memory_space<semaphore_mem>>
      %dma_start3A_30 = arith.constant 0 : i32
      %dma_start3A_31 = tpu.memref_slice %arg5[%mul3A_29, %dma_start3A_30] : memref<128x10000xf32, #tpu.memory_space<hbm>> -> memref<4x10000xf32, #tpu.memory_space<hbm>>
      %dma_start3A_32 = arith.constant 0 : i32
      %dma_start3A_33 = tpu.memref_slice %arg5[%mul3A_29, %dma_start3A_32] : memref<128x10000xf32, #tpu.memory_space<hbm>> -> memref<4x10000xf32, #tpu.memory_space<hbm>>
      tpu.enqueue_dma source(%arg7 : memref<4x10000xf32, #tpu.memory_space<vmem>>) target(%dma_start3A_33 : memref<4x10000xf32, #tpu.memory_space<hbm>>) target_semaphore(%run_scoped3A : memref<!tpu.dma_semaphore, #tpu.memory_space<semaphore_mem>>)
      %dma_wait3A_34 = arith.constant 0 : i32
      %dma_wait3A_35 = tpu.memref_slice %arg5[%mul3A_29, %dma_wait3A_34] : memref<128x10000xf32, #tpu.memory_space<hbm>> -> memref<4x10000xf32, #tpu.memory_space<hbm>>
      %dma_wait3A_36 = arith.constant 0 : i32
      %dma_wait3A_37 = tpu.memref_slice %arg5[%mul3A_29, %dma_wait3A_36] : memref<128x10000xf32, #tpu.memory_space<hbm>> -> memref<4x10000xf32, #tpu.memory_space<hbm>>
      tpu.wait_dma2 semaphore(%run_scoped3A : memref<!tpu.dma_semaphore, #tpu.memory_space<semaphore_mem>>) src(%arg7 : memref<4x10000xf32, #tpu.memory_space<vmem>>) dst(%dma_wait3A_37 : memref<4x10000xf32, #tpu.memory_space<hbm>>)
      tpu.yield
    }) : () -> ()
    return
  }
}

#map = affine_map<(d0, d1) -> (0, 0)>
#map1 = affine_map<(d0, d1) -> (0)>
module attributes {stable_mosaic.version = 14 : i64} {
  func.func @gat(%arg0: i32, %arg1: i32, %arg2: memref<128x10000xf32, #tpu.memory_space<hbm>>, %arg3: memref<10000xf32, #tpu.memory_space<hbm>>, %arg4: memref<2000xf32, #tpu.memory_space<hbm>>, %arg5: memref<10000xi32, #tpu.memory_space<hbm>>, %arg6: memref<128x2000xf32, #tpu.memory_space<hbm>>, %arg7: memref<2000xf32, #tpu.memory_space<hbm>>, %arg8: memref<4x10000xf32, #tpu.memory_space<vmem>>, %arg9: memref<10000xf32, #tpu.memory_space<vmem>>, %arg10: memref<2000xf32, #tpu.memory_space<vmem>>, %arg11: memref<10000xi32, #tpu.memory_space<vmem>>, %arg12: memref<4x2000xf32, #tpu.memory_space<vmem>>, %arg13: memref<2000xf32, #tpu.memory_space<vmem>>, %arg14: memref<!tpu.dma_semaphore, #tpu.memory_space<semaphore_mem>>) attributes {dimension_semantics = [#tpu.dimension_semantics<core_parallel>, #tpu.dimension_semantics<subcore_parallel>], iteration_bounds = array<i64: 2, 16>, scalar_prefetch = 0 : i64, scratch_operands = 7 : i64, tpu.core_type = #tpu.core_type<sc_vector_subcore>, window_params = [{transform_indices = #map}, {transform_indices = #map1}, {transform_indices = #map1}, {transform_indices = #map1}, {transform_indices = #map}, {transform_indices = #map1}]} {
    %mul3A = arith.constant 2 : i32
    %mul3A_0 = arith.muli %arg1, %mul3A : i32
    %add3A = arith.addi %mul3A_0, %arg0 : i32
    %mul3A_1 = arith.constant 4 : i32
    %mul3A_2 = arith.muli %add3A, %mul3A_1 : i32
    %dma_start3A = arith.constant 0 : i32
    %dma_start3A_3 = tpu.memref_slice %arg2[%mul3A_2, %dma_start3A] : memref<128x10000xf32, #tpu.memory_space<hbm>> -> memref<4x10000xf32, #tpu.memory_space<hbm>>
    %dma_start3A_4 = arith.constant 0 : i32
    %dma_start3A_5 = tpu.memref_slice %arg2[%mul3A_2, %dma_start3A_4] : memref<128x10000xf32, #tpu.memory_space<hbm>> -> memref<4x10000xf32, #tpu.memory_space<hbm>>
    tpu.enqueue_dma source(%dma_start3A_5 : memref<4x10000xf32, #tpu.memory_space<hbm>>) target(%arg8 : memref<4x10000xf32, #tpu.memory_space<vmem>>) target_semaphore(%arg14 : memref<!tpu.dma_semaphore, #tpu.memory_space<semaphore_mem>>)
    tpu.enqueue_dma source(%arg3 : memref<10000xf32, #tpu.memory_space<hbm>>) target(%arg9 : memref<10000xf32, #tpu.memory_space<vmem>>) target_semaphore(%arg14 : memref<!tpu.dma_semaphore, #tpu.memory_space<semaphore_mem>>)
    tpu.enqueue_dma source(%arg4 : memref<2000xf32, #tpu.memory_space<hbm>>) target(%arg10 : memref<2000xf32, #tpu.memory_space<vmem>>) target_semaphore(%arg14 : memref<!tpu.dma_semaphore, #tpu.memory_space<semaphore_mem>>)
    tpu.enqueue_dma source(%arg5 : memref<10000xi32, #tpu.memory_space<hbm>>) target(%arg11 : memref<10000xi32, #tpu.memory_space<vmem>>) target_semaphore(%arg14 : memref<!tpu.dma_semaphore, #tpu.memory_space<semaphore_mem>>)
    %broadcast_in_dim3A = arith.constant 0.000000e+00 : f32
    %broadcast_in_dim3A_6 = vector.broadcast %broadcast_in_dim3A : f32 to vector<16xf32>
    %parallel_loop3A = arith.constant 0 : i32
    %parallel_loop3A_7 = arith.constant 125 : i32
    %parallel_loop3A_8 = arith.constant 1 : i32
    scf.for %parallel_loop3A_32 = %parallel_loop3A to %parallel_loop3A_7 step %parallel_loop3A_8  : i32 {
      %parallel_loop3A_33 = arith.constant 16 : i32
      %parallel_loop3A_34 = arith.muli %parallel_loop3A_32, %parallel_loop3A_33 : i32
      %parallel_loop3A_35 = arith.constant 0 : i32
      %parallel_loop3A_36 = arith.index_cast %parallel_loop3A_35 : i32 to index
      %parallel_loop3A_37 = arith.index_cast %parallel_loop3A_34 : i32 to index
      %parallel_loop3A_38 = tpu.vector_load %arg12[%parallel_loop3A_36, %parallel_loop3A_37] {strides = array<i32>} : memref<4x2000xf32, #tpu.memory_space<vmem>>, vector<16xf32>,
      tpu.vector_store %arg12[%parallel_loop3A_36, %parallel_loop3A_37], %broadcast_in_dim3A_6 {strides = array<i32>} : memref<4x2000xf32, #tpu.memory_space<vmem>>, vector<16xf32>,
      %parallel_loop3A_39 = arith.constant 16 : i32
      %parallel_loop3A_40 = arith.muli %parallel_loop3A_32, %parallel_loop3A_39 : i32
      %parallel_loop3A_41 = arith.constant 1 : i32
      %parallel_loop3A_42 = arith.index_cast %parallel_loop3A_41 : i32 to index
      %parallel_loop3A_43 = arith.index_cast %parallel_loop3A_40 : i32 to index
      %parallel_loop3A_44 = tpu.vector_load %arg12[%parallel_loop3A_42, %parallel_loop3A_43] {strides = array<i32>} : memref<4x2000xf32, #tpu.memory_space<vmem>>, vector<16xf32>,
      tpu.vector_store %arg12[%parallel_loop3A_42, %parallel_loop3A_43], %broadcast_in_dim3A_6 {strides = array<i32>} : memref<4x2000xf32, #tpu.memory_space<vmem>>, vector<16xf32>,
      %parallel_loop3A_45 = arith.constant 16 : i32
      %parallel_loop3A_46 = arith.muli %parallel_loop3A_32, %parallel_loop3A_45 : i32
      %parallel_loop3A_47 = arith.constant 2 : i32
      %parallel_loop3A_48 = arith.index_cast %parallel_loop3A_47 : i32 to index
      %parallel_loop3A_49 = arith.index_cast %parallel_loop3A_46 : i32 to index
      %parallel_loop3A_50 = tpu.vector_load %arg12[%parallel_loop3A_48, %parallel_loop3A_49] {strides = array<i32>} : memref<4x2000xf32, #tpu.memory_space<vmem>>, vector<16xf32>,
      tpu.vector_store %arg12[%parallel_loop3A_48, %parallel_loop3A_49], %broadcast_in_dim3A_6 {strides = array<i32>} : memref<4x2000xf32, #tpu.memory_space<vmem>>, vector<16xf32>,
      %parallel_loop3A_51 = arith.constant 16 : i32
      %parallel_loop3A_52 = arith.muli %parallel_loop3A_32, %parallel_loop3A_51 : i32
      %parallel_loop3A_53 = arith.constant 3 : i32
      %parallel_loop3A_54 = arith.index_cast %parallel_loop3A_53 : i32 to index
      %parallel_loop3A_55 = arith.index_cast %parallel_loop3A_52 : i32 to index
      %parallel_loop3A_56 = tpu.vector_load %arg12[%parallel_loop3A_54, %parallel_loop3A_55] {strides = array<i32>} : memref<4x2000xf32, #tpu.memory_space<vmem>>, vector<16xf32>,
      tpu.vector_store %arg12[%parallel_loop3A_54, %parallel_loop3A_55], %broadcast_in_dim3A_6 {strides = array<i32>} : memref<4x2000xf32, #tpu.memory_space<vmem>>, vector<16xf32>,
    } {sc.loop_unroll_factor = 5 : i64, sc.parallel_access}
    %broadcast_in_dim3A_9 = arith.constant 0.000000e+00 : f32
    %broadcast_in_dim3A_10 = vector.broadcast %broadcast_in_dim3A_9 : f32 to vector<16xf32>
    %parallel_loop3A_11 = arith.constant 0 : i32
    %parallel_loop3A_12 = arith.constant 125 : i32
    %parallel_loop3A_13 = arith.constant 1 : i32
    scf.for %parallel_loop3A_32 = %parallel_loop3A_11 to %parallel_loop3A_12 step %parallel_loop3A_13  : i32 {
      %parallel_loop3A_33 = arith.constant 16 : i32
      %parallel_loop3A_34 = arith.muli %parallel_loop3A_32, %parallel_loop3A_33 : i32
      %parallel_loop3A_35 = arith.index_cast %parallel_loop3A_34 : i32 to index
      %parallel_loop3A_36 = tpu.vector_load %arg13[%parallel_loop3A_35] {strides = array<i32>} : memref<2000xf32, #tpu.memory_space<vmem>>, vector<16xf32>,
      tpu.vector_store %arg13[%parallel_loop3A_35], %broadcast_in_dim3A_10 {strides = array<i32>} : memref<2000xf32, #tpu.memory_space<vmem>>, vector<16xf32>,
    } {sc.loop_unroll_factor = 5 : i64, sc.parallel_access}
    %dma_wait3A = arith.constant 0 : i32
    %dma_wait3A_14 = arith.constant 0 : i32
    %dma_wait3A_15 = tpu.memref_slice %arg2[%dma_wait3A, %dma_wait3A_14] : memref<128x10000xf32, #tpu.memory_space<hbm>> -> memref<4x10000xf32, #tpu.memory_space<hbm>>
    %dma_wait3A_16 = arith.constant 0 : i32
    %dma_wait3A_17 = arith.constant 0 : i32
    %dma_wait3A_18 = tpu.memref_slice %arg2[%dma_wait3A_16, %dma_wait3A_17] : memref<128x10000xf32, #tpu.memory_space<hbm>> -> memref<4x10000xf32, #tpu.memory_space<hbm>>
    tpu.wait_dma2 semaphore(%arg14 : memref<!tpu.dma_semaphore, #tpu.memory_space<semaphore_mem>>) src(%dma_wait3A_18 : memref<4x10000xf32, #tpu.memory_space<hbm>>) dst(%arg8 : memref<4x10000xf32, #tpu.memory_space<vmem>>)
    tpu.wait_dma2 semaphore(%arg14 : memref<!tpu.dma_semaphore, #tpu.memory_space<semaphore_mem>>) src(%arg3 : memref<10000xf32, #tpu.memory_space<hbm>>) dst(%arg9 : memref<10000xf32, #tpu.memory_space<vmem>>)
    tpu.wait_dma2 semaphore(%arg14 : memref<!tpu.dma_semaphore, #tpu.memory_space<semaphore_mem>>) src(%arg4 : memref<2000xf32, #tpu.memory_space<hbm>>) dst(%arg10 : memref<2000xf32, #tpu.memory_space<vmem>>)
    tpu.wait_dma2 semaphore(%arg14 : memref<!tpu.dma_semaphore, #tpu.memory_space<semaphore_mem>>) src(%arg5 : memref<10000xi32, #tpu.memory_space<hbm>>) dst(%arg11 : memref<10000xi32, #tpu.memory_space<vmem>>)
    %eq3A = arith.constant 0 : i32
    %eq3A_19 = arith.cmpi eq, %add3A, %eq3A : i32
    %convert_element_type3A = arith.extui %eq3A_19 : i1 to i32
    %cond3A = arith.constant 0 : i32
    %cond3A_20 = arith.cmpi ne, %convert_element_type3A, %cond3A : i32
    scf.if %cond3A_20 {
      %parallel_loop3A_32 = arith.constant 0 : i32
      %parallel_loop3A_33 = arith.constant 625 : i32
      %parallel_loop3A_34 = arith.constant 1 : i32
      scf.for %parallel_loop3A_35 = %parallel_loop3A_32 to %parallel_loop3A_33 step %parallel_loop3A_34  : i32 {
        %parallel_loop3A_36 = arith.constant 16 : i32
        %parallel_loop3A_37 = arith.muli %parallel_loop3A_35, %parallel_loop3A_36 : i32
        %parallel_loop3A_38 = arith.index_cast %parallel_loop3A_37 : i32 to index
        %parallel_loop3A_39 = tpu.vector_load %arg11[%parallel_loop3A_38] {strides = array<i32>} : memref<10000xi32, #tpu.memory_space<vmem>>, vector<16xi32>,
        %parallel_loop3A_40 = arith.index_cast %parallel_loop3A_37 : i32 to index
        %parallel_loop3A_41 = tpu.vector_load %arg9[%parallel_loop3A_40] {strides = array<i32>} : memref<10000xf32, #tpu.memory_space<vmem>>, vector<16xf32>,
        %parallel_loop3A_42 = tpu.vector_load_idx %arg10[%parallel_loop3A_39] : memref<2000xf32, #tpu.memory_space<vmem>>[vector<16xi32>], vector<16xf32>,
        %parallel_loop3A_43 = arith.addf %parallel_loop3A_41, %parallel_loop3A_42 : vector<16xf32>
        %parallel_loop3A_44 = arith.constant 0.000000e+00 : f32
        %parallel_loop3A_45 = vector.broadcast %parallel_loop3A_44 : f32 to vector<16xf32>
        %parallel_loop3A_46 = arith.cmpf ogt, %parallel_loop3A_43, %parallel_loop3A_45 : vector<16xf32>
        %parallel_loop3A_47 = arith.constant 0.00999999977 : f32
        %parallel_loop3A_48 = vector.broadcast %parallel_loop3A_47 : f32 to vector<16xf32>
        %parallel_loop3A_49 = arith.mulf %parallel_loop3A_48, %parallel_loop3A_43 : vector<16xf32>
        %parallel_loop3A_50 = arith.select %parallel_loop3A_46, %parallel_loop3A_43, %parallel_loop3A_49 : vector<16xi1>, vector<16xf32>
        %parallel_loop3A_51 = math.exp %parallel_loop3A_50 : vector<16xf32>
        tpu.vector_store_idx %arg13[%parallel_loop3A_39], %parallel_loop3A_51 {add = true} : memref<2000xf32, #tpu.memory_space<vmem>>[vector<16xi32>], vector<16xf32>,
        %parallel_loop3A_52 = arith.constant 0 : i32
        %parallel_loop3A_53 = vector.broadcast %parallel_loop3A_52 : i32 to vector<16xi32>
        %parallel_loop3A_54 = arith.constant 0 : i32
        %parallel_loop3A_55 = arith.index_cast %parallel_loop3A_54 : i32 to index
        %parallel_loop3A_56 = arith.index_cast %parallel_loop3A_37 : i32 to index
        %parallel_loop3A_57 = tpu.vector_load %arg8[%parallel_loop3A_55, %parallel_loop3A_56] {strides = array<i32>} : memref<4x10000xf32, #tpu.memory_space<vmem>>, vector<16xf32>,
        %parallel_loop3A_58 = arith.mulf %parallel_loop3A_57, %parallel_loop3A_51 : vector<16xf32>
        tpu.vector_store_idx %arg12[%parallel_loop3A_53, %parallel_loop3A_39], %parallel_loop3A_58 {add = true} : memref<4x2000xf32, #tpu.memory_space<vmem>>[vector<16xi32>, vector<16xi32>], vector<16xf32>,
        %parallel_loop3A_59 = arith.constant 1 : i32
        %parallel_loop3A_60 = vector.broadcast %parallel_loop3A_59 : i32 to vector<16xi32>
        %parallel_loop3A_61 = arith.constant 1 : i32
        %parallel_loop3A_62 = arith.index_cast %parallel_loop3A_61 : i32 to index
        %parallel_loop3A_63 = arith.index_cast %parallel_loop3A_37 : i32 to index
        %parallel_loop3A_64 = tpu.vector_load %arg8[%parallel_loop3A_62, %parallel_loop3A_63] {strides = array<i32>} : memref<4x10000xf32, #tpu.memory_space<vmem>>, vector<16xf32>,
        %parallel_loop3A_65 = arith.mulf %parallel_loop3A_64, %parallel_loop3A_51 : vector<16xf32>
        tpu.vector_store_idx %arg12[%parallel_loop3A_60, %parallel_loop3A_39], %parallel_loop3A_65 {add = true} : memref<4x2000xf32, #tpu.memory_space<vmem>>[vector<16xi32>, vector<16xi32>], vector<16xf32>,
        %parallel_loop3A_66 = arith.constant 2 : i32
        %parallel_loop3A_67 = vector.broadcast %parallel_loop3A_66 : i32 to vector<16xi32>
        %parallel_loop3A_68 = arith.constant 2 : i32
        %parallel_loop3A_69 = arith.index_cast %parallel_loop3A_68 : i32 to index
        %parallel_loop3A_70 = arith.index_cast %parallel_loop3A_37 : i32 to index
        %parallel_loop3A_71 = tpu.vector_load %arg8[%parallel_loop3A_69, %parallel_loop3A_70] {strides = array<i32>} : memref<4x10000xf32, #tpu.memory_space<vmem>>, vector<16xf32>,
        %parallel_loop3A_72 = arith.mulf %parallel_loop3A_71, %parallel_loop3A_51 : vector<16xf32>
        tpu.vector_store_idx %arg12[%parallel_loop3A_67, %parallel_loop3A_39], %parallel_loop3A_72 {add = true} : memref<4x2000xf32, #tpu.memory_space<vmem>>[vector<16xi32>, vector<16xi32>], vector<16xf32>,
        %parallel_loop3A_73 = arith.constant 3 : i32
        %parallel_loop3A_74 = vector.broadcast %parallel_loop3A_73 : i32 to vector<16xi32>
        %parallel_loop3A_75 = arith.constant 3 : i32
        %parallel_loop3A_76 = arith.index_cast %parallel_loop3A_75 : i32 to index
        %parallel_loop3A_77 = arith.index_cast %parallel_loop3A_37 : i32 to index
        %parallel_loop3A_78 = tpu.vector_load %arg8[%parallel_loop3A_76, %parallel_loop3A_77] {strides = array<i32>} : memref<4x10000xf32, #tpu.memory_space<vmem>>, vector<16xf32>,
        %parallel_loop3A_79 = arith.mulf %parallel_loop3A_78, %parallel_loop3A_51 : vector<16xf32>
        tpu.vector_store_idx %arg12[%parallel_loop3A_74, %parallel_loop3A_39], %parallel_loop3A_79 {add = true} : memref<4x2000xf32, #tpu.memory_space<vmem>>[vector<16xi32>, vector<16xi32>], vector<16xf32>,
      } {sc.loop_unroll_factor = 8 : i64, sc.parallel_access}
    } else {
    }
    %ne3A = arith.constant 0 : i32
    %ne3A_21 = arith.cmpi ne, %add3A, %ne3A : i32
    %convert_element_type3A_22 = arith.extui %ne3A_21 : i1 to i32
    %cond3A_23 = arith.constant 0 : i32
    %cond3A_24 = arith.cmpi ne, %convert_element_type3A_22, %cond3A_23 : i32
    scf.if %cond3A_24 {
      %parallel_loop3A_32 = arith.constant 0 : i32
      %parallel_loop3A_33 = arith.constant 625 : i32
      %parallel_loop3A_34 = arith.constant 1 : i32
      scf.for %parallel_loop3A_35 = %parallel_loop3A_32 to %parallel_loop3A_33 step %parallel_loop3A_34  : i32 {
        %parallel_loop3A_36 = arith.constant 16 : i32
        %parallel_loop3A_37 = arith.muli %parallel_loop3A_35, %parallel_loop3A_36 : i32
        %parallel_loop3A_38 = arith.index_cast %parallel_loop3A_37 : i32 to index
        %parallel_loop3A_39 = tpu.vector_load %arg11[%parallel_loop3A_38] {strides = array<i32>} : memref<10000xi32, #tpu.memory_space<vmem>>, vector<16xi32>,
        %parallel_loop3A_40 = arith.index_cast %parallel_loop3A_37 : i32 to index
        %parallel_loop3A_41 = tpu.vector_load %arg9[%parallel_loop3A_40] {strides = array<i32>} : memref<10000xf32, #tpu.memory_space<vmem>>, vector<16xf32>,
        %parallel_loop3A_42 = tpu.vector_load_idx %arg10[%parallel_loop3A_39] : memref<2000xf32, #tpu.memory_space<vmem>>[vector<16xi32>], vector<16xf32>,
        %parallel_loop3A_43 = arith.addf %parallel_loop3A_41, %parallel_loop3A_42 : vector<16xf32>
        %parallel_loop3A_44 = arith.constant 0.000000e+00 : f32
        %parallel_loop3A_45 = vector.broadcast %parallel_loop3A_44 : f32 to vector<16xf32>
        %parallel_loop3A_46 = arith.cmpf ogt, %parallel_loop3A_43, %parallel_loop3A_45 : vector<16xf32>
        %parallel_loop3A_47 = arith.constant 0.00999999977 : f32
        %parallel_loop3A_48 = vector.broadcast %parallel_loop3A_47 : f32 to vector<16xf32>
        %parallel_loop3A_49 = arith.mulf %parallel_loop3A_48, %parallel_loop3A_43 : vector<16xf32>
        %parallel_loop3A_50 = arith.select %parallel_loop3A_46, %parallel_loop3A_43, %parallel_loop3A_49 : vector<16xi1>, vector<16xf32>
        %parallel_loop3A_51 = math.exp %parallel_loop3A_50 : vector<16xf32>
        %parallel_loop3A_52 = arith.constant 0 : i32
        %parallel_loop3A_53 = vector.broadcast %parallel_loop3A_52 : i32 to vector<16xi32>
        %parallel_loop3A_54 = arith.constant 0 : i32
        %parallel_loop3A_55 = arith.index_cast %parallel_loop3A_54 : i32 to index
        %parallel_loop3A_56 = arith.index_cast %parallel_loop3A_37 : i32 to index
        %parallel_loop3A_57 = tpu.vector_load %arg8[%parallel_loop3A_55, %parallel_loop3A_56] {strides = array<i32>} : memref<4x10000xf32, #tpu.memory_space<vmem>>, vector<16xf32>,
        %parallel_loop3A_58 = arith.mulf %parallel_loop3A_57, %parallel_loop3A_51 : vector<16xf32>
        tpu.vector_store_idx %arg12[%parallel_loop3A_53, %parallel_loop3A_39], %parallel_loop3A_58 {add = true} : memref<4x2000xf32, #tpu.memory_space<vmem>>[vector<16xi32>, vector<16xi32>], vector<16xf32>,
        %parallel_loop3A_59 = arith.constant 1 : i32
        %parallel_loop3A_60 = vector.broadcast %parallel_loop3A_59 : i32 to vector<16xi32>
        %parallel_loop3A_61 = arith.constant 1 : i32
        %parallel_loop3A_62 = arith.index_cast %parallel_loop3A_61 : i32 to index
        %parallel_loop3A_63 = arith.index_cast %parallel_loop3A_37 : i32 to index
        %parallel_loop3A_64 = tpu.vector_load %arg8[%parallel_loop3A_62, %parallel_loop3A_63] {strides = array<i32>} : memref<4x10000xf32, #tpu.memory_space<vmem>>, vector<16xf32>,
        %parallel_loop3A_65 = arith.mulf %parallel_loop3A_64, %parallel_loop3A_51 : vector<16xf32>
        tpu.vector_store_idx %arg12[%parallel_loop3A_60, %parallel_loop3A_39], %parallel_loop3A_65 {add = true} : memref<4x2000xf32, #tpu.memory_space<vmem>>[vector<16xi32>, vector<16xi32>], vector<16xf32>,
        %parallel_loop3A_66 = arith.constant 2 : i32
        %parallel_loop3A_67 = vector.broadcast %parallel_loop3A_66 : i32 to vector<16xi32>
        %parallel_loop3A_68 = arith.constant 2 : i32
        %parallel_loop3A_69 = arith.index_cast %parallel_loop3A_68 : i32 to index
        %parallel_loop3A_70 = arith.index_cast %parallel_loop3A_37 : i32 to index
        %parallel_loop3A_71 = tpu.vector_load %arg8[%parallel_loop3A_69, %parallel_loop3A_70] {strides = array<i32>} : memref<4x10000xf32, #tpu.memory_space<vmem>>, vector<16xf32>,
        %parallel_loop3A_72 = arith.mulf %parallel_loop3A_71, %parallel_loop3A_51 : vector<16xf32>
        tpu.vector_store_idx %arg12[%parallel_loop3A_67, %parallel_loop3A_39], %parallel_loop3A_72 {add = true} : memref<4x2000xf32, #tpu.memory_space<vmem>>[vector<16xi32>, vector<16xi32>], vector<16xf32>,
        %parallel_loop3A_73 = arith.constant 3 : i32
        %parallel_loop3A_74 = vector.broadcast %parallel_loop3A_73 : i32 to vector<16xi32>
        %parallel_loop3A_75 = arith.constant 3 : i32
        %parallel_loop3A_76 = arith.index_cast %parallel_loop3A_75 : i32 to index
        %parallel_loop3A_77 = arith.index_cast %parallel_loop3A_37 : i32 to index
        %parallel_loop3A_78 = tpu.vector_load %arg8[%parallel_loop3A_76, %parallel_loop3A_77] {strides = array<i32>} : memref<4x10000xf32, #tpu.memory_space<vmem>>, vector<16xf32>,
        %parallel_loop3A_79 = arith.mulf %parallel_loop3A_78, %parallel_loop3A_51 : vector<16xf32>
        tpu.vector_store_idx %arg12[%parallel_loop3A_74, %parallel_loop3A_39], %parallel_loop3A_79 {add = true} : memref<4x2000xf32, #tpu.memory_space<vmem>>[vector<16xi32>, vector<16xi32>], vector<16xf32>,
      } {sc.loop_unroll_factor = 8 : i64, sc.parallel_access}
    } else {
    }
    %mul3A_25 = arith.constant 4 : i32
    %mul3A_26 = arith.muli %add3A, %mul3A_25 : i32
    "tpu.region"() ({
      %run_scoped3A = tpu.sem_alloc : memref<!tpu.dma_semaphore, #tpu.memory_space<semaphore_mem>>
      %dma_start3A_32 = arith.constant 0 : i32
      %dma_start3A_33 = tpu.memref_slice %arg6[%mul3A_26, %dma_start3A_32] : memref<128x2000xf32, #tpu.memory_space<hbm>> -> memref<4x2000xf32, #tpu.memory_space<hbm>>
      %dma_start3A_34 = arith.constant 0 : i32
      %dma_start3A_35 = tpu.memref_slice %arg6[%mul3A_26, %dma_start3A_34] : memref<128x2000xf32, #tpu.memory_space<hbm>> -> memref<4x2000xf32, #tpu.memory_space<hbm>>
      tpu.enqueue_dma source(%arg12 : memref<4x2000xf32, #tpu.memory_space<vmem>>) target(%dma_start3A_35 : memref<4x2000xf32, #tpu.memory_space<hbm>>) target_semaphore(%run_scoped3A : memref<!tpu.dma_semaphore, #tpu.memory_space<semaphore_mem>>)
      %dma_wait3A_36 = arith.constant 0 : i32
      %dma_wait3A_37 = tpu.memref_slice %arg6[%mul3A_26, %dma_wait3A_36] : memref<128x2000xf32, #tpu.memory_space<hbm>> -> memref<4x2000xf32, #tpu.memory_space<hbm>>
      %dma_wait3A_38 = arith.constant 0 : i32
      %dma_wait3A_39 = tpu.memref_slice %arg6[%mul3A_26, %dma_wait3A_38] : memref<128x2000xf32, #tpu.memory_space<hbm>> -> memref<4x2000xf32, #tpu.memory_space<hbm>>
      tpu.wait_dma2 semaphore(%run_scoped3A : memref<!tpu.dma_semaphore, #tpu.memory_space<semaphore_mem>>) src(%arg12 : memref<4x2000xf32, #tpu.memory_space<vmem>>) dst(%dma_wait3A_39 : memref<4x2000xf32, #tpu.memory_space<hbm>>)
      tpu.yield
    }) : () -> ()
    %eq3A_27 = arith.constant 0 : i32
    %eq3A_28 = arith.cmpi eq, %add3A, %eq3A_27 : i32
    %convert_element_type3A_29 = arith.extui %eq3A_28 : i1 to i32
    %cond3A_30 = arith.constant 0 : i32
    %cond3A_31 = arith.cmpi ne, %convert_element_type3A_29, %cond3A_30 : i32
    scf.if %cond3A_31 {
      "tpu.region"() ({
        %run_scoped3A = tpu.sem_alloc : memref<!tpu.dma_semaphore, #tpu.memory_space<semaphore_mem>>
        tpu.enqueue_dma source(%arg13 : memref<2000xf32, #tpu.memory_space<vmem>>) target(%arg7 : memref<2000xf32, #tpu.memory_space<hbm>>) target_semaphore(%run_scoped3A : memref<!tpu.dma_semaphore, #tpu.memory_space<semaphore_mem>>)
        tpu.wait_dma2 semaphore(%run_scoped3A : memref<!tpu.dma_semaphore, #tpu.memory_space<semaphore_mem>>) src(%arg13 : memref<2000xf32, #tpu.memory_space<vmem>>) dst(%arg7 : memref<2000xf32, #tpu.memory_space<hbm>>)
        tpu.yield
      }) : () -> ()
    } else {
    }
    return
  }
}

#map = affine_map<(d0, d1) -> (0, 0)>
#map1 = affine_map<(d0, d1) -> (0)>
module attributes {stable_mosaic.version = 14 : i64} {
  func.func @seg(%arg0: i32, %arg1: i32, %arg2: memref<128x10000xf32, #tpu.memory_space<hbm>>, %arg3: memref<10000xi32, #tpu.memory_space<hbm>>, %arg4: memref<128x2000xf32, #tpu.memory_space<hbm>>, %arg5: memref<4x10000xf32, #tpu.memory_space<vmem>>, %arg6: memref<10000xi32, #tpu.memory_space<vmem>>, %arg7: memref<4x2000xf32, #tpu.memory_space<vmem>>, %arg8: memref<!tpu.dma_semaphore, #tpu.memory_space<semaphore_mem>>) attributes {dimension_semantics = [#tpu.dimension_semantics<core_parallel>, #tpu.dimension_semantics<subcore_parallel>], iteration_bounds = array<i64: 2, 16>, scalar_prefetch = 0 : i64, scratch_operands = 4 : i64, tpu.core_type = #tpu.core_type<sc_vector_subcore>, window_params = [{transform_indices = #map}, {transform_indices = #map1}, {transform_indices = #map}]} {
    %mul3A = arith.constant 2 : i32
    %mul3A_0 = arith.muli %arg1, %mul3A : i32
    %add3A = arith.addi %mul3A_0, %arg0 : i32
    %mul3A_1 = arith.constant 4 : i32
    %mul3A_2 = arith.muli %add3A, %mul3A_1 : i32
    %dma_start3A = arith.constant 0 : i32
    %dma_start3A_3 = tpu.memref_slice %arg2[%mul3A_2, %dma_start3A] : memref<128x10000xf32, #tpu.memory_space<hbm>> -> memref<4x10000xf32, #tpu.memory_space<hbm>>
    %dma_start3A_4 = arith.constant 0 : i32
    %dma_start3A_5 = tpu.memref_slice %arg2[%mul3A_2, %dma_start3A_4] : memref<128x10000xf32, #tpu.memory_space<hbm>> -> memref<4x10000xf32, #tpu.memory_space<hbm>>
    tpu.enqueue_dma source(%dma_start3A_5 : memref<4x10000xf32, #tpu.memory_space<hbm>>) target(%arg5 : memref<4x10000xf32, #tpu.memory_space<vmem>>) target_semaphore(%arg8 : memref<!tpu.dma_semaphore, #tpu.memory_space<semaphore_mem>>)
    tpu.enqueue_dma source(%arg3 : memref<10000xi32, #tpu.memory_space<hbm>>) target(%arg6 : memref<10000xi32, #tpu.memory_space<vmem>>) target_semaphore(%arg8 : memref<!tpu.dma_semaphore, #tpu.memory_space<semaphore_mem>>)
    %broadcast_in_dim3A = arith.constant 0.000000e+00 : f32
    %broadcast_in_dim3A_6 = vector.broadcast %broadcast_in_dim3A : f32 to vector<16xf32>
    %parallel_loop3A = arith.constant 0 : i32
    %parallel_loop3A_7 = arith.constant 125 : i32
    %parallel_loop3A_8 = arith.constant 1 : i32
    scf.for %parallel_loop3A_19 = %parallel_loop3A to %parallel_loop3A_7 step %parallel_loop3A_8  : i32 {
      %parallel_loop3A_20 = arith.constant 16 : i32
      %parallel_loop3A_21 = arith.muli %parallel_loop3A_19, %parallel_loop3A_20 : i32
      %parallel_loop3A_22 = arith.constant 0 : i32
      %parallel_loop3A_23 = arith.index_cast %parallel_loop3A_22 : i32 to index
      %parallel_loop3A_24 = arith.index_cast %parallel_loop3A_21 : i32 to index
      %parallel_loop3A_25 = tpu.vector_load %arg7[%parallel_loop3A_23, %parallel_loop3A_24] {strides = array<i32>} : memref<4x2000xf32, #tpu.memory_space<vmem>>, vector<16xf32>,
      tpu.vector_store %arg7[%parallel_loop3A_23, %parallel_loop3A_24], %broadcast_in_dim3A_6 {strides = array<i32>} : memref<4x2000xf32, #tpu.memory_space<vmem>>, vector<16xf32>,
      %parallel_loop3A_26 = arith.constant 16 : i32
      %parallel_loop3A_27 = arith.muli %parallel_loop3A_19, %parallel_loop3A_26 : i32
      %parallel_loop3A_28 = arith.constant 1 : i32
      %parallel_loop3A_29 = arith.index_cast %parallel_loop3A_28 : i32 to index
      %parallel_loop3A_30 = arith.index_cast %parallel_loop3A_27 : i32 to index
      %parallel_loop3A_31 = tpu.vector_load %arg7[%parallel_loop3A_29, %parallel_loop3A_30] {strides = array<i32>} : memref<4x2000xf32, #tpu.memory_space<vmem>>, vector<16xf32>,
      tpu.vector_store %arg7[%parallel_loop3A_29, %parallel_loop3A_30], %broadcast_in_dim3A_6 {strides = array<i32>} : memref<4x2000xf32, #tpu.memory_space<vmem>>, vector<16xf32>,
      %parallel_loop3A_32 = arith.constant 16 : i32
      %parallel_loop3A_33 = arith.muli %parallel_loop3A_19, %parallel_loop3A_32 : i32
      %parallel_loop3A_34 = arith.constant 2 : i32
      %parallel_loop3A_35 = arith.index_cast %parallel_loop3A_34 : i32 to index
      %parallel_loop3A_36 = arith.index_cast %parallel_loop3A_33 : i32 to index
      %parallel_loop3A_37 = tpu.vector_load %arg7[%parallel_loop3A_35, %parallel_loop3A_36] {strides = array<i32>} : memref<4x2000xf32, #tpu.memory_space<vmem>>, vector<16xf32>,
      tpu.vector_store %arg7[%parallel_loop3A_35, %parallel_loop3A_36], %broadcast_in_dim3A_6 {strides = array<i32>} : memref<4x2000xf32, #tpu.memory_space<vmem>>, vector<16xf32>,
      %parallel_loop3A_38 = arith.constant 16 : i32
      %parallel_loop3A_39 = arith.muli %parallel_loop3A_19, %parallel_loop3A_38 : i32
      %parallel_loop3A_40 = arith.constant 3 : i32
      %parallel_loop3A_41 = arith.index_cast %parallel_loop3A_40 : i32 to index
      %parallel_loop3A_42 = arith.index_cast %parallel_loop3A_39 : i32 to index
      %parallel_loop3A_43 = tpu.vector_load %arg7[%parallel_loop3A_41, %parallel_loop3A_42] {strides = array<i32>} : memref<4x2000xf32, #tpu.memory_space<vmem>>, vector<16xf32>,
      tpu.vector_store %arg7[%parallel_loop3A_41, %parallel_loop3A_42], %broadcast_in_dim3A_6 {strides = array<i32>} : memref<4x2000xf32, #tpu.memory_space<vmem>>, vector<16xf32>,
    } {sc.loop_unroll_factor = 5 : i64, sc.parallel_access}
    %dma_wait3A = arith.constant 0 : i32
    %dma_wait3A_9 = arith.constant 0 : i32
    %dma_wait3A_10 = tpu.memref_slice %arg2[%dma_wait3A, %dma_wait3A_9] : memref<128x10000xf32, #tpu.memory_space<hbm>> -> memref<4x10000xf32, #tpu.memory_space<hbm>>
    %dma_wait3A_11 = arith.constant 0 : i32
    %dma_wait3A_12 = arith.constant 0 : i32
    %dma_wait3A_13 = tpu.memref_slice %arg2[%dma_wait3A_11, %dma_wait3A_12] : memref<128x10000xf32, #tpu.memory_space<hbm>> -> memref<4x10000xf32, #tpu.memory_space<hbm>>
    tpu.wait_dma2 semaphore(%arg8 : memref<!tpu.dma_semaphore, #tpu.memory_space<semaphore_mem>>) src(%dma_wait3A_13 : memref<4x10000xf32, #tpu.memory_space<hbm>>) dst(%arg5 : memref<4x10000xf32, #tpu.memory_space<vmem>>)
    tpu.wait_dma2 semaphore(%arg8 : memref<!tpu.dma_semaphore, #tpu.memory_space<semaphore_mem>>) src(%arg3 : memref<10000xi32, #tpu.memory_space<hbm>>) dst(%arg6 : memref<10000xi32, #tpu.memory_space<vmem>>)
    %parallel_loop3A_14 = arith.constant 0 : i32
    %parallel_loop3A_15 = arith.constant 625 : i32
    %parallel_loop3A_16 = arith.constant 1 : i32
    scf.for %parallel_loop3A_19 = %parallel_loop3A_14 to %parallel_loop3A_15 step %parallel_loop3A_16  : i32 {
      %parallel_loop3A_20 = arith.constant 16 : i32
      %parallel_loop3A_21 = arith.muli %parallel_loop3A_19, %parallel_loop3A_20 : i32
      %parallel_loop3A_22 = arith.index_cast %parallel_loop3A_21 : i32 to index
      %parallel_loop3A_23 = tpu.vector_load %arg6[%parallel_loop3A_22] {strides = array<i32>} : memref<10000xi32, #tpu.memory_space<vmem>>, vector<16xi32>,
      %parallel_loop3A_24 = arith.constant 0 : i32
      %parallel_loop3A_25 = vector.broadcast %parallel_loop3A_24 : i32 to vector<16xi32>
      %parallel_loop3A_26 = arith.constant 0 : i32
      %parallel_loop3A_27 = arith.index_cast %parallel_loop3A_26 : i32 to index
      %parallel_loop3A_28 = arith.index_cast %parallel_loop3A_21 : i32 to index
      %parallel_loop3A_29 = tpu.vector_load %arg5[%parallel_loop3A_27, %parallel_loop3A_28] {strides = array<i32>} : memref<4x10000xf32, #tpu.memory_space<vmem>>, vector<16xf32>,
      tpu.vector_store_idx %arg7[%parallel_loop3A_25, %parallel_loop3A_23], %parallel_loop3A_29 {add = true} : memref<4x2000xf32, #tpu.memory_space<vmem>>[vector<16xi32>, vector<16xi32>], vector<16xf32>,
      %parallel_loop3A_30 = arith.constant 1 : i32
      %parallel_loop3A_31 = vector.broadcast %parallel_loop3A_30 : i32 to vector<16xi32>
      %parallel_loop3A_32 = arith.constant 1 : i32
      %parallel_loop3A_33 = arith.index_cast %parallel_loop3A_32 : i32 to index
      %parallel_loop3A_34 = arith.index_cast %parallel_loop3A_21 : i32 to index
      %parallel_loop3A_35 = tpu.vector_load %arg5[%parallel_loop3A_33, %parallel_loop3A_34] {strides = array<i32>} : memref<4x10000xf32, #tpu.memory_space<vmem>>, vector<16xf32>,
      tpu.vector_store_idx %arg7[%parallel_loop3A_31, %parallel_loop3A_23], %parallel_loop3A_35 {add = true} : memref<4x2000xf32, #tpu.memory_space<vmem>>[vector<16xi32>, vector<16xi32>], vector<16xf32>,
      %parallel_loop3A_36 = arith.constant 2 : i32
      %parallel_loop3A_37 = vector.broadcast %parallel_loop3A_36 : i32 to vector<16xi32>
      %parallel_loop3A_38 = arith.constant 2 : i32
      %parallel_loop3A_39 = arith.index_cast %parallel_loop3A_38 : i32 to index
      %parallel_loop3A_40 = arith.index_cast %parallel_loop3A_21 : i32 to index
      %parallel_loop3A_41 = tpu.vector_load %arg5[%parallel_loop3A_39, %parallel_loop3A_40] {strides = array<i32>} : memref<4x10000xf32, #tpu.memory_space<vmem>>, vector<16xf32>,
      tpu.vector_store_idx %arg7[%parallel_loop3A_37, %parallel_loop3A_23], %parallel_loop3A_41 {add = true} : memref<4x2000xf32, #tpu.memory_space<vmem>>[vector<16xi32>, vector<16xi32>], vector<16xf32>,
      %parallel_loop3A_42 = arith.constant 3 : i32
      %parallel_loop3A_43 = vector.broadcast %parallel_loop3A_42 : i32 to vector<16xi32>
      %parallel_loop3A_44 = arith.constant 3 : i32
      %parallel_loop3A_45 = arith.index_cast %parallel_loop3A_44 : i32 to index
      %parallel_loop3A_46 = arith.index_cast %parallel_loop3A_21 : i32 to index
      %parallel_loop3A_47 = tpu.vector_load %arg5[%parallel_loop3A_45, %parallel_loop3A_46] {strides = array<i32>} : memref<4x10000xf32, #tpu.memory_space<vmem>>, vector<16xf32>,
      tpu.vector_store_idx %arg7[%parallel_loop3A_43, %parallel_loop3A_23], %parallel_loop3A_47 {add = true} : memref<4x2000xf32, #tpu.memory_space<vmem>>[vector<16xi32>, vector<16xi32>], vector<16xf32>,
    } {sc.loop_unroll_factor = 8 : i64, sc.parallel_access}
    %mul3A_17 = arith.constant 4 : i32
    %mul3A_18 = arith.muli %add3A, %mul3A_17 : i32
    "tpu.region"() ({
      %run_scoped3A = tpu.sem_alloc : memref<!tpu.dma_semaphore, #tpu.memory_space<semaphore_mem>>
      %dma_start3A_19 = arith.constant 0 : i32
      %dma_start3A_20 = tpu.memref_slice %arg4[%mul3A_18, %dma_start3A_19] : memref<128x2000xf32, #tpu.memory_space<hbm>> -> memref<4x2000xf32, #tpu.memory_space<hbm>>
      %dma_start3A_21 = arith.constant 0 : i32
      %dma_start3A_22 = tpu.memref_slice %arg4[%mul3A_18, %dma_start3A_21] : memref<128x2000xf32, #tpu.memory_space<hbm>> -> memref<4x2000xf32, #tpu.memory_space<hbm>>
      tpu.enqueue_dma source(%arg7 : memref<4x2000xf32, #tpu.memory_space<vmem>>) target(%dma_start3A_22 : memref<4x2000xf32, #tpu.memory_space<hbm>>) target_semaphore(%run_scoped3A : memref<!tpu.dma_semaphore, #tpu.memory_space<semaphore_mem>>)
      %dma_wait3A_23 = arith.constant 0 : i32
      %dma_wait3A_24 = tpu.memref_slice %arg4[%mul3A_18, %dma_wait3A_23] : memref<128x2000xf32, #tpu.memory_space<hbm>> -> memref<4x2000xf32, #tpu.memory_space<hbm>>
      %dma_wait3A_25 = arith.constant 0 : i32
      %dma_wait3A_26 = tpu.memref_slice %arg4[%mul3A_18, %dma_wait3A_25] : memref<128x2000xf32, #tpu.memory_space<hbm>> -> memref<4x2000xf32, #tpu.memory_space<hbm>>
      tpu.wait_dma2 semaphore(%run_scoped3A : memref<!tpu.dma_semaphore, #tpu.memory_space<semaphore_mem>>) src(%arg7 : memref<4x2000xf32, #tpu.memory_space<vmem>>) dst(%dma_wait3A_26 : memref<4x2000xf32, #tpu.memory_space<hbm>>)
      tpu.yield
    }) : () -> ()
    return
  }
}

module attributes {stable_mosaic.version = 14 : i64} {
  func.func @body(%arg0: memref<128x10000xf32, #tpu.memory_space<vmem>>, %arg1: memref<128x128xf32, #tpu.memory_space<vmem>>, %arg2: memref<128x1xf32, #tpu.memory_space<vmem>>, %arg3: memref<128x1xf32, #tpu.memory_space<vmem>>, %arg4: memref<128x1xf32, #tpu.memory_space<vmem>>, %arg5: memref<128x1xf32, #tpu.memory_space<vmem>>, %arg6: memref<128x1xf32, #tpu.memory_space<vmem>>, %arg7: memref<128x128xf32, #tpu.memory_space<vmem>>, %arg8: memref<128x1xf32, #tpu.memory_space<vmem>>, %arg9: memref<128x10000xf32, #tpu.memory_space<vmem>>, %arg10: memref<128x10000xf32, #tpu.memory_space<vmem>>, %arg11: memref<1x10000xf32, #tpu.memory_space<vmem>>) attributes {dimension_semantics = [], scalar_prefetch = 0 : i64, scratch_operands = 0 : i64, tpu.core_type = #tpu.core_type<tc>} {
    %get3A = arith.constant 0 : index
    %get3A_0 = arith.constant 0 : index
    %get3A_1 = vector.load %arg1[%get3A, %get3A_0] : memref<128x128xf32, #tpu.memory_space<vmem>>, vector<128x128xf32>
    %get3A_2 = arith.constant 0 : index
    %get3A_3 = arith.constant 0 : index
    %get3A_4 = vector.load %arg0[%get3A_2, %get3A_3] : memref<128x10000xf32, #tpu.memory_space<vmem>>, vector<128x10000xf32>
    %dot_general3A = arith.constant dense<0.000000e+00> : vector<128x10000xf32>
    %dot_general3A_5 = tpu.matmul %get3A_1, %get3A_4, %dot_general3A {dimension_numbers = #tpu.dot_dimension_numbers<[0], [0], [1], [1], [0, 1, 1, 1], [], []>, transpose_lhs_hint = false} : vector<128x128xf32>, vector<128x10000xf32>, vector<128x10000xf32> -> vector<128x10000xf32>
    %get3A_6 = arith.constant 0 : index
    %get3A_7 = arith.constant 0 : index
    %get3A_8 = vector.load %arg2[%get3A_6, %get3A_7] : memref<128x1xf32, #tpu.memory_space<vmem>>, vector<128x1xf32>
    %add3A = vector.broadcast %get3A_8 : vector<128x1xf32> to vector<128x10000xf32>
    %add3A_9 = arith.addf %dot_general3A_5, %add3A : vector<128x10000xf32>
    %max3A = arith.constant 0.000000e+00 : f32
    %max3A_10 = vector.broadcast %max3A : f32 to vector<128x10000xf32>
    %max3A_11 = arith.maximumf %add3A_9, %max3A_10 : vector<128x10000xf32>
    %get3A_12 = arith.constant 0 : index
    %get3A_13 = arith.constant 0 : index
    %get3A_14 = vector.load %arg3[%get3A_12, %get3A_13] : memref<128x1xf32, #tpu.memory_space<vmem>>, vector<128x1xf32>
    %get3A_15 = arith.constant 0 : index
    %get3A_16 = arith.constant 0 : index
    %get3A_17 = vector.load %arg4[%get3A_15, %get3A_16] : memref<128x1xf32, #tpu.memory_space<vmem>>, vector<128x1xf32>
    %reduce_sum3A = arith.constant dense<0.000000e+00> : vector<128xf32>
    %reduce_sum3A_18 = vector.multi_reduction <add>, %max3A_11, %reduce_sum3A [1] : vector<128x10000xf32> to vector<128xf32>
    %broadcast_in_dim3A = vector.shape_cast %reduce_sum3A_18 : vector<128xf32> to vector<128x1xf32>
    %div3A = arith.constant 1.000000e+04 : f32
    %div3A_19 = vector.broadcast %div3A : f32 to vector<128x1xf32>
    %div3A_20 = arith.divf %broadcast_in_dim3A, %div3A_19 : vector<128x1xf32>
    %sub3A = vector.broadcast %div3A_20 : vector<128x1xf32> to vector<128x10000xf32>
    %sub3A_21 = arith.subf %max3A_11, %sub3A : vector<128x10000xf32>
    %integer_pow3A = arith.mulf %sub3A_21, %sub3A_21 : vector<128x10000xf32>
    %reduce_sum3A_22 = arith.constant dense<0.000000e+00> : vector<128xf32>
    %reduce_sum3A_23 = vector.multi_reduction <add>, %integer_pow3A, %reduce_sum3A_22 [1] : vector<128x10000xf32> to vector<128xf32>
    %broadcast_in_dim3A_24 = vector.shape_cast %reduce_sum3A_23 : vector<128xf32> to vector<128x1xf32>
    %div3A_25 = arith.constant 1.000000e+04 : f32
    %div3A_26 = vector.broadcast %div3A_25 : f32 to vector<128x1xf32>
    %div3A_27 = arith.divf %broadcast_in_dim3A_24, %div3A_26 : vector<128x1xf32>
    %sub3A_28 = vector.broadcast %div3A_20 : vector<128x1xf32> to vector<128x10000xf32>
    %sub3A_29 = arith.subf %max3A_11, %sub3A_28 : vector<128x10000xf32>
    %add3A_30 = arith.constant 9.99999974E-6 : f32
    %add3A_31 = vector.broadcast %add3A_30 : f32 to vector<128x1xf32>
    %add3A_32 = arith.addf %div3A_27, %add3A_31 : vector<128x1xf32>
    %rsqrt3A = math.rsqrt %add3A_32 : vector<128x1xf32>
    %mul3A = vector.broadcast %rsqrt3A : vector<128x1xf32> to vector<128x10000xf32>
    %mul3A_33 = arith.mulf %sub3A_29, %mul3A : vector<128x10000xf32>
    %mul3A_34 = vector.broadcast %get3A_14 : vector<128x1xf32> to vector<128x10000xf32>
    %mul3A_35 = arith.mulf %mul3A_33, %mul3A_34 : vector<128x10000xf32>
    %add3A_36 = vector.broadcast %get3A_17 : vector<128x1xf32> to vector<128x10000xf32>
    %add3A_37 = arith.addf %mul3A_35, %add3A_36 : vector<128x10000xf32>
    %get3A_38 = arith.constant 0 : index
    %get3A_39 = arith.constant 0 : index
    %get3A_40 = vector.load %arg5[%get3A_38, %get3A_39] : memref<128x1xf32, #tpu.memory_space<vmem>>, vector<128x1xf32>
    %get3A_41 = arith.constant 0 : index
    %get3A_42 = arith.constant 0 : index
    %get3A_43 = vector.load %arg6[%get3A_41, %get3A_42] : memref<128x1xf32, #tpu.memory_space<vmem>>, vector<128x1xf32>
    %reduce_sum3A_44 = arith.constant dense<0.000000e+00> : vector<128xf32>
    %reduce_sum3A_45 = vector.multi_reduction <add>, %add3A_37, %reduce_sum3A_44 [1] : vector<128x10000xf32> to vector<128xf32>
    %broadcast_in_dim3A_46 = vector.shape_cast %reduce_sum3A_45 : vector<128xf32> to vector<128x1xf32>
    %div3A_47 = arith.constant 1.000000e+04 : f32
    %div3A_48 = vector.broadcast %div3A_47 : f32 to vector<128x1xf32>
    %div3A_49 = arith.divf %broadcast_in_dim3A_46, %div3A_48 : vector<128x1xf32>
    %sub3A_50 = vector.broadcast %div3A_49 : vector<128x1xf32> to vector<128x10000xf32>
    %sub3A_51 = arith.subf %add3A_37, %sub3A_50 : vector<128x10000xf32>
    %integer_pow3A_52 = arith.mulf %sub3A_51, %sub3A_51 : vector<128x10000xf32>
    %reduce_sum3A_53 = arith.constant dense<0.000000e+00> : vector<128xf32>
    %reduce_sum3A_54 = vector.multi_reduction <add>, %integer_pow3A_52, %reduce_sum3A_53 [1] : vector<128x10000xf32> to vector<128xf32>
    %broadcast_in_dim3A_55 = vector.shape_cast %reduce_sum3A_54 : vector<128xf32> to vector<128x1xf32>
    %div3A_56 = arith.constant 1.000000e+04 : f32
    %div3A_57 = vector.broadcast %div3A_56 : f32 to vector<128x1xf32>
    %div3A_58 = arith.divf %broadcast_in_dim3A_55, %div3A_57 : vector<128x1xf32>
    %sub3A_59 = vector.broadcast %div3A_49 : vector<128x1xf32> to vector<128x10000xf32>
    %sub3A_60 = arith.subf %add3A_37, %sub3A_59 : vector<128x10000xf32>
    %add3A_61 = arith.constant 9.99999974E-6 : f32
    %add3A_62 = vector.broadcast %add3A_61 : f32 to vector<128x1xf32>
    %add3A_63 = arith.addf %div3A_58, %add3A_62 : vector<128x1xf32>
    %rsqrt3A_64 = math.rsqrt %add3A_63 : vector<128x1xf32>
    %mul3A_65 = vector.broadcast %rsqrt3A_64 : vector<128x1xf32> to vector<128x10000xf32>
    %mul3A_66 = arith.mulf %sub3A_60, %mul3A_65 : vector<128x10000xf32>
    %mul3A_67 = vector.broadcast %get3A_40 : vector<128x1xf32> to vector<128x10000xf32>
    %mul3A_68 = arith.mulf %mul3A_66, %mul3A_67 : vector<128x10000xf32>
    %add3A_69 = vector.broadcast %get3A_43 : vector<128x1xf32> to vector<128x10000xf32>
    %add3A_70 = arith.addf %mul3A_68, %add3A_69 : vector<128x10000xf32>
    %get3A_71 = arith.constant 0 : index
    %get3A_72 = arith.constant 0 : index
    %get3A_73 = vector.load %arg7[%get3A_71, %get3A_72] : memref<128x128xf32, #tpu.memory_space<vmem>>, vector<128x128xf32>
    %dot_general3A_74 = arith.constant dense<0.000000e+00> : vector<128x10000xf32>
    %dot_general3A_75 = tpu.matmul %get3A_73, %add3A_70, %dot_general3A_74 {dimension_numbers = #tpu.dot_dimension_numbers<[0], [0], [1], [1], [0, 1, 1, 1], [], []>, transpose_lhs_hint = false} : vector<128x128xf32>, vector<128x10000xf32>, vector<128x10000xf32> -> vector<128x10000xf32>
    %swap3A = arith.constant 0 : index
    %swap3A_76 = arith.constant 0 : index
    %swap3A_77 = vector.load %arg9[%swap3A, %swap3A_76] : memref<128x10000xf32, #tpu.memory_space<vmem>>, vector<128x10000xf32>
    tpu.vector_store %arg9[%swap3A, %swap3A_76], %add3A_70 {strides = array<i32>} : memref<128x10000xf32, #tpu.memory_space<vmem>>, vector<128x10000xf32>,
    %swap3A_78 = arith.constant 0 : index
    %swap3A_79 = arith.constant 0 : index
    %swap3A_80 = vector.load %arg10[%swap3A_78, %swap3A_79] : memref<128x10000xf32, #tpu.memory_space<vmem>>, vector<128x10000xf32>
    tpu.vector_store %arg10[%swap3A_78, %swap3A_79], %dot_general3A_75 {strides = array<i32>} : memref<128x10000xf32, #tpu.memory_space<vmem>>, vector<128x10000xf32>,
    %get3A_81 = arith.constant 0 : index
    %get3A_82 = arith.constant 0 : index
    %get3A_83 = vector.load %arg8[%get3A_81, %get3A_82] : memref<128x1xf32, #tpu.memory_space<vmem>>, vector<128x1xf32>
    %mul3A_84 = vector.broadcast %get3A_83 : vector<128x1xf32> to vector<128x10000xf32>
    %mul3A_85 = arith.mulf %dot_general3A_75, %mul3A_84 : vector<128x10000xf32>
    %reduce_sum3A_86 = arith.constant dense<0.000000e+00> : vector<10000xf32>
    %reduce_sum3A_87 = vector.multi_reduction <add>, %mul3A_85, %reduce_sum3A_86 [0] : vector<128x10000xf32> to vector<10000xf32>
    %broadcast_in_dim3A_88 = vector.shape_cast %reduce_sum3A_87 : vector<10000xf32> to vector<1x10000xf32>
    %swap3A_89 = arith.constant 0 : index
    %swap3A_90 = arith.constant 0 : index
    %swap3A_91 = vector.load %arg11[%swap3A_89, %swap3A_90] : memref<1x10000xf32, #tpu.memory_space<vmem>>, vector<1x10000xf32>
    tpu.vector_store %arg11[%swap3A_89, %swap3A_90], %broadcast_in_dim3A_88 {strides = array<i32>} : memref<1x10000xf32, #tpu.memory_space<vmem>>, vector<1x10000xf32>,
    return
  }
}

module attributes {stable_mosaic.version = 14 : i64} {
  func.func @body(%arg0: memref<128x10000xf32, #tpu.memory_space<vmem>>, %arg1: memref<128x128xf32, #tpu.memory_space<vmem>>, %arg2: memref<128x1xf32, #tpu.memory_space<vmem>>, %arg3: memref<128x1xf32, #tpu.memory_space<vmem>>, %arg4: memref<128x1xf32, #tpu.memory_space<vmem>>, %arg5: memref<128x10000xf32, #tpu.memory_space<vmem>>) attributes {dimension_semantics = [], scalar_prefetch = 0 : i64, scratch_operands = 0 : i64, tpu.core_type = #tpu.core_type<tc>} {
    %get3A = arith.constant 0 : index
    %get3A_0 = arith.constant 0 : index
    %get3A_1 = vector.load %arg1[%get3A, %get3A_0] : memref<128x128xf32, #tpu.memory_space<vmem>>, vector<128x128xf32>
    %get3A_2 = arith.constant 0 : index
    %get3A_3 = arith.constant 0 : index
    %get3A_4 = vector.load %arg0[%get3A_2, %get3A_3] : memref<128x10000xf32, #tpu.memory_space<vmem>>, vector<128x10000xf32>
    %dot_general3A = arith.constant dense<0.000000e+00> : vector<128x10000xf32>
    %dot_general3A_5 = tpu.matmul %get3A_1, %get3A_4, %dot_general3A {dimension_numbers = #tpu.dot_dimension_numbers<[0], [0], [1], [1], [0, 1, 1, 1], [], []>, transpose_lhs_hint = false} : vector<128x128xf32>, vector<128x10000xf32>, vector<128x10000xf32> -> vector<128x10000xf32>
    %get3A_6 = arith.constant 0 : index
    %get3A_7 = arith.constant 0 : index
    %get3A_8 = vector.load %arg2[%get3A_6, %get3A_7] : memref<128x1xf32, #tpu.memory_space<vmem>>, vector<128x1xf32>
    %add3A = vector.broadcast %get3A_8 : vector<128x1xf32> to vector<128x10000xf32>
    %add3A_9 = arith.addf %dot_general3A_5, %add3A : vector<128x10000xf32>
    %max3A = arith.constant 0.000000e+00 : f32
    %max3A_10 = vector.broadcast %max3A : f32 to vector<128x10000xf32>
    %max3A_11 = arith.maximumf %add3A_9, %max3A_10 : vector<128x10000xf32>
    %get3A_12 = arith.constant 0 : index
    %get3A_13 = arith.constant 0 : index
    %get3A_14 = vector.load %arg3[%get3A_12, %get3A_13] : memref<128x1xf32, #tpu.memory_space<vmem>>, vector<128x1xf32>
    %get3A_15 = arith.constant 0 : index
    %get3A_16 = arith.constant 0 : index
    %get3A_17 = vector.load %arg4[%get3A_15, %get3A_16] : memref<128x1xf32, #tpu.memory_space<vmem>>, vector<128x1xf32>
    %reduce_sum3A = arith.constant dense<0.000000e+00> : vector<128xf32>
    %reduce_sum3A_18 = vector.multi_reduction <add>, %max3A_11, %reduce_sum3A [1] : vector<128x10000xf32> to vector<128xf32>
    %broadcast_in_dim3A = vector.shape_cast %reduce_sum3A_18 : vector<128xf32> to vector<128x1xf32>
    %div3A = arith.constant 1.000000e+04 : f32
    %div3A_19 = vector.broadcast %div3A : f32 to vector<128x1xf32>
    %div3A_20 = arith.divf %broadcast_in_dim3A, %div3A_19 : vector<128x1xf32>
    %sub3A = vector.broadcast %div3A_20 : vector<128x1xf32> to vector<128x10000xf32>
    %sub3A_21 = arith.subf %max3A_11, %sub3A : vector<128x10000xf32>
    %integer_pow3A = arith.mulf %sub3A_21, %sub3A_21 : vector<128x10000xf32>
    %reduce_sum3A_22 = arith.constant dense<0.000000e+00> : vector<128xf32>
    %reduce_sum3A_23 = vector.multi_reduction <add>, %integer_pow3A, %reduce_sum3A_22 [1] : vector<128x10000xf32> to vector<128xf32>
    %broadcast_in_dim3A_24 = vector.shape_cast %reduce_sum3A_23 : vector<128xf32> to vector<128x1xf32>
    %div3A_25 = arith.constant 1.000000e+04 : f32
    %div3A_26 = vector.broadcast %div3A_25 : f32 to vector<128x1xf32>
    %div3A_27 = arith.divf %broadcast_in_dim3A_24, %div3A_26 : vector<128x1xf32>
    %sub3A_28 = vector.broadcast %div3A_20 : vector<128x1xf32> to vector<128x10000xf32>
    %sub3A_29 = arith.subf %max3A_11, %sub3A_28 : vector<128x10000xf32>
    %add3A_30 = arith.constant 9.99999974E-6 : f32
    %add3A_31 = vector.broadcast %add3A_30 : f32 to vector<128x1xf32>
    %add3A_32 = arith.addf %div3A_27, %add3A_31 : vector<128x1xf32>
    %rsqrt3A = math.rsqrt %add3A_32 : vector<128x1xf32>
    %mul3A = vector.broadcast %rsqrt3A : vector<128x1xf32> to vector<128x10000xf32>
    %mul3A_33 = arith.mulf %sub3A_29, %mul3A : vector<128x10000xf32>
    %mul3A_34 = vector.broadcast %get3A_14 : vector<128x1xf32> to vector<128x10000xf32>
    %mul3A_35 = arith.mulf %mul3A_33, %mul3A_34 : vector<128x10000xf32>
    %add3A_36 = vector.broadcast %get3A_17 : vector<128x1xf32> to vector<128x10000xf32>
    %add3A_37 = arith.addf %mul3A_35, %add3A_36 : vector<128x10000xf32>
    %swap3A = arith.constant 0 : index
    %swap3A_38 = arith.constant 0 : index
    %swap3A_39 = vector.load %arg5[%swap3A, %swap3A_38] : memref<128x10000xf32, #tpu.memory_space<vmem>>, vector<128x10000xf32>
    tpu.vector_store %arg5[%swap3A, %swap3A_38], %add3A_37 {strides = array<i32>} : memref<128x10000xf32, #tpu.memory_space<vmem>>, vector<128x10000xf32>,
    return
  }
}

module attributes {stable_mosaic.version = 14 : i64} {
  func.func @body(%arg0: memref<128x2000xf32, #tpu.memory_space<vmem>>, %arg1: memref<128x1xf32, #tpu.memory_space<vmem>>, %arg2: memref<128x1xf32, #tpu.memory_space<vmem>>, %arg3: memref<128x128xf32, #tpu.memory_space<vmem>>, %arg4: memref<128x1xf32, #tpu.memory_space<vmem>>, %arg5: memref<128x2000xf32, #tpu.memory_space<vmem>>, %arg6: memref<1x2000xf32, #tpu.memory_space<vmem>>) attributes {dimension_semantics = [], scalar_prefetch = 0 : i64, scratch_operands = 0 : i64, tpu.core_type = #tpu.core_type<tc>} {
    %get3A = arith.constant 0 : index
    %get3A_0 = arith.constant 0 : index
    %get3A_1 = vector.load %arg0[%get3A, %get3A_0] : memref<128x2000xf32, #tpu.memory_space<vmem>>, vector<128x2000xf32>
    %max3A = arith.constant 0.000000e+00 : f32
    %max3A_2 = vector.broadcast %max3A : f32 to vector<128x2000xf32>
    %max3A_3 = arith.maximumf %get3A_1, %max3A_2 : vector<128x2000xf32>
    %get3A_4 = arith.constant 0 : index
    %get3A_5 = arith.constant 0 : index
    %get3A_6 = vector.load %arg1[%get3A_4, %get3A_5] : memref<128x1xf32, #tpu.memory_space<vmem>>, vector<128x1xf32>
    %get3A_7 = arith.constant 0 : index
    %get3A_8 = arith.constant 0 : index
    %get3A_9 = vector.load %arg2[%get3A_7, %get3A_8] : memref<128x1xf32, #tpu.memory_space<vmem>>, vector<128x1xf32>
    %reduce_sum3A = arith.constant dense<0.000000e+00> : vector<128xf32>
    %reduce_sum3A_10 = vector.multi_reduction <add>, %max3A_3, %reduce_sum3A [1] : vector<128x2000xf32> to vector<128xf32>
    %broadcast_in_dim3A = vector.shape_cast %reduce_sum3A_10 : vector<128xf32> to vector<128x1xf32>
    %div3A = arith.constant 2.000000e+03 : f32
    %div3A_11 = vector.broadcast %div3A : f32 to vector<128x1xf32>
    %div3A_12 = arith.divf %broadcast_in_dim3A, %div3A_11 : vector<128x1xf32>
    %sub3A = vector.broadcast %div3A_12 : vector<128x1xf32> to vector<128x2000xf32>
    %sub3A_13 = arith.subf %max3A_3, %sub3A : vector<128x2000xf32>
    %integer_pow3A = arith.mulf %sub3A_13, %sub3A_13 : vector<128x2000xf32>
    %reduce_sum3A_14 = arith.constant dense<0.000000e+00> : vector<128xf32>
    %reduce_sum3A_15 = vector.multi_reduction <add>, %integer_pow3A, %reduce_sum3A_14 [1] : vector<128x2000xf32> to vector<128xf32>
    %broadcast_in_dim3A_16 = vector.shape_cast %reduce_sum3A_15 : vector<128xf32> to vector<128x1xf32>
    %div3A_17 = arith.constant 2.000000e+03 : f32
    %div3A_18 = vector.broadcast %div3A_17 : f32 to vector<128x1xf32>
    %div3A_19 = arith.divf %broadcast_in_dim3A_16, %div3A_18 : vector<128x1xf32>
    %sub3A_20 = vector.broadcast %div3A_12 : vector<128x1xf32> to vector<128x2000xf32>
    %sub3A_21 = arith.subf %max3A_3, %sub3A_20 : vector<128x2000xf32>
    %add3A = arith.constant 9.99999974E-6 : f32
    %add3A_22 = vector.broadcast %add3A : f32 to vector<128x1xf32>
    %add3A_23 = arith.addf %div3A_19, %add3A_22 : vector<128x1xf32>
    %rsqrt3A = math.rsqrt %add3A_23 : vector<128x1xf32>
    %mul3A = vector.broadcast %rsqrt3A : vector<128x1xf32> to vector<128x2000xf32>
    %mul3A_24 = arith.mulf %sub3A_21, %mul3A : vector<128x2000xf32>
    %mul3A_25 = vector.broadcast %get3A_6 : vector<128x1xf32> to vector<128x2000xf32>
    %mul3A_26 = arith.mulf %mul3A_24, %mul3A_25 : vector<128x2000xf32>
    %add3A_27 = vector.broadcast %get3A_9 : vector<128x1xf32> to vector<128x2000xf32>
    %add3A_28 = arith.addf %mul3A_26, %add3A_27 : vector<128x2000xf32>
    %get3A_29 = arith.constant 0 : index
    %get3A_30 = arith.constant 0 : index
    %get3A_31 = vector.load %arg3[%get3A_29, %get3A_30] : memref<128x128xf32, #tpu.memory_space<vmem>>, vector<128x128xf32>
    %dot_general3A = arith.constant dense<0.000000e+00> : vector<128x2000xf32>
    %dot_general3A_32 = tpu.matmul %get3A_31, %add3A_28, %dot_general3A {dimension_numbers = #tpu.dot_dimension_numbers<[0], [0], [1], [1], [0, 1, 1, 1], [], []>, transpose_lhs_hint = false} : vector<128x128xf32>, vector<128x2000xf32>, vector<128x2000xf32> -> vector<128x2000xf32>
    %swap3A = arith.constant 0 : index
    %swap3A_33 = arith.constant 0 : index
    %swap3A_34 = vector.load %arg5[%swap3A, %swap3A_33] : memref<128x2000xf32, #tpu.memory_space<vmem>>, vector<128x2000xf32>
    tpu.vector_store %arg5[%swap3A, %swap3A_33], %add3A_28 {strides = array<i32>} : memref<128x2000xf32, #tpu.memory_space<vmem>>, vector<128x2000xf32>,
    %get3A_35 = arith.constant 0 : index
    %get3A_36 = arith.constant 0 : index
    %get3A_37 = vector.load %arg4[%get3A_35, %get3A_36] : memref<128x1xf32, #tpu.memory_space<vmem>>, vector<128x1xf32>
    %mul3A_38 = vector.broadcast %get3A_37 : vector<128x1xf32> to vector<128x2000xf32>
    %mul3A_39 = arith.mulf %dot_general3A_32, %mul3A_38 : vector<128x2000xf32>
    %reduce_sum3A_40 = arith.constant dense<0.000000e+00> : vector<2000xf32>
    %reduce_sum3A_41 = vector.multi_reduction <add>, %mul3A_39, %reduce_sum3A_40 [0] : vector<128x2000xf32> to vector<2000xf32>
    %broadcast_in_dim3A_42 = vector.shape_cast %reduce_sum3A_41 : vector<2000xf32> to vector<1x2000xf32>
    %swap3A_43 = arith.constant 0 : index
    %swap3A_44 = arith.constant 0 : index
    %swap3A_45 = vector.load %arg6[%swap3A_43, %swap3A_44] : memref<1x2000xf32, #tpu.memory_space<vmem>>, vector<1x2000xf32>
    tpu.vector_store %arg6[%swap3A_43, %swap3A_44], %broadcast_in_dim3A_42 {strides = array<i32>} : memref<1x2000xf32, #tpu.memory_space<vmem>>, vector<1x2000xf32>,
    return
  }
}

module attributes {stable_mosaic.version = 14 : i64} {
  func.func @body(%arg0: memref<128x2000xf32, #tpu.memory_space<vmem>>, %arg1: memref<1x2000xf32, #tpu.memory_space<vmem>>, %arg2: memref<128x2000xf32, #tpu.memory_space<vmem>>, %arg3: memref<128x1xf32, #tpu.memory_space<vmem>>, %arg4: memref<128x384xf32, #tpu.memory_space<vmem>>, %arg5: memref<128x384xf32, #tpu.memory_space<vmem>>, %arg6: memref<384x1xf32, #tpu.memory_space<vmem>>, %arg7: memref<384x1xf32, #tpu.memory_space<vmem>>, %arg8: memref<128x1xf32, #tpu.memory_space<vmem>>, %arg9: memref<128x1xf32, #tpu.memory_space<vmem>>, %arg10: memref<128x1xf32, #tpu.memory_space<vmem>>, %arg11: memref<128x1xf32, #tpu.memory_space<vmem>>, %arg12: memref<128x1xf32, #tpu.memory_space<vmem>>, %arg13: memref<128x1xf32, #tpu.memory_space<vmem>>, %arg14: memref<128x1xf32, #tpu.memory_space<vmem>>, %arg15: memref<128x1xf32, #tpu.memory_space<vmem>>, %arg16: memref<128x128xf32, #tpu.memory_space<vmem>>, %arg17: memref<128x128xf32, #tpu.memory_space<vmem>>, %arg18: memref<128x1xf32, #tpu.memory_space<vmem>>, %arg19: memref<128x1xf32, #tpu.memory_space<vmem>>, %arg20: memref<128x1xf32, #tpu.memory_space<vmem>>, %arg21: memref<128x384xf32, #tpu.memory_space<vmem>>, %arg22: memref<128x384xf32, #tpu.memory_space<vmem>>, %arg23: memref<384x1xf32, #tpu.memory_space<vmem>>, %arg24: memref<384x1xf32, #tpu.memory_space<vmem>>, %arg25: memref<1x2000xi32, #tpu.memory_space<vmem>>, %arg26: memref<128x64xf32, #tpu.memory_space<vmem>>, %arg27: memref<64x1xf32, #tpu.memory_space<vmem>>, %arg28: memref<64x1xf32, #tpu.memory_space<vmem>>, %arg29: memref<1x1xf32, #tpu.memory_space<vmem>>, %arg30: memref<1x500xf32, #tpu.memory_space<vmem>>) attributes {dimension_semantics = [], scalar_prefetch = 0 : i64, scratch_operands = 0 : i64, tpu.core_type = #tpu.core_type<tc>} {
    %get3A = arith.constant 0 : index
    %get3A_0 = arith.constant 0 : index
    %get3A_1 = vector.load %arg2[%get3A, %get3A_0] : memref<128x2000xf32, #tpu.memory_space<vmem>>, vector<128x2000xf32>
    %get3A_2 = arith.constant 0 : index
    %get3A_3 = arith.constant 0 : index
    %get3A_4 = vector.load %arg0[%get3A_2, %get3A_3] : memref<128x2000xf32, #tpu.memory_space<vmem>>, vector<128x2000xf32>
    %get3A_5 = arith.constant 0 : index
    %get3A_6 = arith.constant 0 : index
    %get3A_7 = vector.load %arg1[%get3A_5, %get3A_6] : memref<1x2000xf32, #tpu.memory_space<vmem>>, vector<1x2000xf32>
    %add3A = arith.constant 1.000000e-16 : f32
    %add3A_8 = vector.broadcast %add3A : f32 to vector<1x2000xf32>
    %add3A_9 = arith.addf %get3A_7, %add3A_8 : vector<1x2000xf32>
    %div3A = vector.broadcast %add3A_9 : vector<1x2000xf32> to vector<128x2000xf32>
    %div3A_10 = arith.divf %get3A_4, %div3A : vector<128x2000xf32>
    %get3A_11 = arith.constant 0 : index
    %get3A_12 = arith.constant 0 : index
    %get3A_13 = vector.load %arg3[%get3A_11, %get3A_12] : memref<128x1xf32, #tpu.memory_space<vmem>>, vector<128x1xf32>
    %add3A_14 = vector.broadcast %get3A_13 : vector<128x1xf32> to vector<128x2000xf32>
    %add3A_15 = arith.addf %div3A_10, %add3A_14 : vector<128x2000xf32>
    %gt3A = arith.constant 0.000000e+00 : f32
    %gt3A_16 = vector.broadcast %gt3A : f32 to vector<128x2000xf32>
    %gt3A_17 = arith.cmpf ogt, %add3A_15, %gt3A_16 : vector<128x2000xf32>
    %gt3A_18 = arith.constant 0.000000e+00 : f32
    %gt3A_19 = vector.broadcast %gt3A_18 : f32 to vector<128x2000xf32>
    %gt3A_20 = arith.cmpf ogt, %add3A_15, %gt3A_19 : vector<128x2000xf32>
    %jit3A = arith.constant 0.000000e+00 : f32
    %broadcast_in_dim3A = vector.broadcast %jit3A : f32 to vector<128x2000xf32>
    %select_n3A = arith.select %gt3A_20, %broadcast_in_dim3A, %add3A_15 : vector<128x2000xi1>, vector<128x2000xf32>
    %exp3A = math.exp %select_n3A : vector<128x2000xf32>
    %sub3A = arith.constant 1.000000e+00 : f32
    %sub3A_21 = vector.broadcast %sub3A : f32 to vector<128x2000xf32>
    %sub3A_22 = arith.subf %exp3A, %sub3A_21 : vector<128x2000xf32>
    %select_n3A_23 = arith.select %gt3A_17, %add3A_15, %sub3A_22 : vector<128x2000xi1>, vector<128x2000xf32>
    %get3A_24 = arith.constant 0 : index
    %get3A_25 = arith.constant 0 : index
    %get3A_26 = vector.load %arg4[%get3A_24, %get3A_25] : memref<128x384xf32, #tpu.memory_space<vmem>>, vector<128x384xf32>
    %get3A_27 = arith.constant 0 : index
    %get3A_28 = arith.constant 0 : index
    %get3A_29 = vector.load %arg5[%get3A_27, %get3A_28] : memref<128x384xf32, #tpu.memory_space<vmem>>, vector<128x384xf32>
    %get3A_30 = arith.constant 0 : index
    %get3A_31 = arith.constant 0 : index
    %get3A_32 = vector.load %arg6[%get3A_30, %get3A_31] : memref<384x1xf32, #tpu.memory_space<vmem>>, vector<384x1xf32>
    %get3A_33 = arith.constant 0 : index
    %get3A_34 = arith.constant 0 : index
    %get3A_35 = vector.load %arg7[%get3A_33, %get3A_34] : memref<384x1xf32, #tpu.memory_space<vmem>>, vector<384x1xf32>
    %dot_general3A = arith.constant dense<0.000000e+00> : vector<384x2000xf32>
    %dot_general3A_36 = tpu.matmul %get3A_26, %select_n3A_23, %dot_general3A {dimension_numbers = #tpu.dot_dimension_numbers<[0], [0], [1], [1], [0, 1, 1, 1], [], []>, transpose_lhs_hint = false} : vector<128x384xf32>, vector<128x2000xf32>, vector<384x2000xf32> -> vector<384x2000xf32>
    %add3A_37 = vector.broadcast %get3A_32 : vector<384x1xf32> to vector<384x2000xf32>
    %add3A_38 = arith.addf %dot_general3A_36, %add3A_37 : vector<384x2000xf32>
    %dot_general3A_39 = arith.constant dense<0.000000e+00> : vector<384x2000xf32>
    %dot_general3A_40 = tpu.matmul %get3A_29, %get3A_1, %dot_general3A_39 {dimension_numbers = #tpu.dot_dimension_numbers<[0], [0], [1], [1], [0, 1, 1, 1], [], []>, transpose_lhs_hint = false} : vector<128x384xf32>, vector<128x2000xf32>, vector<384x2000xf32> -> vector<384x2000xf32>
    %add3A_41 = vector.broadcast %get3A_35 : vector<384x1xf32> to vector<384x2000xf32>
    %add3A_42 = arith.addf %dot_general3A_40, %add3A_41 : vector<384x2000xf32>
    %slice3A = vector.extract_strided_slice %add3A_38 {offsets = [0, 0], sizes = [128, 2000], strides = [1, 1]} : vector<384x2000xf32> to vector<128x2000xf32>
    %slice3A_43 = vector.extract_strided_slice %add3A_42 {offsets = [0, 0], sizes = [128, 2000], strides = [1, 1]} : vector<384x2000xf32> to vector<128x2000xf32>
    %add3A_44 = arith.addf %slice3A, %slice3A_43 : vector<128x2000xf32>
    %logistic3A = arith.negf %add3A_44 : vector<128x2000xf32>
    %logistic3A_45 = math.exp %logistic3A : vector<128x2000xf32>
    %logistic3A_46 = arith.constant 1.000000e+00 : f32
    %logistic3A_47 = vector.broadcast %logistic3A_46 : f32 to vector<128x2000xf32>
    %logistic3A_48 = arith.addf %logistic3A_47, %logistic3A_45 : vector<128x2000xf32>
    %logistic3A_49 = arith.divf %logistic3A_47, %logistic3A_48 : vector<128x2000xf32>
    %slice3A_50 = vector.extract_strided_slice %add3A_38 {offsets = [128, 0], sizes = [128, 2000], strides = [1, 1]} : vector<384x2000xf32> to vector<128x2000xf32>
    %slice3A_51 = vector.extract_strided_slice %add3A_42 {offsets = [128, 0], sizes = [128, 2000], strides = [1, 1]} : vector<384x2000xf32> to vector<128x2000xf32>
    %add3A_52 = arith.addf %slice3A_50, %slice3A_51 : vector<128x2000xf32>
    %logistic3A_53 = arith.negf %add3A_52 : vector<128x2000xf32>
    %logistic3A_54 = math.exp %logistic3A_53 : vector<128x2000xf32>
    %logistic3A_55 = arith.constant 1.000000e+00 : f32
    %logistic3A_56 = vector.broadcast %logistic3A_55 : f32 to vector<128x2000xf32>
    %logistic3A_57 = arith.addf %logistic3A_56, %logistic3A_54 : vector<128x2000xf32>
    %logistic3A_58 = arith.divf %logistic3A_56, %logistic3A_57 : vector<128x2000xf32>
    %slice3A_59 = vector.extract_strided_slice %add3A_38 {offsets = [256, 0], sizes = [128, 2000], strides = [1, 1]} : vector<384x2000xf32> to vector<128x2000xf32>
    %slice3A_60 = vector.extract_strided_slice %add3A_42 {offsets = [256, 0], sizes = [128, 2000], strides = [1, 1]} : vector<384x2000xf32> to vector<128x2000xf32>
    %mul3A = arith.mulf %logistic3A_49, %slice3A_60 : vector<128x2000xf32>
    %add3A_61 = arith.addf %slice3A_59, %mul3A : vector<128x2000xf32>
    %tanh3A = math.tanh %add3A_61 : vector<128x2000xf32>
    %sub3A_62 = arith.constant 1.000000e+00 : f32
    %sub3A_63 = vector.broadcast %sub3A_62 : f32 to vector<128x2000xf32>
    %sub3A_64 = arith.subf %sub3A_63, %logistic3A_58 : vector<128x2000xf32>
    %mul3A_65 = arith.mulf %sub3A_64, %tanh3A : vector<128x2000xf32>
    %mul3A_66 = arith.mulf %logistic3A_58, %get3A_1 : vector<128x2000xf32>
    %add3A_67 = arith.addf %mul3A_65, %mul3A_66 : vector<128x2000xf32>
    %max3A = arith.constant 0.000000e+00 : f32
    %max3A_68 = vector.broadcast %max3A : f32 to vector<128x2000xf32>
    %max3A_69 = arith.maximumf %add3A_67, %max3A_68 : vector<128x2000xf32>
    %get3A_70 = arith.constant 0 : index
    %get3A_71 = arith.constant 0 : index
    %get3A_72 = vector.load %arg8[%get3A_70, %get3A_71] : memref<128x1xf32, #tpu.memory_space<vmem>>, vector<128x1xf32>
    %get3A_73 = arith.constant 0 : index
    %get3A_74 = arith.constant 0 : index
    %get3A_75 = vector.load %arg9[%get3A_73, %get3A_74] : memref<128x1xf32, #tpu.memory_space<vmem>>, vector<128x1xf32>
    %reduce_sum3A = arith.constant dense<0.000000e+00> : vector<128xf32>
    %reduce_sum3A_76 = vector.multi_reduction <add>, %max3A_69, %reduce_sum3A [1] : vector<128x2000xf32> to vector<128xf32>
    %broadcast_in_dim3A_77 = vector.shape_cast %reduce_sum3A_76 : vector<128xf32> to vector<128x1xf32>
    %div3A_78 = arith.constant 2.000000e+03 : f32
    %div3A_79 = vector.broadcast %div3A_78 : f32 to vector<128x1xf32>
    %div3A_80 = arith.divf %broadcast_in_dim3A_77, %div3A_79 : vector<128x1xf32>
    %sub3A_81 = vector.broadcast %div3A_80 : vector<128x1xf32> to vector<128x2000xf32>
    %sub3A_82 = arith.subf %max3A_69, %sub3A_81 : vector<128x2000xf32>
    %integer_pow3A = arith.mulf %sub3A_82, %sub3A_82 : vector<128x2000xf32>
    %reduce_sum3A_83 = arith.constant dense<0.000000e+00> : vector<128xf32>
    %reduce_sum3A_84 = vector.multi_reduction <add>, %integer_pow3A, %reduce_sum3A_83 [1] : vector<128x2000xf32> to vector<128xf32>
    %broadcast_in_dim3A_85 = vector.shape_cast %reduce_sum3A_84 : vector<128xf32> to vector<128x1xf32>
    %div3A_86 = arith.constant 2.000000e+03 : f32
    %div3A_87 = vector.broadcast %div3A_86 : f32 to vector<128x1xf32>
    %div3A_88 = arith.divf %broadcast_in_dim3A_85, %div3A_87 : vector<128x1xf32>
    %sub3A_89 = vector.broadcast %div3A_80 : vector<128x1xf32> to vector<128x2000xf32>
    %sub3A_90 = arith.subf %max3A_69, %sub3A_89 : vector<128x2000xf32>
    %add3A_91 = arith.constant 9.99999974E-6 : f32
    %add3A_92 = vector.broadcast %add3A_91 : f32 to vector<128x1xf32>
    %add3A_93 = arith.addf %div3A_88, %add3A_92 : vector<128x1xf32>
    %rsqrt3A = math.rsqrt %add3A_93 : vector<128x1xf32>
    %mul3A_94 = vector.broadcast %rsqrt3A : vector<128x1xf32> to vector<128x2000xf32>
    %mul3A_95 = arith.mulf %sub3A_90, %mul3A_94 : vector<128x2000xf32>
    %mul3A_96 = vector.broadcast %get3A_72 : vector<128x1xf32> to vector<128x2000xf32>
    %mul3A_97 = arith.mulf %mul3A_95, %mul3A_96 : vector<128x2000xf32>
    %add3A_98 = vector.broadcast %get3A_75 : vector<128x1xf32> to vector<128x2000xf32>
    %add3A_99 = arith.addf %mul3A_97, %add3A_98 : vector<128x2000xf32>
    %get3A_100 = arith.constant 0 : index
    %get3A_101 = arith.constant 0 : index
    %get3A_102 = vector.load %arg10[%get3A_100, %get3A_101] : memref<128x1xf32, #tpu.memory_space<vmem>>, vector<128x1xf32>
    %get3A_103 = arith.constant 0 : index
    %get3A_104 = arith.constant 0 : index
    %get3A_105 = vector.load %arg11[%get3A_103, %get3A_104] : memref<128x1xf32, #tpu.memory_space<vmem>>, vector<128x1xf32>
    %reduce_sum3A_106 = arith.constant dense<0.000000e+00> : vector<128xf32>
    %reduce_sum3A_107 = vector.multi_reduction <add>, %add3A_99, %reduce_sum3A_106 [1] : vector<128x2000xf32> to vector<128xf32>
    %broadcast_in_dim3A_108 = vector.shape_cast %reduce_sum3A_107 : vector<128xf32> to vector<128x1xf32>
    %div3A_109 = arith.constant 2.000000e+03 : f32
    %div3A_110 = vector.broadcast %div3A_109 : f32 to vector<128x1xf32>
    %div3A_111 = arith.divf %broadcast_in_dim3A_108, %div3A_110 : vector<128x1xf32>
    %sub3A_112 = vector.broadcast %div3A_111 : vector<128x1xf32> to vector<128x2000xf32>
    %sub3A_113 = arith.subf %add3A_99, %sub3A_112 : vector<128x2000xf32>
    %integer_pow3A_114 = arith.mulf %sub3A_113, %sub3A_113 : vector<128x2000xf32>
    %reduce_sum3A_115 = arith.constant dense<0.000000e+00> : vector<128xf32>
    %reduce_sum3A_116 = vector.multi_reduction <add>, %integer_pow3A_114, %reduce_sum3A_115 [1] : vector<128x2000xf32> to vector<128xf32>
    %broadcast_in_dim3A_117 = vector.shape_cast %reduce_sum3A_116 : vector<128xf32> to vector<128x1xf32>
    %div3A_118 = arith.constant 2.000000e+03 : f32
    %div3A_119 = vector.broadcast %div3A_118 : f32 to vector<128x1xf32>
    %div3A_120 = arith.divf %broadcast_in_dim3A_117, %div3A_119 : vector<128x1xf32>
    %sub3A_121 = vector.broadcast %div3A_111 : vector<128x1xf32> to vector<128x2000xf32>
    %sub3A_122 = arith.subf %add3A_99, %sub3A_121 : vector<128x2000xf32>
    %add3A_123 = arith.constant 9.99999974E-6 : f32
    %add3A_124 = vector.broadcast %add3A_123 : f32 to vector<128x1xf32>
    %add3A_125 = arith.addf %div3A_120, %add3A_124 : vector<128x1xf32>
    %rsqrt3A_126 = math.rsqrt %add3A_125 : vector<128x1xf32>
    %mul3A_127 = vector.broadcast %rsqrt3A_126 : vector<128x1xf32> to vector<128x2000xf32>
    %mul3A_128 = arith.mulf %sub3A_122, %mul3A_127 : vector<128x2000xf32>
    %mul3A_129 = vector.broadcast %get3A_102 : vector<128x1xf32> to vector<128x2000xf32>
    %mul3A_130 = arith.mulf %mul3A_128, %mul3A_129 : vector<128x2000xf32>
    %add3A_131 = vector.broadcast %get3A_105 : vector<128x1xf32> to vector<128x2000xf32>
    %add3A_132 = arith.addf %mul3A_130, %add3A_131 : vector<128x2000xf32>
    %iota3A = tpu.iota {dimensions = array<i32: 0>} : vector<500x2000xi32>
    %get3A_133 = arith.constant 0 : index
    %get3A_134 = arith.constant 0 : index
    %get3A_135 = vector.load %arg25[%get3A_133, %get3A_134] : memref<1x2000xi32, #tpu.memory_space<vmem>>, vector<1x2000xi32>
    %broadcast_in_dim3A_136 = vector.shape_cast %get3A_135 : vector<1x2000xi32> to vector<1x2000xi32>
    %broadcast_in_dim3A_137 = vector.broadcast %broadcast_in_dim3A_136 : vector<1x2000xi32> to vector<500x2000xi32>
    %eq3A = arith.cmpi eq, %iota3A, %broadcast_in_dim3A_137 : vector<500x2000xi32>
    %convert_element_type3A = arith.extui %eq3A : vector<500x2000xi1> to vector<500x2000xi32>
    %convert_element_type3A_138 = arith.sitofp %convert_element_type3A : vector<500x2000xi32> to vector<500x2000xf32>
    %dot_general3A_139 = arith.constant dense<0.000000e+00> : vector<128x500xf32>
    %dot_general3A_140 = tpu.matmul %add3A_132, %convert_element_type3A_138, %dot_general3A_139 {dimension_numbers = #tpu.dot_dimension_numbers<[1], [1], [0], [0], [0, 0, 1, 0], [], []>, transpose_lhs_hint = false} : vector<128x2000xf32>, vector<500x2000xf32>, vector<128x500xf32> -> vector<128x500xf32>
    %max3A_141 = arith.constant 0.000000e+00 : f32
    %max3A_142 = vector.broadcast %max3A_141 : f32 to vector<128x500xf32>
    %max3A_143 = arith.maximumf %dot_general3A_140, %max3A_142 : vector<128x500xf32>
    %get3A_144 = arith.constant 0 : index
    %get3A_145 = arith.constant 0 : index
    %get3A_146 = vector.load %arg12[%get3A_144, %get3A_145] : memref<128x1xf32, #tpu.memory_space<vmem>>, vector<128x1xf32>
    %get3A_147 = arith.constant 0 : index
    %get3A_148 = arith.constant 0 : index
    %get3A_149 = vector.load %arg13[%get3A_147, %get3A_148] : memref<128x1xf32, #tpu.memory_space<vmem>>, vector<128x1xf32>
    %reduce_sum3A_150 = arith.constant dense<0.000000e+00> : vector<128xf32>
    %reduce_sum3A_151 = vector.multi_reduction <add>, %max3A_143, %reduce_sum3A_150 [1] : vector<128x500xf32> to vector<128xf32>
    %broadcast_in_dim3A_152 = vector.shape_cast %reduce_sum3A_151 : vector<128xf32> to vector<128x1xf32>
    %div3A_153 = arith.constant 5.000000e+02 : f32
    %div3A_154 = vector.broadcast %div3A_153 : f32 to vector<128x1xf32>
    %div3A_155 = arith.divf %broadcast_in_dim3A_152, %div3A_154 : vector<128x1xf32>
    %sub3A_156 = vector.broadcast %div3A_155 : vector<128x1xf32> to vector<128x500xf32>
    %sub3A_157 = arith.subf %max3A_143, %sub3A_156 : vector<128x500xf32>
    %integer_pow3A_158 = arith.mulf %sub3A_157, %sub3A_157 : vector<128x500xf32>
    %reduce_sum3A_159 = arith.constant dense<0.000000e+00> : vector<128xf32>
    %reduce_sum3A_160 = vector.multi_reduction <add>, %integer_pow3A_158, %reduce_sum3A_159 [1] : vector<128x500xf32> to vector<128xf32>
    %broadcast_in_dim3A_161 = vector.shape_cast %reduce_sum3A_160 : vector<128xf32> to vector<128x1xf32>
    %div3A_162 = arith.constant 5.000000e+02 : f32
    %div3A_163 = vector.broadcast %div3A_162 : f32 to vector<128x1xf32>
    %div3A_164 = arith.divf %broadcast_in_dim3A_161, %div3A_163 : vector<128x1xf32>
    %sub3A_165 = vector.broadcast %div3A_155 : vector<128x1xf32> to vector<128x500xf32>
    %sub3A_166 = arith.subf %max3A_143, %sub3A_165 : vector<128x500xf32>
    %add3A_167 = arith.constant 9.99999974E-6 : f32
    %add3A_168 = vector.broadcast %add3A_167 : f32 to vector<128x1xf32>
    %add3A_169 = arith.addf %div3A_164, %add3A_168 : vector<128x1xf32>
    %rsqrt3A_170 = math.rsqrt %add3A_169 : vector<128x1xf32>
    %mul3A_171 = vector.broadcast %rsqrt3A_170 : vector<128x1xf32> to vector<128x500xf32>
    %mul3A_172 = arith.mulf %sub3A_166, %mul3A_171 : vector<128x500xf32>
    %mul3A_173 = vector.broadcast %get3A_146 : vector<128x1xf32> to vector<128x500xf32>
    %mul3A_174 = arith.mulf %mul3A_172, %mul3A_173 : vector<128x500xf32>
    %add3A_175 = vector.broadcast %get3A_149 : vector<128x1xf32> to vector<128x500xf32>
    %add3A_176 = arith.addf %mul3A_174, %add3A_175 : vector<128x500xf32>
    %get3A_177 = arith.constant 0 : index
    %get3A_178 = arith.constant 0 : index
    %get3A_179 = vector.load %arg16[%get3A_177, %get3A_178] : memref<128x128xf32, #tpu.memory_space<vmem>>, vector<128x128xf32>
    %dot_general3A_180 = arith.constant dense<0.000000e+00> : vector<128x2000xf32>
    %dot_general3A_181 = tpu.matmul %get3A_179, %add3A_132, %dot_general3A_180 {dimension_numbers = #tpu.dot_dimension_numbers<[0], [0], [1], [1], [0, 1, 1, 1], [], []>, transpose_lhs_hint = false} : vector<128x128xf32>, vector<128x2000xf32>, vector<128x2000xf32> -> vector<128x2000xf32>
    %get3A_182 = arith.constant 0 : index
    %get3A_183 = arith.constant 0 : index
    %get3A_184 = vector.load %arg18[%get3A_182, %get3A_183] : memref<128x1xf32, #tpu.memory_space<vmem>>, vector<128x1xf32>
    %mul3A_185 = vector.broadcast %get3A_184 : vector<128x1xf32> to vector<128x2000xf32>
    %mul3A_186 = arith.mulf %dot_general3A_181, %mul3A_185 : vector<128x2000xf32>
    %reduce_sum3A_187 = arith.constant dense<0.000000e+00> : vector<2000xf32>
    %reduce_sum3A_188 = vector.multi_reduction <add>, %mul3A_186, %reduce_sum3A_187 [0] : vector<128x2000xf32> to vector<2000xf32>
    %broadcast_in_dim3A_189 = vector.shape_cast %reduce_sum3A_188 : vector<2000xf32> to vector<1x2000xf32>
    %get3A_190 = arith.constant 0 : index
    %get3A_191 = arith.constant 0 : index
    %get3A_192 = vector.load %arg17[%get3A_190, %get3A_191] : memref<128x128xf32, #tpu.memory_space<vmem>>, vector<128x128xf32>
    %dot_general3A_193 = arith.constant dense<0.000000e+00> : vector<128x500xf32>
    %dot_general3A_194 = tpu.matmul %get3A_192, %add3A_176, %dot_general3A_193 {dimension_numbers = #tpu.dot_dimension_numbers<[0], [0], [1], [1], [0, 1, 1, 1], [], []>, transpose_lhs_hint = false} : vector<128x128xf32>, vector<128x500xf32>, vector<128x500xf32> -> vector<128x500xf32>
    %get3A_195 = arith.constant 0 : index
    %get3A_196 = arith.constant 0 : index
    %get3A_197 = vector.load %arg19[%get3A_195, %get3A_196] : memref<128x1xf32, #tpu.memory_space<vmem>>, vector<128x1xf32>
    %mul3A_198 = vector.broadcast %get3A_197 : vector<128x1xf32> to vector<128x500xf32>
    %mul3A_199 = arith.mulf %dot_general3A_194, %mul3A_198 : vector<128x500xf32>
    %reduce_sum3A_200 = arith.constant dense<0.000000e+00> : vector<500xf32>
    %reduce_sum3A_201 = vector.multi_reduction <add>, %mul3A_199, %reduce_sum3A_200 [0] : vector<128x500xf32> to vector<500xf32>
    %broadcast_in_dim3A_202 = vector.shape_cast %reduce_sum3A_201 : vector<500xf32> to vector<1x500xf32>
    %dot_general3A_203 = arith.constant dense<0.000000e+00> : vector<1x2000xf32>
    %dot_general3A_204 = tpu.matmul %broadcast_in_dim3A_202, %convert_element_type3A_138, %dot_general3A_203 {dimension_numbers = #tpu.dot_dimension_numbers<[1], [0], [0], [1], [0, 0, 1, 1], [], []>, transpose_lhs_hint = false} : vector<1x500xf32>, vector<500x2000xf32>, vector<1x2000xf32> -> vector<1x2000xf32>
    %add3A_205 = arith.addf %broadcast_in_dim3A_189, %dot_general3A_204 : vector<1x2000xf32>
    %gt3A_206 = arith.constant 0.000000e+00 : f32
    %gt3A_207 = vector.broadcast %gt3A_206 : f32 to vector<1x2000xf32>
    %gt3A_208 = arith.cmpf ogt, %add3A_205, %gt3A_207 : vector<1x2000xf32>
    %mul3A_209 = arith.constant 0.00999999977 : f32
    %mul3A_210 = vector.broadcast %mul3A_209 : f32 to vector<1x2000xf32>
    %mul3A_211 = arith.mulf %mul3A_210, %add3A_205 : vector<1x2000xf32>
    %select_n3A_212 = arith.select %gt3A_208, %add3A_205, %mul3A_211 : vector<1x2000xi1>, vector<1x2000xf32>
    %exp3A_213 = math.exp %select_n3A_212 : vector<1x2000xf32>
    %dot_general3A_214 = arith.constant dense<0.000000e+00> : vector<1x500xf32>
    %dot_general3A_215 = tpu.matmul %exp3A_213, %convert_element_type3A_138, %dot_general3A_214 {dimension_numbers = #tpu.dot_dimension_numbers<[1], [1], [0], [0], [0, 0, 1, 0], [], []>, transpose_lhs_hint = false} : vector<1x2000xf32>, vector<500x2000xf32>, vector<1x500xf32> -> vector<1x500xf32>
    %mul3A_216 = vector.broadcast %exp3A_213 : vector<1x2000xf32> to vector<128x2000xf32>
    %mul3A_217 = arith.mulf %dot_general3A_181, %mul3A_216 : vector<128x2000xf32>
    %dot_general3A_218 = arith.constant dense<0.000000e+00> : vector<128x500xf32>
    %dot_general3A_219 = tpu.matmul %mul3A_217, %convert_element_type3A_138, %dot_general3A_218 {dimension_numbers = #tpu.dot_dimension_numbers<[1], [1], [0], [0], [0, 0, 1, 0], [], []>, transpose_lhs_hint = false} : vector<128x2000xf32>, vector<500x2000xf32>, vector<128x500xf32> -> vector<128x500xf32>
    %add3A_220 = arith.constant 1.000000e-16 : f32
    %add3A_221 = vector.broadcast %add3A_220 : f32 to vector<1x500xf32>
    %add3A_222 = arith.addf %dot_general3A_215, %add3A_221 : vector<1x500xf32>
    %div3A_223 = vector.broadcast %add3A_222 : vector<1x500xf32> to vector<128x500xf32>
    %div3A_224 = arith.divf %dot_general3A_219, %div3A_223 : vector<128x500xf32>
    %get3A_225 = arith.constant 0 : index
    %get3A_226 = arith.constant 0 : index
    %get3A_227 = vector.load %arg20[%get3A_225, %get3A_226] : memref<128x1xf32, #tpu.memory_space<vmem>>, vector<128x1xf32>
    %add3A_228 = vector.broadcast %get3A_227 : vector<128x1xf32> to vector<128x500xf32>
    %add3A_229 = arith.addf %div3A_224, %add3A_228 : vector<128x500xf32>
    %gt3A_230 = arith.constant 0.000000e+00 : f32
    %gt3A_231 = vector.broadcast %gt3A_230 : f32 to vector<128x500xf32>
    %gt3A_232 = arith.cmpf ogt, %add3A_229, %gt3A_231 : vector<128x500xf32>
    %gt3A_233 = arith.constant 0.000000e+00 : f32
    %gt3A_234 = vector.broadcast %gt3A_233 : f32 to vector<128x500xf32>
    %gt3A_235 = arith.cmpf ogt, %add3A_229, %gt3A_234 : vector<128x500xf32>
    %jit3A_236 = arith.constant 0.000000e+00 : f32
    %broadcast_in_dim3A_237 = vector.broadcast %jit3A_236 : f32 to vector<128x500xf32>
    %select_n3A_238 = arith.select %gt3A_235, %broadcast_in_dim3A_237, %add3A_229 : vector<128x500xi1>, vector<128x500xf32>
    %exp3A_239 = math.exp %select_n3A_238 : vector<128x500xf32>
    %sub3A_240 = arith.constant 1.000000e+00 : f32
    %sub3A_241 = vector.broadcast %sub3A_240 : f32 to vector<128x500xf32>
    %sub3A_242 = arith.subf %exp3A_239, %sub3A_241 : vector<128x500xf32>
    %select_n3A_243 = arith.select %gt3A_232, %add3A_229, %sub3A_242 : vector<128x500xi1>, vector<128x500xf32>
    %get3A_244 = arith.constant 0 : index
    %get3A_245 = arith.constant 0 : index
    %get3A_246 = vector.load %arg21[%get3A_244, %get3A_245] : memref<128x384xf32, #tpu.memory_space<vmem>>, vector<128x384xf32>
    %get3A_247 = arith.constant 0 : index
    %get3A_248 = arith.constant 0 : index
    %get3A_249 = vector.load %arg22[%get3A_247, %get3A_248] : memref<128x384xf32, #tpu.memory_space<vmem>>, vector<128x384xf32>
    %get3A_250 = arith.constant 0 : index
    %get3A_251 = arith.constant 0 : index
    %get3A_252 = vector.load %arg23[%get3A_250, %get3A_251] : memref<384x1xf32, #tpu.memory_space<vmem>>, vector<384x1xf32>
    %get3A_253 = arith.constant 0 : index
    %get3A_254 = arith.constant 0 : index
    %get3A_255 = vector.load %arg24[%get3A_253, %get3A_254] : memref<384x1xf32, #tpu.memory_space<vmem>>, vector<384x1xf32>
    %dot_general3A_256 = arith.constant dense<0.000000e+00> : vector<384x500xf32>
    %dot_general3A_257 = tpu.matmul %get3A_246, %select_n3A_243, %dot_general3A_256 {dimension_numbers = #tpu.dot_dimension_numbers<[0], [0], [1], [1], [0, 1, 1, 1], [], []>, transpose_lhs_hint = false} : vector<128x384xf32>, vector<128x500xf32>, vector<384x500xf32> -> vector<384x500xf32>
    %add3A_258 = vector.broadcast %get3A_252 : vector<384x1xf32> to vector<384x500xf32>
    %add3A_259 = arith.addf %dot_general3A_257, %add3A_258 : vector<384x500xf32>
    %dot_general3A_260 = arith.constant dense<0.000000e+00> : vector<384x500xf32>
    %dot_general3A_261 = tpu.matmul %get3A_249, %add3A_176, %dot_general3A_260 {dimension_numbers = #tpu.dot_dimension_numbers<[0], [0], [1], [1], [0, 1, 1, 1], [], []>, transpose_lhs_hint = false} : vector<128x384xf32>, vector<128x500xf32>, vector<384x500xf32> -> vector<384x500xf32>
    %add3A_262 = vector.broadcast %get3A_255 : vector<384x1xf32> to vector<384x500xf32>
    %add3A_263 = arith.addf %dot_general3A_261, %add3A_262 : vector<384x500xf32>
    %slice3A_264 = vector.extract_strided_slice %add3A_259 {offsets = [0, 0], sizes = [128, 500], strides = [1, 1]} : vector<384x500xf32> to vector<128x500xf32>
    %slice3A_265 = vector.extract_strided_slice %add3A_263 {offsets = [0, 0], sizes = [128, 500], strides = [1, 1]} : vector<384x500xf32> to vector<128x500xf32>
    %add3A_266 = arith.addf %slice3A_264, %slice3A_265 : vector<128x500xf32>
    %logistic3A_267 = arith.negf %add3A_266 : vector<128x500xf32>
    %logistic3A_268 = math.exp %logistic3A_267 : vector<128x500xf32>
    %logistic3A_269 = arith.constant 1.000000e+00 : f32
    %logistic3A_270 = vector.broadcast %logistic3A_269 : f32 to vector<128x500xf32>
    %logistic3A_271 = arith.addf %logistic3A_270, %logistic3A_268 : vector<128x500xf32>
    %logistic3A_272 = arith.divf %logistic3A_270, %logistic3A_271 : vector<128x500xf32>
    %slice3A_273 = vector.extract_strided_slice %add3A_259 {offsets = [128, 0], sizes = [128, 500], strides = [1, 1]} : vector<384x500xf32> to vector<128x500xf32>
    %slice3A_274 = vector.extract_strided_slice %add3A_263 {offsets = [128, 0], sizes = [128, 500], strides = [1, 1]} : vector<384x500xf32> to vector<128x500xf32>
    %add3A_275 = arith.addf %slice3A_273, %slice3A_274 : vector<128x500xf32>
    %logistic3A_276 = arith.negf %add3A_275 : vector<128x500xf32>
    %logistic3A_277 = math.exp %logistic3A_276 : vector<128x500xf32>
    %logistic3A_278 = arith.constant 1.000000e+00 : f32
    %logistic3A_279 = vector.broadcast %logistic3A_278 : f32 to vector<128x500xf32>
    %logistic3A_280 = arith.addf %logistic3A_279, %logistic3A_277 : vector<128x500xf32>
    %logistic3A_281 = arith.divf %logistic3A_279, %logistic3A_280 : vector<128x500xf32>
    %slice3A_282 = vector.extract_strided_slice %add3A_259 {offsets = [256, 0], sizes = [128, 500], strides = [1, 1]} : vector<384x500xf32> to vector<128x500xf32>
    %slice3A_283 = vector.extract_strided_slice %add3A_263 {offsets = [256, 0], sizes = [128, 500], strides = [1, 1]} : vector<384x500xf32> to vector<128x500xf32>
    %mul3A_284 = arith.mulf %logistic3A_272, %slice3A_283 : vector<128x500xf32>
    %add3A_285 = arith.addf %slice3A_282, %mul3A_284 : vector<128x500xf32>
    %tanh3A_286 = math.tanh %add3A_285 : vector<128x500xf32>
    %sub3A_287 = arith.constant 1.000000e+00 : f32
    %sub3A_288 = vector.broadcast %sub3A_287 : f32 to vector<128x500xf32>
    %sub3A_289 = arith.subf %sub3A_288, %logistic3A_281 : vector<128x500xf32>
    %mul3A_290 = arith.mulf %sub3A_289, %tanh3A_286 : vector<128x500xf32>
    %mul3A_291 = arith.mulf %logistic3A_281, %add3A_176 : vector<128x500xf32>
    %add3A_292 = arith.addf %mul3A_290, %mul3A_291 : vector<128x500xf32>
    %max3A_293 = arith.constant 0.000000e+00 : f32
    %max3A_294 = vector.broadcast %max3A_293 : f32 to vector<128x500xf32>
    %max3A_295 = arith.maximumf %add3A_292, %max3A_294 : vector<128x500xf32>
    %get3A_296 = arith.constant 0 : index
    %get3A_297 = arith.constant 0 : index
    %get3A_298 = vector.load %arg14[%get3A_296, %get3A_297] : memref<128x1xf32, #tpu.memory_space<vmem>>, vector<128x1xf32>
    %get3A_299 = arith.constant 0 : index
    %get3A_300 = arith.constant 0 : index
    %get3A_301 = vector.load %arg15[%get3A_299, %get3A_300] : memref<128x1xf32, #tpu.memory_space<vmem>>, vector<128x1xf32>
    %reduce_sum3A_302 = arith.constant dense<0.000000e+00> : vector<128xf32>
    %reduce_sum3A_303 = vector.multi_reduction <add>, %max3A_295, %reduce_sum3A_302 [1] : vector<128x500xf32> to vector<128xf32>
    %broadcast_in_dim3A_304 = vector.shape_cast %reduce_sum3A_303 : vector<128xf32> to vector<128x1xf32>
    %div3A_305 = arith.constant 5.000000e+02 : f32
    %div3A_306 = vector.broadcast %div3A_305 : f32 to vector<128x1xf32>
    %div3A_307 = arith.divf %broadcast_in_dim3A_304, %div3A_306 : vector<128x1xf32>
    %sub3A_308 = vector.broadcast %div3A_307 : vector<128x1xf32> to vector<128x500xf32>
    %sub3A_309 = arith.subf %max3A_295, %sub3A_308 : vector<128x500xf32>
    %integer_pow3A_310 = arith.mulf %sub3A_309, %sub3A_309 : vector<128x500xf32>
    %reduce_sum3A_311 = arith.constant dense<0.000000e+00> : vector<128xf32>
    %reduce_sum3A_312 = vector.multi_reduction <add>, %integer_pow3A_310, %reduce_sum3A_311 [1] : vector<128x500xf32> to vector<128xf32>
    %broadcast_in_dim3A_313 = vector.shape_cast %reduce_sum3A_312 : vector<128xf32> to vector<128x1xf32>
    %div3A_314 = arith.constant 5.000000e+02 : f32
    %div3A_315 = vector.broadcast %div3A_314 : f32 to vector<128x1xf32>
    %div3A_316 = arith.divf %broadcast_in_dim3A_313, %div3A_315 : vector<128x1xf32>
    %sub3A_317 = vector.broadcast %div3A_307 : vector<128x1xf32> to vector<128x500xf32>
    %sub3A_318 = arith.subf %max3A_295, %sub3A_317 : vector<128x500xf32>
    %add3A_319 = arith.constant 9.99999974E-6 : f32
    %add3A_320 = vector.broadcast %add3A_319 : f32 to vector<128x1xf32>
    %add3A_321 = arith.addf %div3A_316, %add3A_320 : vector<128x1xf32>
    %rsqrt3A_322 = math.rsqrt %add3A_321 : vector<128x1xf32>
    %mul3A_323 = vector.broadcast %rsqrt3A_322 : vector<128x1xf32> to vector<128x500xf32>
    %mul3A_324 = arith.mulf %sub3A_318, %mul3A_323 : vector<128x500xf32>
    %mul3A_325 = vector.broadcast %get3A_298 : vector<128x1xf32> to vector<128x500xf32>
    %mul3A_326 = arith.mulf %mul3A_324, %mul3A_325 : vector<128x500xf32>
    %add3A_327 = vector.broadcast %get3A_301 : vector<128x1xf32> to vector<128x500xf32>
    %add3A_328 = arith.addf %mul3A_326, %add3A_327 : vector<128x500xf32>
    %get3A_329 = arith.constant 0 : index
    %get3A_330 = arith.constant 0 : index
    %get3A_331 = vector.load %arg26[%get3A_329, %get3A_330] : memref<128x64xf32, #tpu.memory_space<vmem>>, vector<128x64xf32>
    %dot_general3A_332 = arith.constant dense<0.000000e+00> : vector<64x500xf32>
    %dot_general3A_333 = tpu.matmul %get3A_331, %add3A_328, %dot_general3A_332 {dimension_numbers = #tpu.dot_dimension_numbers<[0], [0], [1], [1], [0, 1, 1, 1], [], []>, transpose_lhs_hint = false} : vector<128x64xf32>, vector<128x500xf32>, vector<64x500xf32> -> vector<64x500xf32>
    %get3A_334 = arith.constant 0 : index
    %get3A_335 = arith.constant 0 : index
    %get3A_336 = vector.load %arg27[%get3A_334, %get3A_335] : memref<64x1xf32, #tpu.memory_space<vmem>>, vector<64x1xf32>
    %add3A_337 = vector.broadcast %get3A_336 : vector<64x1xf32> to vector<64x500xf32>
    %add3A_338 = arith.addf %dot_general3A_333, %add3A_337 : vector<64x500xf32>
    %max3A_339 = arith.constant 0.000000e+00 : f32
    %max3A_340 = vector.broadcast %max3A_339 : f32 to vector<64x500xf32>
    %max3A_341 = arith.maximumf %add3A_338, %max3A_340 : vector<64x500xf32>
    %get3A_342 = arith.constant 0 : index
    %get3A_343 = arith.constant 0 : index
    %get3A_344 = vector.load %arg28[%get3A_342, %get3A_343] : memref<64x1xf32, #tpu.memory_space<vmem>>, vector<64x1xf32>
    %dot_general3A_345 = arith.constant dense<0.000000e+00> : vector<1x500xf32>
    %dot_general3A_346 = tpu.matmul %get3A_344, %max3A_341, %dot_general3A_345 {dimension_numbers = #tpu.dot_dimension_numbers<[0], [0], [1], [1], [0, 1, 1, 1], [], []>, transpose_lhs_hint = false} : vector<64x1xf32>, vector<64x500xf32>, vector<1x500xf32> -> vector<1x500xf32>
    %get3A_347 = arith.constant 0 : index
    %get3A_348 = arith.constant 0 : index
    %get3A_349 = vector.load %arg29[%get3A_347, %get3A_348] : memref<1x1xf32, #tpu.memory_space<vmem>>, vector<1x1xf32>
    %add3A_350 = vector.broadcast %get3A_349 : vector<1x1xf32> to vector<1x500xf32>
    %add3A_351 = arith.addf %dot_general3A_346, %add3A_350 : vector<1x500xf32>
    %swap3A = arith.constant 0 : index
    %swap3A_352 = arith.constant 0 : index
    %swap3A_353 = vector.load %arg30[%swap3A, %swap3A_352] : memref<1x500xf32, #tpu.memory_space<vmem>>, vector<1x500xf32>
    tpu.vector_store %arg30[%swap3A, %swap3A_352], %add3A_351 {strides = array<i32>} : memref<1x500xf32, #tpu.memory_space<vmem>>, vector<1x500xf32>,
    return
  }
}

</mosaic_0001>

<sc_bundles>
// kernel: kernel.10.cloned.1.call-start
scs
__scs_entry_jumppad:
0x0: {  	(pc) =	sbr.rel $0x88, $3  }
0x1: {  	(tag) =	ssettag $0x0;
	lr =	simm.s32 $0x1  }
0x2: {  	[smem:$0x3F72] =	sst lr;
	_ =	strace $0xD0000000  }
0x3: {  	_ = 	snop  }
0x4: {  	_ = 	snop  }
0x5: {  	_ = 	snop  }
0x6: {  	_ = 	snop  }
0x7: {  	_ = 	snop  }
__scs_overlays_trampoline_lowered:
0x8: {  	[smem:$0x3F81] =	sst s0  }
0x9: {  	[smem:$0x3F82] =	sst s1  }
0xa: {  	[smem:$0x3F83] =	sst s2  }
0xb: {  	[smem:$0x3F84] =	sst s3  }
0xc: {  	[smem:$0x3F85] =	sst s4  }
0xd: {  	[smem:$0x3F86] =	sst s5  }
0xe: {  	[smem:$0x3F87] =	sst s6  }
0xf: {  	[smem:$0x3F88] =	sst s7  }
0x10: {  	[smem:$0x3F89] =	sst s8  }
0x11: {  	[smem:$0x3F8A] =	sst s9;
	s0 =	simm.s32 @!p0 $0x0  }
0x12: {  	s1 =	sld [smem:$0x3F70];
	s0 =	simm.s32 @p0 $0x1  }
0x13: {  	[smem:$0x3F8B] =	sst s0;
	s0 =	simm.s32 @!p1 $0x0  }
0x14: {  	s2 =	sld [smem:$0x3F6F];
	s0 =	simm.s32 @p1 $0x1  }
0x15: {  	[smem:$0x3F8C] =	sst s0;
	s0 =	simm.s32 @!p2 $0x0  }
0x16: {  	s3 =	sld [smem:$0x3FDB];
	s0 =	simm.s32 @p2 $0x1  }
0x17: {  	s4 =	simm.s32 $0x1BF5;
	[smem:$0x3F8E] =	sst s0  }
0x18: {  	s0 =	sld [smem:$0x3F71];
	_ =	swait.ge [sflag:s4], $0x0  }
0x19: {  	s7 =	sld [smem:$0x3F72]  }
0x1a: {  	s8 =	sadd.s32 $0xFFFFE003, lr  }
0x1b: {  	s9 =	sadd.s32 $0xFFFFFEF7, lr;
	s5 =	simm.s32 $0xFFFFFFFF;
	p2 =	slt.u32 s8, $0xFFFFF086  }
0x1c: {  	p1 =	slt.u32 s9, $0xF7A;
	s5 =	simm.s32 @!p2 $0x0  }
0x1d: {  	s5 =	simm.s32 @p1 $0x1;
	p0 =	seq.s32 s7, s2  }
0x1e: {  	s7 =	smul.u32 @!p0 $0xF7A, s2;
	p2 =	seq.s32 @!p0 s5, $0x0  }
0x1f: {  	s9 =	smul.u32 $0xF7A, s1;
	s8 =	simm.s32 @!p0 $0x1BF5;
	p2 =	por !p2, p0  }
0x20: {  	[sflag:s8] =	ssyncset.s32 @!p0 $0xFFFFF086;
	s6 =	sadd.s32 @!p0 s3, s7;
	s7 =	simm.s32 @!p0 $0x108  }
0x21: {  	s3 =	sadd.s32 s3, s9;
	s6 =	sadd.s32 @!p0 $0x88, s6;
	s7 =	simm.s32 @p2 $0x1082  }
0x22: {  	[simem:s7], [sflag:s8] =	dma.local @!p0 [hbm:s6], $0xF7A  }
0x23: {  	s9 =	sor.u32 $0xD0000000, s2;
	s6 =	simm.s32 $0x108;
	_ =	swait.ge @!p0 [sflag:s8], $0x0  }
0x24: {  	s3 =	sadd.s32 $0x88, s3;
	s6 =	simm.s32 @!p1 $0x1082;
	[sflag:s4] =	ssyncset.s32 $0xFFFFF086  }
0x25: {  	[simem:s6], [sflag:s4] =	dma.local [hbm:s3], $0xF7A  }
0x26: {  	[smem:$0x3F72] =	sst s1;
	(tag) =	ssettag s2;
	_ =	strace s9  }
0x27: {  	s1 =	sld [smem:$0x3F82]  }
0x28: {  	s2 =	sld [smem:$0x3F83]  }
0x29: {  	s4 =	sld [smem:$0x3F85]  }
0x2a: {  	p0 =	seq.s32 s5, $0x0;
	s5 =	sld [smem:$0x3F86]  }
0x2b: {  	s6 =	sld [smem:$0x3F87]  }
0x2c: {  	s7 =	sld [smem:$0x3F88]  }
0x2d: {  	s3 =	simm.s32 $0x108;
	s8 =	sld [smem:$0x3F89]  }
0x2e: {  	s3 =	simm.s32 @!p0 $0x1082;
	s9 =	sld [smem:$0x3F8A]  }
0x2f: {  	lr =	sadd.s32 s0, s3;
	s0 =	sld [smem:$0x3F81]  }
0x30: {  	s3 =	sld [smem:$0x3F84]  }
0x31: {  	[smem:$0x3F8D] =	sst s10  }
0x32: {  	s10 =	sld [smem:$0x3F8B];
	_ =	sdelay $0x3  }
0x33: {  	p0 =	seq.s32 s10, $0x1;
	s10 =	sld [smem:$0x3F8D];
	_ =	sdelay $0x3  }
0x34: {  	[smem:$0x3F8D] =	sst s10  }
0x35: {  	s10 =	sld [smem:$0x3F8C];
	_ =	sdelay $0x3  }
0x36: {  	p1 =	seq.s32 s10, $0x1;
	s10 =	sld [smem:$0x3F8D];
	_ =	sdelay $0x3  }
0x37: {  	[smem:$0x3F8D] =	sst s10  }
0x38: {  	s10 =	sld [smem:$0x3F8E]  }
0x39: {  	_ = 	snop;
	(pc) =	sbr.ind lr, $3  }
0x3a: {  	_ = 	snop  }
0x3b: {  	_ = 	snop  }
0x3c: {  	p2 =	seq.s32 s10, $0x1;
	s10 =	sld [smem:$0x3F8D]  }
0x3d: {  	_ =	shalt  }
0x3e: {  	_ =	shalt  }
0x3f: {  	_ =	shalt  }
0x40: {  	_ =	shalt  }
0x41: {  	_ =	shalt  }
0x42: {  	_ =	shalt  }
0x43: {  	_ =	shalt  }
0x44: {  	_ =	shalt  }
0x45: {  	_ =	shalt  }
0x46: {  	_ =	shalt  }
0x47: {  	_ =	shalt  }
0x48: {  	_ =	shalt  }
0x49: {  	_ =	shalt  }
0x4a: {  	_ =	shalt  }
0x4b: {  	_ =	shalt  }
0x4c: {  	_ =	shalt  }
0x4d: {  	_ =	shalt  }
0x4e: {  	_ =	shalt  }
0x4f: {  	_ =	shalt  }
0x50: {  	_ =	shalt  }
0x51: {  	_ =	shalt  }
0x52: {  	_ =	shalt  }
0x53: {  	_ =	shalt  }
0x54: {  	_ =	shalt  }
0x55: {  	_ =	shalt  }
0x56: {  	_ =	shalt  }
0x57: {  	_ =	shalt  }
0x58: {  	_ =	shalt  }
0x59: {  	_ =	shalt  }
0x5a: {  	_ =	shalt  }
0x5b: {  	_ =	shalt  }
0x5c: {  	_ =	shalt  }
0x5d: {  	_ =	shalt  }
0x5e: {  	_ =	shalt  }
0x5f: {  	_ =	shalt  }
0x60: {  	_ =	shalt  }
0x61: {  	_ =	shalt  }
0x62: {  	_ =	shalt  }
0x63: {  	_ =	shalt  }
0x64: {  	_ =	shalt  }
0x65: {  	_ =	shalt  }
0x66: {  	_ =	shalt  }
0x67: {  	_ =	shalt  }
0x68: {  	_ =	shalt  }
0x69: {  	_ =	shalt  }
0x6a: {  	_ =	shalt  }
0x6b: {  	_ =	shalt  }
0x6c: {  	_ =	shalt  }
0x6d: {  	_ =	shalt  }
0x6e: {  	_ =	shalt  }
0x6f: {  	_ =	shalt  }
0x70: {  	_ =	shalt  }
0x71: {  	_ =	shalt  }
0x72: {  	_ =	shalt  }
0x73: {  	_ =	shalt  }
0x74: {  	_ =	shalt  }
0x75: {  	_ =	shalt  }
0x76: {  	_ =	shalt  }
0x77: {  	_ =	shalt  }
0x78: {  	_ =	shalt  }
0x79: {  	_ =	shalt  }
0x7a: {  	_ =	shalt  }
0x7b: {  	_ =	shalt  }
0x7c: {  	_ =	shalt  }
0x7d: {  	_ =	shalt  }
0x7e: {  	_ =	shalt  }
0x7f: {  	_ =	shalt  }
0x80: {  	_ =	shalt  }
0x81: {  	_ =	shalt  }
0x82: {  	_ =	shalt  }
0x83: {  	_ =	shalt  }
0x84: {  	_ =	shalt  }
0x85: {  	_ =	shalt  }
0x86: {  	_ =	shalt  }
0x87: {  	_ =	shalt  }
.Lfunc_end0:
.L_simem_size_0:
called_computation_lowered:
.L_overlay_start_0:
0x88: {  	s2 =	sld [smem:$0x3FD9]  }
0x89: {  	s3 =	sld [smem:$0x3FFE];
	_ =	sdelay $0x1  }
0x8a: {  	s1 =	srdreg.scid  }
0x8b: {  	s0 =	sand.u32 $0x1, s1  }
0x8c: {  	s17 =	sshll.u32 s0, $0xA;
	s2 =	sadd.s32 s3, s2  }
0x8d: {  	s2 =	sadd.s32 s2, s17  }
0x8e: {  	[smem:$0x3F99] =	sst s2  }
0x8f: {  	_ = 	snop  }
0x90: {  	s2 =	sld [smem:$0x3FC7];
	(tm) =	ssettm $0x1  }
0x91: {  	s18 =	sld [smem:$0x3FFB];
	_ =	sdelay $0x3  }
0x92: {  	_ =	strace s18  }
0x93: {  	s3 =	sld [smem:$0x3FFC];
	_ =	sdelay $0x3  }
0x94: {  	_ =	strace s3  }
0x95: {  	s3 =	sld [smem:$0x3FFD];
	_ =	sdelay $0x3  }
0x96: {  	_ =	strace s3  }
0x97: {  	_ =	strace $0x8FFFFFFF  }
0x98: {  	s19 =	sld [smem:$0x3FDB];
	_ =	sdelay $0x1  }
0x99: {  	s4 =	simm.s32 $_scs_section_size  }
0x9a: {  	s5 =	simm.s32 $_size__tile_overlayer_lowered;
	s6 =	simm.s32 $_tile_overlayer_lowered  }
0x9b: {  	s22 =	simm.s32 $0x1BFF;
	s21 =	sshll.u32 s6, $0x1;
	s3 =	sadd.s32 s4, s19  }
0x9c: {  	s7 =	simm.s32 $0x0;
	s20 =	sshll.u32 s5, $0x1;
	s5 =	sadd.s32 s21, s3  }
0x9d: {  	[timem:s7], [sflag:s22] =	dma.local [hbm:s5], s20  }
0x9e: {  	_ =	swait.ge [sflag:s22], s20  }
0x9f: {  	s4 =	ssub.s32 $0x0, s20;
	[sflag:s22] =	ssyncset.done $0x0  }
0xa0: {  	[sflag:s22] =	ssyncadd.s32 s4;
	_ =	sdelay $0x1  }
0xa1: {  	s23 =	simm.s32 $0x1B8B  }
0xa2: {  	_ =	swait.ge [sflag:s23], $0x1  }
0xa3: {  	[sflag:s23] =	ssyncset.done $0x0  }
0xa4: {  	s25 =	simm.s32 $0x1B8E;
	s24 =	sld [smem:$0x3FFE];
	[sflag:s23] =	ssyncadd.s32 $0xFFFFFFFF  }
0xa5: {  	s26 =	simm.s32 $execute0_lowered;
	[smem:$0x3FD2] =	sst s25  }
0xa6: {  	s5 =	sshll.u32 s26, $0x1;
	_ =	strace $0x80000046;
	[dreg:$0x1] =	wrdreg $0xFFFFFFFF  }
0xa7: {  	s28 =	simm.s32 $_size_execute0_lowered;
	s3 =	sadd.s32 s3, s5;
	[dreg:$0x0] =	wrdreg $0x0  }
0xa8: {  	s5 =	sshll.u32 s28, $0x1;
	[dreg:$0x2] =	wrdreg s3  }
0xa9: {  	[dreg:$0x3] =	wrdreg s5  }
0xaa: {  	[dreg:$0x4] =	wrdreg $0xC0  }
0xab: {  	_ =	task [dreg:s7], $0x5FFFF  }
0xac: {  	[dreg:$0x1] =	wrdreg $0xFFFFFFFF  }
0xad: {  	[dreg:$0x0] =	wrdreg $0x60  }
0xae: {  	[dreg:$0x2] =	wrdreg s24  }
0xaf: {  	[dreg:$0x3] =	wrdreg s2  }
0xb0: {  	[dreg:$0x4] =	wrdreg $0x9  }
0xb1: {  	_ =	task.clear_ibuf [dreg:s7], $0x5FFFF;
	_ =	strace $0x90000046  }
0xb2: {  	s29 =	simm.s32 $0x9;
	_ =	strace $0x80000048  }
0xb3: {  	_ =	swait.ge [sflag:s29], $0x1  }
0xb4: {  	[sflag:s29] =	ssyncadd.s32 $0xFFFFFFFF  }
0xb5: {  	_ =	strace $0x90000048  }
0xb6: {  	_ =	sfence  }
0xb7: {  	s30 =	sld [smem:$0x0];
	_ =	sdelay $0x2  }
0xb8: {  	s31 =	sshll.u32 s1, $0xD;
	s1 =	sshrl.u32 s1, $0x2  }
0xb9: {  	s3 =	sand.u32 $0x4000, s31;
	s1 =	sadd.s32 s1, s30  }
0xba: {  	s0 =	sor.u32 s3, s0;
	s1 =	sshll.u32 s1, $0x11  }
0xbb: {  	s0 =	sor.u32 s1, s0  }
0xbc: {  	s0 =	sadd.s32 $0x8F2B, s0  }
0xbd: {  	[sflag:s0] =	ssyncadd.remote.s32 $0x1  }
0xbe: {  	_ =	sfence.sel $0xFFFF  }
0xbf: {  	[dreg:$0x0] =	wrdreg $0xFFFFFFFF;
	(pc) =	sbr.abs _section_cstart, $3  }
0xc0: {  	[dreg:$0x1] =	wrdreg $0xFFFFFFFF  }
0xc1: {  	_ =	task.clear_ibuf [dreg:s7], $0x2FFFF;
	_ =	strace $0x9FFFFFFF  }
0xc2: {  	(tm) =	ssettm $0x7FFFFFFF  }
0xc3: {  	_ =	shalt  }
tec
execute0_lowered:
.L_overlay_start_1:
0x0: {  	(tag) =	ssettag $0x1  }
0x1: {  	s5 =	rddreg [dreg:$0x0];
	s1 =	srdreg.scid  }
0x2: {  	s0 =	stileid.u32;
	s2 =	rddreg [dreg:$0x1];
	s3 =	simm.s32 $0x0  }
0x3: {  	s8 =	simm.s32 $0x200;
	s9 =	simm.s32 $0x400;
	s10 =	simm.s32 $0x1  }
0x4: {  	s11 =	simm.s32 $0x13C00;
	s12 =	simm.s32 $0x17B00;
	s13 =	simm.s32 $0x15B80  }
0x5: {  	s14 =	simm.s32 $0x19A80;
	s15 =	simm.s32 $0x9E00;
	s16 =	simm.s32 $0x2  }
0x6: {  	s17 =	simm.s32 $0x3;
	s4 =	sand.u32 $0x1, s1;
	s6 =	smul.u32 $0x13C00, s0  }
0x7: {  	s18 =	simm.s32 $0x0;
	s1 =	rddreg [dreg:$0x2];
	s7 =	sshll.u32 s4, $0x9  }
0x8: {  	[smem:$0x7FF] =	sst s3;
	s30 =	ssub.s32 $0x2, s4;
	s6 =	sor.u32 s7, s6  }
0x9: {  	_ =	strace $0x80000047;
	s31 =	sshrl.u32 s30, $0x1;
	s6 =	sshrl.u32 s6, $0x3  }
0xa: {  	s4 =	sadd.s32 $0x7400, s5;
	s7 =	ssub.s32 s30, s31;
	s6 =	sadd.s32 s6, s5  }
0xb: {  	v0 =	vimm.f32 $0.0e+00;
	s7 =	smax.u32 s7, $0x1;
	s5 =	sadd.s32 $0x11200, s6;
	s6 =	sadd.s32 $0x38A00, s6  }
.LBB2_1:
0xc: {  	[tilespmem:s3], [sflag:$0x1] =	stream.strided.gather [hbm4b:s5+s8], $0x9E00, s9, s8, $0x38;
	[tilespmem:$0x1BA00] =	vst v63  }
0xd: {  	s19 =	simm.s32 $0x40;
	s20 =	simm.s32 $0x100  }
0xe: {  	s21 =	sand.u32 $0x70, s19;
	s20 =	sand.u32 $0x1FE00, s20  }
0xf: {  	s20 =	sor.u32 s21, s20  }
0x10: {  	[tilespmem:s20+$0x9F80] =	vst v0  }
0x11: {  	s23 =	simm.s32 $0x0;
	[tilespmem:s20+$0x9E00] =	vst v0  }
0x12: {  	s24 =	sand.u32 $0xFE00, s3;
	s23 =	sand.u32 $0x70, s23;
	[tilespmem:s20+$0x9E80] =	vst v0  }
0x13: {  	s24 =	sor.u32 s23, s24;
	[tilespmem:s20+$0x9F00] =	vst v0  }
0x14: {  	[tilespmem:s24+$0x9E00] =	vst v0  }
0x15: {  	s31 =	simm.s32 $0x10;
	s22 =	simm.s32 $0x40;
	[tilespmem:s24+$0x9E80] =	vst v0  }
0x16: {  	s22 =	sand.u32 $0x1FE00, s22;
	s21 =	sand.u32 $0x70, s31;
	[tilespmem:s24+$0x9F00] =	vst v0  }
0x17: {  	s21 =	sor.u32 s21, s22;
	[tilespmem:s24+$0x9F80] =	vst v0  }
0x18: {  	[tilespmem:s21+$0x9E00] =	vst v0  }
0x19: {  	s25 =	simm.s32 $0x20;
	s26 =	simm.s32 $0x80;
	[tilespmem:s21+$0x9E80] =	vst v0  }
0x1a: {  	s20 =	sand.u32 $0x70, s25;
	s22 =	sand.u32 $0x1FE00, s26;
	[tilespmem:s21+$0x9F00] =	vst v0  }
0x1b: {  	s28 =	sor.u32 s20, s22;
	[tilespmem:s21+$0x9F80] =	vst v0  }
0x1c: {  	[tilespmem:s28+$0x9E00] =	vst v0  }
0x1d: {  	s29 =	simm.s32 $0x30;
	s30 =	simm.s32 $0xC0;
	[tilespmem:s28+$0x9E80] =	vst v0  }
0x1e: {  	s31 =	sand.u32 $0x70, s29;
	s21 =	sand.u32 $0x1FE00, s30;
	[tilespmem:s28+$0x9F00] =	vst v0  }
0x1f: {  	s20 =	simm.s32 $0x0;
	s22 =	sor.u32 s31, s21;
	[tilespmem:s28+$0x9F80] =	vst v0;
	s21 =	simm.s32 $0x140  }
.LBB2_2:
0x20: {  	s23 =	sadd.s32 $0x100, s21;
	s20 =	sadd.s32 $0x5, s20;
	[tilespmem:s22+$0x9E00] =	vst v0;
	s19 =	sadd.s32 $0x50, s19  }
0x21: {  	s24 =	sand.u32 $0x70, s19;
	s23 =	sand.u32 $0x1FE00, s23;
	p0 =	slt.u32 s20, $0x26C;
	[tilespmem:s22+$0x9E80] =	vst v0  }
0x22: {  	s26 =	sadd.s32 $0x40, s21;
	s25 =	sadd.s32 $0xFFFFFFD0, s19;
	s23 =	sor.u32 s24, s23;
	[tilespmem:s22+$0x9F00] =	vst v0  }
0x23: {  	s28 =	sadd.s32 $0x80, s21;
	s29 =	sadd.s32 $0xFFFFFFF0, s19;
	s24 =	sadd.s32 $0xFFFFFFE0, s19;
	[tilespmem:s23+$0x9F80] =	vst v0  }
0x24: {  	s31 =	sadd.s32 $0xC0, s21;
	s30 =	sadd.s32 $0xFFFFFFC0, s19;
	s25 =	sand.u32 $0x70, s25;
	[tilespmem:s22+$0x9F80] =	vst v0  }
0x25: {  	s26 =	sand.u32 $0x1FE00, s26;
	s24 =	sand.u32 $0x70, s24;
	s22 =	sand.u32 $0x70, s30;
	[tilespmem:s23+$0x9E00] =	vst v0  }
0x26: {  	s28 =	sand.u32 $0x1FE00, s28;
	s29 =	sand.u32 $0x70, s29;
	s30 =	sand.u32 $0x1FE00, s31;
	[tilespmem:s23+$0x9E80] =	vst v0  }
0x27: {  	s25 =	sor.u32 s25, s26;
	s31 =	sand.u32 $0xFE00, s21;
	s24 =	sor.u32 s24, s28;
	[tilespmem:s23+$0x9F00] =	vst v0  }
0x28: {  	s23 =	sor.u32 s22, s31;
	s22 =	sor.u32 s29, s30;
	[tilespmem:s25+$0x9E00] =	vst v0  }
0x29: {  	[tilespmem:s23+$0x9E00] =	vst v0  }
0x2a: {  	[tilespmem:s23+$0x9E80] =	vst v0  }
0x2b: {  	[tilespmem:s23+$0x9F00] =	vst v0  }
0x2c: {  	[tilespmem:s23+$0x9F80] =	vst v0  }
0x2d: {  	[tilespmem:s25+$0x9E80] =	vst v0  }
0x2e: {  	[tilespmem:s25+$0x9F00] =	vst v0  }
.Ltmp0:
0x2f: {  	[tilespmem:s25+$0x9F80] =	vst v0;
	(pc) =	sbr.rel @p0 .LBB2_2-.Ltmp0, $4  }
0x30: {  	[tilespmem:s24+$0x9E00] =	vst v0  }
0x31: {  	[tilespmem:s24+$0x9E80] =	vst v0  }
0x32: {  	[tilespmem:s24+$0x9F00] =	vst v0  }
0x33: {  	s21 =	sadd.s32 $0x140, s21;
	[tilespmem:s24+$0x9F80] =	vst v0  }
0x34: {  	[tilespmem:s22+$0x9E00] =	vst v0  }
0x35: {  	[tilespmem:s22+$0x9E80] =	vst v0  }
0x36: {  	[tilespmem:s22+$0x9F00] =	vst v0  }
0x37: {  	[tilespmem:s22+$0x9F80] =	vst v0  }
0x38: {  	_ =	swait.ge [sflag:s10], $0x9E00  }
0x39: {  	[sflag:s10] =	ssyncset.done $0x0  }
0x3a: {  	s19 =	simm.s32 $0x0;
	[sflag:s10] =	ssyncadd.s32 $0xFFFF6200  }
0x3b: {  	[tilespmem:s11], [sflag:$0x1] =	stream.linear.gather [hbm4b:s4+s19], $0x1F40, $0x38;
	[tilespmem:$0x1BA00] =	vst v63  }
0x3c: {  	s20 =	simm.s32 $0x0  }
0x3d: {  	[tilespmem:s12], [sflag:$0x1] =	stream.linear.gather [hbm4b:s2+s19], $0x1F40, $0x38;
	[tilespmem:$0x1BA00] =	vst v63  }
.LBB2_4:
0x3e: {  	s21 =	smul.u32 $0x3E80, s20;
	_ =	sdelay $0x1  }
0x3f: {  	s22 =	sshrl.u32 s21, $0x3  }
0x40: {  	s22 =	sadd.s32 $0x3E8, s22  }
0x41: {  	s23 =	sadd.s32 s4, s22  }
0x42: {  	[tilespmem:s13], [sflag:$0x2] =	stream.linear.gather [hbm4b:s23+s19], $0x1F40, $0x38;
	[tilespmem:$0x1BA00] =	vst v63  }
0x43: {  	s22 =	sadd.s32 s2, s22  }
0x44: {  	[tilespmem:s14], [sflag:$0x2] =	stream.linear.gather [hbm4b:s22+s19], $0x1F40, $0x38;
	[tilespmem:$0x1BA00] =	vst v63  }
0x45: {  	_ =	swait.ge [sflag:s10], $0x1F40  }
0x46: {  	[sflag:s10] =	ssyncset.done $0x0  }
0x47: {  	[sflag:s10] =	ssyncadd.s32 $0xFFFFE0C0  }
0x48: {  	_ =	swait.ge [sflag:s10], $0x1F40  }
0x49: {  	[sflag:s10] =	ssyncset.done $0x0  }
0x4a: {  	s30 =	simm.s32 $0x13C50;
	[sflag:s10] =	ssyncadd.s32 $0xFFFFE0C0  }
0x4b: {  	s31 =	sand.u32 $0x1FE0, s19;
	v1 =	vld [tilespmem:s30+$0x40]  }
0x4c: {  	v2 =	vld [tilespmem:s31+$0x13C80]  }
0x4d: {  	v15 =	vld [tilespmem:s30+$0xFFFFFFC0]  }
0x4e: {  	v16 =	vld [tilespmem:s30+$0xFFFFFFD0]  }
0x4f: {  	v17 =	vld [tilespmem:s30+$0xFFFFFFE0]  }
0x50: {  	v18 =	vld [tilespmem:s30+$0xFFFFFFF0];
	v3 =	vshll.u32 v1, $0x2  }
0x51: {  	v22 =	vld [tilespmem:s30+$0x0];
	v4 =	vand.u32 $0x7F, v1;
	v5 =	vshll.u32 v2, $0x2;
	v3 =	vand.u32 $0xFE00, v3  }
0x52: {  	v23 =	vld [tilespmem:s30+$0x10];
	v42 =	vand.u32 $0xFE00, v5;
	v20 =	vor.u32 v4, v3;
	v3 =	vand.u32 $0x7F, v2  }
0x53: {  	v25 =	vld [tilespmem:s30+$0x20];
	v24 =	vor.u32 v3, v42  }
0x54: {  	s22 =	simm.s32 $0x17B50;
	v26 =	vld [tilespmem:s30+$0xFFFFFFB0]  }
0x55: {  	v19 =	vld [tilespmem:s22+$0x40]  }
0x56: {  	v21 =	vld [tilespmem:s31+$0x17B80];
	v44 =	vshrl.u32 v1, $0xE;
	v1 =	vshrl.u32 v1, $0xC  }
0x57: {  	v6 =	vshll.u32 v16, $0x2;
	v8 =	vshrl.u32 v2, $0xE;
	v46 =	vshll.u32 v17, $0x2;
	v43 =	vld.idx.msk [tilespmem:v20+s3+$0x0], $0xffff  }
0x58: {  	v12 =	vand.u32 $0x7F, v15;
	v5 =	vand.u32 $0x7F, v44;
	v1 =	vand.u32 $0xFFE00, v1;
	v7 =	vld.idx.msk [tilespmem:v24+s3+$0x0], $0xffff  }
0x59: {  	v45 =	vand.u32 $0x7F, v8;
	v2 =	vshrl.u32 v2, $0xC;
	v27 =	vor.u32 v5, v1;
	v1 =	vld [tilespmem:s22+$0xFFFFFFB0]  }
0x5a: {  	v4 =	vld [tilespmem:s22+$0xFFFFFFE0];
	v3 =	vshll.u32 v15, $0x2;
	v2 =	vand.u32 $0xFFE00, v2;
	v8 =	vor.u32 $0x80, v20  }
0x5b: {  	v47 =	vshll.u32 v26, $0x2;
	v9 =	vand.u32 $0xFE00, v3;
	v3 =	vld [tilespmem:s22+$0xFFFFFFC0];
	v28 =	vor.u32 v45, v2  }
0x5c: {  	v14 =	vand.u32 $0x7F, v26;
	v5 =	vand.u32 $0xFE00, v47;
	v2 =	vld [tilespmem:s22+$0xFFFFFFD0];
	v11 =	vmul.f32 v43, v19  }
0x5d: {  	v10 =	vor.u32 $0x80, v24;
	v29 =	vmul.f32 v7, v21;
	v7 =	vor.u32 v14, v5;
	v5 =	vld [tilespmem:s22+$0xFFFFFFF0]  }
0x5e: {  	v30 =	vand.u32 $0x7F, v16;
	v49 =	vshll.u32 v22, $0x2;
	v51 =	vshll.u32 v23, $0x2;
	[tilespmem:v27+s15+$0x0] =	vst.idx.add.f32.msk $0xffff, v11  }
0x5f: {  	v35 =	vand.u32 $0x7F, v22;
	v6 =	vand.u32 $0xFE00, v6;
	v48 =	vld.idx.msk [tilespmem:v8+s3+$0x0], $0xffff;
	v8 =	vor.u32 v12, v9  }
0x60: {  	v38 =	vand.u32 $0x7F, v23;
	v50 =	vand.u32 $0xFE00, v49;
	[tilespmem:v28+s15+$0x0] =	vst.idx.add.f32.msk $0xffff, v29;
	v9 =	vor.u32 v30, v6  }
0x61: {  	v13 =	vand.u32 $0xFE00, v46;
	v11 =	vshll.u32 v18, $0x2;
	v6 =	vld [tilespmem:s22+$0x0];
	v12 =	vor.u32 v35, v50  }
0x62: {  	v52 =	vor.u32 $0x80, v27;
	v31 =	vand.u32 $0xFE00, v11;
	v11 =	vand.u32 $0x7F, v17;
	v29 =	vld.idx.msk [tilespmem:v10+s3+$0x0], $0xffff  }
0x63: {  	v41 =	vand.u32 $0x7F, v25;
	v10 =	vshll.u32 v25, $0x2;
	v11 =	vor.u32 v11, v13;
	v36 =	vld.idx.msk [tilespmem:v7+s3+$0x0], $0xffff  }
0x64: {  	v34 =	vor.u32 $0x100, v20;
	v33 =	vand.u32 $0xFE00, v10;
	v10 =	vand.u32 $0x7F, v18;
	v39 =	vld.idx.msk [tilespmem:v8+s3+$0x0], $0xffff  }
0x65: {  	v37 =	vor.u32 $0x80, v28;
	v10 =	vor.u32 v10, v31;
	v14 =	vmul.f32 v48, v19;
	v31 =	vld.idx.msk [tilespmem:v9+s3+$0x0], $0xffff  }
0x66: {  	v53 =	vshrl.u32 v15, $0xE;
	v54 =	vshrl.u32 v16, $0xE;
	v32 =	vand.u32 $0xFE00, v51;
	v45 =	vld.idx.msk [tilespmem:v12+s3+$0x0], $0xffff  }
0x67: {  	v42 =	vshrl.u32 v26, $0xE;
	v26 =	vshrl.u32 v26, $0xC;
	v13 =	vor.u32 v41, v33;
	[tilespmem:v52+s15+$0x0] =	vst.idx.add.f32.msk $0xffff, v14  }
0x68: {  	v40 =	vor.u32 $0x100, v24;
	v29 =	vmul.f32 v29, v21;
	v14 =	vor.u32 v38, v32;
	v38 =	vld.idx.msk [tilespmem:v11+s3+$0x0], $0xffff  }
0x69: {  	v55 =	vshrl.u32 v17, $0xE;
	v42 =	vand.u32 $0x7F, v42;
	v26 =	vand.u32 $0xFFE00, v26;
	v30 =	vld.idx.msk [tilespmem:v34+s3+$0x0], $0xffff  }
0x6a: {  	v56 =	vshrl.u32 v17, $0xC;
	v15 =	vshrl.u32 v15, $0xC;
	v17 =	vor.u32 v42, v26;
	[tilespmem:v37+s15+$0x0] =	vst.idx.add.f32.msk $0xffff, v29  }
0x6b: {  	v16 =	vshrl.u32 v16, $0xC;
	v15 =	vand.u32 $0xFFE00, v15;
	v32 =	vand.u32 $0x7F, v53;
	v43 =	vld.idx.msk [tilespmem:v10+s3+$0x0], $0xffff  }
0x6c: {  	v58 =	vshrl.u32 v18, $0xE;
	v59 =	vshrl.u32 v18, $0xC;
	v48 =	vld.idx.msk [tilespmem:v13+s3+$0x0], $0xffff;
	v18 =	vor.u32 v32, v15  }
0x6d: {  	v61 =	vshrl.u32 v22, $0xE;
	v60 =	vor.u32 $0x100, v27;
	v36 =	vmul.f32 v36, v1;
	v57 =	vld.idx.msk [tilespmem:v40+s3+$0x0], $0xffff  }
0x6e: {  	v62 =	vshrl.u32 v22, $0xC;
	v44 =	vshrl.u32 v23, $0xE;
	v20 =	vor.u32 $0x180, v20;
	v15 =	vld [tilespmem:s22+$0x10]  }
0x6f: {  	v63 =	vor.u32 $0x100, v28;
	v52 =	vand.u32 $0x7F, v54;
	v54 =	vmul.f32 v39, v3;
	[tilespmem:v17+s15+$0x0] =	vst.idx.add.f32.msk $0xffff, v36  }
0x70: {  	v23 =	vshrl.u32 v23, $0xC;
	v55 =	vand.u32 $0x7F, v55;
	v47 =	vld.idx.msk [tilespmem:v14+s3+$0x0], $0xffff;
	v30 =	vmul.f32 v30, v19  }
0x71: {  	v56 =	vand.u32 $0xFFE00, v56;
	v58 =	vand.u32 $0x7F, v58;
	v24 =	vor.u32 $0x180, v24;
	[tilespmem:v18+s15+$0x0] =	vst.idx.add.f32.msk $0xffff, v54  }
0x72: {  	v59 =	vand.u32 $0xFFE00, v59;
	v22 =	vor.u32 v55, v56;
	v49 =	vmul.f32 v57, v21;
	[tilespmem:v60+s15+$0x0] =	vst.idx.add.f32.msk $0xffff, v30  }
0x73: {  	v16 =	vand.u32 $0xFFE00, v16;
	v23 =	vand.u32 $0xFFE00, v23;
	v30 =	vor.u32 v58, v59;
	v53 =	vld.idx.msk [tilespmem:v20+s3+$0x0], $0xffff  }
0x74: {  	v60 =	vand.u32 $0x7F, v61;
	v61 =	vand.u32 $0xFFE00, v62;
	[tilespmem:v63+s15+$0x0] =	vst.idx.add.f32.msk $0xffff, v49;
	v20 =	vor.u32 v52, v16  }
0x75: {  	v62 =	vand.u32 $0x7F, v44;
	v16 =	vld [tilespmem:s22+$0x20];
	v63 =	vmul.f32 v38, v4;
	v32 =	vor.u32 v60, v61  }
0x76: {  	v46 =	vshrl.u32 v25, $0xE;
	v41 =	vmul.f32 v43, v5;
	v23 =	vor.u32 v62, v23;
	v24 =	vld.idx.msk [tilespmem:v24+s3+$0x0], $0xffff  }
0x77: {  	v40 =	vand.u32 $0x7F, v46;
	v46 =	vor.u32 $0x80, v9;
	v57 =	vmul.f32 v31, v2;
	[tilespmem:v22+s15+$0x0] =	vst.idx.add.f32.msk $0xffff, v63  }
0x78: {  	v25 =	vshrl.u32 v25, $0xC;
	v51 =	vor.u32 $0x80, v14;
	v43 =	vmul.f32 v45, v6;
	[tilespmem:v30+s15+$0x0] =	vst.idx.add.f32.msk $0xffff, v41  }
0x79: {  	v27 =	vor.u32 $0x180, v27;
	v25 =	vand.u32 $0xFFE00, v25;
	v45 =	vmul.f32 v47, v15;
	[tilespmem:v20+s15+$0x0] =	vst.idx.add.f32.msk $0xffff, v57  }
0x7a: {  	v25 =	vor.u32 v40, v25;
	[tilespmem:v32+s15+$0x0] =	vst.idx.add.f32.msk $0xffff, v43  }
0x7b: {  	v42 =	vor.u32 $0x80, v7;
	[tilespmem:v23+s15+$0x0] =	vst.idx.add.f32.msk $0xffff, v45  }
0x7c: {  	v49 =	vor.u32 $0x80, v10;
	v19 =	vmul.f32 v53, v19;
	v21 =	vmul.f32 v24, v21;
	v24 =	vld.idx.msk [tilespmem:v46+s3+$0x0], $0xffff  }
0x7d: {  	v28 =	vor.u32 $0x180, v28;
	v47 =	vmul.f32 v48, v16;
	v29 =	vld.idx.msk [tilespmem:v51+s3+$0x0], $0xffff  }
0x7e: {  	v44 =	vor.u32 $0x80, v8;
	[tilespmem:v27+s15+$0x0] =	vst.idx.add.f32.msk $0xffff, v19  }
0x7f: {  	v50 =	vor.u32 $0x80, v12;
	[tilespmem:v25+s15+$0x0] =	vst.idx.add.f32.msk $0xffff, v47  }
0x80: {  	v52 =	vor.u32 $0x80, v13;
	v19 =	vld.idx.msk [tilespmem:v42+s3+$0x0], $0xffff  }
0x81: {  	v48 =	vor.u32 $0x80, v11;
	v27 =	vld.idx.msk [tilespmem:v49+s3+$0x0], $0xffff  }
0x82: {  	v55 =	vor.u32 $0x80, v20;
	[tilespmem:v28+s15+$0x0] =	vst.idx.add.f32.msk $0xffff, v21  }
0x83: {  	v60 =	vor.u32 $0x80, v23;
	v21 =	vld.idx.msk [tilespmem:v44+s3+$0x0], $0xffff  }
0x84: {  	v53 =	vor.u32 $0x80, v17;
	v28 =	vld.idx.msk [tilespmem:v50+s3+$0x0], $0xffff  }
0x85: {  	v57 =	vor.u32 $0x80, v30;
	v31 =	vld.idx.msk [tilespmem:v52+s3+$0x0], $0xffff;
	v59 =	vmul.f32 v24, v2  }
0x86: {  	v37 =	vor.u32 $0x100, v9;
	v26 =	vld.idx.msk [tilespmem:v48+s3+$0x0], $0xffff;
	v36 =	vmul.f32 v29, v15  }
0x87: {  	v54 =	vor.u32 $0x80, v18;
	v19 =	vmul.f32 v19, v1;
	[tilespmem:v55+s15+$0x0] =	vst.idx.add.f32.msk $0xffff, v59  }
0x88: {  	v58 =	vor.u32 $0x80, v32;
	v63 =	vmul.f32 v27, v5;
	[tilespmem:v60+s15+$0x0] =	vst.idx.add.f32.msk $0xffff, v36  }
0x89: {  	v62 =	vor.u32 $0x80, v25;
	[tilespmem:v53+s15+$0x0] =	vst.idx.add.f32.msk $0xffff, v19  }
0x8a: {  	v33 =	vor.u32 $0x100, v7;
	v21 =	vmul.f32 v21, v3;
	[tilespmem:v57+s15+$0x0] =	vst.idx.add.f32.msk $0xffff, v63  }
0x8b: {  	v41 =	vor.u32 $0x100, v10;
	v34 =	vmul.f32 v28, v6;
	v29 =	vld.idx.msk [tilespmem:v37+s3+$0x0], $0xffff  }
0x8c: {  	v44 =	vor.u32 $0x100, v14;
	v39 =	vmul.f32 v31, v16;
	[tilespmem:v54+s15+$0x0] =	vst.idx.add.f32.msk $0xffff, v21  }
0x8d: {  	v35 =	vor.u32 $0x100, v8;
	[tilespmem:v58+s15+$0x0] =	vst.idx.add.f32.msk $0xffff, v34  }
0x8e: {  	v42 =	vor.u32 $0x100, v12;
	[tilespmem:v62+s15+$0x0] =	vst.idx.add.f32.msk $0xffff, v39  }
0x8f: {  	v46 =	vor.u32 $0x100, v13;
	v43 =	vld.idx.msk [tilespmem:v33+s3+$0x0], $0xffff  }
0x90: {  	v56 =	vor.u32 $0x80, v22;
	v19 =	vld.idx.msk [tilespmem:v41+s3+$0x0], $0xffff  }
0x91: {  	v40 =	vor.u32 $0x100, v11;
	v61 =	vmul.f32 v26, v4;
	v26 =	vld.idx.msk [tilespmem:v44+s3+$0x0], $0xffff  }
0x92: {  	v49 =	vor.u32 $0x100, v20;
	v45 =	vld.idx.msk [tilespmem:v35+s3+$0x0], $0xffff  }
0x93: {  	v47 =	vor.u32 $0x100, v17;
	v21 =	vld.idx.msk [tilespmem:v42+s3+$0x0], $0xffff  }
0x94: {  	v51 =	vor.u32 $0x100, v30;
	v28 =	vld.idx.msk [tilespmem:v46+s3+$0x0], $0xffff  }
0x95: {  	v54 =	vor.u32 $0x100, v23;
	[tilespmem:v56+s15+$0x0] =	vst.idx.add.f32.msk $0xffff, v61;
	v53 =	vmul.f32 v29, v2  }
0x96: {  	v9 =	vor.u32 $0x180, v9;
	v31 =	vld.idx.msk [tilespmem:v40+s3+$0x0], $0xffff;
	v24 =	vmul.f32 v43, v1  }
0x97: {  	v48 =	vor.u32 $0x100, v18;
	v19 =	vmul.f32 v19, v5;
	[tilespmem:v49+s15+$0x0] =	vst.idx.add.f32.msk $0xffff, v53  }
0x98: {  	v52 =	vor.u32 $0x100, v32;
	v57 =	vmul.f32 v26, v15;
	[tilespmem:v47+s15+$0x0] =	vst.idx.add.f32.msk $0xffff, v24  }
0x99: {  	v56 =	vor.u32 $0x100, v25;
	[tilespmem:v51+s15+$0x0] =	vst.idx.add.f32.msk $0xffff, v19  }
0x9a: {  	v7 =	vor.u32 $0x180, v7;
	v27 =	vmul.f32 v45, v3;
	[tilespmem:v54+s15+$0x0] =	vst.idx.add.f32.msk $0xffff, v57  }
0x9b: {  	v10 =	vor.u32 $0x180, v10;
	v21 =	vmul.f32 v21, v6;
	v9 =	vld.idx.msk [tilespmem:v9+s3+$0x0], $0xffff  }
0x9c: {  	v8 =	vor.u32 $0x180, v8;
	v58 =	vmul.f32 v28, v16;
	[tilespmem:v48+s15+$0x0] =	vst.idx.add.f32.msk $0xffff, v27  }
0x9d: {  	v50 =	vor.u32 $0x100, v22;
	[tilespmem:v52+s15+$0x0] =	vst.idx.add.f32.msk $0xffff, v21  }
0x9e: {  	v11 =	vor.u32 $0x180, v11;
	[tilespmem:v56+s15+$0x0] =	vst.idx.add.f32.msk $0xffff, v58  }
0x9f: {  	v12 =	vor.u32 $0x180, v12;
	v7 =	vld.idx.msk [tilespmem:v7+s3+$0x0], $0xffff  }
0xa0: {  	v14 =	vor.u32 $0x180, v14;
	v55 =	vmul.f32 v31, v4;
	v10 =	vld.idx.msk [tilespmem:v10+s3+$0x0], $0xffff  }
0xa1: {  	v13 =	vor.u32 $0x180, v13;
	v8 =	vld.idx.msk [tilespmem:v8+s3+$0x0], $0xffff  }
0xa2: {  	v17 =	vor.u32 $0x180, v17;
	[tilespmem:v50+s15+$0x0] =	vst.idx.add.f32.msk $0xffff, v55  }
0xa3: {  	v18 =	vor.u32 $0x180, v18;
	v11 =	vld.idx.msk [tilespmem:v11+s3+$0x0], $0xffff  }
0xa4: {  	v59 =	vor.u32 $0x180, v20;
	v12 =	vld.idx.msk [tilespmem:v12+s3+$0x0], $0xffff  }
0xa5: {  	v60 =	vor.u32 $0x180, v22;
	v61 =	vld.idx.msk [tilespmem:v14+s3+$0x0], $0xffff;
	v1 =	vmul.f32 v7, v1  }
0xa6: {  	v63 =	vor.u32 $0x180, v32;
	v3 =	vmul.f32 v8, v3;
	v8 =	vld.idx.msk [tilespmem:v13+s3+$0x0], $0xffff  }
0xa7: {  	v62 =	vor.u32 $0x180, v30;
	[tilespmem:v17+s15+$0x0] =	vst.idx.add.f32.msk $0xffff, v1;
	v1 =	vmul.f32 v9, v2  }
0xa8: {  	[tilespmem:v18+s15+$0x0] =	vst.idx.add.f32.msk $0xffff, v3;
	v2 =	vmul.f32 v11, v4  }
0xa9: {  	v3 =	vmul.f32 v12, v6;
	[tilespmem:v59+s15+$0x0] =	vst.idx.add.f32.msk $0xffff, v1  }
0xaa: {  	v1 =	vmul.f32 v10, v5;
	[tilespmem:v60+s15+$0x0] =	vst.idx.add.f32.msk $0xffff, v2  }
0xab: {  	v9 =	vor.u32 $0x180, v23;
	[tilespmem:v63+s15+$0x0] =	vst.idx.add.f32.msk $0xffff, v3  }
0xac: {  	s24 =	simm.s32 $0x13CF0;
	s25 =	simm.s32 $0x0;
	s23 =	simm.s32 $0x0;
	v10 =	vor.u32 $0x180, v25;
	v2 =	vmul.f32 v61, v15;
	[tilespmem:v62+s15+$0x0] =	vst.idx.add.f32.msk $0xffff, v1;
	v1 =	vmul.f32 v8, v16  }
.LBB2_5:
0xad: {  	v3 =	vld [tilespmem:s24+$0x40];
	s25 =	sadd.s32 $0xA0, s25  }
0xae: {  	s23 =	sadd.s32 $0xA, s23;
	v6 =	vld [tilespmem:s24+$0xFFFFFFC0];
	s26 =	sand.u32 $0x1FE0, s25  }
0xaf: {  	p0 =	slt.u32 s23, $0x1EA;
	v4 =	vld [tilespmem:s26+$0x13C80]  }
0xb0: {  	v21 =	vld [tilespmem:s24+$0xFFFFFFD0]  }
0xb1: {  	v22 =	vld [tilespmem:s24+$0xFFFFFFE0]  }
0xb2: {  	v23 =	vld [tilespmem:s24+$0xFFFFFFF0];
	v5 =	vshll.u32 v3, $0x2  }
0xb3: {  	v8 =	vand.u32 $0x7F, v3;
	v7 =	vshll.u32 v6, $0x2;
	v24 =	vld [tilespmem:s24+$0x0];
	v5 =	vand.u32 $0xFE00, v5  }
0xb4: {  	v11 =	vand.u32 $0xFE00, v7;
	v25 =	vld [tilespmem:s24+$0x10];
	v12 =	vshll.u32 v4, $0x2;
	v7 =	vor.u32 v8, v5  }
0xb5: {  	v8 =	vand.u32 $0x7F, v4;
	v5 =	vshll.u32 v21, $0x2;
	v26 =	vld [tilespmem:s24+$0x20];
	v12 =	vand.u32 $0xFE00, v12  }
0xb6: {  	v27 =	vld [tilespmem:s24+$0xFFFFFFB0];
	v5 =	vand.u32 $0xFE00, v5;
	v13 =	vshll.u32 v22, $0x2;
	v8 =	vor.u32 v8, v12  }
0xb7: {  	v12 =	vand.u32 $0x7F, v6;
	v13 =	vand.u32 $0xFE00, v13;
	v14 =	vshll.u32 v23, $0x2;
	[tilespmem:v9+s15+$0x0] =	vst.idx.add.f32.msk $0xffff, v2  }
0xb8: {  	v9 =	vand.u32 $0x7F, v21;
	v14 =	vand.u32 $0xFE00, v14;
	v2 =	vshll.u32 v24, $0x2;
	[tilespmem:v10+s15+$0x0] =	vst.idx.add.f32.msk $0xffff, v1  }
0xb9: {  	s22 =	sadd.s32 $0xA0, s22;
	v15 =	vand.u32 $0x7F, v22;
	v28 =	vand.u32 $0xFE00, v2;
	v10 =	vshll.u32 v25, $0x2;
	v16 =	vld.idx.msk [tilespmem:v7+s3+$0x0], $0xffff  }
0xba: {  	v1 =	vshrl.u32 v3, $0xE;
	v2 =	vshrl.u32 v3, $0xC;
	v29 =	vshll.u32 v26, $0x2;
	v17 =	vld [tilespmem:s22+$0x40]  }
0xbb: {  	v1 =	vand.u32 $0x7F, v1;
	v2 =	vand.u32 $0xFFE00, v2;
	v3 =	vshll.u32 v27, $0x2;
	v30 =	vld.idx.msk [tilespmem:v8+s3+$0x0], $0xffff  }
0xbc: {  	v20 =	vshrl.u32 v4, $0xE;
	v4 =	vshrl.u32 v4, $0xC;
	v19 =	vor.u32 v1, v2;
	v18 =	vld [tilespmem:s26+$0x17B80]  }
0xbd: {  	v20 =	vand.u32 $0x7F, v20;
	v4 =	vand.u32 $0xFFE00, v4;
	v31 =	vor.u32 $0x80, v7;
	v1 =	vld [tilespmem:s22+$0xFFFFFFB0]  }
0xbe: {  	v20 =	vor.u32 v20, v4;
	v33 =	vand.u32 $0xFE00, v10;
	v32 =	vand.u32 $0xFE00, v3;
	v2 =	vld [tilespmem:s22+$0xFFFFFFC0]  }
0xbf: {  	v34 =	vor.u32 $0x80, v8;
	v29 =	vand.u32 $0xFE00, v29;
	v3 =	vld [tilespmem:s22+$0xFFFFFFD0];
	v10 =	vmul.f32 v16, v17  }
0xc0: {  	v35 =	vand.u32 $0x7F, v23;
	v36 =	vand.u32 $0x7F, v24;
	v16 =	vand.u32 $0x7F, v27;
	v4 =	vld [tilespmem:s22+$0xFFFFFFE0]  }
0xc1: {  	v37 =	vand.u32 $0x7F, v25;
	v38 =	vand.u32 $0x7F, v26;
	v30 =	vmul.f32 v30, v18;
	[tilespmem:v19+s15+$0x0] =	vst.idx.add.f32.msk $0xffff, v10  }
0xc2: {  	v11 =	vor.u32 v12, v11;
	v16 =	vor.u32 v16, v32;
	v10 =	vor.u32 v9, v5;
	v31 =	vld.idx.msk [tilespmem:v31+s3+$0x0], $0xffff  }
0xc3: {  	v13 =	vor.u32 v15, v13;
	v12 =	vor.u32 v35, v14;
	v32 =	vshrl.u32 v27, $0xE;
	[tilespmem:v20+s15+$0x0] =	vst.idx.add.f32.msk $0xffff, v30  }
0xc4: {  	v14 =	vor.u32 v36, v28;
	v15 =	vor.u32 v37, v33;
	v9 =	vor.u32 v38, v29;
	v28 =	vld.idx.msk [tilespmem:v34+s3+$0x0], $0xffff  }
0xc5: {  	v27 =	vshrl.u32 v27, $0xC;
	v29 =	vshrl.u32 v6, $0xE;
	v30 =	vor.u32 $0x80, v19;
	v5 =	vld [tilespmem:s22+$0xFFFFFFF0]  }
0xc6: {  	v35 =	vor.u32 $0x100, v7;
	v33 =	vshrl.u32 v6, $0xC;
	v34 =	vshrl.u32 v21, $0xE;
	v6 =	vld [tilespmem:s22+$0x0]  }
0xc7: {  	v37 =	vshrl.u32 v22, $0xE;
	v38 =	vor.u32 $0x80, v20;
	v21 =	vshrl.u32 v21, $0xC;
	v36 =	vld.idx.msk [tilespmem:v16+s3+$0x0], $0xffff  }
0xc8: {  	v40 =	vor.u32 $0x100, v8;
	v22 =	vshrl.u32 v22, $0xC;
	v31 =	vmul.f32 v31, v17;
	v39 =	vld.idx.msk [tilespmem:v11+s3+$0x0], $0xffff  }
0xc9: {  	v42 =	vshrl.u32 v23, $0xE;
	v23 =	vshrl.u32 v23, $0xC;
	v43 =	vshrl.u32 v24, $0xE;
	v41 =	vld.idx.msk [tilespmem:v10+s3+$0x0], $0xffff  }
0xca: {  	v24 =	vshrl.u32 v24, $0xC;
	v44 =	vshrl.u32 v25, $0xE;
	v28 =	vmul.f32 v28, v18;
	[tilespmem:v30+s15+$0x0] =	vst.idx.add.f32.msk $0xffff, v31  }
0xcb: {  	v25 =	vshrl.u32 v25, $0xC;
	v30 =	vshrl.u32 v26, $0xE;
	v26 =	vshrl.u32 v26, $0xC;
	v31 =	vld.idx.msk [tilespmem:v35+s3+$0x0], $0xffff  }
0xcc: {  	v32 =	vand.u32 $0x7F, v32;
	v27 =	vand.u32 $0xFFE00, v27;
	v29 =	vand.u32 $0x7F, v29;
	[tilespmem:v38+s15+$0x0] =	vst.idx.add.f32.msk $0xffff, v28  }
0xcd: {  	v33 =	vand.u32 $0xFFE00, v33;
	v34 =	vand.u32 $0x7F, v34;
	v28 =	vmul.f32 v36, v1;
	v35 =	vld.idx.msk [tilespmem:v40+s3+$0x0], $0xffff  }
0xce: {  	v21 =	vand.u32 $0xFFE00, v21;
	v36 =	vmul.f32 v39, v2;
	v39 =	vor.u32 $0x100, v19;
	v38 =	vld.idx.msk [tilespmem:v13+s3+$0x0], $0xffff  }
0xcf: {  	v7 =	vor.u32 $0x180, v7;
	v37 =	vand.u32 $0x7F, v37;
	v40 =	vmul.f32 v41, v3;
	v41 =	vld.idx.msk [tilespmem:v12+s3+$0x0], $0xffff  }
0xd0: {  	v46 =	vor.u32 $0x100, v20;
	v42 =	vand.u32 $0x7F, v42;
	v22 =	vand.u32 $0xFFE00, v22;
	v45 =	vld.idx.msk [tilespmem:v14+s3+$0x0], $0xffff  }
0xd1: {  	v23 =	vand.u32 $0xFFE00, v23;
	v8 =	vor.u32 $0x180, v8;
	v31 =	vmul.f32 v31, v17;
	v47 =	vld.idx.msk [tilespmem:v15+s3+$0x0], $0xffff  }
0xd2: {  	v43 =	vand.u32 $0x7F, v43;
	v24 =	vand.u32 $0xFFE00, v24;
	v44 =	vand.u32 $0x7F, v44;
	v48 =	vld.idx.msk [tilespmem:v9+s3+$0x0], $0xffff  }
0xd3: {  	v25 =	vand.u32 $0xFFE00, v25;
	v30 =	vand.u32 $0x7F, v30;
	v35 =	vmul.f32 v35, v18;
	[tilespmem:v39+s15+$0x0] =	vst.idx.add.f32.msk $0xffff, v31  }
0xd4: {  	v27 =	vor.u32 v32, v27;
	v26 =	vand.u32 $0xFFE00, v26;
	v31 =	vmul.f32 v38, v4;
	v32 =	vld.idx.msk [tilespmem:v7+s3+$0x0], $0xffff  }
0xd5: {  	v29 =	vor.u32 v29, v33;
	v38 =	vor.u32 $0x80, v16;
	v33 =	vmul.f32 v41, v5;
	[tilespmem:v46+s15+$0x0] =	vst.idx.add.f32.msk $0xffff, v35  }
0xd6: {  	v22 =	vor.u32 v37, v22;
	v21 =	vor.u32 v34, v21;
	v34 =	vmul.f32 v45, v6;
	v35 =	vld.idx.msk [tilespmem:v8+s3+$0x0], $0xffff  }
0xd7: {  	v23 =	vor.u32 v42, v23;
	v24 =	vor.u32 v43, v24;
	v25 =	vor.u32 v44, v25;
	v7 =	vld [tilespmem:s22+$0x10]  }
0xd8: {  	v37 =	vor.u32 $0x80, v11;
	v26 =	vor.u32 v30, v26;
	v19 =	vor.u32 $0x180, v19;
	v8 =	vld [tilespmem:s22+$0x20]  }
0xd9: {  	v20 =	vor.u32 $0x180, v20;
	v30 =	vor.u32 $0x80, v13;
	[tilespmem:v27+s15+$0x0] =	vst.idx.add.f32.msk $0xffff, v28;
	v28 =	vor.u32 $0x80, v10  }
0xda: {  	v39 =	vor.u32 $0x80, v14;
	v41 =	vor.u32 $0x80, v15;
	[tilespmem:v29+s15+$0x0] =	vst.idx.add.f32.msk $0xffff, v36;
	v36 =	vor.u32 $0x80, v12  }
0xdb: {  	v42 =	vor.u32 $0x80, v27;
	v17 =	vmul.f32 v32, v17;
	[tilespmem:v21+s15+$0x0] =	vst.idx.add.f32.msk $0xffff, v40;
	v40 =	vor.u32 $0x80, v9  }
0xdc: {  	v32 =	vor.u32 $0x80, v29;
	v18 =	vmul.f32 v35, v18;
	[tilespmem:v22+s15+$0x0] =	vst.idx.add.f32.msk $0xffff, v31;
	v31 =	vmul.f32 v47, v7  }
0xdd: {  	v43 =	vor.u32 $0x80, v22;
	v35 =	vor.u32 $0x80, v21;
	v44 =	vmul.f32 v48, v8;
	[tilespmem:v19+s15+$0x0] =	vst.idx.add.f32.msk $0xffff, v17  }
0xde: {  	v45 =	vor.u32 $0x80, v25;
	v17 =	vor.u32 $0x80, v23;
	v19 =	vor.u32 $0x80, v24;
	[tilespmem:v20+s15+$0x0] =	vst.idx.add.f32.msk $0xffff, v18  }
0xdf: {  	v18 =	vor.u32 $0x100, v16;
	v20 =	vor.u32 $0x100, v11;
	[tilespmem:v23+s15+$0x0] =	vst.idx.add.f32.msk $0xffff, v33;
	v33 =	vor.u32 $0x80, v26  }
0xe0: {  	v46 =	vor.u32 $0x100, v10;
	v47 =	vor.u32 $0x100, v13;
	v48 =	vor.u32 $0x100, v12;
	[tilespmem:v24+s15+$0x0] =	vst.idx.add.f32.msk $0xffff, v34  }
0xe1: {  	v49 =	vor.u32 $0x100, v9;
	v34 =	vor.u32 $0x100, v14;
	[tilespmem:v25+s15+$0x0] =	vst.idx.add.f32.msk $0xffff, v31;
	v31 =	vor.u32 $0x100, v15  }
0xe2: {  	v50 =	vor.u32 $0x100, v27;
	v51 =	vor.u32 $0x100, v29;
	v52 =	vor.u32 $0x100, v21;
	[tilespmem:v26+s15+$0x0] =	vst.idx.add.f32.msk $0xffff, v44  }
0xe3: {  	v53 =	vor.u32 $0x100, v23;
	v54 =	vor.u32 $0x100, v24;
	v44 =	vor.u32 $0x100, v22;
	v38 =	vld.idx.msk [tilespmem:v38+s3+$0x0], $0xffff  }
0xe4: {  	v55 =	vor.u32 $0x100, v25;
	v56 =	vor.u32 $0x100, v26;
	v16 =	vor.u32 $0x180, v16;
	v37 =	vld.idx.msk [tilespmem:v37+s3+$0x0], $0xffff  }
0xe5: {  	v57 =	vor.u32 $0x180, v10;
	v13 =	vor.u32 $0x180, v13;
	v11 =	vor.u32 $0x180, v11;
	v28 =	vld.idx.msk [tilespmem:v28+s3+$0x0], $0xffff  }
0xe6: {  	v12 =	vor.u32 $0x180, v12;
	v14 =	vor.u32 $0x180, v14;
	v15 =	vor.u32 $0x180, v15;
	v30 =	vld.idx.msk [tilespmem:v30+s3+$0x0], $0xffff  }
0xe7: {  	v58 =	vor.u32 $0x180, v9;
	v27 =	vor.u32 $0x180, v27;
	v29 =	vor.u32 $0x180, v29;
	v36 =	vld.idx.msk [tilespmem:v36+s3+$0x0], $0xffff  }
0xe8: {  	v21 =	vor.u32 $0x180, v21;
	v23 =	vor.u32 $0x180, v23;
	v22 =	vor.u32 $0x180, v22;
	v39 =	vld.idx.msk [tilespmem:v39+s3+$0x0], $0xffff  }
0xe9: {  	v9 =	vor.u32 $0x180, v25;
	v24 =	vor.u32 $0x180, v24;
	v38 =	vmul.f32 v38, v1;
	v41 =	vld.idx.msk [tilespmem:v41+s3+$0x0], $0xffff  }
0xea: {  	v10 =	vor.u32 $0x180, v26;
	v25 =	vmul.f32 v37, v2;
	v37 =	vld.idx.msk [tilespmem:v40+s3+$0x0], $0xffff  }
0xeb: {  	v26 =	vmul.f32 v28, v3;
	[tilespmem:v42+s15+$0x0] =	vst.idx.add.f32.msk $0xffff, v38  }
0xec: {  	[tilespmem:v32+s15+$0x0] =	vst.idx.add.f32.msk $0xffff, v25;
	v25 =	vmul.f32 v30, v4  }
0xed: {  	[tilespmem:v35+s15+$0x0] =	vst.idx.add.f32.msk $0xffff, v26;
	v26 =	vmul.f32 v36, v5  }
0xee: {  	[tilespmem:v43+s15+$0x0] =	vst.idx.add.f32.msk $0xffff, v25;
	v25 =	vmul.f32 v39, v6  }
0xef: {  	[tilespmem:v17+s15+$0x0] =	vst.idx.add.f32.msk $0xffff, v26;
	v17 =	vmul.f32 v41, v7  }
0xf0: {  	[tilespmem:v19+s15+$0x0] =	vst.idx.add.f32.msk $0xffff, v25;
	v19 =	vmul.f32 v37, v8  }
0xf1: {  	[tilespmem:v45+s15+$0x0] =	vst.idx.add.f32.msk $0xffff, v17  }
0xf2: {  	[tilespmem:v33+s15+$0x0] =	vst.idx.add.f32.msk $0xffff, v19  }
0xf3: {  	v17 =	vld.idx.msk [tilespmem:v18+s3+$0x0], $0xffff  }
0xf4: {  	v18 =	vld.idx.msk [tilespmem:v20+s3+$0x0], $0xffff  }
0xf5: {  	v19 =	vld.idx.msk [tilespmem:v46+s3+$0x0], $0xffff  }
0xf6: {  	v20 =	vld.idx.msk [tilespmem:v47+s3+$0x0], $0xffff  }
0xf7: {  	v25 =	vld.idx.msk [tilespmem:v48+s3+$0x0], $0xffff  }
0xf8: {  	v26 =	vld.idx.msk [tilespmem:v34+s3+$0x0], $0xffff  }
0xf9: {  	v17 =	vmul.f32 v17, v1;
	v28 =	vld.idx.msk [tilespmem:v31+s3+$0x0], $0xffff  }
0xfa: {  	v18 =	vmul.f32 v18, v2;
	v30 =	vld.idx.msk [tilespmem:v49+s3+$0x0], $0xffff  }
0xfb: {  	[tilespmem:v50+s15+$0x0] =	vst.idx.add.f32.msk $0xffff, v17;
	v17 =	vmul.f32 v19, v3  }
0xfc: {  	[tilespmem:v51+s15+$0x0] =	vst.idx.add.f32.msk $0xffff, v18;
	v18 =	vmul.f32 v20, v4  }
0xfd: {  	[tilespmem:v52+s15+$0x0] =	vst.idx.add.f32.msk $0xffff, v17;
	v17 =	vmul.f32 v25, v5  }
0xfe: {  	[tilespmem:v44+s15+$0x0] =	vst.idx.add.f32.msk $0xffff, v18;
	v18 =	vmul.f32 v26, v6  }
0xff: {  	[tilespmem:v53+s15+$0x0] =	vst.idx.add.f32.msk $0xffff, v17;
	v17 =	vmul.f32 v28, v7  }
0x100: {  	[tilespmem:v54+s15+$0x0] =	vst.idx.add.f32.msk $0xffff, v18;
	v18 =	vmul.f32 v30, v8  }
0x101: {  	[tilespmem:v55+s15+$0x0] =	vst.idx.add.f32.msk $0xffff, v17  }
0x102: {  	[tilespmem:v56+s15+$0x0] =	vst.idx.add.f32.msk $0xffff, v18  }
0x103: {  	v16 =	vld.idx.msk [tilespmem:v16+s3+$0x0], $0xffff  }
0x104: {  	v11 =	vld.idx.msk [tilespmem:v11+s3+$0x0], $0xffff  }
0x105: {  	v17 =	vld.idx.msk [tilespmem:v57+s3+$0x0], $0xffff  }
0x106: {  	v13 =	vld.idx.msk [tilespmem:v13+s3+$0x0], $0xffff  }
0x107: {  	v12 =	vld.idx.msk [tilespmem:v12+s3+$0x0], $0xffff  }
0x108: {  	v14 =	vld.idx.msk [tilespmem:v14+s3+$0x0], $0xffff  }
0x109: {  	v1 =	vmul.f32 v16, v1;
	v15 =	vld.idx.msk [tilespmem:v15+s3+$0x0], $0xffff  }
0x10a: {  	v2 =	vmul.f32 v11, v2;
	v11 =	vld.idx.msk [tilespmem:v58+s3+$0x0], $0xffff  }
0x10b: {  	[tilespmem:v27+s15+$0x0] =	vst.idx.add.f32.msk $0xffff, v1;
	v1 =	vmul.f32 v17, v3  }
.Ltmp1:
0x10c: {  	[tilespmem:v29+s15+$0x0] =	vst.idx.add.f32.msk $0xffff, v2;
	v2 =	vmul.f32 v13, v4;
	(pc) =	sbr.rel @p0 .LBB2_5-.Ltmp1, $4  }
0x10d: {  	[tilespmem:v21+s15+$0x0] =	vst.idx.add.f32.msk $0xffff, v1;
	v1 =	vmul.f32 v12, v5  }
0x10e: {  	v3 =	vmul.f32 v14, v6;
	[tilespmem:v22+s15+$0x0] =	vst.idx.add.f32.msk $0xffff, v2  }
0x10f: {  	v2 =	vmul.f32 v15, v7;
	[tilespmem:v23+s15+$0x0] =	vst.idx.add.f32.msk $0xffff, v1  }
0x110: {  	s24 =	sadd.s32 $0xA0, s24;
	v1 =	vmul.f32 v11, v8;
	[tilespmem:v24+s15+$0x0] =	vst.idx.add.f32.msk $0xffff, v3  }
0x111: {  	_ =	sdelay $0x1  }
0x112: {  	p0 =	seq.s32 s20, $0x13  }
0x113: {  	s21 =	sshrl.u32 @!p0 s21, $0x3  }
0x114: {  	[tilespmem:v9+s15+$0x0] =	vst.idx.add.f32.msk $0xffff, v2;
	s21 =	sadd.s32 @!p0 $0x7D0, s21  }
0x115: {  	[tilespmem:v10+s15+$0x0] =	vst.idx.add.f32.msk $0xffff, v1;
	s23 =	simm.s32 @!p0 $0x0;
	s24 =	simm.s32 @!p0 $0x13C00;
	s22 =	sadd.s32 @!p0 s4, s21  }
0x116: {  	[tilespmem:s24], [sflag:$0x1] =	stream.linear.gather @!p0 [hbm4b:s22+s23], $0x1F40, $0x38;
	[tilespmem:$0x1BA00] =	vst v63  }
0x117: {  	s21 =	sadd.s32 @!p0 s2, s21;
	s22 =	simm.s32 @!p0 $0x17B00  }
0x118: {  	[tilespmem:s22], [sflag:$0x1] =	stream.linear.gather @!p0 [hbm4b:s21+s23], $0x1F40, $0x38;
	[tilespmem:$0x1BA00] =	vst v63  }
0x119: {  	_ =	swait.ge [sflag:s16], $0x1F40  }
0x11a: {  	[sflag:s16] =	ssyncset.done $0x0  }
0x11b: {  	[sflag:s16] =	ssyncadd.s32 $0xFFFFE0C0  }
0x11c: {  	_ =	swait.ge [sflag:s16], $0x1F40  }
0x11d: {  	[sflag:s16] =	ssyncset.done $0x0  }
0x11e: {  	s30 =	simm.s32 $0x15BD0;
	s21 =	simm.s32 $0x0;
	[sflag:s16] =	ssyncadd.s32 $0xFFFFE0C0  }
0x11f: {  	s31 =	sand.u32 $0x1FE0, s21;
	v1 =	vld [tilespmem:s30+$0x40]  }
0x120: {  	v2 =	vld [tilespmem:s31+$0x15C00]  }
0x121: {  	v15 =	vld [tilespmem:s30+$0xFFFFFFC0]  }
0x122: {  	v16 =	vld [tilespmem:s30+$0xFFFFFFD0]  }
0x123: {  	v17 =	vld [tilespmem:s30+$0xFFFFFFE0]  }
0x124: {  	v18 =	vld [tilespmem:s30+$0xFFFFFFF0];
	v3 =	vshll.u32 v1, $0x2  }
0x125: {  	v22 =	vld [tilespmem:s30+$0x0];
	v4 =	vand.u32 $0x7F, v1;
	v5 =	vshll.u32 v2, $0x2;
	v3 =	vand.u32 $0xFE00, v3  }
0x126: {  	v23 =	vld [tilespmem:s30+$0x10];
	v42 =	vand.u32 $0xFE00, v5;
	v20 =	vor.u32 v4, v3;
	v3 =	vand.u32 $0x7F, v2  }
0x127: {  	v25 =	vld [tilespmem:s30+$0x20];
	v24 =	vor.u32 v3, v42  }
0x128: {  	s22 =	simm.s32 $0x19AD0;
	v26 =	vld [tilespmem:s30+$0xFFFFFFB0]  }
0x129: {  	v19 =	vld [tilespmem:s22+$0x40]  }
0x12a: {  	v21 =	vld [tilespmem:s31+$0x19B00];
	v44 =	vshrl.u32 v1, $0xE;
	v1 =	vshrl.u32 v1, $0xC  }
0x12b: {  	v6 =	vshll.u32 v16, $0x2;
	v8 =	vshrl.u32 v2, $0xE;
	v46 =	vshll.u32 v17, $0x2;
	v43 =	vld.idx.msk [tilespmem:v20+s3+$0x0], $0xffff  }
0x12c: {  	v12 =	vand.u32 $0x7F, v15;
	v5 =	vand.u32 $0x7F, v44;
	v1 =	vand.u32 $0xFFE00, v1;
	v7 =	vld.idx.msk [tilespmem:v24+s3+$0x0], $0xffff  }
0x12d: {  	v45 =	vand.u32 $0x7F, v8;
	v2 =	vshrl.u32 v2, $0xC;
	v27 =	vor.u32 v5, v1;
	v1 =	vld [tilespmem:s22+$0xFFFFFFB0]  }
0x12e: {  	v4 =	vld [tilespmem:s22+$0xFFFFFFE0];
	v3 =	vshll.u32 v15, $0x2;
	v2 =	vand.u32 $0xFFE00, v2;
	v8 =	vor.u32 $0x80, v20  }
0x12f: {  	v47 =	vshll.u32 v26, $0x2;
	v9 =	vand.u32 $0xFE00, v3;
	v3 =	vld [tilespmem:s22+$0xFFFFFFC0];
	v28 =	vor.u32 v45, v2  }
0x130: {  	v14 =	vand.u32 $0x7F, v26;
	v5 =	vand.u32 $0xFE00, v47;
	v2 =	vld [tilespmem:s22+$0xFFFFFFD0];
	v11 =	vmul.f32 v43, v19  }
0x131: {  	v10 =	vor.u32 $0x80, v24;
	v29 =	vmul.f32 v7, v21;
	v7 =	vor.u32 v14, v5;
	v5 =	vld [tilespmem:s22+$0xFFFFFFF0]  }
0x132: {  	v30 =	vand.u32 $0x7F, v16;
	v49 =	vshll.u32 v22, $0x2;
	v51 =	vshll.u32 v23, $0x2;
	[tilespmem:v27+s15+$0x0] =	vst.idx.add.f32.msk $0xffff, v11  }
0x133: {  	v35 =	vand.u32 $0x7F, v22;
	v6 =	vand.u32 $0xFE00, v6;
	v48 =	vld.idx.msk [tilespmem:v8+s3+$0x0], $0xffff;
	v8 =	vor.u32 v12, v9  }
0x134: {  	v38 =	vand.u32 $0x7F, v23;
	v50 =	vand.u32 $0xFE00, v49;
	[tilespmem:v28+s15+$0x0] =	vst.idx.add.f32.msk $0xffff, v29;
	v9 =	vor.u32 v30, v6  }
0x135: {  	v13 =	vand.u32 $0xFE00, v46;
	v11 =	vshll.u32 v18, $0x2;
	v6 =	vld [tilespmem:s22+$0x0];
	v12 =	vor.u32 v35, v50  }
0x136: {  	v52 =	vor.u32 $0x80, v27;
	v31 =	vand.u32 $0xFE00, v11;
	v11 =	vand.u32 $0x7F, v17;
	v29 =	vld.idx.msk [tilespmem:v10+s3+$0x0], $0xffff  }
0x137: {  	v41 =	vand.u32 $0x7F, v25;
	v10 =	vshll.u32 v25, $0x2;
	v11 =	vor.u32 v11, v13;
	v36 =	vld.idx.msk [tilespmem:v7+s3+$0x0], $0xffff  }
0x138: {  	v34 =	vor.u32 $0x100, v20;
	v33 =	vand.u32 $0xFE00, v10;
	v10 =	vand.u32 $0x7F, v18;
	v39 =	vld.idx.msk [tilespmem:v8+s3+$0x0], $0xffff  }
0x139: {  	v37 =	vor.u32 $0x80, v28;
	v10 =	vor.u32 v10, v31;
	v14 =	vmul.f32 v48, v19;
	v31 =	vld.idx.msk [tilespmem:v9+s3+$0x0], $0xffff  }
0x13a: {  	v53 =	vshrl.u32 v15, $0xE;
	v54 =	vshrl.u32 v16, $0xE;
	v32 =	vand.u32 $0xFE00, v51;
	v45 =	vld.idx.msk [tilespmem:v12+s3+$0x0], $0xffff  }
0x13b: {  	v42 =	vshrl.u32 v26, $0xE;
	v26 =	vshrl.u32 v26, $0xC;
	v13 =	vor.u32 v41, v33;
	[tilespmem:v52+s15+$0x0] =	vst.idx.add.f32.msk $0xffff, v14  }
0x13c: {  	v40 =	vor.u32 $0x100, v24;
	v29 =	vmul.f32 v29, v21;
	v14 =	vor.u32 v38, v32;
	v38 =	vld.idx.msk [tilespmem:v11+s3+$0x0], $0xffff  }
0x13d: {  	v55 =	vshrl.u32 v17, $0xE;
	v42 =	vand.u32 $0x7F, v42;
	v26 =	vand.u32 $0xFFE00, v26;
	v30 =	vld.idx.msk [tilespmem:v34+s3+$0x0], $0xffff  }
0x13e: {  	v56 =	vshrl.u32 v17, $0xC;
	v15 =	vshrl.u32 v15, $0xC;
	v17 =	vor.u32 v42, v26;
	[tilespmem:v37+s15+$0x0] =	vst.idx.add.f32.msk $0xffff, v29  }
0x13f: {  	v16 =	vshrl.u32 v16, $0xC;
	v15 =	vand.u32 $0xFFE00, v15;
	v32 =	vand.u32 $0x7F, v53;
	v43 =	vld.idx.msk [tilespmem:v10+s3+$0x0], $0xffff  }
0x140: {  	v58 =	vshrl.u32 v18, $0xE;
	v59 =	vshrl.u32 v18, $0xC;
	v48 =	vld.idx.msk [tilespmem:v13+s3+$0x0], $0xffff;
	v18 =	vor.u32 v32, v15  }
0x141: {  	v61 =	vshrl.u32 v22, $0xE;
	v60 =	vor.u32 $0x100, v27;
	v36 =	vmul.f32 v36, v1;
	v57 =	vld.idx.msk [tilespmem:v40+s3+$0x0], $0xffff  }
0x142: {  	v62 =	vshrl.u32 v22, $0xC;
	v44 =	vshrl.u32 v23, $0xE;
	v20 =	vor.u32 $0x180, v20;
	v15 =	vld [tilespmem:s22+$0x10]  }
0x143: {  	v63 =	vor.u32 $0x100, v28;
	v52 =	vand.u32 $0x7F, v54;
	v54 =	vmul.f32 v39, v3;
	[tilespmem:v17+s15+$0x0] =	vst.idx.add.f32.msk $0xffff, v36  }
0x144: {  	v23 =	vshrl.u32 v23, $0xC;
	v55 =	vand.u32 $0x7F, v55;
	v47 =	vld.idx.msk [tilespmem:v14+s3+$0x0], $0xffff;
	v30 =	vmul.f32 v30, v19  }
0x145: {  	v56 =	vand.u32 $0xFFE00, v56;
	v58 =	vand.u32 $0x7F, v58;
	v24 =	vor.u32 $0x180, v24;
	[tilespmem:v18+s15+$0x0] =	vst.idx.add.f32.msk $0xffff, v54  }
0x146: {  	v59 =	vand.u32 $0xFFE00, v59;
	v22 =	vor.u32 v55, v56;
	v49 =	vmul.f32 v57, v21;
	[tilespmem:v60+s15+$0x0] =	vst.idx.add.f32.msk $0xffff, v30  }
0x147: {  	v16 =	vand.u32 $0xFFE00, v16;
	v23 =	vand.u32 $0xFFE00, v23;
	v30 =	vor.u32 v58, v59;
	v53 =	vld.idx.msk [tilespmem:v20+s3+$0x0], $0xffff  }
0x148: {  	v60 =	vand.u32 $0x7F, v61;
	v61 =	vand.u32 $0xFFE00, v62;
	[tilespmem:v63+s15+$0x0] =	vst.idx.add.f32.msk $0xffff, v49;
	v20 =	vor.u32 v52, v16  }
0x149: {  	v62 =	vand.u32 $0x7F, v44;
	v16 =	vld [tilespmem:s22+$0x20];
	v63 =	vmul.f32 v38, v4;
	v32 =	vor.u32 v60, v61  }
0x14a: {  	v46 =	vshrl.u32 v25, $0xE;
	v41 =	vmul.f32 v43, v5;
	v23 =	vor.u32 v62, v23;
	v24 =	vld.idx.msk [tilespmem:v24+s3+$0x0], $0xffff  }
0x14b: {  	v40 =	vand.u32 $0x7F, v46;
	v46 =	vor.u32 $0x80, v9;
	v57 =	vmul.f32 v31, v2;
	[tilespmem:v22+s15+$0x0] =	vst.idx.add.f32.msk $0xffff, v63  }
0x14c: {  	v25 =	vshrl.u32 v25, $0xC;
	v51 =	vor.u32 $0x80, v14;
	v43 =	vmul.f32 v45, v6;
	[tilespmem:v30+s15+$0x0] =	vst.idx.add.f32.msk $0xffff, v41  }
0x14d: {  	v27 =	vor.u32 $0x180, v27;
	v25 =	vand.u32 $0xFFE00, v25;
	v45 =	vmul.f32 v47, v15;
	[tilespmem:v20+s15+$0x0] =	vst.idx.add.f32.msk $0xffff, v57  }
0x14e: {  	v25 =	vor.u32 v40, v25;
	[tilespmem:v32+s15+$0x0] =	vst.idx.add.f32.msk $0xffff, v43  }
0x14f: {  	v42 =	vor.u32 $0x80, v7;
	[tilespmem:v23+s15+$0x0] =	vst.idx.add.f32.msk $0xffff, v45  }
0x150: {  	v49 =	vor.u32 $0x80, v10;
	v19 =	vmul.f32 v53, v19;
	v21 =	vmul.f32 v24, v21;
	v24 =	vld.idx.msk [tilespmem:v46+s3+$0x0], $0xffff  }
0x151: {  	v28 =	vor.u32 $0x180, v28;
	v47 =	vmul.f32 v48, v16;
	v29 =	vld.idx.msk [tilespmem:v51+s3+$0x0], $0xffff  }
0x152: {  	v44 =	vor.u32 $0x80, v8;
	[tilespmem:v27+s15+$0x0] =	vst.idx.add.f32.msk $0xffff, v19  }
0x153: {  	v50 =	vor.u32 $0x80, v12;
	[tilespmem:v25+s15+$0x0] =	vst.idx.add.f32.msk $0xffff, v47  }
0x154: {  	v52 =	vor.u32 $0x80, v13;
	v19 =	vld.idx.msk [tilespmem:v42+s3+$0x0], $0xffff  }
0x155: {  	v48 =	vor.u32 $0x80, v11;
	v27 =	vld.idx.msk [tilespmem:v49+s3+$0x0], $0xffff  }
0x156: {  	v55 =	vor.u32 $0x80, v20;
	[tilespmem:v28+s15+$0x0] =	vst.idx.add.f32.msk $0xffff, v21  }
0x157: {  	v60 =	vor.u32 $0x80, v23;
	v21 =	vld.idx.msk [tilespmem:v44+s3+$0x0], $0xffff  }
0x158: {  	v53 =	vor.u32 $0x80, v17;
	v28 =	vld.idx.msk [tilespmem:v50+s3+$0x0], $0xffff  }
0x159: {  	v57 =	vor.u32 $0x80, v30;
	v31 =	vld.idx.msk [tilespmem:v52+s3+$0x0], $0xffff;
	v59 =	vmul.f32 v24, v2  }
0x15a: {  	v37 =	vor.u32 $0x100, v9;
	v26 =	vld.idx.msk [tilespmem:v48+s3+$0x0], $0xffff;
	v36 =	vmul.f32 v29, v15  }
0x15b: {  	v54 =	vor.u32 $0x80, v18;
	v19 =	vmul.f32 v19, v1;
	[tilespmem:v55+s15+$0x0] =	vst.idx.add.f32.msk $0xffff, v59  }
0x15c: {  	v58 =	vor.u32 $0x80, v32;
	v63 =	vmul.f32 v27, v5;
	[tilespmem:v60+s15+$0x0] =	vst.idx.add.f32.msk $0xffff, v36  }
0x15d: {  	v62 =	vor.u32 $0x80, v25;
	[tilespmem:v53+s15+$0x0] =	vst.idx.add.f32.msk $0xffff, v19  }
0x15e: {  	v33 =	vor.u32 $0x100, v7;
	v21 =	vmul.f32 v21, v3;
	[tilespmem:v57+s15+$0x0] =	vst.idx.add.f32.msk $0xffff, v63  }
0x15f: {  	v41 =	vor.u32 $0x100, v10;
	v34 =	vmul.f32 v28, v6;
	v29 =	vld.idx.msk [tilespmem:v37+s3+$0x0], $0xffff  }
0x160: {  	v44 =	vor.u32 $0x100, v14;
	v39 =	vmul.f32 v31, v16;
	[tilespmem:v54+s15+$0x0] =	vst.idx.add.f32.msk $0xffff, v21  }
0x161: {  	v35 =	vor.u32 $0x100, v8;
	[tilespmem:v58+s15+$0x0] =	vst.idx.add.f32.msk $0xffff, v34  }
0x162: {  	v42 =	vor.u32 $0x100, v12;
	[tilespmem:v62+s15+$0x0] =	vst.idx.add.f32.msk $0xffff, v39  }
0x163: {  	v46 =	vor.u32 $0x100, v13;
	v43 =	vld.idx.msk [tilespmem:v33+s3+$0x0], $0xffff  }
0x164: {  	v56 =	vor.u32 $0x80, v22;
	v19 =	vld.idx.msk [tilespmem:v41+s3+$0x0], $0xffff  }
0x165: {  	v40 =	vor.u32 $0x100, v11;
	v61 =	vmul.f32 v26, v4;
	v26 =	vld.idx.msk [tilespmem:v44+s3+$0x0], $0xffff  }
0x166: {  	v49 =	vor.u32 $0x100, v20;
	v45 =	vld.idx.msk [tilespmem:v35+s3+$0x0], $0xffff  }
0x167: {  	v47 =	vor.u32 $0x100, v17;
	v21 =	vld.idx.msk [tilespmem:v42+s3+$0x0], $0xffff  }
0x168: {  	v51 =	vor.u32 $0x100, v30;
	v28 =	vld.idx.msk [tilespmem:v46+s3+$0x0], $0xffff  }
0x169: {  	v54 =	vor.u32 $0x100, v23;
	[tilespmem:v56+s15+$0x0] =	vst.idx.add.f32.msk $0xffff, v61;
	v53 =	vmul.f32 v29, v2  }
0x16a: {  	v9 =	vor.u32 $0x180, v9;
	v31 =	vld.idx.msk [tilespmem:v40+s3+$0x0], $0xffff;
	v24 =	vmul.f32 v43, v1  }
0x16b: {  	v48 =	vor.u32 $0x100, v18;
	v19 =	vmul.f32 v19, v5;
	[tilespmem:v49+s15+$0x0] =	vst.idx.add.f32.msk $0xffff, v53  }
0x16c: {  	v52 =	vor.u32 $0x100, v32;
	v57 =	vmul.f32 v26, v15;
	[tilespmem:v47+s15+$0x0] =	vst.idx.add.f32.msk $0xffff, v24  }
0x16d: {  	v56 =	vor.u32 $0x100, v25;
	[tilespmem:v51+s15+$0x0] =	vst.idx.add.f32.msk $0xffff, v19  }
0x16e: {  	v7 =	vor.u32 $0x180, v7;
	v27 =	vmul.f32 v45, v3;
	[tilespmem:v54+s15+$0x0] =	vst.idx.add.f32.msk $0xffff, v57  }
0x16f: {  	v10 =	vor.u32 $0x180, v10;
	v21 =	vmul.f32 v21, v6;
	v9 =	vld.idx.msk [tilespmem:v9+s3+$0x0], $0xffff  }
0x170: {  	v8 =	vor.u32 $0x180, v8;
	v58 =	vmul.f32 v28, v16;
	[tilespmem:v48+s15+$0x0] =	vst.idx.add.f32.msk $0xffff, v27  }
0x171: {  	v50 =	vor.u32 $0x100, v22;
	[tilespmem:v52+s15+$0x0] =	vst.idx.add.f32.msk $0xffff, v21  }
0x172: {  	v11 =	vor.u32 $0x180, v11;
	[tilespmem:v56+s15+$0x0] =	vst.idx.add.f32.msk $0xffff, v58  }
0x173: {  	v12 =	vor.u32 $0x180, v12;
	v7 =	vld.idx.msk [tilespmem:v7+s3+$0x0], $0xffff  }
0x174: {  	v14 =	vor.u32 $0x180, v14;
	v55 =	vmul.f32 v31, v4;
	v10 =	vld.idx.msk [tilespmem:v10+s3+$0x0], $0xffff  }
0x175: {  	v13 =	vor.u32 $0x180, v13;
	v8 =	vld.idx.msk [tilespmem:v8+s3+$0x0], $0xffff  }
0x176: {  	v17 =	vor.u32 $0x180, v17;
	[tilespmem:v50+s15+$0x0] =	vst.idx.add.f32.msk $0xffff, v55  }
0x177: {  	v18 =	vor.u32 $0x180, v18;
	v11 =	vld.idx.msk [tilespmem:v11+s3+$0x0], $0xffff  }
0x178: {  	v59 =	vor.u32 $0x180, v20;
	v12 =	vld.idx.msk [tilespmem:v12+s3+$0x0], $0xffff  }
0x179: {  	v60 =	vor.u32 $0x180, v22;
	v61 =	vld.idx.msk [tilespmem:v14+s3+$0x0], $0xffff;
	v1 =	vmul.f32 v7, v1  }
0x17a: {  	v63 =	vor.u32 $0x180, v32;
	v3 =	vmul.f32 v8, v3;
	v8 =	vld.idx.msk [tilespmem:v13+s3+$0x0], $0xffff  }
0x17b: {  	v62 =	vor.u32 $0x180, v30;
	[tilespmem:v17+s15+$0x0] =	vst.idx.add.f32.msk $0xffff, v1;
	v1 =	vmul.f32 v9, v2  }
0x17c: {  	[tilespmem:v18+s15+$0x0] =	vst.idx.add.f32.msk $0xffff, v3;
	v2 =	vmul.f32 v11, v4  }
0x17d: {  	v3 =	vmul.f32 v12, v6;
	[tilespmem:v59+s15+$0x0] =	vst.idx.add.f32.msk $0xffff, v1  }
0x17e: {  	v1 =	vmul.f32 v10, v5;
	[tilespmem:v60+s15+$0x0] =	vst.idx.add.f32.msk $0xffff, v2  }
0x17f: {  	v9 =	vor.u32 $0x180, v23;
	[tilespmem:v63+s15+$0x0] =	vst.idx.add.f32.msk $0xffff, v3  }
0x180: {  	s24 =	simm.s32 $0x15C70;
	s23 =	simm.s32 $0x0;
	v10 =	vor.u32 $0x180, v25;
	v2 =	vmul.f32 v61, v15;
	[tilespmem:v62+s15+$0x0] =	vst.idx.add.f32.msk $0xffff, v1;
	v1 =	vmul.f32 v8, v16  }
.LBB2_7:
0x181: {  	v3 =	vld [tilespmem:s24+$0x40];
	s21 =	sadd.s32 $0xA0, s21  }
0x182: {  	s23 =	sadd.s32 $0xA, s23;
	v6 =	vld [tilespmem:s24+$0xFFFFFFC0];
	s25 =	sand.u32 $0x1FE0, s21  }
0x183: {  	p0 =	slt.u32 s23, $0x1EA;
	v4 =	vld [tilespmem:s25+$0x15C00]  }
0x184: {  	v21 =	vld [tilespmem:s24+$0xFFFFFFD0]  }
0x185: {  	v22 =	vld [tilespmem:s24+$0xFFFFFFE0]  }
0x186: {  	v23 =	vld [tilespmem:s24+$0xFFFFFFF0];
	v5 =	vshll.u32 v3, $0x2  }
0x187: {  	v8 =	vand.u32 $0x7F, v3;
	v7 =	vshll.u32 v6, $0x2;
	v24 =	vld [tilespmem:s24+$0x0];
	v5 =	vand.u32 $0xFE00, v5  }
0x188: {  	v11 =	vand.u32 $0xFE00, v7;
	v25 =	vld [tilespmem:s24+$0x10];
	v12 =	vshll.u32 v4, $0x2;
	v7 =	vor.u32 v8, v5  }
0x189: {  	v8 =	vand.u32 $0x7F, v4;
	v5 =	vshll.u32 v21, $0x2;
	v26 =	vld [tilespmem:s24+$0x20];
	v12 =	vand.u32 $0xFE00, v12  }
0x18a: {  	v27 =	vld [tilespmem:s24+$0xFFFFFFB0];
	v5 =	vand.u32 $0xFE00, v5;
	v13 =	vshll.u32 v22, $0x2;
	v8 =	vor.u32 v8, v12  }
0x18b: {  	v12 =	vand.u32 $0x7F, v6;
	v13 =	vand.u32 $0xFE00, v13;
	v14 =	vshll.u32 v23, $0x2;
	[tilespmem:v9+s15+$0x0] =	vst.idx.add.f32.msk $0xffff, v2  }
0x18c: {  	v9 =	vand.u32 $0x7F, v21;
	v14 =	vand.u32 $0xFE00, v14;
	v2 =	vshll.u32 v24, $0x2;
	[tilespmem:v10+s15+$0x0] =	vst.idx.add.f32.msk $0xffff, v1  }
0x18d: {  	s22 =	sadd.s32 $0xA0, s22;
	v15 =	vand.u32 $0x7F, v22;
	v28 =	vand.u32 $0xFE00, v2;
	v10 =	vshll.u32 v25, $0x2;
	v16 =	vld.idx.msk [tilespmem:v7+s3+$0x0], $0xffff  }
0x18e: {  	v1 =	vshrl.u32 v3, $0xE;
	v2 =	vshrl.u32 v3, $0xC;
	v29 =	vshll.u32 v26, $0x2;
	v17 =	vld [tilespmem:s22+$0x40]  }
0x18f: {  	v1 =	vand.u32 $0x7F, v1;
	v2 =	vand.u32 $0xFFE00, v2;
	v3 =	vshll.u32 v27, $0x2;
	v30 =	vld.idx.msk [tilespmem:v8+s3+$0x0], $0xffff  }
0x190: {  	v20 =	vshrl.u32 v4, $0xE;
	v4 =	vshrl.u32 v4, $0xC;
	v19 =	vor.u32 v1, v2;
	v18 =	vld [tilespmem:s25+$0x19B00]  }
0x191: {  	v20 =	vand.u32 $0x7F, v20;
	v4 =	vand.u32 $0xFFE00, v4;
	v31 =	vor.u32 $0x80, v7;
	v1 =	vld [tilespmem:s22+$0xFFFFFFB0]  }
0x192: {  	v20 =	vor.u32 v20, v4;
	v33 =	vand.u32 $0xFE00, v10;
	v32 =	vand.u32 $0xFE00, v3;
	v2 =	vld [tilespmem:s22+$0xFFFFFFC0]  }
0x193: {  	v34 =	vor.u32 $0x80, v8;
	v29 =	vand.u32 $0xFE00, v29;
	v3 =	vld [tilespmem:s22+$0xFFFFFFD0];
	v10 =	vmul.f32 v16, v17  }
0x194: {  	v35 =	vand.u32 $0x7F, v23;
	v36 =	vand.u32 $0x7F, v24;
	v16 =	vand.u32 $0x7F, v27;
	v4 =	vld [tilespmem:s22+$0xFFFFFFE0]  }
0x195: {  	v37 =	vand.u32 $0x7F, v25;
	v38 =	vand.u32 $0x7F, v26;
	v30 =	vmul.f32 v30, v18;
	[tilespmem:v19+s15+$0x0] =	vst.idx.add.f32.msk $0xffff, v10  }
0x196: {  	v11 =	vor.u32 v12, v11;
	v16 =	vor.u32 v16, v32;
	v10 =	vor.u32 v9, v5;
	v31 =	vld.idx.msk [tilespmem:v31+s3+$0x0], $0xffff  }
0x197: {  	v13 =	vor.u32 v15, v13;
	v12 =	vor.u32 v35, v14;
	v32 =	vshrl.u32 v27, $0xE;
	[tilespmem:v20+s15+$0x0] =	vst.idx.add.f32.msk $0xffff, v30  }
0x198: {  	v14 =	vor.u32 v36, v28;
	v15 =	vor.u32 v37, v33;
	v9 =	vor.u32 v38, v29;
	v28 =	vld.idx.msk [tilespmem:v34+s3+$0x0], $0xffff  }
0x199: {  	v27 =	vshrl.u32 v27, $0xC;
	v29 =	vshrl.u32 v6, $0xE;
	v30 =	vor.u32 $0x80, v19;
	v5 =	vld [tilespmem:s22+$0xFFFFFFF0]  }
0x19a: {  	v35 =	vor.u32 $0x100, v7;
	v33 =	vshrl.u32 v6, $0xC;
	v34 =	vshrl.u32 v21, $0xE;
	v6 =	vld [tilespmem:s22+$0x0]  }
0x19b: {  	v37 =	vshrl.u32 v22, $0xE;
	v38 =	vor.u32 $0x80, v20;
	v21 =	vshrl.u32 v21, $0xC;
	v36 =	vld.idx.msk [tilespmem:v16+s3+$0x0], $0xffff  }
0x19c: {  	v40 =	vor.u32 $0x100, v8;
	v22 =	vshrl.u32 v22, $0xC;
	v31 =	vmul.f32 v31, v17;
	v39 =	vld.idx.msk [tilespmem:v11+s3+$0x0], $0xffff  }
0x19d: {  	v42 =	vshrl.u32 v23, $0xE;
	v23 =	vshrl.u32 v23, $0xC;
	v43 =	vshrl.u32 v24, $0xE;
	v41 =	vld.idx.msk [tilespmem:v10+s3+$0x0], $0xffff  }
0x19e: {  	v24 =	vshrl.u32 v24, $0xC;
	v44 =	vshrl.u32 v25, $0xE;
	v28 =	vmul.f32 v28, v18;
	[tilespmem:v30+s15+$0x0] =	vst.idx.add.f32.msk $0xffff, v31  }
0x19f: {  	v25 =	vshrl.u32 v25, $0xC;
	v30 =	vshrl.u32 v26, $0xE;
	v26 =	vshrl.u32 v26, $0xC;
	v31 =	vld.idx.msk [tilespmem:v35+s3+$0x0], $0xffff  }
0x1a0: {  	v32 =	vand.u32 $0x7F, v32;
	v27 =	vand.u32 $0xFFE00, v27;
	v29 =	vand.u32 $0x7F, v29;
	[tilespmem:v38+s15+$0x0] =	vst.idx.add.f32.msk $0xffff, v28  }
0x1a1: {  	v33 =	vand.u32 $0xFFE00, v33;
	v34 =	vand.u32 $0x7F, v34;
	v28 =	vmul.f32 v36, v1;
	v35 =	vld.idx.msk [tilespmem:v40+s3+$0x0], $0xffff  }
0x1a2: {  	v21 =	vand.u32 $0xFFE00, v21;
	v36 =	vmul.f32 v39, v2;
	v39 =	vor.u32 $0x100, v19;
	v38 =	vld.idx.msk [tilespmem:v13+s3+$0x0], $0xffff  }
0x1a3: {  	v7 =	vor.u32 $0x180, v7;
	v37 =	vand.u32 $0x7F, v37;
	v40 =	vmul.f32 v41, v3;
	v41 =	vld.idx.msk [tilespmem:v12+s3+$0x0], $0xffff  }
0x1a4: {  	v46 =	vor.u32 $0x100, v20;
	v42 =	vand.u32 $0x7F, v42;
	v22 =	vand.u32 $0xFFE00, v22;
	v45 =	vld.idx.msk [tilespmem:v14+s3+$0x0], $0xffff  }
0x1a5: {  	v23 =	vand.u32 $0xFFE00, v23;
	v8 =	vor.u32 $0x180, v8;
	v31 =	vmul.f32 v31, v17;
	v47 =	vld.idx.msk [tilespmem:v15+s3+$0x0], $0xffff  }
0x1a6: {  	v43 =	vand.u32 $0x7F, v43;
	v24 =	vand.u32 $0xFFE00, v24;
	v44 =	vand.u32 $0x7F, v44;
	v48 =	vld.idx.msk [tilespmem:v9+s3+$0x0], $0xffff  }
0x1a7: {  	v25 =	vand.u32 $0xFFE00, v25;
	v30 =	vand.u32 $0x7F, v30;
	v35 =	vmul.f32 v35, v18;
	[tilespmem:v39+s15+$0x0] =	vst.idx.add.f32.msk $0xffff, v31  }
0x1a8: {  	v27 =	vor.u32 v32, v27;
	v26 =	vand.u32 $0xFFE00, v26;
	v31 =	vmul.f32 v38, v4;
	v32 =	vld.idx.msk [tilespmem:v7+s3+$0x0], $0xffff  }
0x1a9: {  	v29 =	vor.u32 v29, v33;
	v38 =	vor.u32 $0x80, v16;
	v33 =	vmul.f32 v41, v5;
	[tilespmem:v46+s15+$0x0] =	vst.idx.add.f32.msk $0xffff, v35  }
0x1aa: {  	v22 =	vor.u32 v37, v22;
	v21 =	vor.u32 v34, v21;
	v34 =	vmul.f32 v45, v6;
	v35 =	vld.idx.msk [tilespmem:v8+s3+$0x0], $0xffff  }
0x1ab: {  	v23 =	vor.u32 v42, v23;
	v24 =	vor.u32 v43, v24;
	v25 =	vor.u32 v44, v25;
	v7 =	vld [tilespmem:s22+$0x10]  }
0x1ac: {  	v37 =	vor.u32 $0x80, v11;
	v26 =	vor.u32 v30, v26;
	v19 =	vor.u32 $0x180, v19;
	v8 =	vld [tilespmem:s22+$0x20]  }
0x1ad: {  	v20 =	vor.u32 $0x180, v20;
	v30 =	vor.u32 $0x80, v13;
	[tilespmem:v27+s15+$0x0] =	vst.idx.add.f32.msk $0xffff, v28;
	v28 =	vor.u32 $0x80, v10  }
0x1ae: {  	v39 =	vor.u32 $0x80, v14;
	v41 =	vor.u32 $0x80, v15;
	[tilespmem:v29+s15+$0x0] =	vst.idx.add.f32.msk $0xffff, v36;
	v36 =	vor.u32 $0x80, v12  }
0x1af: {  	v42 =	vor.u32 $0x80, v27;
	v17 =	vmul.f32 v32, v17;
	[tilespmem:v21+s15+$0x0] =	vst.idx.add.f32.msk $0xffff, v40;
	v40 =	vor.u32 $0x80, v9  }
0x1b0: {  	v32 =	vor.u32 $0x80, v29;
	v18 =	vmul.f32 v35, v18;
	[tilespmem:v22+s15+$0x0] =	vst.idx.add.f32.msk $0xffff, v31;
	v31 =	vmul.f32 v47, v7  }
0x1b1: {  	v43 =	vor.u32 $0x80, v22;
	v35 =	vor.u32 $0x80, v21;
	v44 =	vmul.f32 v48, v8;
	[tilespmem:v19+s15+$0x0] =	vst.idx.add.f32.msk $0xffff, v17  }
0x1b2: {  	v45 =	vor.u32 $0x80, v25;
	v17 =	vor.u32 $0x80, v23;
	v19 =	vor.u32 $0x80, v24;
	[tilespmem:v20+s15+$0x0] =	vst.idx.add.f32.msk $0xffff, v18  }
0x1b3: {  	v18 =	vor.u32 $0x100, v16;
	v20 =	vor.u32 $0x100, v11;
	[tilespmem:v23+s15+$0x0] =	vst.idx.add.f32.msk $0xffff, v33;
	v33 =	vor.u32 $0x80, v26  }
0x1b4: {  	v46 =	vor.u32 $0x100, v10;
	v47 =	vor.u32 $0x100, v13;
	v48 =	vor.u32 $0x100, v12;
	[tilespmem:v24+s15+$0x0] =	vst.idx.add.f32.msk $0xffff, v34  }
0x1b5: {  	v49 =	vor.u32 $0x100, v9;
	v34 =	vor.u32 $0x100, v14;
	[tilespmem:v25+s15+$0x0] =	vst.idx.add.f32.msk $0xffff, v31;
	v31 =	vor.u32 $0x100, v15  }
0x1b6: {  	v50 =	vor.u32 $0x100, v27;
	v51 =	vor.u32 $0x100, v29;
	v52 =	vor.u32 $0x100, v21;
	[tilespmem:v26+s15+$0x0] =	vst.idx.add.f32.msk $0xffff, v44  }
0x1b7: {  	v53 =	vor.u32 $0x100, v23;
	v54 =	vor.u32 $0x100, v24;
	v44 =	vor.u32 $0x100, v22;
	v38 =	vld.idx.msk [tilespmem:v38+s3+$0x0], $0xffff  }
0x1b8: {  	v55 =	vor.u32 $0x100, v25;
	v56 =	vor.u32 $0x100, v26;
	v16 =	vor.u32 $0x180, v16;
	v37 =	vld.idx.msk [tilespmem:v37+s3+$0x0], $0xffff  }
0x1b9: {  	v57 =	vor.u32 $0x180, v10;
	v13 =	vor.u32 $0x180, v13;
	v11 =	vor.u32 $0x180, v11;
	v28 =	vld.idx.msk [tilespmem:v28+s3+$0x0], $0xffff  }
0x1ba: {  	v12 =	vor.u32 $0x180, v12;
	v14 =	vor.u32 $0x180, v14;
	v15 =	vor.u32 $0x180, v15;
	v30 =	vld.idx.msk [tilespmem:v30+s3+$0x0], $0xffff  }
0x1bb: {  	v58 =	vor.u32 $0x180, v9;
	v27 =	vor.u32 $0x180, v27;
	v29 =	vor.u32 $0x180, v29;
	v36 =	vld.idx.msk [tilespmem:v36+s3+$0x0], $0xffff  }
0x1bc: {  	v21 =	vor.u32 $0x180, v21;
	v23 =	vor.u32 $0x180, v23;
	v22 =	vor.u32 $0x180, v22;
	v39 =	vld.idx.msk [tilespmem:v39+s3+$0x0], $0xffff  }
0x1bd: {  	v9 =	vor.u32 $0x180, v25;
	v24 =	vor.u32 $0x180, v24;
	v38 =	vmul.f32 v38, v1;
	v41 =	vld.idx.msk [tilespmem:v41+s3+$0x0], $0xffff  }
0x1be: {  	v10 =	vor.u32 $0x180, v26;
	v25 =	vmul.f32 v37, v2;
	v37 =	vld.idx.msk [tilespmem:v40+s3+$0x0], $0xffff  }
0x1bf: {  	v26 =	vmul.f32 v28, v3;
	[tilespmem:v42+s15+$0x0] =	vst.idx.add.f32.msk $0xffff, v38  }
0x1c0: {  	[tilespmem:v32+s15+$0x0] =	vst.idx.add.f32.msk $0xffff, v25;
	v25 =	vmul.f32 v30, v4  }
0x1c1: {  	[tilespmem:v35+s15+$0x0] =	vst.idx.add.f32.msk $0xffff, v26;
	v26 =	vmul.f32 v36, v5  }
0x1c2: {  	[tilespmem:v43+s15+$0x0] =	vst.idx.add.f32.msk $0xffff, v25;
	v25 =	vmul.f32 v39, v6  }
0x1c3: {  	[tilespmem:v17+s15+$0x0] =	vst.idx.add.f32.msk $0xffff, v26;
	v17 =	vmul.f32 v41, v7  }
0x1c4: {  	[tilespmem:v19+s15+$0x0] =	vst.idx.add.f32.msk $0xffff, v25;
	v19 =	vmul.f32 v37, v8  }
0x1c5: {  	[tilespmem:v45+s15+$0x0] =	vst.idx.add.f32.msk $0xffff, v17  }
0x1c6: {  	[tilespmem:v33+s15+$0x0] =	vst.idx.add.f32.msk $0xffff, v19  }
0x1c7: {  	v17 =	vld.idx.msk [tilespmem:v18+s3+$0x0], $0xffff  }
0x1c8: {  	v18 =	vld.idx.msk [tilespmem:v20+s3+$0x0], $0xffff  }
0x1c9: {  	v19 =	vld.idx.msk [tilespmem:v46+s3+$0x0], $0xffff  }
0x1ca: {  	v20 =	vld.idx.msk [tilespmem:v47+s3+$0x0], $0xffff  }
0x1cb: {  	v25 =	vld.idx.msk [tilespmem:v48+s3+$0x0], $0xffff  }
0x1cc: {  	v26 =	vld.idx.msk [tilespmem:v34+s3+$0x0], $0xffff  }
0x1cd: {  	v17 =	vmul.f32 v17, v1;
	v28 =	vld.idx.msk [tilespmem:v31+s3+$0x0], $0xffff  }
0x1ce: {  	v18 =	vmul.f32 v18, v2;
	v30 =	vld.idx.msk [tilespmem:v49+s3+$0x0], $0xffff  }
0x1cf: {  	[tilespmem:v50+s15+$0x0] =	vst.idx.add.f32.msk $0xffff, v17;
	v17 =	vmul.f32 v19, v3  }
0x1d0: {  	[tilespmem:v51+s15+$0x0] =	vst.idx.add.f32.msk $0xffff, v18;
	v18 =	vmul.f32 v20, v4  }
0x1d1: {  	[tilespmem:v52+s15+$0x0] =	vst.idx.add.f32.msk $0xffff, v17;
	v17 =	vmul.f32 v25, v5  }
0x1d2: {  	[tilespmem:v44+s15+$0x0] =	vst.idx.add.f32.msk $0xffff, v18;
	v18 =	vmul.f32 v26, v6  }
0x1d3: {  	[tilespmem:v53+s15+$0x0] =	vst.idx.add.f32.msk $0xffff, v17;
	v17 =	vmul.f32 v28, v7  }
0x1d4: {  	[tilespmem:v54+s15+$0x0] =	vst.idx.add.f32.msk $0xffff, v18;
	v18 =	vmul.f32 v30, v8  }
0x1d5: {  	[tilespmem:v55+s15+$0x0] =	vst.idx.add.f32.msk $0xffff, v17  }
0x1d6: {  	[tilespmem:v56+s15+$0x0] =	vst.idx.add.f32.msk $0xffff, v18  }
0x1d7: {  	v16 =	vld.idx.msk [tilespmem:v16+s3+$0x0], $0xffff  }
0x1d8: {  	v11 =	vld.idx.msk [tilespmem:v11+s3+$0x0], $0xffff  }
0x1d9: {  	v17 =	vld.idx.msk [tilespmem:v57+s3+$0x0], $0xffff  }
0x1da: {  	v13 =	vld.idx.msk [tilespmem:v13+s3+$0x0], $0xffff  }
0x1db: {  	v12 =	vld.idx.msk [tilespmem:v12+s3+$0x0], $0xffff  }
0x1dc: {  	v14 =	vld.idx.msk [tilespmem:v14+s3+$0x0], $0xffff  }
0x1dd: {  	v1 =	vmul.f32 v16, v1;
	v15 =	vld.idx.msk [tilespmem:v15+s3+$0x0], $0xffff  }
0x1de: {  	v2 =	vmul.f32 v11, v2;
	v11 =	vld.idx.msk [tilespmem:v58+s3+$0x0], $0xffff  }
0x1df: {  	[tilespmem:v27+s15+$0x0] =	vst.idx.add.f32.msk $0xffff, v1;
	v1 =	vmul.f32 v17, v3  }
.Ltmp2:
0x1e0: {  	[tilespmem:v29+s15+$0x0] =	vst.idx.add.f32.msk $0xffff, v2;
	v2 =	vmul.f32 v13, v4;
	(pc) =	sbr.rel @p0 .LBB2_7-.Ltmp2, $4  }
0x1e1: {  	[tilespmem:v21+s15+$0x0] =	vst.idx.add.f32.msk $0xffff, v1;
	v1 =	vmul.f32 v12, v5  }
0x1e2: {  	v3 =	vmul.f32 v14, v6;
	[tilespmem:v22+s15+$0x0] =	vst.idx.add.f32.msk $0xffff, v2  }
0x1e3: {  	v2 =	vmul.f32 v15, v7;
	[tilespmem:v23+s15+$0x0] =	vst.idx.add.f32.msk $0xffff, v1  }
0x1e4: {  	s24 =	sadd.s32 $0xA0, s24;
	v1 =	vmul.f32 v11, v8;
	[tilespmem:v24+s15+$0x0] =	vst.idx.add.f32.msk $0xffff, v3  }
0x1e5: {  	s20 =	sadd.s32 $0x1, s20  }
0x1e6: {  	p0 =	sne.s32 s20, $0x14  }
.Ltmp3:
0x1e7: {  	_ = 	snop;
	(pc) =	sbr.rel @p0 .LBB2_4-.Ltmp3, $3  }
0x1e8: {  	_ =	sdelay $0x1  }
0x1e9: {  	[tilespmem:v9+s15+$0x0] =	vst.idx.add.f32.msk $0xffff, v2  }
0x1ea: {  	[tilespmem:v10+s15+$0x0] =	vst.idx.add.f32.msk $0xffff, v1  }
0x1eb: {  	s18 =	sadd.s32 $0x1, s18  }
0x1ec: {  	p0 =	sne.s32 s18, s7  }
.Ltmp4:
0x1ed: {  	_ = 	snop;
	(pc) =	sbr.rel @p0 .LBB2_1-.Ltmp4, $4  }
0x1ee: {  	[hbm4b:s6+s8] =	stream.strided.scatter [tilespmem:s15], [sflag:$0x3], $0x9E00, s9, s8, $0x38;
	[tilespmem:$0x1BA00] =	vst v63  }
0x1ef: {  	_ =	swait.ge [sflag:s17], $0x9E00  }
0x1f0: {  	[sflag:s17] =	ssyncset.done $0x0  }
0x1f1: {  	[sflag:s17] =	ssyncadd.s32 $0xFFFF6200  }
0x1f2: {  	_ =	sfence.sel $0x180000  }
0x1f3: {  	[bflag:$0x0] =	sbarrier.arrive $0xFFFF  }
0x1f4: {  	p0 =	sne.s32 s0, $0x0;
	_ =	strace $0x90000047  }
0x1f5: {  	s0 =	sadd.s32 @!p0 $0x100000, s1;
	[bflag:$0x2] =	sbarrier.arrive $0xFFFF  }
0x1f6: {  	[sflag:s0] =	ssyncadd.tile.s32 @!p0 $0x1;
	_ =	shalt  }
.Lfunc_end2:
_tile_overlayer_lowered:
.L_overlay_start_2:
0x1f7: {  	(tag) =	ssettag $0x2  }
0x1f8: {  	s0 =	rddreg [dreg:$0x0];
	s2 =	stileid.u32  }
0x1f9: {  	s1 =	rddreg [dreg:$0x1];
	p0 =	sne.s32 s2, $0x0  }
0x1fa: {  	s3 =	rddreg [dreg:$0x2];
	[bflag:$0x3] =	sbarrier.arrive $0xFFFF;
	s2 =	simm.s32 @!p0 $0x1C03  }
0x1fb: {  	[timem:s3], [sflag:s2] =	dma.local @!p0 [hbm:s0], s1  }
0x1fc: {  	s0 =	simm.s32 @!p0 $0x3  }
0x1fd: {  	_ =	swait.ge @!p0 [sflag:s0], s1  }
0x1fe: {  	s1 =	ssub.s32 @!p0 $0x0, s1;
	[sflag:s0] =	ssyncset.done @!p0 $0x0  }
0x1ff: {  	[sflag:s0] =	ssyncadd.s32 @!p0 s1  }
0x200: {  	[bflag:$0x3] =	sbarrier.arrive $0xFFFF  }
0x201: {  	_ =	shalt  }

// kernel: kernel.13.cloned.1.call-start
scs
__scs_entry_jumppad:
0x0: {  	(pc) =	sbr.rel $0x88, $3  }
0x1: {  	(tag) =	ssettag $0x0;
	lr =	simm.s32 $0x1  }
0x2: {  	[smem:$0x3F72] =	sst lr;
	_ =	strace $0xD0000000  }
0x3: {  	_ = 	snop  }
0x4: {  	_ = 	snop  }
0x5: {  	_ = 	snop  }
0x6: {  	_ = 	snop  }
0x7: {  	_ = 	snop  }
__scs_overlays_trampoline_lowered:
0x8: {  	[smem:$0x3F81] =	sst s0  }
0x9: {  	[smem:$0x3F82] =	sst s1  }
0xa: {  	[smem:$0x3F83] =	sst s2  }
0xb: {  	[smem:$0x3F84] =	sst s3  }
0xc: {  	[smem:$0x3F85] =	sst s4  }
0xd: {  	[smem:$0x3F86] =	sst s5  }
0xe: {  	[smem:$0x3F87] =	sst s6  }
0xf: {  	[smem:$0x3F88] =	sst s7  }
0x10: {  	[smem:$0x3F89] =	sst s8  }
0x11: {  	[smem:$0x3F8A] =	sst s9;
	s0 =	simm.s32 @!p0 $0x0  }
0x12: {  	s1 =	sld [smem:$0x3F70];
	s0 =	simm.s32 @p0 $0x1  }
0x13: {  	[smem:$0x3F8B] =	sst s0;
	s0 =	simm.s32 @!p1 $0x0  }
0x14: {  	s2 =	sld [smem:$0x3F6F];
	s0 =	simm.s32 @p1 $0x1  }
0x15: {  	[smem:$0x3F8C] =	sst s0;
	s0 =	simm.s32 @!p2 $0x0  }
0x16: {  	s3 =	sld [smem:$0x3FDB];
	s0 =	simm.s32 @p2 $0x1  }
0x17: {  	s4 =	simm.s32 $0x1BF5;
	[smem:$0x3F8E] =	sst s0  }
0x18: {  	s0 =	sld [smem:$0x3F71];
	_ =	swait.ge [sflag:s4], $0x0  }
0x19: {  	s7 =	sld [smem:$0x3F72]  }
0x1a: {  	s8 =	sadd.s32 $0xFFFFE003, lr  }
0x1b: {  	s9 =	sadd.s32 $0xFFFFFEF7, lr;
	s5 =	simm.s32 $0xFFFFFFFF;
	p2 =	slt.u32 s8, $0xFFFFF086  }
0x1c: {  	p1 =	slt.u32 s9, $0xF7A;
	s5 =	simm.s32 @!p2 $0x0  }
0x1d: {  	s5 =	simm.s32 @p1 $0x1;
	p0 =	seq.s32 s7, s2  }
0x1e: {  	s7 =	smul.u32 @!p0 $0xF7A, s2;
	p2 =	seq.s32 @!p0 s5, $0x0  }
0x1f: {  	s9 =	smul.u32 $0xF7A, s1;
	s8 =	simm.s32 @!p0 $0x1BF5;
	p2 =	por !p2, p0  }
0x20: {  	[sflag:s8] =	ssyncset.s32 @!p0 $0xFFFFF086;
	s6 =	sadd.s32 @!p0 s3, s7;
	s7 =	simm.s32 @!p0 $0x108  }
0x21: {  	s3 =	sadd.s32 s3, s9;
	s6 =	sadd.s32 @!p0 $0x88, s6;
	s7 =	simm.s32 @p2 $0x1082  }
0x22: {  	[simem:s7], [sflag:s8] =	dma.local @!p0 [hbm:s6], $0xF7A  }
0x23: {  	s9 =	sor.u32 $0xD0000000, s2;
	s6 =	simm.s32 $0x108;
	_ =	swait.ge @!p0 [sflag:s8], $0x0  }
0x24: {  	s3 =	sadd.s32 $0x88, s3;
	s6 =	simm.s32 @!p1 $0x1082;
	[sflag:s4] =	ssyncset.s32 $0xFFFFF086  }
0x25: {  	[simem:s6], [sflag:s4] =	dma.local [hbm:s3], $0xF7A  }
0x26: {  	[smem:$0x3F72] =	sst s1;
	(tag) =	ssettag s2;
	_ =	strace s9  }
0x27: {  	s1 =	sld [smem:$0x3F82]  }
0x28: {  	s2 =	sld [smem:$0x3F83]  }
0x29: {  	s4 =	sld [smem:$0x3F85]  }
0x2a: {  	p0 =	seq.s32 s5, $0x0;
	s5 =	sld [smem:$0x3F86]  }
0x2b: {  	s6 =	sld [smem:$0x3F87]  }
0x2c: {  	s7 =	sld [smem:$0x3F88]  }
0x2d: {  	s3 =	simm.s32 $0x108;
	s8 =	sld [smem:$0x3F89]  }
0x2e: {  	s3 =	simm.s32 @!p0 $0x1082;
	s9 =	sld [smem:$0x3F8A]  }
0x2f: {  	lr =	sadd.s32 s0, s3;
	s0 =	sld [smem:$0x3F81]  }
0x30: {  	s3 =	sld [smem:$0x3F84]  }
0x31: {  	[smem:$0x3F8D] =	sst s10  }
0x32: {  	s10 =	sld [smem:$0x3F8B];
	_ =	sdelay $0x3  }
0x33: {  	p0 =	seq.s32 s10, $0x1;
	s10 =	sld [smem:$0x3F8D];
	_ =	sdelay $0x3  }
0x34: {  	[smem:$0x3F8D] =	sst s10  }
0x35: {  	s10 =	sld [smem:$0x3F8C];
	_ =	sdelay $0x3  }
0x36: {  	p1 =	seq.s32 s10, $0x1;
	s10 =	sld [smem:$0x3F8D];
	_ =	sdelay $0x3  }
0x37: {  	[smem:$0x3F8D] =	sst s10  }
0x38: {  	s10 =	sld [smem:$0x3F8E]  }
0x39: {  	_ = 	snop;
	(pc) =	sbr.ind lr, $3  }
0x3a: {  	_ = 	snop  }
0x3b: {  	_ = 	snop  }
0x3c: {  	p2 =	seq.s32 s10, $0x1;
	s10 =	sld [smem:$0x3F8D]  }
0x3d: {  	_ =	shalt  }
0x3e: {  	_ =	shalt  }
0x3f: {  	_ =	shalt  }
0x40: {  	_ =	shalt  }
0x41: {  	_ =	shalt  }
0x42: {  	_ =	shalt  }
0x43: {  	_ =	shalt  }
0x44: {  	_ =	shalt  }
0x45: {  	_ =	shalt  }
0x46: {  	_ =	shalt  }
0x47: {  	_ =	shalt  }
0x48: {  	_ =	shalt  }
0x49: {  	_ =	shalt  }
0x4a: {  	_ =	shalt  }
0x4b: {  	_ =	shalt  }
0x4c: {  	_ =	shalt  }
0x4d: {  	_ =	shalt  }
0x4e: {  	_ =	shalt  }
0x4f: {  	_ =	shalt  }
0x50: {  	_ =	shalt  }
0x51: {  	_ =	shalt  }
0x52: {  	_ =	shalt  }
0x53: {  	_ =	shalt  }
0x54: {  	_ =	shalt  }
0x55: {  	_ =	shalt  }
0x56: {  	_ =	shalt  }
0x57: {  	_ =	shalt  }
0x58: {  	_ =	shalt  }
0x59: {  	_ =	shalt  }
0x5a: {  	_ =	shalt  }
0x5b: {  	_ =	shalt  }
0x5c: {  	_ =	shalt  }
0x5d: {  	_ =	shalt  }
0x5e: {  	_ =	shalt  }
0x5f: {  	_ =	shalt  }
0x60: {  	_ =	shalt  }
0x61: {  	_ =	shalt  }
0x62: {  	_ =	shalt  }
0x63: {  	_ =	shalt  }
0x64: {  	_ =	shalt  }
0x65: {  	_ =	shalt  }
0x66: {  	_ =	shalt  }
0x67: {  	_ =	shalt  }
0x68: {  	_ =	shalt  }
0x69: {  	_ =	shalt  }
0x6a: {  	_ =	shalt  }
0x6b: {  	_ =	shalt  }
0x6c: {  	_ =	shalt  }
0x6d: {  	_ =	shalt  }
0x6e: {  	_ =	shalt  }
0x6f: {  	_ =	shalt  }
0x70: {  	_ =	shalt  }
0x71: {  	_ =	shalt  }
0x72: {  	_ =	shalt  }
0x73: {  	_ =	shalt  }
0x74: {  	_ =	shalt  }
0x75: {  	_ =	shalt  }
0x76: {  	_ =	shalt  }
0x77: {  	_ =	shalt  }
0x78: {  	_ =	shalt  }
0x79: {  	_ =	shalt  }
0x7a: {  	_ =	shalt  }
0x7b: {  	_ =	shalt  }
0x7c: {  	_ =	shalt  }
0x7d: {  	_ =	shalt  }
0x7e: {  	_ =	shalt  }
0x7f: {  	_ =	shalt  }
0x80: {  	_ =	shalt  }
0x81: {  	_ =	shalt  }
0x82: {  	_ =	shalt  }
0x83: {  	_ =	shalt  }
0x84: {  	_ =	shalt  }
0x85: {  	_ =	shalt  }
0x86: {  	_ =	shalt  }
0x87: {  	_ =	shalt  }
.Lfunc_end0:
.L_simem_size_0:
called_computation.1_lowered:
.L_overlay_start_0:
0x88: {  	s2 =	sld [smem:$0x3FD9]  }
0x89: {  	s3 =	sld [smem:$0x3FFE];
	_ =	sdelay $0x1  }
0x8a: {  	s1 =	srdreg.scid  }
0x8b: {  	s0 =	sand.u32 $0x1, s1  }
0x8c: {  	s17 =	sshll.u32 s0, $0xA;
	s2 =	sadd.s32 s3, s2  }
0x8d: {  	s2 =	sadd.s32 s2, s17  }
0x8e: {  	[smem:$0x3F99] =	sst s2  }
0x8f: {  	_ = 	snop  }
0x90: {  	s2 =	sld [smem:$0x3FC7];
	(tm) =	ssettm $0x1  }
0x91: {  	s18 =	sld [smem:$0x3FFB];
	_ =	sdelay $0x3  }
0x92: {  	_ =	strace s18  }
0x93: {  	s3 =	sld [smem:$0x3FFC];
	_ =	sdelay $0x3  }
0x94: {  	_ =	strace s3  }
0x95: {  	s3 =	sld [smem:$0x3FFD];
	_ =	sdelay $0x3  }
0x96: {  	_ =	strace s3  }
0x97: {  	_ =	strace $0x8FFFFFFF  }
0x98: {  	s19 =	sld [smem:$0x3FDB];
	_ =	sdelay $0x1  }
0x99: {  	s4 =	simm.s32 $_scs_section_size  }
0x9a: {  	s5 =	simm.s32 $_size__tile_overlayer_lowered;
	s6 =	simm.s32 $_tile_overlayer_lowered  }
0x9b: {  	s22 =	simm.s32 $0x1BFF;
	s21 =	sshll.u32 s6, $0x1;
	s3 =	sadd.s32 s4, s19  }
0x9c: {  	s7 =	simm.s32 $0x0;
	s20 =	sshll.u32 s5, $0x1;
	s5 =	sadd.s32 s21, s3  }
0x9d: {  	[timem:s7], [sflag:s22] =	dma.local [hbm:s5], s20  }
0x9e: {  	_ =	swait.ge [sflag:s22], s20  }
0x9f: {  	s4 =	ssub.s32 $0x0, s20;
	[sflag:s22] =	ssyncset.done $0x0  }
0xa0: {  	[sflag:s22] =	ssyncadd.s32 s4;
	_ =	sdelay $0x1  }
0xa1: {  	s23 =	simm.s32 $0x1B8B  }
0xa2: {  	_ =	swait.ge [sflag:s23], $0x1  }
0xa3: {  	[sflag:s23] =	ssyncset.done $0x0  }
0xa4: {  	s25 =	simm.s32 $0x1B8E;
	s24 =	sld [smem:$0x3FFE];
	[sflag:s23] =	ssyncadd.s32 $0xFFFFFFFF  }
0xa5: {  	s26 =	simm.s32 $execute0_lowered;
	[smem:$0x3FD2] =	sst s25  }
0xa6: {  	s5 =	sshll.u32 s26, $0x1;
	_ =	strace $0x80000049;
	[dreg:$0x1] =	wrdreg $0xFFFFFFFF  }
0xa7: {  	s28 =	simm.s32 $_size_execute0_lowered;
	s3 =	sadd.s32 s3, s5;
	[dreg:$0x0] =	wrdreg $0x0  }
0xa8: {  	s5 =	sshll.u32 s28, $0x1;
	[dreg:$0x2] =	wrdreg s3  }
0xa9: {  	[dreg:$0x3] =	wrdreg s5  }
0xaa: {  	[dreg:$0x4] =	wrdreg $0xC0  }
0xab: {  	_ =	task [dreg:s7], $0x5FFFF  }
0xac: {  	[dreg:$0x1] =	wrdreg $0xFFFFFFFF  }
0xad: {  	[dreg:$0x0] =	wrdreg $0x60  }
0xae: {  	[dreg:$0x2] =	wrdreg s24  }
0xaf: {  	[dreg:$0x3] =	wrdreg s2  }
0xb0: {  	[dreg:$0x4] =	wrdreg $0x9  }
0xb1: {  	_ =	task.clear_ibuf [dreg:s7], $0x5FFFF;
	_ =	strace $0x90000049  }
0xb2: {  	s29 =	simm.s32 $0x9;
	_ =	strace $0x8000004B  }
0xb3: {  	_ =	swait.ge [sflag:s29], $0x1  }
0xb4: {  	[sflag:s29] =	ssyncadd.s32 $0xFFFFFFFF  }
0xb5: {  	_ =	strace $0x9000004B  }
0xb6: {  	_ =	sfence  }
0xb7: {  	s30 =	sld [smem:$0x0];
	_ =	sdelay $0x2  }
0xb8: {  	s31 =	sshll.u32 s1, $0xD;
	s1 =	sshrl.u32 s1, $0x2  }
0xb9: {  	s3 =	sand.u32 $0x4000, s31;
	s1 =	sadd.s32 s1, s30  }
0xba: {  	s0 =	sor.u32 s3, s0;
	s1 =	sshll.u32 s1, $0x11  }
0xbb: {  	s0 =	sor.u32 s1, s0  }
0xbc: {  	s0 =	sadd.s32 $0x8F2B, s0  }
0xbd: {  	[sflag:s0] =	ssyncadd.remote.s32 $0x1  }
0xbe: {  	_ =	sfence.sel $0xFFFF  }
0xbf: {  	[dreg:$0x0] =	wrdreg $0xFFFFFFFF;
	(pc) =	sbr.abs _section_cstart, $3  }
0xc0: {  	[dreg:$0x1] =	wrdreg $0xFFFFFFFF  }
0xc1: {  	_ =	task.clear_ibuf [dreg:s7], $0x2FFFF;
	_ =	strace $0x9FFFFFFF  }
0xc2: {  	(tm) =	ssettm $0x7FFFFFFF  }
0xc3: {  	_ =	shalt  }
tec
execute0_lowered:
.L_overlay_start_1:
0x0: {  	(tag) =	ssettag $0x1  }
0x1: {  	s5 =	rddreg [dreg:$0x0];
	s1 =	srdreg.scid  }
0x2: {  	s0 =	stileid.u32;
	s2 =	rddreg [dreg:$0x1];
	s3 =	simm.s32 $0x0  }
0x3: {  	s8 =	simm.s32 $0x200;
	s9 =	simm.s32 $0x400;
	s10 =	simm.s32 $0x1  }
0x4: {  	s11 =	simm.s32 $0x13C00;
	s12 =	simm.s32 $0x17B00;
	s13 =	simm.s32 $0x15B80  }
0x5: {  	s14 =	simm.s32 $0x19A80;
	s15 =	simm.s32 $0x9E00;
	s16 =	simm.s32 $0x2  }
0x6: {  	s17 =	simm.s32 $0x3;
	s4 =	sand.u32 $0x1, s1;
	s6 =	smul.u32 $0x13C00, s0  }
0x7: {  	s18 =	simm.s32 $0x0;
	s1 =	rddreg [dreg:$0x2];
	s7 =	sshll.u32 s4, $0x9  }
0x8: {  	[smem:$0x7FF] =	sst s3;
	s30 =	ssub.s32 $0x2, s4;
	s6 =	sor.u32 s7, s6  }
0x9: {  	_ =	strace $0x8000004A;
	s31 =	sshrl.u32 s30, $0x1;
	s6 =	sshrl.u32 s6, $0x3  }
0xa: {  	s4 =	sadd.s32 $0x7400, s5;
	s7 =	ssub.s32 s30, s31;
	s6 =	sadd.s32 s6, s5  }
0xb: {  	v0 =	vimm.f32 $0.0e+00;
	s7 =	smax.u32 s7, $0x1;
	s5 =	sadd.s32 $0x11200, s6;
	s6 =	sadd.s32 $0x38A00, s6  }
.LBB2_1:
0xc: {  	[tilespmem:s3], [sflag:$0x1] =	stream.strided.gather [hbm4b:s5+s8], $0x9E00, s9, s8, $0x38;
	[tilespmem:$0x1BA00] =	vst v63  }
0xd: {  	s19 =	simm.s32 $0x40;
	s20 =	simm.s32 $0x100  }
0xe: {  	s21 =	sand.u32 $0x70, s19;
	s20 =	sand.u32 $0x1FE00, s20  }
0xf: {  	s20 =	sor.u32 s21, s20  }
0x10: {  	[tilespmem:s20+$0x9F80] =	vst v0  }
0x11: {  	s23 =	simm.s32 $0x0;
	[tilespmem:s20+$0x9E00] =	vst v0  }
0x12: {  	s24 =	sand.u32 $0xFE00, s3;
	s23 =	sand.u32 $0x70, s23;
	[tilespmem:s20+$0x9E80] =	vst v0  }
0x13: {  	s24 =	sor.u32 s23, s24;
	[tilespmem:s20+$0x9F00] =	vst v0  }
0x14: {  	[tilespmem:s24+$0x9E00] =	vst v0  }
0x15: {  	s31 =	simm.s32 $0x10;
	s22 =	simm.s32 $0x40;
	[tilespmem:s24+$0x9E80] =	vst v0  }
0x16: {  	s22 =	sand.u32 $0x1FE00, s22;
	s21 =	sand.u32 $0x70, s31;
	[tilespmem:s24+$0x9F00] =	vst v0  }
0x17: {  	s21 =	sor.u32 s21, s22;
	[tilespmem:s24+$0x9F80] =	vst v0  }
0x18: {  	[tilespmem:s21+$0x9E00] =	vst v0  }
0x19: {  	s25 =	simm.s32 $0x20;
	s26 =	simm.s32 $0x80;
	[tilespmem:s21+$0x9E80] =	vst v0  }
0x1a: {  	s20 =	sand.u32 $0x70, s25;
	s22 =	sand.u32 $0x1FE00, s26;
	[tilespmem:s21+$0x9F00] =	vst v0  }
0x1b: {  	s28 =	sor.u32 s20, s22;
	[tilespmem:s21+$0x9F80] =	vst v0  }
0x1c: {  	[tilespmem:s28+$0x9E00] =	vst v0  }
0x1d: {  	s29 =	simm.s32 $0x30;
	s30 =	simm.s32 $0xC0;
	[tilespmem:s28+$0x9E80] =	vst v0  }
0x1e: {  	s31 =	sand.u32 $0x70, s29;
	s21 =	sand.u32 $0x1FE00, s30;
	[tilespmem:s28+$0x9F00] =	vst v0  }
0x1f: {  	s20 =	simm.s32 $0x0;
	s22 =	sor.u32 s31, s21;
	[tilespmem:s28+$0x9F80] =	vst v0;
	s21 =	simm.s32 $0x140  }
.LBB2_2:
0x20: {  	s23 =	sadd.s32 $0x100, s21;
	s20 =	sadd.s32 $0x5, s20;
	[tilespmem:s22+$0x9E00] =	vst v0;
	s19 =	sadd.s32 $0x50, s19  }
0x21: {  	s24 =	sand.u32 $0x70, s19;
	s23 =	sand.u32 $0x1FE00, s23;
	p0 =	slt.u32 s20, $0x26C;
	[tilespmem:s22+$0x9E80] =	vst v0  }
0x22: {  	s26 =	sadd.s32 $0x40, s21;
	s25 =	sadd.s32 $0xFFFFFFD0, s19;
	s23 =	sor.u32 s24, s23;
	[tilespmem:s22+$0x9F00] =	vst v0  }
0x23: {  	s28 =	sadd.s32 $0x80, s21;
	s29 =	sadd.s32 $0xFFFFFFF0, s19;
	s24 =	sadd.s32 $0xFFFFFFE0, s19;
	[tilespmem:s23+$0x9F80] =	vst v0  }
0x24: {  	s31 =	sadd.s32 $0xC0, s21;
	s30 =	sadd.s32 $0xFFFFFFC0, s19;
	s25 =	sand.u32 $0x70, s25;
	[tilespmem:s22+$0x9F80] =	vst v0  }
0x25: {  	s26 =	sand.u32 $0x1FE00, s26;
	s24 =	sand.u32 $0x70, s24;
	s22 =	sand.u32 $0x70, s30;
	[tilespmem:s23+$0x9E00] =	vst v0  }
0x26: {  	s28 =	sand.u32 $0x1FE00, s28;
	s29 =	sand.u32 $0x70, s29;
	s30 =	sand.u32 $0x1FE00, s31;
	[tilespmem:s23+$0x9E80] =	vst v0  }
0x27: {  	s25 =	sor.u32 s25, s26;
	s31 =	sand.u32 $0xFE00, s21;
	s24 =	sor.u32 s24, s28;
	[tilespmem:s23+$0x9F00] =	vst v0  }
0x28: {  	s23 =	sor.u32 s22, s31;
	s22 =	sor.u32 s29, s30;
	[tilespmem:s25+$0x9E00] =	vst v0  }
0x29: {  	[tilespmem:s23+$0x9E00] =	vst v0  }
0x2a: {  	[tilespmem:s23+$0x9E80] =	vst v0  }
0x2b: {  	[tilespmem:s23+$0x9F00] =	vst v0  }
0x2c: {  	[tilespmem:s23+$0x9F80] =	vst v0  }
0x2d: {  	[tilespmem:s25+$0x9E80] =	vst v0  }
0x2e: {  	[tilespmem:s25+$0x9F00] =	vst v0  }
.Ltmp0:
0x2f: {  	[tilespmem:s25+$0x9F80] =	vst v0;
	(pc) =	sbr.rel @p0 .LBB2_2-.Ltmp0, $4  }
0x30: {  	[tilespmem:s24+$0x9E00] =	vst v0  }
0x31: {  	[tilespmem:s24+$0x9E80] =	vst v0  }
0x32: {  	[tilespmem:s24+$0x9F00] =	vst v0  }
0x33: {  	s21 =	sadd.s32 $0x140, s21;
	[tilespmem:s24+$0x9F80] =	vst v0  }
0x34: {  	[tilespmem:s22+$0x9E00] =	vst v0  }
0x35: {  	[tilespmem:s22+$0x9E80] =	vst v0  }
0x36: {  	[tilespmem:s22+$0x9F00] =	vst v0  }
0x37: {  	[tilespmem:s22+$0x9F80] =	vst v0  }
0x38: {  	_ =	swait.ge [sflag:s10], $0x9E00  }
0x39: {  	[sflag:s10] =	ssyncset.done $0x0  }
0x3a: {  	s19 =	simm.s32 $0x0;
	[sflag:s10] =	ssyncadd.s32 $0xFFFF6200  }
0x3b: {  	[tilespmem:s11], [sflag:$0x1] =	stream.linear.gather [hbm4b:s4+s19], $0x1F40, $0x38;
	[tilespmem:$0x1BA00] =	vst v63  }
0x3c: {  	s20 =	simm.s32 $0x0  }
0x3d: {  	[tilespmem:s12], [sflag:$0x1] =	stream.linear.gather [hbm4b:s2+s19], $0x1F40, $0x38;
	[tilespmem:$0x1BA00] =	vst v63  }
.LBB2_4:
0x3e: {  	s21 =	smul.u32 $0x3E80, s20;
	_ =	sdelay $0x1  }
0x3f: {  	s22 =	sshrl.u32 s21, $0x3  }
0x40: {  	s22 =	sadd.s32 $0x3E8, s22  }
0x41: {  	s23 =	sadd.s32 s4, s22  }
0x42: {  	[tilespmem:s13], [sflag:$0x2] =	stream.linear.gather [hbm4b:s23+s19], $0x1F40, $0x38;
	[tilespmem:$0x1BA00] =	vst v63  }
0x43: {  	s22 =	sadd.s32 s2, s22  }
0x44: {  	[tilespmem:s14], [sflag:$0x2] =	stream.linear.gather [hbm4b:s22+s19], $0x1F40, $0x38;
	[tilespmem:$0x1BA00] =	vst v63  }
0x45: {  	_ =	swait.ge [sflag:s10], $0x1F40  }
0x46: {  	[sflag:s10] =	ssyncset.done $0x0  }
0x47: {  	[sflag:s10] =	ssyncadd.s32 $0xFFFFE0C0  }
0x48: {  	_ =	swait.ge [sflag:s10], $0x1F40  }
0x49: {  	[sflag:s10] =	ssyncset.done $0x0  }
0x4a: {  	s30 =	simm.s32 $0x13C50;
	[sflag:s10] =	ssyncadd.s32 $0xFFFFE0C0  }
0x4b: {  	s31 =	sand.u32 $0x1FE0, s19;
	v1 =	vld [tilespmem:s30+$0x40]  }
0x4c: {  	v2 =	vld [tilespmem:s31+$0x13C80]  }
0x4d: {  	v15 =	vld [tilespmem:s30+$0xFFFFFFC0]  }
0x4e: {  	v16 =	vld [tilespmem:s30+$0xFFFFFFD0]  }
0x4f: {  	v17 =	vld [tilespmem:s30+$0xFFFFFFE0]  }
0x50: {  	v18 =	vld [tilespmem:s30+$0xFFFFFFF0];
	v3 =	vshll.u32 v1, $0x2  }
0x51: {  	v22 =	vld [tilespmem:s30+$0x0];
	v4 =	vand.u32 $0x7F, v1;
	v5 =	vshll.u32 v2, $0x2;
	v3 =	vand.u32 $0xFE00, v3  }
0x52: {  	v23 =	vld [tilespmem:s30+$0x10];
	v42 =	vand.u32 $0xFE00, v5;
	v20 =	vor.u32 v4, v3;
	v3 =	vand.u32 $0x7F, v2  }
0x53: {  	v25 =	vld [tilespmem:s30+$0x20];
	v24 =	vor.u32 v3, v42  }
0x54: {  	s22 =	simm.s32 $0x17B50;
	v26 =	vld [tilespmem:s30+$0xFFFFFFB0]  }
0x55: {  	v19 =	vld [tilespmem:s22+$0x40]  }
0x56: {  	v21 =	vld [tilespmem:s31+$0x17B80];
	v44 =	vshrl.u32 v1, $0xE;
	v1 =	vshrl.u32 v1, $0xC  }
0x57: {  	v6 =	vshll.u32 v16, $0x2;
	v8 =	vshrl.u32 v2, $0xE;
	v46 =	vshll.u32 v17, $0x2;
	v43 =	vld.idx.msk [tilespmem:v20+s3+$0x0], $0xffff  }
0x58: {  	v12 =	vand.u32 $0x7F, v15;
	v5 =	vand.u32 $0x7F, v44;
	v1 =	vand.u32 $0xFFE00, v1;
	v7 =	vld.idx.msk [tilespmem:v24+s3+$0x0], $0xffff  }
0x59: {  	v45 =	vand.u32 $0x7F, v8;
	v2 =	vshrl.u32 v2, $0xC;
	v27 =	vor.u32 v5, v1;
	v1 =	vld [tilespmem:s22+$0xFFFFFFB0]  }
0x5a: {  	v4 =	vld [tilespmem:s22+$0xFFFFFFE0];
	v3 =	vshll.u32 v15, $0x2;
	v2 =	vand.u32 $0xFFE00, v2;
	v8 =	vor.u32 $0x80, v20  }
0x5b: {  	v47 =	vshll.u32 v26, $0x2;
	v9 =	vand.u32 $0xFE00, v3;
	v3 =	vld [tilespmem:s22+$0xFFFFFFC0];
	v28 =	vor.u32 v45, v2  }
0x5c: {  	v14 =	vand.u32 $0x7F, v26;
	v5 =	vand.u32 $0xFE00, v47;
	v2 =	vld [tilespmem:s22+$0xFFFFFFD0];
	v11 =	vmul.f32 v43, v19  }
0x5d: {  	v10 =	vor.u32 $0x80, v24;
	v29 =	vmul.f32 v7, v21;
	v7 =	vor.u32 v14, v5;
	v5 =	vld [tilespmem:s22+$0xFFFFFFF0]  }
0x5e: {  	v30 =	vand.u32 $0x7F, v16;
	v49 =	vshll.u32 v22, $0x2;
	v51 =	vshll.u32 v23, $0x2;
	[tilespmem:v27+s15+$0x0] =	vst.idx.add.f32.msk $0xffff, v11  }
0x5f: {  	v35 =	vand.u32 $0x7F, v22;
	v6 =	vand.u32 $0xFE00, v6;
	v48 =	vld.idx.msk [tilespmem:v8+s3+$0x0], $0xffff;
	v8 =	vor.u32 v12, v9  }
0x60: {  	v38 =	vand.u32 $0x7F, v23;
	v50 =	vand.u32 $0xFE00, v49;
	[tilespmem:v28+s15+$0x0] =	vst.idx.add.f32.msk $0xffff, v29;
	v9 =	vor.u32 v30, v6  }
0x61: {  	v13 =	vand.u32 $0xFE00, v46;
	v11 =	vshll.u32 v18, $0x2;
	v6 =	vld [tilespmem:s22+$0x0];
	v12 =	vor.u32 v35, v50  }
0x62: {  	v52 =	vor.u32 $0x80, v27;
	v31 =	vand.u32 $0xFE00, v11;
	v11 =	vand.u32 $0x7F, v17;
	v29 =	vld.idx.msk [tilespmem:v10+s3+$0x0], $0xffff  }
0x63: {  	v41 =	vand.u32 $0x7F, v25;
	v10 =	vshll.u32 v25, $0x2;
	v11 =	vor.u32 v11, v13;
	v36 =	vld.idx.msk [tilespmem:v7+s3+$0x0], $0xffff  }
0x64: {  	v34 =	vor.u32 $0x100, v20;
	v33 =	vand.u32 $0xFE00, v10;
	v10 =	vand.u32 $0x7F, v18;
	v39 =	vld.idx.msk [tilespmem:v8+s3+$0x0], $0xffff  }
0x65: {  	v37 =	vor.u32 $0x80, v28;
	v10 =	vor.u32 v10, v31;
	v14 =	vmul.f32 v48, v19;
	v31 =	vld.idx.msk [tilespmem:v9+s3+$0x0], $0xffff  }
0x66: {  	v53 =	vshrl.u32 v15, $0xE;
	v54 =	vshrl.u32 v16, $0xE;
	v32 =	vand.u32 $0xFE00, v51;
	v45 =	vld.idx.msk [tilespmem:v12+s3+$0x0], $0xffff  }
0x67: {  	v42 =	vshrl.u32 v26, $0xE;
	v26 =	vshrl.u32 v26, $0xC;
	v13 =	vor.u32 v41, v33;
	[tilespmem:v52+s15+$0x0] =	vst.idx.add.f32.msk $0xffff, v14  }
0x68: {  	v40 =	vor.u32 $0x100, v24;
	v29 =	vmul.f32 v29, v21;
	v14 =	vor.u32 v38, v32;
	v38 =	vld.idx.msk [tilespmem:v11+s3+$0x0], $0xffff  }
0x69: {  	v55 =	vshrl.u32 v17, $0xE;
	v42 =	vand.u32 $0x7F, v42;
	v26 =	vand.u32 $0xFFE00, v26;
	v30 =	vld.idx.msk [tilespmem:v34+s3+$0x0], $0xffff  }
0x6a: {  	v56 =	vshrl.u32 v17, $0xC;
	v15 =	vshrl.u32 v15, $0xC;
	v17 =	vor.u32 v42, v26;
	[tilespmem:v37+s15+$0x0] =	vst.idx.add.f32.msk $0xffff, v29  }
0x6b: {  	v16 =	vshrl.u32 v16, $0xC;
	v15 =	vand.u32 $0xFFE00, v15;
	v32 =	vand.u32 $0x7F, v53;
	v43 =	vld.idx.msk [tilespmem:v10+s3+$0x0], $0xffff  }
0x6c: {  	v58 =	vshrl.u32 v18, $0xE;
	v59 =	vshrl.u32 v18, $0xC;
	v48 =	vld.idx.msk [tilespmem:v13+s3+$0x0], $0xffff;
	v18 =	vor.u32 v32, v15  }
0x6d: {  	v61 =	vshrl.u32 v22, $0xE;
	v60 =	vor.u32 $0x100, v27;
	v36 =	vmul.f32 v36, v1;
	v57 =	vld.idx.msk [tilespmem:v40+s3+$0x0], $0xffff  }
0x6e: {  	v62 =	vshrl.u32 v22, $0xC;
	v44 =	vshrl.u32 v23, $0xE;
	v20 =	vor.u32 $0x180, v20;
	v15 =	vld [tilespmem:s22+$0x10]  }
0x6f: {  	v63 =	vor.u32 $0x100, v28;
	v52 =	vand.u32 $0x7F, v54;
	v54 =	vmul.f32 v39, v3;
	[tilespmem:v17+s15+$0x0] =	vst.idx.add.f32.msk $0xffff, v36  }
0x70: {  	v23 =	vshrl.u32 v23, $0xC;
	v55 =	vand.u32 $0x7F, v55;
	v47 =	vld.idx.msk [tilespmem:v14+s3+$0x0], $0xffff;
	v30 =	vmul.f32 v30, v19  }
0x71: {  	v56 =	vand.u32 $0xFFE00, v56;
	v58 =	vand.u32 $0x7F, v58;
	v24 =	vor.u32 $0x180, v24;
	[tilespmem:v18+s15+$0x0] =	vst.idx.add.f32.msk $0xffff, v54  }
0x72: {  	v59 =	vand.u32 $0xFFE00, v59;
	v22 =	vor.u32 v55, v56;
	v49 =	vmul.f32 v57, v21;
	[tilespmem:v60+s15+$0x0] =	vst.idx.add.f32.msk $0xffff, v30  }
0x73: {  	v16 =	vand.u32 $0xFFE00, v16;
	v23 =	vand.u32 $0xFFE00, v23;
	v30 =	vor.u32 v58, v59;
	v53 =	vld.idx.msk [tilespmem:v20+s3+$0x0], $0xffff  }
0x74: {  	v60 =	vand.u32 $0x7F, v61;
	v61 =	vand.u32 $0xFFE00, v62;
	[tilespmem:v63+s15+$0x0] =	vst.idx.add.f32.msk $0xffff, v49;
	v20 =	vor.u32 v52, v16  }
0x75: {  	v62 =	vand.u32 $0x7F, v44;
	v16 =	vld [tilespmem:s22+$0x20];
	v63 =	vmul.f32 v38, v4;
	v32 =	vor.u32 v60, v61  }
0x76: {  	v46 =	vshrl.u32 v25, $0xE;
	v41 =	vmul.f32 v43, v5;
	v23 =	vor.u32 v62, v23;
	v24 =	vld.idx.msk [tilespmem:v24+s3+$0x0], $0xffff  }
0x77: {  	v40 =	vand.u32 $0x7F, v46;
	v46 =	vor.u32 $0x80, v9;
	v57 =	vmul.f32 v31, v2;
	[tilespmem:v22+s15+$0x0] =	vst.idx.add.f32.msk $0xffff, v63  }
0x78: {  	v25 =	vshrl.u32 v25, $0xC;
	v51 =	vor.u32 $0x80, v14;
	v43 =	vmul.f32 v45, v6;
	[tilespmem:v30+s15+$0x0] =	vst.idx.add.f32.msk $0xffff, v41  }
0x79: {  	v27 =	vor.u32 $0x180, v27;
	v25 =	vand.u32 $0xFFE00, v25;
	v45 =	vmul.f32 v47, v15;
	[tilespmem:v20+s15+$0x0] =	vst.idx.add.f32.msk $0xffff, v57  }
0x7a: {  	v25 =	vor.u32 v40, v25;
	[tilespmem:v32+s15+$0x0] =	vst.idx.add.f32.msk $0xffff, v43  }
0x7b: {  	v42 =	vor.u32 $0x80, v7;
	[tilespmem:v23+s15+$0x0] =	vst.idx.add.f32.msk $0xffff, v45  }
0x7c: {  	v49 =	vor.u32 $0x80, v10;
	v19 =	vmul.f32 v53, v19;
	v21 =	vmul.f32 v24, v21;
	v24 =	vld.idx.msk [tilespmem:v46+s3+$0x0], $0xffff  }
0x7d: {  	v28 =	vor.u32 $0x180, v28;
	v47 =	vmul.f32 v48, v16;
	v29 =	vld.idx.msk [tilespmem:v51+s3+$0x0], $0xffff  }
0x7e: {  	v44 =	vor.u32 $0x80, v8;
	[tilespmem:v27+s15+$0x0] =	vst.idx.add.f32.msk $0xffff, v19  }
0x7f: {  	v50 =	vor.u32 $0x80, v12;
	[tilespmem:v25+s15+$0x0] =	vst.idx.add.f32.msk $0xffff, v47  }
0x80: {  	v52 =	vor.u32 $0x80, v13;
	v19 =	vld.idx.msk [tilespmem:v42+s3+$0x0], $0xffff  }
0x81: {  	v48 =	vor.u32 $0x80, v11;
	v27 =	vld.idx.msk [tilespmem:v49+s3+$0x0], $0xffff  }
0x82: {  	v55 =	vor.u32 $0x80, v20;
	[tilespmem:v28+s15+$0x0] =	vst.idx.add.f32.msk $0xffff, v21  }
0x83: {  	v60 =	vor.u32 $0x80, v23;
	v21 =	vld.idx.msk [tilespmem:v44+s3+$0x0], $0xffff  }
0x84: {  	v53 =	vor.u32 $0x80, v17;
	v28 =	vld.idx.msk [tilespmem:v50+s3+$0x0], $0xffff  }
0x85: {  	v57 =	vor.u32 $0x80, v30;
	v31 =	vld.idx.msk [tilespmem:v52+s3+$0x0], $0xffff;
	v59 =	vmul.f32 v24, v2  }
0x86: {  	v37 =	vor.u32 $0x100, v9;
	v26 =	vld.idx.msk [tilespmem:v48+s3+$0x0], $0xffff;
	v36 =	vmul.f32 v29, v15  }
0x87: {  	v54 =	vor.u32 $0x80, v18;
	v19 =	vmul.f32 v19, v1;
	[tilespmem:v55+s15+$0x0] =	vst.idx.add.f32.msk $0xffff, v59  }
0x88: {  	v58 =	vor.u32 $0x80, v32;
	v63 =	vmul.f32 v27, v5;
	[tilespmem:v60+s15+$0x0] =	vst.idx.add.f32.msk $0xffff, v36  }
0x89: {  	v62 =	vor.u32 $0x80, v25;
	[tilespmem:v53+s15+$0x0] =	vst.idx.add.f32.msk $0xffff, v19  }
0x8a: {  	v33 =	vor.u32 $0x100, v7;
	v21 =	vmul.f32 v21, v3;
	[tilespmem:v57+s15+$0x0] =	vst.idx.add.f32.msk $0xffff, v63  }
0x8b: {  	v41 =	vor.u32 $0x100, v10;
	v34 =	vmul.f32 v28, v6;
	v29 =	vld.idx.msk [tilespmem:v37+s3+$0x0], $0xffff  }
0x8c: {  	v44 =	vor.u32 $0x100, v14;
	v39 =	vmul.f32 v31, v16;
	[tilespmem:v54+s15+$0x0] =	vst.idx.add.f32.msk $0xffff, v21  }
0x8d: {  	v35 =	vor.u32 $0x100, v8;
	[tilespmem:v58+s15+$0x0] =	vst.idx.add.f32.msk $0xffff, v34  }
0x8e: {  	v42 =	vor.u32 $0x100, v12;
	[tilespmem:v62+s15+$0x0] =	vst.idx.add.f32.msk $0xffff, v39  }
0x8f: {  	v46 =	vor.u32 $0x100, v13;
	v43 =	vld.idx.msk [tilespmem:v33+s3+$0x0], $0xffff  }
0x90: {  	v56 =	vor.u32 $0x80, v22;
	v19 =	vld.idx.msk [tilespmem:v41+s3+$0x0], $0xffff  }
0x91: {  	v40 =	vor.u32 $0x100, v11;
	v61 =	vmul.f32 v26, v4;
	v26 =	vld.idx.msk [tilespmem:v44+s3+$0x0], $0xffff  }
0x92: {  	v49 =	vor.u32 $0x100, v20;
	v45 =	vld.idx.msk [tilespmem:v35+s3+$0x0], $0xffff  }
0x93: {  	v47 =	vor.u32 $0x100, v17;
	v21 =	vld.idx.msk [tilespmem:v42+s3+$0x0], $0xffff  }
0x94: {  	v51 =	vor.u32 $0x100, v30;
	v28 =	vld.idx.msk [tilespmem:v46+s3+$0x0], $0xffff  }
0x95: {  	v54 =	vor.u32 $0x100, v23;
	[tilespmem:v56+s15+$0x0] =	vst.idx.add.f32.msk $0xffff, v61;
	v53 =	vmul.f32 v29, v2  }
0x96: {  	v9 =	vor.u32 $0x180, v9;
	v31 =	vld.idx.msk [tilespmem:v40+s3+$0x0], $0xffff;
	v24 =	vmul.f32 v43, v1  }
0x97: {  	v48 =	vor.u32 $0x100, v18;
	v19 =	vmul.f32 v19, v5;
	[tilespmem:v49+s15+$0x0] =	vst.idx.add.f32.msk $0xffff, v53  }
0x98: {  	v52 =	vor.u32 $0x100, v32;
	v57 =	vmul.f32 v26, v15;
	[tilespmem:v47+s15+$0x0] =	vst.idx.add.f32.msk $0xffff, v24  }
0x99: {  	v56 =	vor.u32 $0x100, v25;
	[tilespmem:v51+s15+$0x0] =	vst.idx.add.f32.msk $0xffff, v19  }
0x9a: {  	v7 =	vor.u32 $0x180, v7;
	v27 =	vmul.f32 v45, v3;
	[tilespmem:v54+s15+$0x0] =	vst.idx.add.f32.msk $0xffff, v57  }
0x9b: {  	v10 =	vor.u32 $0x180, v10;
	v21 =	vmul.f32 v21, v6;
	v9 =	vld.idx.msk [tilespmem:v9+s3+$0x0], $0xffff  }
0x9c: {  	v8 =	vor.u32 $0x180, v8;
	v58 =	vmul.f32 v28, v16;
	[tilespmem:v48+s15+$0x0] =	vst.idx.add.f32.msk $0xffff, v27  }
0x9d: {  	v50 =	vor.u32 $0x100, v22;
	[tilespmem:v52+s15+$0x0] =	vst.idx.add.f32.msk $0xffff, v21  }
0x9e: {  	v11 =	vor.u32 $0x180, v11;
	[tilespmem:v56+s15+$0x0] =	vst.idx.add.f32.msk $0xffff, v58  }
0x9f: {  	v12 =	vor.u32 $0x180, v12;
	v7 =	vld.idx.msk [tilespmem:v7+s3+$0x0], $0xffff  }
0xa0: {  	v14 =	vor.u32 $0x180, v14;
	v55 =	vmul.f32 v31, v4;
	v10 =	vld.idx.msk [tilespmem:v10+s3+$0x0], $0xffff  }
0xa1: {  	v13 =	vor.u32 $0x180, v13;
	v8 =	vld.idx.msk [tilespmem:v8+s3+$0x0], $0xffff  }
0xa2: {  	v17 =	vor.u32 $0x180, v17;
	[tilespmem:v50+s15+$0x0] =	vst.idx.add.f32.msk $0xffff, v55  }
0xa3: {  	v18 =	vor.u32 $0x180, v18;
	v11 =	vld.idx.msk [tilespmem:v11+s3+$0x0], $0xffff  }
0xa4: {  	v59 =	vor.u32 $0x180, v20;
	v12 =	vld.idx.msk [tilespmem:v12+s3+$0x0], $0xffff  }
0xa5: {  	v60 =	vor.u32 $0x180, v22;
	v61 =	vld.idx.msk [tilespmem:v14+s3+$0x0], $0xffff;
	v1 =	vmul.f32 v7, v1  }
0xa6: {  	v63 =	vor.u32 $0x180, v32;
	v3 =	vmul.f32 v8, v3;
	v8 =	vld.idx.msk [tilespmem:v13+s3+$0x0], $0xffff  }
0xa7: {  	v62 =	vor.u32 $0x180, v30;
	[tilespmem:v17+s15+$0x0] =	vst.idx.add.f32.msk $0xffff, v1;
	v1 =	vmul.f32 v9, v2  }
0xa8: {  	[tilespmem:v18+s15+$0x0] =	vst.idx.add.f32.msk $0xffff, v3;
	v2 =	vmul.f32 v11, v4  }
0xa9: {  	v3 =	vmul.f32 v12, v6;
	[tilespmem:v59+s15+$0x0] =	vst.idx.add.f32.msk $0xffff, v1  }
0xaa: {  	v1 =	vmul.f32 v10, v5;
	[tilespmem:v60+s15+$0x0] =	vst.idx.add.f32.msk $0xffff, v2  }
0xab: {  	v9 =	vor.u32 $0x180, v23;
	[tilespmem:v63+s15+$0x0] =	vst.idx.add.f32.msk $0xffff, v3  }
0xac: {  	s24 =	simm.s32 $0x13CF0;
	s25 =	simm.s32 $0x0;
	s23 =	simm.s32 $0x0;
	v10 =	vor.u32 $0x180, v25;
	v2 =	vmul.f32 v61, v15;
	[tilespmem:v62+s15+$0x0] =	vst.idx.add.f32.msk $0xffff, v1;
	v1 =	vmul.f32 v8, v16  }
.LBB2_5:
0xad: {  	v3 =	vld [tilespmem:s24+$0x40];
	s25 =	sadd.s32 $0xA0, s25  }
0xae: {  	s23 =	sadd.s32 $0xA, s23;
	v6 =	vld [tilespmem:s24+$0xFFFFFFC0];
	s26 =	sand.u32 $0x1FE0, s25  }
0xaf: {  	p0 =	slt.u32 s23, $0x1EA;
	v4 =	vld [tilespmem:s26+$0x13C80]  }
0xb0: {  	v21 =	vld [tilespmem:s24+$0xFFFFFFD0]  }
0xb1: {  	v22 =	vld [tilespmem:s24+$0xFFFFFFE0]  }
0xb2: {  	v23 =	vld [tilespmem:s24+$0xFFFFFFF0];
	v5 =	vshll.u32 v3, $0x2  }
0xb3: {  	v8 =	vand.u32 $0x7F, v3;
	v7 =	vshll.u32 v6, $0x2;
	v24 =	vld [tilespmem:s24+$0x0];
	v5 =	vand.u32 $0xFE00, v5  }
0xb4: {  	v11 =	vand.u32 $0xFE00, v7;
	v25 =	vld [tilespmem:s24+$0x10];
	v12 =	vshll.u32 v4, $0x2;
	v7 =	vor.u32 v8, v5  }
0xb5: {  	v8 =	vand.u32 $0x7F, v4;
	v5 =	vshll.u32 v21, $0x2;
	v26 =	vld [tilespmem:s24+$0x20];
	v12 =	vand.u32 $0xFE00, v12  }
0xb6: {  	v27 =	vld [tilespmem:s24+$0xFFFFFFB0];
	v5 =	vand.u32 $0xFE00, v5;
	v13 =	vshll.u32 v22, $0x2;
	v8 =	vor.u32 v8, v12  }
0xb7: {  	v12 =	vand.u32 $0x7F, v6;
	v13 =	vand.u32 $0xFE00, v13;
	v14 =	vshll.u32 v23, $0x2;
	[tilespmem:v9+s15+$0x0] =	vst.idx.add.f32.msk $0xffff, v2  }
0xb8: {  	v9 =	vand.u32 $0x7F, v21;
	v14 =	vand.u32 $0xFE00, v14;
	v2 =	vshll.u32 v24, $0x2;
	[tilespmem:v10+s15+$0x0] =	vst.idx.add.f32.msk $0xffff, v1  }
0xb9: {  	s22 =	sadd.s32 $0xA0, s22;
	v15 =	vand.u32 $0x7F, v22;
	v28 =	vand.u32 $0xFE00, v2;
	v10 =	vshll.u32 v25, $0x2;
	v16 =	vld.idx.msk [tilespmem:v7+s3+$0x0], $0xffff  }
0xba: {  	v1 =	vshrl.u32 v3, $0xE;
	v2 =	vshrl.u32 v3, $0xC;
	v29 =	vshll.u32 v26, $0x2;
	v17 =	vld [tilespmem:s22+$0x40]  }
0xbb: {  	v1 =	vand.u32 $0x7F, v1;
	v2 =	vand.u32 $0xFFE00, v2;
	v3 =	vshll.u32 v27, $0x2;
	v30 =	vld.idx.msk [tilespmem:v8+s3+$0x0], $0xffff  }
0xbc: {  	v20 =	vshrl.u32 v4, $0xE;
	v4 =	vshrl.u32 v4, $0xC;
	v19 =	vor.u32 v1, v2;
	v18 =	vld [tilespmem:s26+$0x17B80]  }
0xbd: {  	v20 =	vand.u32 $0x7F, v20;
	v4 =	vand.u32 $0xFFE00, v4;
	v31 =	vor.u32 $0x80, v7;
	v1 =	vld [tilespmem:s22+$0xFFFFFFB0]  }
0xbe: {  	v20 =	vor.u32 v20, v4;
	v33 =	vand.u32 $0xFE00, v10;
	v32 =	vand.u32 $0xFE00, v3;
	v2 =	vld [tilespmem:s22+$0xFFFFFFC0]  }
0xbf: {  	v34 =	vor.u32 $0x80, v8;
	v29 =	vand.u32 $0xFE00, v29;
	v3 =	vld [tilespmem:s22+$0xFFFFFFD0];
	v10 =	vmul.f32 v16, v17  }
0xc0: {  	v35 =	vand.u32 $0x7F, v23;
	v36 =	vand.u32 $0x7F, v24;
	v16 =	vand.u32 $0x7F, v27;
	v4 =	vld [tilespmem:s22+$0xFFFFFFE0]  }
0xc1: {  	v37 =	vand.u32 $0x7F, v25;
	v38 =	vand.u32 $0x7F, v26;
	v30 =	vmul.f32 v30, v18;
	[tilespmem:v19+s15+$0x0] =	vst.idx.add.f32.msk $0xffff, v10  }
0xc2: {  	v11 =	vor.u32 v12, v11;
	v16 =	vor.u32 v16, v32;
	v10 =	vor.u32 v9, v5;
	v31 =	vld.idx.msk [tilespmem:v31+s3+$0x0], $0xffff  }
0xc3: {  	v13 =	vor.u32 v15, v13;
	v12 =	vor.u32 v35, v14;
	v32 =	vshrl.u32 v27, $0xE;
	[tilespmem:v20+s15+$0x0] =	vst.idx.add.f32.msk $0xffff, v30  }
0xc4: {  	v14 =	vor.u32 v36, v28;
	v15 =	vor.u32 v37, v33;
	v9 =	vor.u32 v38, v29;
	v28 =	vld.idx.msk [tilespmem:v34+s3+$0x0], $0xffff  }
0xc5: {  	v27 =	vshrl.u32 v27, $0xC;
	v29 =	vshrl.u32 v6, $0xE;
	v30 =	vor.u32 $0x80, v19;
	v5 =	vld [tilespmem:s22+$0xFFFFFFF0]  }
0xc6: {  	v35 =	vor.u32 $0x100, v7;
	v33 =	vshrl.u32 v6, $0xC;
	v34 =	vshrl.u32 v21, $0xE;
	v6 =	vld [tilespmem:s22+$0x0]  }
0xc7: {  	v37 =	vshrl.u32 v22, $0xE;
	v38 =	vor.u32 $0x80, v20;
	v21 =	vshrl.u32 v21, $0xC;
	v36 =	vld.idx.msk [tilespmem:v16+s3+$0x0], $0xffff  }
0xc8: {  	v40 =	vor.u32 $0x100, v8;
	v22 =	vshrl.u32 v22, $0xC;
	v31 =	vmul.f32 v31, v17;
	v39 =	vld.idx.msk [tilespmem:v11+s3+$0x0], $0xffff  }
0xc9: {  	v42 =	vshrl.u32 v23, $0xE;
	v23 =	vshrl.u32 v23, $0xC;
	v43 =	vshrl.u32 v24, $0xE;
	v41 =	vld.idx.msk [tilespmem:v10+s3+$0x0], $0xffff  }
0xca: {  	v24 =	vshrl.u32 v24, $0xC;
	v44 =	vshrl.u32 v25, $0xE;
	v28 =	vmul.f32 v28, v18;
	[tilespmem:v30+s15+$0x0] =	vst.idx.add.f32.msk $0xffff, v31  }
0xcb: {  	v25 =	vshrl.u32 v25, $0xC;
	v30 =	vshrl.u32 v26, $0xE;
	v26 =	vshrl.u32 v26, $0xC;
	v31 =	vld.idx.msk [tilespmem:v35+s3+$0x0], $0xffff  }
0xcc: {  	v32 =	vand.u32 $0x7F, v32;
	v27 =	vand.u32 $0xFFE00, v27;
	v29 =	vand.u32 $0x7F, v29;
	[tilespmem:v38+s15+$0x0] =	vst.idx.add.f32.msk $0xffff, v28  }
0xcd: {  	v33 =	vand.u32 $0xFFE00, v33;
	v34 =	vand.u32 $0x7F, v34;
	v28 =	vmul.f32 v36, v1;
	v35 =	vld.idx.msk [tilespmem:v40+s3+$0x0], $0xffff  }
0xce: {  	v21 =	vand.u32 $0xFFE00, v21;
	v36 =	vmul.f32 v39, v2;
	v39 =	vor.u32 $0x100, v19;
	v38 =	vld.idx.msk [tilespmem:v13+s3+$0x0], $0xffff  }
0xcf: {  	v7 =	vor.u32 $0x180, v7;
	v37 =	vand.u32 $0x7F, v37;
	v40 =	vmul.f32 v41, v3;
	v41 =	vld.idx.msk [tilespmem:v12+s3+$0x0], $0xffff  }
0xd0: {  	v46 =	vor.u32 $0x100, v20;
	v42 =	vand.u32 $0x7F, v42;
	v22 =	vand.u32 $0xFFE00, v22;
	v45 =	vld.idx.msk [tilespmem:v14+s3+$0x0], $0xffff  }
0xd1: {  	v23 =	vand.u32 $0xFFE00, v23;
	v8 =	vor.u32 $0x180, v8;
	v31 =	vmul.f32 v31, v17;
	v47 =	vld.idx.msk [tilespmem:v15+s3+$0x0], $0xffff  }
0xd2: {  	v43 =	vand.u32 $0x7F, v43;
	v24 =	vand.u32 $0xFFE00, v24;
	v44 =	vand.u32 $0x7F, v44;
	v48 =	vld.idx.msk [tilespmem:v9+s3+$0x0], $0xffff  }
0xd3: {  	v25 =	vand.u32 $0xFFE00, v25;
	v30 =	vand.u32 $0x7F, v30;
	v35 =	vmul.f32 v35, v18;
	[tilespmem:v39+s15+$0x0] =	vst.idx.add.f32.msk $0xffff, v31  }
0xd4: {  	v27 =	vor.u32 v32, v27;
	v26 =	vand.u32 $0xFFE00, v26;
	v31 =	vmul.f32 v38, v4;
	v32 =	vld.idx.msk [tilespmem:v7+s3+$0x0], $0xffff  }
0xd5: {  	v29 =	vor.u32 v29, v33;
	v38 =	vor.u32 $0x80, v16;
	v33 =	vmul.f32 v41, v5;
	[tilespmem:v46+s15+$0x0] =	vst.idx.add.f32.msk $0xffff, v35  }
0xd6: {  	v22 =	vor.u32 v37, v22;
	v21 =	vor.u32 v34, v21;
	v34 =	vmul.f32 v45, v6;
	v35 =	vld.idx.msk [tilespmem:v8+s3+$0x0], $0xffff  }
0xd7: {  	v23 =	vor.u32 v42, v23;
	v24 =	vor.u32 v43, v24;
	v25 =	vor.u32 v44, v25;
	v7 =	vld [tilespmem:s22+$0x10]  }
0xd8: {  	v37 =	vor.u32 $0x80, v11;
	v26 =	vor.u32 v30, v26;
	v19 =	vor.u32 $0x180, v19;
	v8 =	vld [tilespmem:s22+$0x20]  }
0xd9: {  	v20 =	vor.u32 $0x180, v20;
	v30 =	vor.u32 $0x80, v13;
	[tilespmem:v27+s15+$0x0] =	vst.idx.add.f32.msk $0xffff, v28;
	v28 =	vor.u32 $0x80, v10  }
0xda: {  	v39 =	vor.u32 $0x80, v14;
	v41 =	vor.u32 $0x80, v15;
	[tilespmem:v29+s15+$0x0] =	vst.idx.add.f32.msk $0xffff, v36;
	v36 =	vor.u32 $0x80, v12  }
0xdb: {  	v42 =	vor.u32 $0x80, v27;
	v17 =	vmul.f32 v32, v17;
	[tilespmem:v21+s15+$0x0] =	vst.idx.add.f32.msk $0xffff, v40;
	v40 =	vor.u32 $0x80, v9  }
0xdc: {  	v32 =	vor.u32 $0x80, v29;
	v18 =	vmul.f32 v35, v18;
	[tilespmem:v22+s15+$0x0] =	vst.idx.add.f32.msk $0xffff, v31;
	v31 =	vmul.f32 v47, v7  }
0xdd: {  	v43 =	vor.u32 $0x80, v22;
	v35 =	vor.u32 $0x80, v21;
	v44 =	vmul.f32 v48, v8;
	[tilespmem:v19+s15+$0x0] =	vst.idx.add.f32.msk $0xffff, v17  }
0xde: {  	v45 =	vor.u32 $0x80, v25;
	v17 =	vor.u32 $0x80, v23;
	v19 =	vor.u32 $0x80, v24;
	[tilespmem:v20+s15+$0x0] =	vst.idx.add.f32.msk $0xffff, v18  }
0xdf: {  	v18 =	vor.u32 $0x100, v16;
	v20 =	vor.u32 $0x100, v11;
	[tilespmem:v23+s15+$0x0] =	vst.idx.add.f32.msk $0xffff, v33;
	v33 =	vor.u32 $0x80, v26  }
0xe0: {  	v46 =	vor.u32 $0x100, v10;
	v47 =	vor.u32 $0x100, v13;
	v48 =	vor.u32 $0x100, v12;
	[tilespmem:v24+s15+$0x0] =	vst.idx.add.f32.msk $0xffff, v34  }
0xe1: {  	v49 =	vor.u32 $0x100, v9;
	v34 =	vor.u32 $0x100, v14;
	[tilespmem:v25+s15+$0x0] =	vst.idx.add.f32.msk $0xffff, v31;
	v31 =	vor.u32 $0x100, v15  }
0xe2: {  	v50 =	vor.u32 $0x100, v27;
	v51 =	vor.u32 $0x100, v29;
	v52 =	vor.u32 $0x100, v21;
	[tilespmem:v26+s15+$0x0] =	vst.idx.add.f32.msk $0xffff, v44  }
0xe3: {  	v53 =	vor.u32 $0x100, v23;
	v54 =	vor.u32 $0x100, v24;
	v44 =	vor.u32 $0x100, v22;
	v38 =	vld.idx.msk [tilespmem:v38+s3+$0x0], $0xffff  }
0xe4: {  	v55 =	vor.u32 $0x100, v25;
	v56 =	vor.u32 $0x100, v26;
	v16 =	vor.u32 $0x180, v16;
	v37 =	vld.idx.msk [tilespmem:v37+s3+$0x0], $0xffff  }
0xe5: {  	v57 =	vor.u32 $0x180, v10;
	v13 =	vor.u32 $0x180, v13;
	v11 =	vor.u32 $0x180, v11;
	v28 =	vld.idx.msk [tilespmem:v28+s3+$0x0], $0xffff  }
0xe6: {  	v12 =	vor.u32 $0x180, v12;
	v14 =	vor.u32 $0x180, v14;
	v15 =	vor.u32 $0x180, v15;
	v30 =	vld.idx.msk [tilespmem:v30+s3+$0x0], $0xffff  }
0xe7: {  	v58 =	vor.u32 $0x180, v9;
	v27 =	vor.u32 $0x180, v27;
	v29 =	vor.u32 $0x180, v29;
	v36 =	vld.idx.msk [tilespmem:v36+s3+$0x0], $0xffff  }
0xe8: {  	v21 =	vor.u32 $0x180, v21;
	v23 =	vor.u32 $0x180, v23;
	v22 =	vor.u32 $0x180, v22;
	v39 =	vld.idx.msk [tilespmem:v39+s3+$0x0], $0xffff  }
0xe9: {  	v9 =	vor.u32 $0x180, v25;
	v24 =	vor.u32 $0x180, v24;
	v38 =	vmul.f32 v38, v1;
	v41 =	vld.idx.msk [tilespmem:v41+s3+$0x0], $0xffff  }
0xea: {  	v10 =	vor.u32 $0x180, v26;
	v25 =	vmul.f32 v37, v2;
	v37 =	vld.idx.msk [tilespmem:v40+s3+$0x0], $0xffff  }
0xeb: {  	v26 =	vmul.f32 v28, v3;
	[tilespmem:v42+s15+$0x0] =	vst.idx.add.f32.msk $0xffff, v38  }
0xec: {  	[tilespmem:v32+s15+$0x0] =	vst.idx.add.f32.msk $0xffff, v25;
	v25 =	vmul.f32 v30, v4  }
0xed: {  	[tilespmem:v35+s15+$0x0] =	vst.idx.add.f32.msk $0xffff, v26;
	v26 =	vmul.f32 v36, v5  }
0xee: {  	[tilespmem:v43+s15+$0x0] =	vst.idx.add.f32.msk $0xffff, v25;
	v25 =	vmul.f32 v39, v6  }
0xef: {  	[tilespmem:v17+s15+$0x0] =	vst.idx.add.f32.msk $0xffff, v26;
	v17 =	vmul.f32 v41, v7  }
0xf0: {  	[tilespmem:v19+s15+$0x0] =	vst.idx.add.f32.msk $0xffff, v25;
	v19 =	vmul.f32 v37, v8  }
0xf1: {  	[tilespmem:v45+s15+$0x0] =	vst.idx.add.f32.msk $0xffff, v17  }
0xf2: {  	[tilespmem:v33+s15+$0x0] =	vst.idx.add.f32.msk $0xffff, v19  }
0xf3: {  	v17 =	vld.idx.msk [tilespmem:v18+s3+$0x0], $0xffff  }
0xf4: {  	v18 =	vld.idx.msk [tilespmem:v20+s3+$0x0], $0xffff  }
0xf5: {  	v19 =	vld.idx.msk [tilespmem:v46+s3+$0x0], $0xffff  }
0xf6: {  	v20 =	vld.idx.msk [tilespmem:v47+s3+$0x0], $0xffff  }
0xf7: {  	v25 =	vld.idx.msk [tilespmem:v48+s3+$0x0], $0xffff  }
0xf8: {  	v26 =	vld.idx.msk [tilespmem:v34+s3+$0x0], $0xffff  }
0xf9: {  	v17 =	vmul.f32 v17, v1;
	v28 =	vld.idx.msk [tilespmem:v31+s3+$0x0], $0xffff  }
0xfa: {  	v18 =	vmul.f32 v18, v2;
	v30 =	vld.idx.msk [tilespmem:v49+s3+$0x0], $0xffff  }
0xfb: {  	[tilespmem:v50+s15+$0x0] =	vst.idx.add.f32.msk $0xffff, v17;
	v17 =	vmul.f32 v19, v3  }
0xfc: {  	[tilespmem:v51+s15+$0x0] =	vst.idx.add.f32.msk $0xffff, v18;
	v18 =	vmul.f32 v20, v4  }
0xfd: {  	[tilespmem:v52+s15+$0x0] =	vst.idx.add.f32.msk $0xffff, v17;
	v17 =	vmul.f32 v25, v5  }
0xfe: {  	[tilespmem:v44+s15+$0x0] =	vst.idx.add.f32.msk $0xffff, v18;
	v18 =	vmul.f32 v26, v6  }
0xff: {  	[tilespmem:v53+s15+$0x0] =	vst.idx.add.f32.msk $0xffff, v17;
	v17 =	vmul.f32 v28, v7  }
0x100: {  	[tilespmem:v54+s15+$0x0] =	vst.idx.add.f32.msk $0xffff, v18;
	v18 =	vmul.f32 v30, v8  }
0x101: {  	[tilespmem:v55+s15+$0x0] =	vst.idx.add.f32.msk $0xffff, v17  }
0x102: {  	[tilespmem:v56+s15+$0x0] =	vst.idx.add.f32.msk $0xffff, v18  }
0x103: {  	v16 =	vld.idx.msk [tilespmem:v16+s3+$0x0], $0xffff  }
0x104: {  	v11 =	vld.idx.msk [tilespmem:v11+s3+$0x0], $0xffff  }
0x105: {  	v17 =	vld.idx.msk [tilespmem:v57+s3+$0x0], $0xffff  }
0x106: {  	v13 =	vld.idx.msk [tilespmem:v13+s3+$0x0], $0xffff  }
0x107: {  	v12 =	vld.idx.msk [tilespmem:v12+s3+$0x0], $0xffff  }
0x108: {  	v14 =	vld.idx.msk [tilespmem:v14+s3+$0x0], $0xffff  }
0x109: {  	v1 =	vmul.f32 v16, v1;
	v15 =	vld.idx.msk [tilespmem:v15+s3+$0x0], $0xffff  }
0x10a: {  	v2 =	vmul.f32 v11, v2;
	v11 =	vld.idx.msk [tilespmem:v58+s3+$0x0], $0xffff  }
0x10b: {  	[tilespmem:v27+s15+$0x0] =	vst.idx.add.f32.msk $0xffff, v1;
	v1 =	vmul.f32 v17, v3  }
.Ltmp1:
0x10c: {  	[tilespmem:v29+s15+$0x0] =	vst.idx.add.f32.msk $0xffff, v2;
	v2 =	vmul.f32 v13, v4;
	(pc) =	sbr.rel @p0 .LBB2_5-.Ltmp1, $4  }
0x10d: {  	[tilespmem:v21+s15+$0x0] =	vst.idx.add.f32.msk $0xffff, v1;
	v1 =	vmul.f32 v12, v5  }
0x10e: {  	v3 =	vmul.f32 v14, v6;
	[tilespmem:v22+s15+$0x0] =	vst.idx.add.f32.msk $0xffff, v2  }
0x10f: {  	v2 =	vmul.f32 v15, v7;
	[tilespmem:v23+s15+$0x0] =	vst.idx.add.f32.msk $0xffff, v1  }
0x110: {  	s24 =	sadd.s32 $0xA0, s24;
	v1 =	vmul.f32 v11, v8;
	[tilespmem:v24+s15+$0x0] =	vst.idx.add.f32.msk $0xffff, v3  }
0x111: {  	_ =	sdelay $0x1  }
0x112: {  	p0 =	seq.s32 s20, $0x13  }
0x113: {  	s21 =	sshrl.u32 @!p0 s21, $0x3  }
0x114: {  	[tilespmem:v9+s15+$0x0] =	vst.idx.add.f32.msk $0xffff, v2;
	s21 =	sadd.s32 @!p0 $0x7D0, s21  }
0x115: {  	[tilespmem:v10+s15+$0x0] =	vst.idx.add.f32.msk $0xffff, v1;
	s23 =	simm.s32 @!p0 $0x0;
	s24 =	simm.s32 @!p0 $0x13C00;
	s22 =	sadd.s32 @!p0 s4, s21  }
0x116: {  	[tilespmem:s24], [sflag:$0x1] =	stream.linear.gather @!p0 [hbm4b:s22+s23], $0x1F40, $0x38;
	[tilespmem:$0x1BA00] =	vst v63  }
0x117: {  	s21 =	sadd.s32 @!p0 s2, s21;
	s22 =	simm.s32 @!p0 $0x17B00  }
0x118: {  	[tilespmem:s22], [sflag:$0x1] =	stream.linear.gather @!p0 [hbm4b:s21+s23], $0x1F40, $0x38;
	[tilespmem:$0x1BA00] =	vst v63  }
0x119: {  	_ =	swait.ge [sflag:s16], $0x1F40  }
0x11a: {  	[sflag:s16] =	ssyncset.done $0x0  }
0x11b: {  	[sflag:s16] =	ssyncadd.s32 $0xFFFFE0C0  }
0x11c: {  	_ =	swait.ge [sflag:s16], $0x1F40  }
0x11d: {  	[sflag:s16] =	ssyncset.done $0x0  }
0x11e: {  	s30 =	simm.s32 $0x15BD0;
	s21 =	simm.s32 $0x0;
	[sflag:s16] =	ssyncadd.s32 $0xFFFFE0C0  }
0x11f: {  	s31 =	sand.u32 $0x1FE0, s21;
	v1 =	vld [tilespmem:s30+$0x40]  }
0x120: {  	v2 =	vld [tilespmem:s31+$0x15C00]  }
0x121: {  	v15 =	vld [tilespmem:s30+$0xFFFFFFC0]  }
0x122: {  	v16 =	vld [tilespmem:s30+$0xFFFFFFD0]  }
0x123: {  	v17 =	vld [tilespmem:s30+$0xFFFFFFE0]  }
0x124: {  	v18 =	vld [tilespmem:s30+$0xFFFFFFF0];
	v3 =	vshll.u32 v1, $0x2  }
0x125: {  	v22 =	vld [tilespmem:s30+$0x0];
	v4 =	vand.u32 $0x7F, v1;
	v5 =	vshll.u32 v2, $0x2;
	v3 =	vand.u32 $0xFE00, v3  }
0x126: {  	v23 =	vld [tilespmem:s30+$0x10];
	v42 =	vand.u32 $0xFE00, v5;
	v20 =	vor.u32 v4, v3;
	v3 =	vand.u32 $0x7F, v2  }
0x127: {  	v25 =	vld [tilespmem:s30+$0x20];
	v24 =	vor.u32 v3, v42  }
0x128: {  	s22 =	simm.s32 $0x19AD0;
	v26 =	vld [tilespmem:s30+$0xFFFFFFB0]  }
0x129: {  	v19 =	vld [tilespmem:s22+$0x40]  }
0x12a: {  	v21 =	vld [tilespmem:s31+$0x19B00];
	v44 =	vshrl.u32 v1, $0xE;
	v1 =	vshrl.u32 v1, $0xC  }
0x12b: {  	v6 =	vshll.u32 v16, $0x2;
	v8 =	vshrl.u32 v2, $0xE;
	v46 =	vshll.u32 v17, $0x2;
	v43 =	vld.idx.msk [tilespmem:v20+s3+$0x0], $0xffff  }
0x12c: {  	v12 =	vand.u32 $0x7F, v15;
	v5 =	vand.u32 $0x7F, v44;
	v1 =	vand.u32 $0xFFE00, v1;
	v7 =	vld.idx.msk [tilespmem:v24+s3+$0x0], $0xffff  }
0x12d: {  	v45 =	vand.u32 $0x7F, v8;
	v2 =	vshrl.u32 v2, $0xC;
	v27 =	vor.u32 v5, v1;
	v1 =	vld [tilespmem:s22+$0xFFFFFFB0]  }
0x12e: {  	v4 =	vld [tilespmem:s22+$0xFFFFFFE0];
	v3 =	vshll.u32 v15, $0x2;
	v2 =	vand.u32 $0xFFE00, v2;
	v8 =	vor.u32 $0x80, v20  }
0x12f: {  	v47 =	vshll.u32 v26, $0x2;
	v9 =	vand.u32 $0xFE00, v3;
	v3 =	vld [tilespmem:s22+$0xFFFFFFC0];
	v28 =	vor.u32 v45, v2  }
0x130: {  	v14 =	vand.u32 $0x7F, v26;
	v5 =	vand.u32 $0xFE00, v47;
	v2 =	vld [tilespmem:s22+$0xFFFFFFD0];
	v11 =	vmul.f32 v43, v19  }
0x131: {  	v10 =	vor.u32 $0x80, v24;
	v29 =	vmul.f32 v7, v21;
	v7 =	vor.u32 v14, v5;
	v5 =	vld [tilespmem:s22+$0xFFFFFFF0]  }
0x132: {  	v30 =	vand.u32 $0x7F, v16;
	v49 =	vshll.u32 v22, $0x2;
	v51 =	vshll.u32 v23, $0x2;
	[tilespmem:v27+s15+$0x0] =	vst.idx.add.f32.msk $0xffff, v11  }
0x133: {  	v35 =	vand.u32 $0x7F, v22;
	v6 =	vand.u32 $0xFE00, v6;
	v48 =	vld.idx.msk [tilespmem:v8+s3+$0x0], $0xffff;
	v8 =	vor.u32 v12, v9  }
0x134: {  	v38 =	vand.u32 $0x7F, v23;
	v50 =	vand.u32 $0xFE00, v49;
	[tilespmem:v28+s15+$0x0] =	vst.idx.add.f32.msk $0xffff, v29;
	v9 =	vor.u32 v30, v6  }
0x135: {  	v13 =	vand.u32 $0xFE00, v46;
	v11 =	vshll.u32 v18, $0x2;
	v6 =	vld [tilespmem:s22+$0x0];
	v12 =	vor.u32 v35, v50  }
0x136: {  	v52 =	vor.u32 $0x80, v27;
	v31 =	vand.u32 $0xFE00, v11;
	v11 =	vand.u32 $0x7F, v17;
	v29 =	vld.idx.msk [tilespmem:v10+s3+$0x0], $0xffff  }
0x137: {  	v41 =	vand.u32 $0x7F, v25;
	v10 =	vshll.u32 v25, $0x2;
	v11 =	vor.u32 v11, v13;
	v36 =	vld.idx.msk [tilespmem:v7+s3+$0x0], $0xffff  }
0x138: {  	v34 =	vor.u32 $0x100, v20;
	v33 =	vand.u32 $0xFE00, v10;
	v10 =	vand.u32 $0x7F, v18;
	v39 =	vld.idx.msk [tilespmem:v8+s3+$0x0], $0xffff  }
0x139: {  	v37 =	vor.u32 $0x80, v28;
	v10 =	vor.u32 v10, v31;
	v14 =	vmul.f32 v48, v19;
	v31 =	vld.idx.msk [tilespmem:v9+s3+$0x0], $0xffff  }
0x13a: {  	v53 =	vshrl.u32 v15, $0xE;
	v54 =	vshrl.u32 v16, $0xE;
	v32 =	vand.u32 $0xFE00, v51;
	v45 =	vld.idx.msk [tilespmem:v12+s3+$0x0], $0xffff  }
0x13b: {  	v42 =	vshrl.u32 v26, $0xE;
	v26 =	vshrl.u32 v26, $0xC;
	v13 =	vor.u32 v41, v33;
	[tilespmem:v52+s15+$0x0] =	vst.idx.add.f32.msk $0xffff, v14  }
0x13c: {  	v40 =	vor.u32 $0x100, v24;
	v29 =	vmul.f32 v29, v21;
	v14 =	vor.u32 v38, v32;
	v38 =	vld.idx.msk [tilespmem:v11+s3+$0x0], $0xffff  }
0x13d: {  	v55 =	vshrl.u32 v17, $0xE;
	v42 =	vand.u32 $0x7F, v42;
	v26 =	vand.u32 $0xFFE00, v26;
	v30 =	vld.idx.msk [tilespmem:v34+s3+$0x0], $0xffff  }
0x13e: {  	v56 =	vshrl.u32 v17, $0xC;
	v15 =	vshrl.u32 v15, $0xC;
	v17 =	vor.u32 v42, v26;
	[tilespmem:v37+s15+$0x0] =	vst.idx.add.f32.msk $0xffff, v29  }
0x13f: {  	v16 =	vshrl.u32 v16, $0xC;
	v15 =	vand.u32 $0xFFE00, v15;
	v32 =	vand.u32 $0x7F, v53;
	v43 =	vld.idx.msk [tilespmem:v10+s3+$0x0], $0xffff  }
0x140: {  	v58 =	vshrl.u32 v18, $0xE;
	v59 =	vshrl.u32 v18, $0xC;
	v48 =	vld.idx.msk [tilespmem:v13+s3+$0x0], $0xffff;
	v18 =	vor.u32 v32, v15  }
0x141: {  	v61 =	vshrl.u32 v22, $0xE;
	v60 =	vor.u32 $0x100, v27;
	v36 =	vmul.f32 v36, v1;
	v57 =	vld.idx.msk [tilespmem:v40+s3+$0x0], $0xffff  }
0x142: {  	v62 =	vshrl.u32 v22, $0xC;
	v44 =	vshrl.u32 v23, $0xE;
	v20 =	vor.u32 $0x180, v20;
	v15 =	vld [tilespmem:s22+$0x10]  }
0x143: {  	v63 =	vor.u32 $0x100, v28;
	v52 =	vand.u32 $0x7F, v54;
	v54 =	vmul.f32 v39, v3;
	[tilespmem:v17+s15+$0x0] =	vst.idx.add.f32.msk $0xffff, v36  }
0x144: {  	v23 =	vshrl.u32 v23, $0xC;
	v55 =	vand.u32 $0x7F, v55;
	v47 =	vld.idx.msk [tilespmem:v14+s3+$0x0], $0xffff;
	v30 =	vmul.f32 v30, v19  }
0x145: {  	v56 =	vand.u32 $0xFFE00, v56;
	v58 =	vand.u32 $0x7F, v58;
	v24 =	vor.u32 $0x180, v24;
	[tilespmem:v18+s15+$0x0] =	vst.idx.add.f32.msk $0xffff, v54  }
0x146: {  	v59 =	vand.u32 $0xFFE00, v59;
	v22 =	vor.u32 v55, v56;
	v49 =	vmul.f32 v57, v21;
	[tilespmem:v60+s15+$0x0] =	vst.idx.add.f32.msk $0xffff, v30  }
0x147: {  	v16 =	vand.u32 $0xFFE00, v16;
	v23 =	vand.u32 $0xFFE00, v23;
	v30 =	vor.u32 v58, v59;
	v53 =	vld.idx.msk [tilespmem:v20+s3+$0x0], $0xffff  }
0x148: {  	v60 =	vand.u32 $0x7F, v61;
	v61 =	vand.u32 $0xFFE00, v62;
	[tilespmem:v63+s15+$0x0] =	vst.idx.add.f32.msk $0xffff, v49;
	v20 =	vor.u32 v52, v16  }
0x149: {  	v62 =	vand.u32 $0x7F, v44;
	v16 =	vld [tilespmem:s22+$0x20];
	v63 =	vmul.f32 v38, v4;
	v32 =	vor.u32 v60, v61  }
0x14a: {  	v46 =	vshrl.u32 v25, $0xE;
	v41 =	vmul.f32 v43, v5;
	v23 =	vor.u32 v62, v23;
	v24 =	vld.idx.msk [tilespmem:v24+s3+$0x0], $0xffff  }
0x14b: {  	v40 =	vand.u32 $0x7F, v46;
	v46 =	vor.u32 $0x80, v9;
	v57 =	vmul.f32 v31, v2;
	[tilespmem:v22+s15+$0x0] =	vst.idx.add.f32.msk $0xffff, v63  }
0x14c: {  	v25 =	vshrl.u32 v25, $0xC;
	v51 =	vor.u32 $0x80, v14;
	v43 =	vmul.f32 v45, v6;
	[tilespmem:v30+s15+$0x0] =	vst.idx.add.f32.msk $0xffff, v41  }
0x14d: {  	v27 =	vor.u32 $0x180, v27;
	v25 =	vand.u32 $0xFFE00, v25;
	v45 =	vmul.f32 v47, v15;
	[tilespmem:v20+s15+$0x0] =	vst.idx.add.f32.msk $0xffff, v57  }
0x14e: {  	v25 =	vor.u32 v40, v25;
	[tilespmem:v32+s15+$0x0] =	vst.idx.add.f32.msk $0xffff, v43  }
0x14f: {  	v42 =	vor.u32 $0x80, v7;
	[tilespmem:v23+s15+$0x0] =	vst.idx.add.f32.msk $0xffff, v45  }
0x150: {  	v49 =	vor.u32 $0x80, v10;
	v19 =	vmul.f32 v53, v19;
	v21 =	vmul.f32 v24, v21;
	v24 =	vld.idx.msk [tilespmem:v46+s3+$0x0], $0xffff  }
0x151: {  	v28 =	vor.u32 $0x180, v28;
	v47 =	vmul.f32 v48, v16;
	v29 =	vld.idx.msk [tilespmem:v51+s3+$0x0], $0xffff  }
0x152: {  	v44 =	vor.u32 $0x80, v8;
	[tilespmem:v27+s15+$0x0] =	vst.idx.add.f32.msk $0xffff, v19  }
0x153: {  	v50 =	vor.u32 $0x80, v12;
	[tilespmem:v25+s15+$0x0] =	vst.idx.add.f32.msk $0xffff, v47  }
0x154: {  	v52 =	vor.u32 $0x80, v13;
	v19 =	vld.idx.msk [tilespmem:v42+s3+$0x0], $0xffff  }
0x155: {  	v48 =	vor.u32 $0x80, v11;
	v27 =	vld.idx.msk [tilespmem:v49+s3+$0x0], $0xffff  }
0x156: {  	v55 =	vor.u32 $0x80, v20;
	[tilespmem:v28+s15+$0x0] =	vst.idx.add.f32.msk $0xffff, v21  }
0x157: {  	v60 =	vor.u32 $0x80, v23;
	v21 =	vld.idx.msk [tilespmem:v44+s3+$0x0], $0xffff  }
0x158: {  	v53 =	vor.u32 $0x80, v17;
	v28 =	vld.idx.msk [tilespmem:v50+s3+$0x0], $0xffff  }
0x159: {  	v57 =	vor.u32 $0x80, v30;
	v31 =	vld.idx.msk [tilespmem:v52+s3+$0x0], $0xffff;
	v59 =	vmul.f32 v24, v2  }
0x15a: {  	v37 =	vor.u32 $0x100, v9;
	v26 =	vld.idx.msk [tilespmem:v48+s3+$0x0], $0xffff;
	v36 =	vmul.f32 v29, v15  }
0x15b: {  	v54 =	vor.u32 $0x80, v18;
	v19 =	vmul.f32 v19, v1;
	[tilespmem:v55+s15+$0x0] =	vst.idx.add.f32.msk $0xffff, v59  }
0x15c: {  	v58 =	vor.u32 $0x80, v32;
	v63 =	vmul.f32 v27, v5;
	[tilespmem:v60+s15+$0x0] =	vst.idx.add.f32.msk $0xffff, v36  }
0x15d: {  	v62 =	vor.u32 $0x80, v25;
	[tilespmem:v53+s15+$0x0] =	vst.idx.add.f32.msk $0xffff, v19  }
0x15e: {  	v33 =	vor.u32 $0x100, v7;
	v21 =	vmul.f32 v21, v3;
	[tilespmem:v57+s15+$0x0] =	vst.idx.add.f32.msk $0xffff, v63  }
0x15f: {  	v41 =	vor.u32 $0x100, v10;
	v34 =	vmul.f32 v28, v6;
	v29 =	vld.idx.msk [tilespmem:v37+s3+$0x0], $0xffff  }
0x160: {  	v44 =	vor.u32 $0x100, v14;
	v39 =	vmul.f32 v31, v16;
	[tilespmem:v54+s15+$0x0] =	vst.idx.add.f32.msk $0xffff, v21  }
0x161: {  	v35 =	vor.u32 $0x100, v8;
	[tilespmem:v58+s15+$0x0] =	vst.idx.add.f32.msk $0xffff, v34  }
0x162: {  	v42 =	vor.u32 $0x100, v12;
	[tilespmem:v62+s15+$0x0] =	vst.idx.add.f32.msk $0xffff, v39  }
0x163: {  	v46 =	vor.u32 $0x100, v13;
	v43 =	vld.idx.msk [tilespmem:v33+s3+$0x0], $0xffff  }
0x164: {  	v56 =	vor.u32 $0x80, v22;
	v19 =	vld.idx.msk [tilespmem:v41+s3+$0x0], $0xffff  }
0x165: {  	v40 =	vor.u32 $0x100, v11;
	v61 =	vmul.f32 v26, v4;
	v26 =	vld.idx.msk [tilespmem:v44+s3+$0x0], $0xffff  }
0x166: {  	v49 =	vor.u32 $0x100, v20;
	v45 =	vld.idx.msk [tilespmem:v35+s3+$0x0], $0xffff  }
0x167: {  	v47 =	vor.u32 $0x100, v17;
	v21 =	vld.idx.msk [tilespmem:v42+s3+$0x0], $0xffff  }
0x168: {  	v51 =	vor.u32 $0x100, v30;
	v28 =	vld.idx.msk [tilespmem:v46+s3+$0x0], $0xffff  }
0x169: {  	v54 =	vor.u32 $0x100, v23;
	[tilespmem:v56+s15+$0x0] =	vst.idx.add.f32.msk $0xffff, v61;
	v53 =	vmul.f32 v29, v2  }
0x16a: {  	v9 =	vor.u32 $0x180, v9;
	v31 =	vld.idx.msk [tilespmem:v40+s3+$0x0], $0xffff;
	v24 =	vmul.f32 v43, v1  }
0x16b: {  	v48 =	vor.u32 $0x100, v18;
	v19 =	vmul.f32 v19, v5;
	[tilespmem:v49+s15+$0x0] =	vst.idx.add.f32.msk $0xffff, v53  }
0x16c: {  	v52 =	vor.u32 $0x100, v32;
	v57 =	vmul.f32 v26, v15;
	[tilespmem:v47+s15+$0x0] =	vst.idx.add.f32.msk $0xffff, v24  }
0x16d: {  	v56 =	vor.u32 $0x100, v25;
	[tilespmem:v51+s15+$0x0] =	vst.idx.add.f32.msk $0xffff, v19  }
0x16e: {  	v7 =	vor.u32 $0x180, v7;
	v27 =	vmul.f32 v45, v3;
	[tilespmem:v54+s15+$0x0] =	vst.idx.add.f32.msk $0xffff, v57  }
0x16f: {  	v10 =	vor.u32 $0x180, v10;
	v21 =	vmul.f32 v21, v6;
	v9 =	vld.idx.msk [tilespmem:v9+s3+$0x0], $0xffff  }
0x170: {  	v8 =	vor.u32 $0x180, v8;
	v58 =	vmul.f32 v28, v16;
	[tilespmem:v48+s15+$0x0] =	vst.idx.add.f32.msk $0xffff, v27  }
0x171: {  	v50 =	vor.u32 $0x100, v22;
	[tilespmem:v52+s15+$0x0] =	vst.idx.add.f32.msk $0xffff, v21  }
0x172: {  	v11 =	vor.u32 $0x180, v11;
	[tilespmem:v56+s15+$0x0] =	vst.idx.add.f32.msk $0xffff, v58  }
0x173: {  	v12 =	vor.u32 $0x180, v12;
	v7 =	vld.idx.msk [tilespmem:v7+s3+$0x0], $0xffff  }
0x174: {  	v14 =	vor.u32 $0x180, v14;
	v55 =	vmul.f32 v31, v4;
	v10 =	vld.idx.msk [tilespmem:v10+s3+$0x0], $0xffff  }
0x175: {  	v13 =	vor.u32 $0x180, v13;
	v8 =	vld.idx.msk [tilespmem:v8+s3+$0x0], $0xffff  }
0x176: {  	v17 =	vor.u32 $0x180, v17;
	[tilespmem:v50+s15+$0x0] =	vst.idx.add.f32.msk $0xffff, v55  }
0x177: {  	v18 =	vor.u32 $0x180, v18;
	v11 =	vld.idx.msk [tilespmem:v11+s3+$0x0], $0xffff  }
0x178: {  	v59 =	vor.u32 $0x180, v20;
	v12 =	vld.idx.msk [tilespmem:v12+s3+$0x0], $0xffff  }
0x179: {  	v60 =	vor.u32 $0x180, v22;
	v61 =	vld.idx.msk [tilespmem:v14+s3+$0x0], $0xffff;
	v1 =	vmul.f32 v7, v1  }
0x17a: {  	v63 =	vor.u32 $0x180, v32;
	v3 =	vmul.f32 v8, v3;
	v8 =	vld.idx.msk [tilespmem:v13+s3+$0x0], $0xffff  }
0x17b: {  	v62 =	vor.u32 $0x180, v30;
	[tilespmem:v17+s15+$0x0] =	vst.idx.add.f32.msk $0xffff, v1;
	v1 =	vmul.f32 v9, v2  }
0x17c: {  	[tilespmem:v18+s15+$0x0] =	vst.idx.add.f32.msk $0xffff, v3;
	v2 =	vmul.f32 v11, v4  }
0x17d: {  	v3 =	vmul.f32 v12, v6;
	[tilespmem:v59+s15+$0x0] =	vst.idx.add.f32.msk $0xffff, v1  }
0x17e: {  	v1 =	vmul.f32 v10, v5;
	[tilespmem:v60+s15+$0x0] =	vst.idx.add.f32.msk $0xffff, v2  }
0x17f: {  	v9 =	vor.u32 $0x180, v23;
	[tilespmem:v63+s15+$0x0] =	vst.idx.add.f32.msk $0xffff, v3  }
0x180: {  	s24 =	simm.s32 $0x15C70;
	s23 =	simm.s32 $0x0;
	v10 =	vor.u32 $0x180, v25;
	v2 =	vmul.f32 v61, v15;
	[tilespmem:v62+s15+$0x0] =	vst.idx.add.f32.msk $0xffff, v1;
	v1 =	vmul.f32 v8, v16  }
.LBB2_7:
0x181: {  	v3 =	vld [tilespmem:s24+$0x40];
	s21 =	sadd.s32 $0xA0, s21  }
0x182: {  	s23 =	sadd.s32 $0xA, s23;
	v6 =	vld [tilespmem:s24+$0xFFFFFFC0];
	s25 =	sand.u32 $0x1FE0, s21  }
0x183: {  	p0 =	slt.u32 s23, $0x1EA;
	v4 =	vld [tilespmem:s25+$0x15C00]  }
0x184: {  	v21 =	vld [tilespmem:s24+$0xFFFFFFD0]  }
0x185: {  	v22 =	vld [tilespmem:s24+$0xFFFFFFE0]  }
0x186: {  	v23 =	vld [tilespmem:s24+$0xFFFFFFF0];
	v5 =	vshll.u32 v3, $0x2  }
0x187: {  	v8 =	vand.u32 $0x7F, v3;
	v7 =	vshll.u32 v6, $0x2;
	v24 =	vld [tilespmem:s24+$0x0];
	v5 =	vand.u32 $0xFE00, v5  }
0x188: {  	v11 =	vand.u32 $0xFE00, v7;
	v25 =	vld [tilespmem:s24+$0x10];
	v12 =	vshll.u32 v4, $0x2;
	v7 =	vor.u32 v8, v5  }
0x189: {  	v8 =	vand.u32 $0x7F, v4;
	v5 =	vshll.u32 v21, $0x2;
	v26 =	vld [tilespmem:s24+$0x20];
	v12 =	vand.u32 $0xFE00, v12  }
0x18a: {  	v27 =	vld [tilespmem:s24+$0xFFFFFFB0];
	v5 =	vand.u32 $0xFE00, v5;
	v13 =	vshll.u32 v22, $0x2;
	v8 =	vor.u32 v8, v12  }
0x18b: {  	v12 =	vand.u32 $0x7F, v6;
	v13 =	vand.u32 $0xFE00, v13;
	v14 =	vshll.u32 v23, $0x2;
	[tilespmem:v9+s15+$0x0] =	vst.idx.add.f32.msk $0xffff, v2  }
0x18c: {  	v9 =	vand.u32 $0x7F, v21;
	v14 =	vand.u32 $0xFE00, v14;
	v2 =	vshll.u32 v24, $0x2;
	[tilespmem:v10+s15+$0x0] =	vst.idx.add.f32.msk $0xffff, v1  }
0x18d: {  	s22 =	sadd.s32 $0xA0, s22;
	v15 =	vand.u32 $0x7F, v22;
	v28 =	vand.u32 $0xFE00, v2;
	v10 =	vshll.u32 v25, $0x2;
	v16 =	vld.idx.msk [tilespmem:v7+s3+$0x0], $0xffff  }
0x18e: {  	v1 =	vshrl.u32 v3, $0xE;
	v2 =	vshrl.u32 v3, $0xC;
	v29 =	vshll.u32 v26, $0x2;
	v17 =	vld [tilespmem:s22+$0x40]  }
0x18f: {  	v1 =	vand.u32 $0x7F, v1;
	v2 =	vand.u32 $0xFFE00, v2;
	v3 =	vshll.u32 v27, $0x2;
	v30 =	vld.idx.msk [tilespmem:v8+s3+$0x0], $0xffff  }
0x190: {  	v20 =	vshrl.u32 v4, $0xE;
	v4 =	vshrl.u32 v4, $0xC;
	v19 =	vor.u32 v1, v2;
	v18 =	vld [tilespmem:s25+$0x19B00]  }
0x191: {  	v20 =	vand.u32 $0x7F, v20;
	v4 =	vand.u32 $0xFFE00, v4;
	v31 =	vor.u32 $0x80, v7;
	v1 =	vld [tilespmem:s22+$0xFFFFFFB0]  }
0x192: {  	v20 =	vor.u32 v20, v4;
	v33 =	vand.u32 $0xFE00, v10;
	v32 =	vand.u32 $0xFE00, v3;
	v2 =	vld [tilespmem:s22+$0xFFFFFFC0]  }
0x193: {  	v34 =	vor.u32 $0x80, v8;
	v29 =	vand.u32 $0xFE00, v29;
	v3 =	vld [tilespmem:s22+$0xFFFFFFD0];
	v10 =	vmul.f32 v16, v17  }
0x194: {  	v35 =	vand.u32 $0x7F, v23;
	v36 =	vand.u32 $0x7F, v24;
	v16 =	vand.u32 $0x7F, v27;
	v4 =	vld [tilespmem:s22+$0xFFFFFFE0]  }
0x195: {  	v37 =	vand.u32 $0x7F, v25;
	v38 =	vand.u32 $0x7F, v26;
	v30 =	vmul.f32 v30, v18;
	[tilespmem:v19+s15+$0x0] =	vst.idx.add.f32.msk $0xffff, v10  }
0x196: {  	v11 =	vor.u32 v12, v11;
	v16 =	vor.u32 v16, v32;
	v10 =	vor.u32 v9, v5;
	v31 =	vld.idx.msk [tilespmem:v31+s3+$0x0], $0xffff  }
0x197: {  	v13 =	vor.u32 v15, v13;
	v12 =	vor.u32 v35, v14;
	v32 =	vshrl.u32 v27, $0xE;
	[tilespmem:v20+s15+$0x0] =	vst.idx.add.f32.msk $0xffff, v30  }
0x198: {  	v14 =	vor.u32 v36, v28;
	v15 =	vor.u32 v37, v33;
	v9 =	vor.u32 v38, v29;
	v28 =	vld.idx.msk [tilespmem:v34+s3+$0x0], $0xffff  }
0x199: {  	v27 =	vshrl.u32 v27, $0xC;
	v29 =	vshrl.u32 v6, $0xE;
	v30 =	vor.u32 $0x80, v19;
	v5 =	vld [tilespmem:s22+$0xFFFFFFF0]  }
0x19a: {  	v35 =	vor.u32 $0x100, v7;
	v33 =	vshrl.u32 v6, $0xC;
	v34 =	vshrl.u32 v21, $0xE;
	v6 =	vld [tilespmem:s22+$0x0]  }
0x19b: {  	v37 =	vshrl.u32 v22, $0xE;
	v38 =	vor.u32 $0x80, v20;
	v21 =	vshrl.u32 v21, $0xC;
	v36 =	vld.idx.msk [tilespmem:v16+s3+$0x0], $0xffff  }
0x19c: {  	v40 =	vor.u32 $0x100, v8;
	v22 =	vshrl.u32 v22, $0xC;
	v31 =	vmul.f32 v31, v17;
	v39 =	vld.idx.msk [tilespmem:v11+s3+$0x0], $0xffff  }
0x19d: {  	v42 =	vshrl.u32 v23, $0xE;
	v23 =	vshrl.u32 v23, $0xC;
	v43 =	vshrl.u32 v24, $0xE;
	v41 =	vld.idx.msk [tilespmem:v10+s3+$0x0], $0xffff  }
0x19e: {  	v24 =	vshrl.u32 v24, $0xC;
	v44 =	vshrl.u32 v25, $0xE;
	v28 =	vmul.f32 v28, v18;
	[tilespmem:v30+s15+$0x0] =	vst.idx.add.f32.msk $0xffff, v31  }
0x19f: {  	v25 =	vshrl.u32 v25, $0xC;
	v30 =	vshrl.u32 v26, $0xE;
	v26 =	vshrl.u32 v26, $0xC;
	v31 =	vld.idx.msk [tilespmem:v35+s3+$0x0], $0xffff  }
0x1a0: {  	v32 =	vand.u32 $0x7F, v32;
	v27 =	vand.u32 $0xFFE00, v27;
	v29 =	vand.u32 $0x7F, v29;
	[tilespmem:v38+s15+$0x0] =	vst.idx.add.f32.msk $0xffff, v28  }
0x1a1: {  	v33 =	vand.u32 $0xFFE00, v33;
	v34 =	vand.u32 $0x7F, v34;
	v28 =	vmul.f32 v36, v1;
	v35 =	vld.idx.msk [tilespmem:v40+s3+$0x0], $0xffff  }
0x1a2: {  	v21 =	vand.u32 $0xFFE00, v21;
	v36 =	vmul.f32 v39, v2;
	v39 =	vor.u32 $0x100, v19;
	v38 =	vld.idx.msk [tilespmem:v13+s3+$0x0], $0xffff  }
0x1a3: {  	v7 =	vor.u32 $0x180, v7;
	v37 =	vand.u32 $0x7F, v37;
	v40 =	vmul.f32 v41, v3;
	v41 =	vld.idx.msk [tilespmem:v12+s3+$0x0], $0xffff  }
0x1a4: {  	v46 =	vor.u32 $0x100, v20;
	v42 =	vand.u32 $0x7F, v42;
	v22 =	vand.u32 $0xFFE00, v22;
	v45 =	vld.idx.msk [tilespmem:v14+s3+$0x0], $0xffff  }
0x1a5: {  	v23 =	vand.u32 $0xFFE00, v23;
	v8 =	vor.u32 $0x180, v8;
	v31 =	vmul.f32 v31, v17;
	v47 =	vld.idx.msk [tilespmem:v15+s3+$0x0], $0xffff  }
0x1a6: {  	v43 =	vand.u32 $0x7F, v43;
	v24 =	vand.u32 $0xFFE00, v24;
	v44 =	vand.u32 $0x7F, v44;
	v48 =	vld.idx.msk [tilespmem:v9+s3+$0x0], $0xffff  }
0x1a7: {  	v25 =	vand.u32 $0xFFE00, v25;
	v30 =	vand.u32 $0x7F, v30;
	v35 =	vmul.f32 v35, v18;
	[tilespmem:v39+s15+$0x0] =	vst.idx.add.f32.msk $0xffff, v31  }
0x1a8: {  	v27 =	vor.u32 v32, v27;
	v26 =	vand.u32 $0xFFE00, v26;
	v31 =	vmul.f32 v38, v4;
	v32 =	vld.idx.msk [tilespmem:v7+s3+$0x0], $0xffff  }
0x1a9: {  	v29 =	vor.u32 v29, v33;
	v38 =	vor.u32 $0x80, v16;
	v33 =	vmul.f32 v41, v5;
	[tilespmem:v46+s15+$0x0] =	vst.idx.add.f32.msk $0xffff, v35  }
0x1aa: {  	v22 =	vor.u32 v37, v22;
	v21 =	vor.u32 v34, v21;
	v34 =	vmul.f32 v45, v6;
	v35 =	vld.idx.msk [tilespmem:v8+s3+$0x0], $0xffff  }
0x1ab: {  	v23 =	vor.u32 v42, v23;
	v24 =	vor.u32 v43, v24;
	v25 =	vor.u32 v44, v25;
	v7 =	vld [tilespmem:s22+$0x10]  }
0x1ac: {  	v37 =	vor.u32 $0x80, v11;
	v26 =	vor.u32 v30, v26;
	v19 =	vor.u32 $0x180, v19;
	v8 =	vld [tilespmem:s22+$0x20]  }
0x1ad: {  	v20 =	vor.u32 $0x180, v20;
	v30 =	vor.u32 $0x80, v13;
	[tilespmem:v27+s15+$0x0] =	vst.idx.add.f32.msk $0xffff, v28;
	v28 =	vor.u32 $0x80, v10  }
0x1ae: {  	v39 =	vor.u32 $0x80, v14;
	v41 =	vor.u32 $0x80, v15;
	[tilespmem:v29+s15+$0x0] =	vst.idx.add.f32.msk $0xffff, v36;
	v36 =	vor.u32 $0x80, v12  }
0x1af: {  	v42 =	vor.u32 $0x80, v27;
	v17 =	vmul.f32 v32, v17;
	[tilespmem:v21+s15+$0x0] =	vst.idx.add.f32.msk $0xffff, v40;
	v40 =	vor.u32 $0x80, v9  }
0x1b0: {  	v32 =	vor.u32 $0x80, v29;
	v18 =	vmul.f32 v35, v18;
	[tilespmem:v22+s15+$0x0] =	vst.idx.add.f32.msk $0xffff, v31;
	v31 =	vmul.f32 v47, v7  }
0x1b1: {  	v43 =	vor.u32 $0x80, v22;
	v35 =	vor.u32 $0x80, v21;
	v44 =	vmul.f32 v48, v8;
	[tilespmem:v19+s15+$0x0] =	vst.idx.add.f32.msk $0xffff, v17  }
0x1b2: {  	v45 =	vor.u32 $0x80, v25;
	v17 =	vor.u32 $0x80, v23;
	v19 =	vor.u32 $0x80, v24;
	[tilespmem:v20+s15+$0x0] =	vst.idx.add.f32.msk $0xffff, v18  }
0x1b3: {  	v18 =	vor.u32 $0x100, v16;
	v20 =	vor.u32 $0x100, v11;
	[tilespmem:v23+s15+$0x0] =	vst.idx.add.f32.msk $0xffff, v33;
	v33 =	vor.u32 $0x80, v26  }
0x1b4: {  	v46 =	vor.u32 $0x100, v10;
	v47 =	vor.u32 $0x100, v13;
	v48 =	vor.u32 $0x100, v12;
	[tilespmem:v24+s15+$0x0] =	vst.idx.add.f32.msk $0xffff, v34  }
0x1b5: {  	v49 =	vor.u32 $0x100, v9;
	v34 =	vor.u32 $0x100, v14;
	[tilespmem:v25+s15+$0x0] =	vst.idx.add.f32.msk $0xffff, v31;
	v31 =	vor.u32 $0x100, v15  }
0x1b6: {  	v50 =	vor.u32 $0x100, v27;
	v51 =	vor.u32 $0x100, v29;
	v52 =	vor.u32 $0x100, v21;
	[tilespmem:v26+s15+$0x0] =	vst.idx.add.f32.msk $0xffff, v44  }
0x1b7: {  	v53 =	vor.u32 $0x100, v23;
	v54 =	vor.u32 $0x100, v24;
	v44 =	vor.u32 $0x100, v22;
	v38 =	vld.idx.msk [tilespmem:v38+s3+$0x0], $0xffff  }
0x1b8: {  	v55 =	vor.u32 $0x100, v25;
	v56 =	vor.u32 $0x100, v26;
	v16 =	vor.u32 $0x180, v16;
	v37 =	vld.idx.msk [tilespmem:v37+s3+$0x0], $0xffff  }
0x1b9: {  	v57 =	vor.u32 $0x180, v10;
	v13 =	vor.u32 $0x180, v13;
	v11 =	vor.u32 $0x180, v11;
	v28 =	vld.idx.msk [tilespmem:v28+s3+$0x0], $0xffff  }
0x1ba: {  	v12 =	vor.u32 $0x180, v12;
	v14 =	vor.u32 $0x180, v14;
	v15 =	vor.u32 $0x180, v15;
	v30 =	vld.idx.msk [tilespmem:v30+s3+$0x0], $0xffff  }
0x1bb: {  	v58 =	vor.u32 $0x180, v9;
	v27 =	vor.u32 $0x180, v27;
	v29 =	vor.u32 $0x180, v29;
	v36 =	vld.idx.msk [tilespmem:v36+s3+$0x0], $0xffff  }
0x1bc: {  	v21 =	vor.u32 $0x180, v21;
	v23 =	vor.u32 $0x180, v23;
	v22 =	vor.u32 $0x180, v22;
	v39 =	vld.idx.msk [tilespmem:v39+s3+$0x0], $0xffff  }
0x1bd: {  	v9 =	vor.u32 $0x180, v25;
	v24 =	vor.u32 $0x180, v24;
	v38 =	vmul.f32 v38, v1;
	v41 =	vld.idx.msk [tilespmem:v41+s3+$0x0], $0xffff  }
0x1be: {  	v10 =	vor.u32 $0x180, v26;
	v25 =	vmul.f32 v37, v2;
	v37 =	vld.idx.msk [tilespmem:v40+s3+$0x0], $0xffff  }
0x1bf: {  	v26 =	vmul.f32 v28, v3;
	[tilespmem:v42+s15+$0x0] =	vst.idx.add.f32.msk $0xffff, v38  }
0x1c0: {  	[tilespmem:v32+s15+$0x0] =	vst.idx.add.f32.msk $0xffff, v25;
	v25 =	vmul.f32 v30, v4  }
0x1c1: {  	[tilespmem:v35+s15+$0x0] =	vst.idx.add.f32.msk $0xffff, v26;
	v26 =	vmul.f32 v36, v5  }
0x1c2: {  	[tilespmem:v43+s15+$0x0] =	vst.idx.add.f32.msk $0xffff, v25;
	v25 =	vmul.f32 v39, v6  }
0x1c3: {  	[tilespmem:v17+s15+$0x0] =	vst.idx.add.f32.msk $0xffff, v26;
	v17 =	vmul.f32 v41, v7  }
0x1c4: {  	[tilespmem:v19+s15+$0x0] =	vst.idx.add.f32.msk $0xffff, v25;
	v19 =	vmul.f32 v37, v8  }
0x1c5: {  	[tilespmem:v45+s15+$0x0] =	vst.idx.add.f32.msk $0xffff, v17  }
0x1c6: {  	[tilespmem:v33+s15+$0x0] =	vst.idx.add.f32.msk $0xffff, v19  }
0x1c7: {  	v17 =	vld.idx.msk [tilespmem:v18+s3+$0x0], $0xffff  }
0x1c8: {  	v18 =	vld.idx.msk [tilespmem:v20+s3+$0x0], $0xffff  }
0x1c9: {  	v19 =	vld.idx.msk [tilespmem:v46+s3+$0x0], $0xffff  }
0x1ca: {  	v20 =	vld.idx.msk [tilespmem:v47+s3+$0x0], $0xffff  }
0x1cb: {  	v25 =	vld.idx.msk [tilespmem:v48+s3+$0x0], $0xffff  }
0x1cc: {  	v26 =	vld.idx.msk [tilespmem:v34+s3+$0x0], $0xffff  }
0x1cd: {  	v17 =	vmul.f32 v17, v1;
	v28 =	vld.idx.msk [tilespmem:v31+s3+$0x0], $0xffff  }
0x1ce: {  	v18 =	vmul.f32 v18, v2;
	v30 =	vld.idx.msk [tilespmem:v49+s3+$0x0], $0xffff  }
0x1cf: {  	[tilespmem:v50+s15+$0x0] =	vst.idx.add.f32.msk $0xffff, v17;
	v17 =	vmul.f32 v19, v3  }
0x1d0: {  	[tilespmem:v51+s15+$0x0] =	vst.idx.add.f32.msk $0xffff, v18;
	v18 =	vmul.f32 v20, v4  }
0x1d1: {  	[tilespmem:v52+s15+$0x0] =	vst.idx.add.f32.msk $0xffff, v17;
	v17 =	vmul.f32 v25, v5  }
0x1d2: {  	[tilespmem:v44+s15+$0x0] =	vst.idx.add.f32.msk $0xffff, v18;
	v18 =	vmul.f32 v26, v6  }
0x1d3: {  	[tilespmem:v53+s15+$0x0] =	vst.idx.add.f32.msk $0xffff, v17;
	v17 =	vmul.f32 v28, v7  }
0x1d4: {  	[tilespmem:v54+s15+$0x0] =	vst.idx.add.f32.msk $0xffff, v18;
	v18 =	vmul.f32 v30, v8  }
0x1d5: {  	[tilespmem:v55+s15+$0x0] =	vst.idx.add.f32.msk $0xffff, v17  }
0x1d6: {  	[tilespmem:v56+s15+$0x0] =	vst.idx.add.f32.msk $0xffff, v18  }
0x1d7: {  	v16 =	vld.idx.msk [tilespmem:v16+s3+$0x0], $0xffff  }
0x1d8: {  	v11 =	vld.idx.msk [tilespmem:v11+s3+$0x0], $0xffff  }
0x1d9: {  	v17 =	vld.idx.msk [tilespmem:v57+s3+$0x0], $0xffff  }
0x1da: {  	v13 =	vld.idx.msk [tilespmem:v13+s3+$0x0], $0xffff  }
0x1db: {  	v12 =	vld.idx.msk [tilespmem:v12+s3+$0x0], $0xffff  }
0x1dc: {  	v14 =	vld.idx.msk [tilespmem:v14+s3+$0x0], $0xffff  }
0x1dd: {  	v1 =	vmul.f32 v16, v1;
	v15 =	vld.idx.msk [tilespmem:v15+s3+$0x0], $0xffff  }
0x1de: {  	v2 =	vmul.f32 v11, v2;
	v11 =	vld.idx.msk [tilespmem:v58+s3+$0x0], $0xffff  }
0x1df: {  	[tilespmem:v27+s15+$0x0] =	vst.idx.add.f32.msk $0xffff, v1;
	v1 =	vmul.f32 v17, v3  }
.Ltmp2:
0x1e0: {  	[tilespmem:v29+s15+$0x0] =	vst.idx.add.f32.msk $0xffff, v2;
	v2 =	vmul.f32 v13, v4;
	(pc) =	sbr.rel @p0 .LBB2_7-.Ltmp2, $4  }
0x1e1: {  	[tilespmem:v21+s15+$0x0] =	vst.idx.add.f32.msk $0xffff, v1;
	v1 =	vmul.f32 v12, v5  }
0x1e2: {  	v3 =	vmul.f32 v14, v6;
	[tilespmem:v22+s15+$0x0] =	vst.idx.add.f32.msk $0xffff, v2  }
0x1e3: {  	v2 =	vmul.f32 v15, v7;
	[tilespmem:v23+s15+$0x0] =	vst.idx.add.f32.msk $0xffff, v1  }
0x1e4: {  	s24 =	sadd.s32 $0xA0, s24;
	v1 =	vmul.f32 v11, v8;
	[tilespmem:v24+s15+$0x0] =	vst.idx.add.f32.msk $0xffff, v3  }
0x1e5: {  	s20 =	sadd.s32 $0x1, s20  }
0x1e6: {  	p0 =	sne.s32 s20, $0x14  }
.Ltmp3:
0x1e7: {  	_ = 	snop;
	(pc) =	sbr.rel @p0 .LBB2_4-.Ltmp3, $3  }
0x1e8: {  	_ =	sdelay $0x1  }
0x1e9: {  	[tilespmem:v9+s15+$0x0] =	vst.idx.add.f32.msk $0xffff, v2  }
0x1ea: {  	[tilespmem:v10+s15+$0x0] =	vst.idx.add.f32.msk $0xffff, v1  }
0x1eb: {  	s18 =	sadd.s32 $0x1, s18  }
0x1ec: {  	p0 =	sne.s32 s18, s7  }
.Ltmp4:
0x1ed: {  	_ = 	snop;
	(pc) =	sbr.rel @p0 .LBB2_1-.Ltmp4, $4  }
0x1ee: {  	[hbm4b:s6+s8] =	stream.strided.scatter [tilespmem:s15], [sflag:$0x3], $0x9E00, s9, s8, $0x38;
	[tilespmem:$0x1BA00] =	vst v63  }
0x1ef: {  	_ =	swait.ge [sflag:s17], $0x9E00  }
0x1f0: {  	[sflag:s17] =	ssyncset.done $0x0  }
0x1f1: {  	[sflag:s17] =	ssyncadd.s32 $0xFFFF6200  }
0x1f2: {  	_ =	sfence.sel $0x180000  }
0x1f3: {  	[bflag:$0x0] =	sbarrier.arrive $0xFFFF  }
0x1f4: {  	p0 =	sne.s32 s0, $0x0;
	_ =	strace $0x9000004A  }
0x1f5: {  	s0 =	sadd.s32 @!p0 $0x100000, s1;
	[bflag:$0x2] =	sbarrier.arrive $0xFFFF  }
0x1f6: {  	[sflag:s0] =	ssyncadd.tile.s32 @!p0 $0x1;
	_ =	shalt  }
.Lfunc_end2:
_tile_overlayer_lowered:
.L_overlay_start_2:
0x1f7: {  	(tag) =	ssettag $0x2  }
0x1f8: {  	s0 =	rddreg [dreg:$0x0];
	s2 =	stileid.u32  }
0x1f9: {  	s1 =	rddreg [dreg:$0x1];
	p0 =	sne.s32 s2, $0x0  }
0x1fa: {  	s3 =	rddreg [dreg:$0x2];
	[bflag:$0x3] =	sbarrier.arrive $0xFFFF;
	s2 =	simm.s32 @!p0 $0x1C03  }
0x1fb: {  	[timem:s3], [sflag:s2] =	dma.local @!p0 [hbm:s0], s1  }
0x1fc: {  	s0 =	simm.s32 @!p0 $0x3  }
0x1fd: {  	_ =	swait.ge @!p0 [sflag:s0], s1  }
0x1fe: {  	s1 =	ssub.s32 @!p0 $0x0, s1;
	[sflag:s0] =	ssyncset.done @!p0 $0x0  }
0x1ff: {  	[sflag:s0] =	ssyncadd.s32 @!p0 s1  }
0x200: {  	[bflag:$0x3] =	sbarrier.arrive $0xFFFF  }
0x201: {  	_ =	shalt  }

// kernel: kernel.16.cloned.1.call-start
scs
__scs_entry_jumppad:
0x0: {  	(pc) =	sbr.rel $0x88, $3  }
0x1: {  	(tag) =	ssettag $0x0;
	lr =	simm.s32 $0x1  }
0x2: {  	[smem:$0x3F72] =	sst lr;
	_ =	strace $0xD0000000  }
0x3: {  	_ = 	snop  }
0x4: {  	_ = 	snop  }
0x5: {  	_ = 	snop  }
0x6: {  	_ = 	snop  }
0x7: {  	_ = 	snop  }
__scs_overlays_trampoline_lowered:
0x8: {  	[smem:$0x3F81] =	sst s0  }
0x9: {  	[smem:$0x3F82] =	sst s1  }
0xa: {  	[smem:$0x3F83] =	sst s2  }
0xb: {  	[smem:$0x3F84] =	sst s3  }
0xc: {  	[smem:$0x3F85] =	sst s4  }
0xd: {  	[smem:$0x3F86] =	sst s5  }
0xe: {  	[smem:$0x3F87] =	sst s6  }
0xf: {  	[smem:$0x3F88] =	sst s7  }
0x10: {  	[smem:$0x3F89] =	sst s8  }
0x11: {  	[smem:$0x3F8A] =	sst s9;
	s0 =	simm.s32 @!p0 $0x0  }
0x12: {  	s1 =	sld [smem:$0x3F70];
	s0 =	simm.s32 @p0 $0x1  }
0x13: {  	[smem:$0x3F8B] =	sst s0;
	s0 =	simm.s32 @!p1 $0x0  }
0x14: {  	s2 =	sld [smem:$0x3F6F];
	s0 =	simm.s32 @p1 $0x1  }
0x15: {  	[smem:$0x3F8C] =	sst s0;
	s0 =	simm.s32 @!p2 $0x0  }
0x16: {  	s3 =	sld [smem:$0x3FDB];
	s0 =	simm.s32 @p2 $0x1  }
0x17: {  	s4 =	simm.s32 $0x1BF5;
	[smem:$0x3F8E] =	sst s0  }
0x18: {  	s0 =	sld [smem:$0x3F71];
	_ =	swait.ge [sflag:s4], $0x0  }
0x19: {  	s7 =	sld [smem:$0x3F72]  }
0x1a: {  	s8 =	sadd.s32 $0xFFFFE003, lr  }
0x1b: {  	s9 =	sadd.s32 $0xFFFFFEF7, lr;
	s5 =	simm.s32 $0xFFFFFFFF;
	p2 =	slt.u32 s8, $0xFFFFF086  }
0x1c: {  	p1 =	slt.u32 s9, $0xF7A;
	s5 =	simm.s32 @!p2 $0x0  }
0x1d: {  	s5 =	simm.s32 @p1 $0x1;
	p0 =	seq.s32 s7, s2  }
0x1e: {  	s7 =	smul.u32 @!p0 $0xF7A, s2;
	p2 =	seq.s32 @!p0 s5, $0x0  }
0x1f: {  	s9 =	smul.u32 $0xF7A, s1;
	s8 =	simm.s32 @!p0 $0x1BF5;
	p2 =	por !p2, p0  }
0x20: {  	[sflag:s8] =	ssyncset.s32 @!p0 $0xFFFFF086;
	s6 =	sadd.s32 @!p0 s3, s7;
	s7 =	simm.s32 @!p0 $0x108  }
0x21: {  	s3 =	sadd.s32 s3, s9;
	s6 =	sadd.s32 @!p0 $0x88, s6;
	s7 =	simm.s32 @p2 $0x1082  }
0x22: {  	[simem:s7], [sflag:s8] =	dma.local @!p0 [hbm:s6], $0xF7A  }
0x23: {  	s9 =	sor.u32 $0xD0000000, s2;
	s6 =	simm.s32 $0x108;
	_ =	swait.ge @!p0 [sflag:s8], $0x0  }
0x24: {  	s3 =	sadd.s32 $0x88, s3;
	s6 =	simm.s32 @!p1 $0x1082;
	[sflag:s4] =	ssyncset.s32 $0xFFFFF086  }
0x25: {  	[simem:s6], [sflag:s4] =	dma.local [hbm:s3], $0xF7A  }
0x26: {  	[smem:$0x3F72] =	sst s1;
	(tag) =	ssettag s2;
	_ =	strace s9  }
0x27: {  	s1 =	sld [smem:$0x3F82]  }
0x28: {  	s2 =	sld [smem:$0x3F83]  }
0x29: {  	s4 =	sld [smem:$0x3F85]  }
0x2a: {  	p0 =	seq.s32 s5, $0x0;
	s5 =	sld [smem:$0x3F86]  }
0x2b: {  	s6 =	sld [smem:$0x3F87]  }
0x2c: {  	s7 =	sld [smem:$0x3F88]  }
0x2d: {  	s3 =	simm.s32 $0x108;
	s8 =	sld [smem:$0x3F89]  }
0x2e: {  	s3 =	simm.s32 @!p0 $0x1082;
	s9 =	sld [smem:$0x3F8A]  }
0x2f: {  	lr =	sadd.s32 s0, s3;
	s0 =	sld [smem:$0x3F81]  }
0x30: {  	s3 =	sld [smem:$0x3F84]  }
0x31: {  	[smem:$0x3F8D] =	sst s10  }
0x32: {  	s10 =	sld [smem:$0x3F8B];
	_ =	sdelay $0x3  }
0x33: {  	p0 =	seq.s32 s10, $0x1;
	s10 =	sld [smem:$0x3F8D];
	_ =	sdelay $0x3  }
0x34: {  	[smem:$0x3F8D] =	sst s10  }
0x35: {  	s10 =	sld [smem:$0x3F8C];
	_ =	sdelay $0x3  }
0x36: {  	p1 =	seq.s32 s10, $0x1;
	s10 =	sld [smem:$0x3F8D];
	_ =	sdelay $0x3  }
0x37: {  	[smem:$0x3F8D] =	sst s10  }
0x38: {  	s10 =	sld [smem:$0x3F8E]  }
0x39: {  	_ = 	snop;
	(pc) =	sbr.ind lr, $3  }
0x3a: {  	_ = 	snop  }
0x3b: {  	_ = 	snop  }
0x3c: {  	p2 =	seq.s32 s10, $0x1;
	s10 =	sld [smem:$0x3F8D]  }
0x3d: {  	_ =	shalt  }
0x3e: {  	_ =	shalt  }
0x3f: {  	_ =	shalt  }
0x40: {  	_ =	shalt  }
0x41: {  	_ =	shalt  }
0x42: {  	_ =	shalt  }
0x43: {  	_ =	shalt  }
0x44: {  	_ =	shalt  }
0x45: {  	_ =	shalt  }
0x46: {  	_ =	shalt  }
0x47: {  	_ =	shalt  }
0x48: {  	_ =	shalt  }
0x49: {  	_ =	shalt  }
0x4a: {  	_ =	shalt  }
0x4b: {  	_ =	shalt  }
0x4c: {  	_ =	shalt  }
0x4d: {  	_ =	shalt  }
0x4e: {  	_ =	shalt  }
0x4f: {  	_ =	shalt  }
0x50: {  	_ =	shalt  }
0x51: {  	_ =	shalt  }
0x52: {  	_ =	shalt  }
0x53: {  	_ =	shalt  }
0x54: {  	_ =	shalt  }
0x55: {  	_ =	shalt  }
0x56: {  	_ =	shalt  }
0x57: {  	_ =	shalt  }
0x58: {  	_ =	shalt  }
0x59: {  	_ =	shalt  }
0x5a: {  	_ =	shalt  }
0x5b: {  	_ =	shalt  }
0x5c: {  	_ =	shalt  }
0x5d: {  	_ =	shalt  }
0x5e: {  	_ =	shalt  }
0x5f: {  	_ =	shalt  }
0x60: {  	_ =	shalt  }
0x61: {  	_ =	shalt  }
0x62: {  	_ =	shalt  }
0x63: {  	_ =	shalt  }
0x64: {  	_ =	shalt  }
0x65: {  	_ =	shalt  }
0x66: {  	_ =	shalt  }
0x67: {  	_ =	shalt  }
0x68: {  	_ =	shalt  }
0x69: {  	_ =	shalt  }
0x6a: {  	_ =	shalt  }
0x6b: {  	_ =	shalt  }
0x6c: {  	_ =	shalt  }
0x6d: {  	_ =	shalt  }
0x6e: {  	_ =	shalt  }
0x6f: {  	_ =	shalt  }
0x70: {  	_ =	shalt  }
0x71: {  	_ =	shalt  }
0x72: {  	_ =	shalt  }
0x73: {  	_ =	shalt  }
0x74: {  	_ =	shalt  }
0x75: {  	_ =	shalt  }
0x76: {  	_ =	shalt  }
0x77: {  	_ =	shalt  }
0x78: {  	_ =	shalt  }
0x79: {  	_ =	shalt  }
0x7a: {  	_ =	shalt  }
0x7b: {  	_ =	shalt  }
0x7c: {  	_ =	shalt  }
0x7d: {  	_ =	shalt  }
0x7e: {  	_ =	shalt  }
0x7f: {  	_ =	shalt  }
0x80: {  	_ =	shalt  }
0x81: {  	_ =	shalt  }
0x82: {  	_ =	shalt  }
0x83: {  	_ =	shalt  }
0x84: {  	_ =	shalt  }
0x85: {  	_ =	shalt  }
0x86: {  	_ =	shalt  }
0x87: {  	_ =	shalt  }
.Lfunc_end0:
.L_simem_size_0:
called_computation.2_lowered:
.L_overlay_start_0:
0x88: {  	s2 =	sld [smem:$0x3FD9]  }
0x89: {  	s3 =	sld [smem:$0x3FFE];
	_ =	sdelay $0x1  }
0x8a: {  	s1 =	srdreg.scid  }
0x8b: {  	s0 =	sand.u32 $0x1, s1  }
0x8c: {  	s17 =	sshll.u32 s0, $0xA;
	s2 =	sadd.s32 s3, s2  }
0x8d: {  	s2 =	sadd.s32 s2, s17  }
0x8e: {  	[smem:$0x3F99] =	sst s2  }
0x8f: {  	_ = 	snop  }
0x90: {  	s2 =	sld [smem:$0x3FC6];
	(tm) =	ssettm $0x1  }
0x91: {  	s18 =	sld [smem:$0x3FFB];
	_ =	sdelay $0x3  }
0x92: {  	_ =	strace s18  }
0x93: {  	s3 =	sld [smem:$0x3FFC];
	_ =	sdelay $0x3  }
0x94: {  	_ =	strace s3  }
0x95: {  	s3 =	sld [smem:$0x3FFD];
	_ =	sdelay $0x3  }
0x96: {  	_ =	strace s3  }
0x97: {  	_ =	strace $0x8FFFFFFF  }
0x98: {  	s19 =	sld [smem:$0x3FDB];
	_ =	sdelay $0x1  }
0x99: {  	s4 =	simm.s32 $_scs_section_size  }
0x9a: {  	s5 =	simm.s32 $_size__tile_overlayer_lowered;
	s6 =	simm.s32 $_tile_overlayer_lowered  }
0x9b: {  	s22 =	simm.s32 $0x1BFF;
	s21 =	sshll.u32 s6, $0x1;
	s3 =	sadd.s32 s4, s19  }
0x9c: {  	s7 =	simm.s32 $0x0;
	s20 =	sshll.u32 s5, $0x1;
	s5 =	sadd.s32 s21, s3  }
0x9d: {  	[timem:s7], [sflag:s22] =	dma.local [hbm:s5], s20  }
0x9e: {  	_ =	swait.ge [sflag:s22], s20  }
0x9f: {  	s4 =	ssub.s32 $0x0, s20;
	[sflag:s22] =	ssyncset.done $0x0  }
0xa0: {  	[sflag:s22] =	ssyncadd.s32 s4;
	_ =	sdelay $0x1  }
0xa1: {  	s23 =	simm.s32 $0x1B8B  }
0xa2: {  	_ =	swait.ge [sflag:s23], $0x1  }
0xa3: {  	[sflag:s23] =	ssyncset.done $0x0  }
0xa4: {  	s25 =	simm.s32 $0x1B8E;
	s24 =	sld [smem:$0x3FFE];
	[sflag:s23] =	ssyncadd.s32 $0xFFFFFFFF  }
0xa5: {  	s26 =	simm.s32 $execute0_lowered;
	[smem:$0x3FD2] =	sst s25  }
0xa6: {  	s5 =	sshll.u32 s26, $0x1;
	_ =	strace $0x8000004C;
	[dreg:$0x1] =	wrdreg $0xFFFFFFFF  }
0xa7: {  	s28 =	simm.s32 $_size_execute0_lowered;
	s3 =	sadd.s32 s3, s5;
	[dreg:$0x0] =	wrdreg $0x0  }
0xa8: {  	s5 =	sshll.u32 s28, $0x1;
	[dreg:$0x2] =	wrdreg s3  }
0xa9: {  	[dreg:$0x3] =	wrdreg s5  }
0xaa: {  	[dreg:$0x4] =	wrdreg $0xC0  }
0xab: {  	_ =	task [dreg:s7], $0x5FFFF  }
0xac: {  	[dreg:$0x1] =	wrdreg $0xFFFFFFFF  }
0xad: {  	[dreg:$0x0] =	wrdreg $0x60  }
0xae: {  	[dreg:$0x2] =	wrdreg s24  }
0xaf: {  	[dreg:$0x3] =	wrdreg s2  }
0xb0: {  	[dreg:$0x4] =	wrdreg $0x9  }
0xb1: {  	_ =	task.clear_ibuf [dreg:s7], $0x5FFFF;
	_ =	strace $0x9000004C  }
0xb2: {  	s29 =	simm.s32 $0x9;
	_ =	strace $0x8000004E  }
0xb3: {  	_ =	swait.ge [sflag:s29], $0x1  }
0xb4: {  	[sflag:s29] =	ssyncadd.s32 $0xFFFFFFFF  }
0xb5: {  	_ =	strace $0x9000004E  }
0xb6: {  	_ =	sfence  }
0xb7: {  	s30 =	sld [smem:$0x0];
	_ =	sdelay $0x2  }
0xb8: {  	s31 =	sshll.u32 s1, $0xD;
	s1 =	sshrl.u32 s1, $0x2  }
0xb9: {  	s3 =	sand.u32 $0x4000, s31;
	s1 =	sadd.s32 s1, s30  }
0xba: {  	s0 =	sor.u32 s3, s0;
	s1 =	sshll.u32 s1, $0x11  }
0xbb: {  	s0 =	sor.u32 s1, s0  }
0xbc: {  	s0 =	sadd.s32 $0x8F2B, s0  }
0xbd: {  	[sflag:s0] =	ssyncadd.remote.s32 $0x1  }
0xbe: {  	_ =	sfence.sel $0xFFFF  }
0xbf: {  	[dreg:$0x0] =	wrdreg $0xFFFFFFFF;
	(pc) =	sbr.abs _section_cstart, $3  }
0xc0: {  	[dreg:$0x1] =	wrdreg $0xFFFFFFFF  }
0xc1: {  	_ =	task.clear_ibuf [dreg:s7], $0x2FFFF;
	_ =	strace $0x9FFFFFFF  }
0xc2: {  	(tm) =	ssettm $0x7FFFFFFF  }
0xc3: {  	_ =	shalt  }
tec
execute0_lowered:
.L_overlay_start_1:
0x0: {  	(tag) =	ssettag $0x1  }
0x1: {  	s4 =	rddreg [dreg:$0x0]  }
0x2: {  	s2 =	rddreg [dreg:$0x1]  }
0x3: {  	s0 =	rddreg [dreg:$0x2];
	s5 =	srdreg.scid  }
0x4: {  	s1 =	stileid.u32;
	s3 =	simm.s32 $0x0;
	s9 =	simm.s32 $0x9E00  }
0x5: {  	s10 =	simm.s32 $0x1;
	s11 =	simm.s32 $0xC580;
	s12 =	simm.s32 $0x2  }
0x6: {  	s13 =	simm.s32 $0x0;
	s5 =	sand.u32 $0x1, s5;
	s6 =	smul.u32 $0x13C00, s1  }
0x7: {  	[smem:$0x7FF] =	sst s3;
	s8 =	sshll.u32 s1, $0xE;
	s7 =	sshll.u32 s5, $0x9  }
0x8: {  	_ =	strace $0x8000004D;
	s6 =	sor.u32 s7, s6;
	s7 =	sor.u32 s7, s8  }
0x9: {  	s5 =	ssub.s32 $0x2, s5;
	s6 =	sshrl.u32 s6, $0x3;
	s7 =	sshrl.u32 s7, $0x3  }
0xa: {  	s31 =	sshrl.u32 s5, $0x1;
	s6 =	sadd.s32 s6, s4;
	s7 =	sadd.s32 s7, s4  }
0xb: {  	s8 =	ssub.s32 s5, s31;
	s4 =	sadd.s32 $0x7400, s6;
	s5 =	sadd.s32 $0x56400, s7  }
0xc: {  	v0 =	vimm.f32 $0.0e+00;
	s6 =	smax.u32 s8, $0x1;
	s7 =	simm.s32 $0x200;
	s8 =	simm.s32 $0x400  }
.LBB2_1:
0xd: {  	[tilespmem:s3], [sflag:$0x1] =	stream.strided.gather [hbm4b:s4+s7], $0x9E00, s8, s7, $0x38;
	[tilespmem:$0xE580] =	vst v63  }
0xe: {  	s14 =	simm.s32 $0x40;
	s15 =	simm.s32 $0x100  }
0xf: {  	s16 =	sand.u32 $0x70, s14;
	s15 =	sand.u32 $0x3E00, s15  }
0x10: {  	[tilespmem:s9], [sflag:$0x1] =	stream.linear.gather [hbm4b:s2+s3], $0x2780, $0x38;
	[tilespmem:$0xE580] =	vst v63  }
0x11: {  	s15 =	sor.u32 s16, s15  }
0x12: {  	[tilespmem:s15+$0xC700] =	vst v0  }
0x13: {  	s18 =	simm.s32 $0x0;
	[tilespmem:s15+$0xC580] =	vst v0  }
0x14: {  	s19 =	sand.u32 $0x1E00, s3;
	s18 =	sand.u32 $0x70, s18;
	[tilespmem:s15+$0xC600] =	vst v0  }
0x15: {  	s24 =	sor.u32 s18, s19;
	[tilespmem:s15+$0xC680] =	vst v0  }
0x16: {  	[tilespmem:s24+$0xC580] =	vst v0  }
0x17: {  	s23 =	simm.s32 $0x10;
	s17 =	simm.s32 $0x40;
	[tilespmem:s24+$0xC600] =	vst v0  }
0x18: {  	s17 =	sand.u32 $0x3E00, s17;
	s16 =	sand.u32 $0x70, s23;
	[tilespmem:s24+$0xC680] =	vst v0  }
0x19: {  	s16 =	sor.u32 s16, s17;
	[tilespmem:s24+$0xC700] =	vst v0  }
0x1a: {  	[tilespmem:s16+$0xC580] =	vst v0  }
0x1b: {  	s25 =	simm.s32 $0x20;
	s26 =	simm.s32 $0x80;
	[tilespmem:s16+$0xC600] =	vst v0  }
0x1c: {  	s15 =	sand.u32 $0x70, s25;
	s17 =	sand.u32 $0x3E00, s26;
	[tilespmem:s16+$0xC680] =	vst v0  }
0x1d: {  	s28 =	sor.u32 s15, s17;
	[tilespmem:s16+$0xC700] =	vst v0  }
0x1e: {  	[tilespmem:s28+$0xC580] =	vst v0  }
0x1f: {  	s29 =	simm.s32 $0x30;
	s30 =	simm.s32 $0xC0;
	[tilespmem:s28+$0xC600] =	vst v0  }
0x20: {  	s31 =	sand.u32 $0x70, s29;
	s16 =	sand.u32 $0x3E00, s30;
	[tilespmem:s28+$0xC680] =	vst v0  }
0x21: {  	s15 =	simm.s32 $0x0;
	s17 =	sor.u32 s31, s16;
	[tilespmem:s28+$0xC700] =	vst v0;
	s16 =	simm.s32 $0x140  }
.LBB2_2:
0x22: {  	s18 =	sadd.s32 $0x100, s16;
	s15 =	sadd.s32 $0x5, s15;
	[tilespmem:s17+$0xC580] =	vst v0;
	s14 =	sadd.s32 $0x50, s14  }
0x23: {  	s19 =	sand.u32 $0x70, s14;
	s18 =	sand.u32 $0x3E00, s18;
	p0 =	slt.u32 s15, $0x78;
	[tilespmem:s17+$0xC600] =	vst v0  }
0x24: {  	s21 =	sadd.s32 $0x40, s16;
	s20 =	sadd.s32 $0xFFFFFFD0, s14;
	s18 =	sor.u32 s19, s18;
	[tilespmem:s17+$0xC680] =	vst v0  }
0x25: {  	s22 =	sadd.s32 $0x80, s16;
	s23 =	sadd.s32 $0xFFFFFFF0, s14;
	s19 =	sadd.s32 $0xFFFFFFE0, s14;
	[tilespmem:s18+$0xC700] =	vst v0  }
0x26: {  	s25 =	sadd.s32 $0xC0, s16;
	s24 =	sadd.s32 $0xFFFFFFC0, s14;
	s20 =	sand.u32 $0x70, s20;
	[tilespmem:s17+$0xC700] =	vst v0  }
0x27: {  	s21 =	sand.u32 $0x3E00, s21;
	s19 =	sand.u32 $0x70, s19;
	s17 =	sand.u32 $0x70, s24;
	[tilespmem:s18+$0xC580] =	vst v0  }
0x28: {  	s22 =	sand.u32 $0x3E00, s22;
	s23 =	sand.u32 $0x70, s23;
	s24 =	sand.u32 $0x3E00, s25;
	[tilespmem:s18+$0xC600] =	vst v0  }
0x29: {  	s20 =	sor.u32 s20, s21;
	s25 =	sand.u32 $0x1E00, s16;
	s19 =	sor.u32 s19, s22;
	[tilespmem:s18+$0xC680] =	vst v0  }
0x2a: {  	s18 =	sor.u32 s17, s25;
	s17 =	sor.u32 s23, s24;
	[tilespmem:s20+$0xC580] =	vst v0  }
0x2b: {  	[tilespmem:s18+$0xC580] =	vst v0  }
0x2c: {  	[tilespmem:s18+$0xC600] =	vst v0  }
0x2d: {  	[tilespmem:s18+$0xC680] =	vst v0  }
0x2e: {  	[tilespmem:s18+$0xC700] =	vst v0  }
0x2f: {  	[tilespmem:s20+$0xC600] =	vst v0  }
0x30: {  	[tilespmem:s20+$0xC680] =	vst v0  }
.Ltmp0:
0x31: {  	[tilespmem:s20+$0xC700] =	vst v0;
	(pc) =	sbr.rel @p0 .LBB2_2-.Ltmp0, $4  }
0x32: {  	[tilespmem:s19+$0xC580] =	vst v0  }
0x33: {  	[tilespmem:s19+$0xC600] =	vst v0  }
0x34: {  	[tilespmem:s19+$0xC680] =	vst v0  }
0x35: {  	s16 =	sadd.s32 $0x140, s16;
	[tilespmem:s19+$0xC700] =	vst v0  }
0x36: {  	[tilespmem:s17+$0xC580] =	vst v0  }
0x37: {  	[tilespmem:s17+$0xC600] =	vst v0  }
0x38: {  	[tilespmem:s17+$0xC680] =	vst v0  }
0x39: {  	[tilespmem:s17+$0xC700] =	vst v0  }
0x3a: {  	_ =	swait.ge [sflag:s10], $0x9E00  }
0x3b: {  	[sflag:s10] =	ssyncset.done $0x0  }
0x3c: {  	[sflag:s10] =	ssyncadd.s32 $0xFFFF6200  }
0x3d: {  	_ =	swait.ge [sflag:s10], $0x2780  }
0x3e: {  	[sflag:s10] =	ssyncset.done $0x0  }
0x3f: {  	s15 =	simm.s32 $0x9E40;
	[sflag:s10] =	ssyncadd.s32 $0xFFFFD880  }
0x40: {  	v1 =	vld [tilespmem:s15+$0x30]  }
0x41: {  	v2 =	vld [tilespmem:s15+$0xFFFFFFD0]  }
0x42: {  	v3 =	vld [tilespmem:s15+$0xFFFFFFE0]  }
0x43: {  	v4 =	vld [tilespmem:s15+$0xFFFFFFF0]  }
0x44: {  	v5 =	vld [tilespmem:s15+$0x0]  }
0x45: {  	v6 =	vld [tilespmem:s15+$0x10]  }
0x46: {  	s14 =	simm.s32 $0x100;
	v8 =	vld [tilespmem:s15+$0x20]  }
0x47: {  	v9 =	vld [tilespmem:s14+$0xFFFFFF70]  }
0x48: {  	v29 =	vld [tilespmem:s15+$0xFFFFFFC0]  }
0x49: {  	v10 =	vld [tilespmem:s14+$0xFFFFFF00];
	v7 =	vshll.u32 v1, $0x2;
	v1 =	vand.u32 $0x7F, v1;
	v13 =	vshll.u32 v2, $0x2  }
0x4a: {  	v11 =	vld [tilespmem:s14+$0xFFFFFF10];
	v16 =	vshll.u32 v3, $0x2;
	v2 =	vand.u32 $0x7F, v2;
	v7 =	vand.u32 $0xFFFFFE00, v7  }
0x4b: {  	v12 =	vld [tilespmem:s14+$0xFFFFFF20];
	v18 =	vshll.u32 v4, $0x2;
	v30 =	vand.u32 $0xFFFFFE00, v13;
	v1 =	vor.u32 v1, v7  }
0x4c: {  	v17 =	vld [tilespmem:s14+$0xFFFFFF30];
	v3 =	vand.u32 $0x7F, v3;
	v16 =	vand.u32 $0xFFFFFE00, v16;
	v2 =	vor.u32 v2, v30  }
0x4d: {  	v32 =	vld [tilespmem:s14+$0xFFFFFF40];
	v4 =	vand.u32 $0x7F, v4;
	v18 =	vand.u32 $0xFFFFFE00, v18;
	v3 =	vor.u32 v3, v16  }
0x4e: {  	v33 =	vld [tilespmem:s14+$0xFFFFFF50];
	v4 =	vor.u32 v4, v18  }
0x4f: {  	v34 =	vld [tilespmem:s14+$0xFFFFFF60]  }
0x50: {  	v31 =	vshll.u32 v29, $0x2;
	[tilespmem:v1+s11+$0x0] =	vst.idx.add.f32.msk $0xffff, v9  }
0x51: {  	v13 =	vand.u32 $0xFFFFFE00, v31;
	v7 =	vand.u32 $0x7F, v29;
	[tilespmem:v2+s11+$0x0] =	vst.idx.add.f32.msk $0xffff, v11  }
0x52: {  	v7 =	vor.u32 v7, v13;
	[tilespmem:v3+s11+$0x0] =	vst.idx.add.f32.msk $0xffff, v12  }
0x53: {  	[tilespmem:v4+s11+$0x0] =	vst.idx.add.f32.msk $0xffff, v17  }
0x54: {  	v15 =	vor.u32 $0x80, v1;
	v14 =	vld [tilespmem:s14+$0xFFFFFFF0]  }
0x55: {  	v45 =	vor.u32 $0x80, v3;
	v42 =	vld [tilespmem:s14+$0xFFFFFFA0]  }
0x56: {  	v38 =	vshll.u32 v8, $0x2;
	v47 =	vor.u32 $0x80, v4;
	v44 =	vld [tilespmem:s14+$0xFFFFFFB0]  }
0x57: {  	v8 =	vand.u32 $0x7F, v8;
	[tilespmem:v7+s11+$0x0] =	vst.idx.add.f32.msk $0xffff, v10;
	v10 =	vand.u32 $0xFFFFFE00, v38  }
0x58: {  	v8 =	vor.u32 v8, v10;
	v40 =	vld [tilespmem:s14+$0xFFFFFF80]  }
0x59: {  	v41 =	vor.u32 $0x80, v7;
	[tilespmem:v15+s11+$0x0] =	vst.idx.add.f32.msk $0xffff, v14  }
0x5a: {  	[tilespmem:v45+s11+$0x0] =	vst.idx.add.f32.msk $0xffff, v42  }
0x5b: {  	[tilespmem:v47+s11+$0x0] =	vst.idx.add.f32.msk $0xffff, v44  }
0x5c: {  	v35 =	vshll.u32 v5, $0x2;
	v36 =	vshll.u32 v6, $0x2;
	v37 =	vld [tilespmem:s14+$0x70]  }
0x5d: {  	v5 =	vand.u32 $0x7F, v5;
	v19 =	vor.u32 $0x100, v1;
	v14 =	vand.u32 $0xFFFFFE00, v35;
	[tilespmem:v8+s11+$0x0] =	vst.idx.add.f32.msk $0xffff, v34  }
0x5e: {  	v6 =	vand.u32 $0x7F, v6;
	v15 =	vand.u32 $0xFFFFFE00, v36;
	v5 =	vor.u32 v5, v14;
	[tilespmem:v41+s11+$0x0] =	vst.idx.add.f32.msk $0xffff, v40  }
0x5f: {  	v6 =	vor.u32 v6, v15;
	v11 =	vld [tilespmem:s14+$0x20]  }
0x60: {  	v55 =	vor.u32 $0x100, v3;
	v13 =	vld [tilespmem:s14+$0x30]  }
0x61: {  	v50 =	vld [tilespmem:s14+$0xFFFFFFE0]  }
0x62: {  	v56 =	vor.u32 $0x100, v4;
	[tilespmem:v19+s11+$0x0] =	vst.idx.add.f32.msk $0xffff, v37  }
0x63: {  	[tilespmem:v5+s11+$0x0] =	vst.idx.add.f32.msk $0xffff, v32  }
0x64: {  	[tilespmem:v6+s11+$0x0] =	vst.idx.add.f32.msk $0xffff, v33  }
0x65: {  	v51 =	vor.u32 $0x80, v8;
	[tilespmem:v55+s11+$0x0] =	vst.idx.add.f32.msk $0xffff, v11  }
0x66: {  	v1 =	vor.u32 $0x180, v1;
	v39 =	vld [tilespmem:s14+$0xF0]  }
0x67: {  	[tilespmem:v56+s11+$0x0] =	vst.idx.add.f32.msk $0xffff, v13  }
0x68: {  	v46 =	vld [tilespmem:s14+$0xFFFFFFC0]  }
0x69: {  	v48 =	vld [tilespmem:s14+$0xFFFFFFD0]  }
0x6a: {  	[tilespmem:v51+s11+$0x0] =	vst.idx.add.f32.msk $0xffff, v50  }
0x6b: {  	v49 =	vor.u32 $0x80, v5;
	[tilespmem:v1+s11+$0x0] =	vst.idx.add.f32.msk $0xffff, v39  }
0x6c: {  	v43 =	vor.u32 $0x80, v2;
	v1 =	vld [tilespmem:s14+$0xFFFFFF90]  }
0x6d: {  	v59 =	vld [tilespmem:s14+$0xA0]  }
0x6e: {  	v20 =	vor.u32 $0x80, v6;
	v60 =	vld [tilespmem:s14+$0xB0]  }
0x6f: {  	v19 =	vld [tilespmem:s14+$0x60]  }
0x70: {  	[tilespmem:v49+s11+$0x0] =	vst.idx.add.f32.msk $0xffff, v46  }
0x71: {  	v3 =	vor.u32 $0x180, v3;
	[tilespmem:v43+s11+$0x0] =	vst.idx.add.f32.msk $0xffff, v1  }
0x72: {  	v53 =	vor.u32 $0x100, v7;
	v1 =	vld [tilespmem:s14+$0x0]  }
0x73: {  	[tilespmem:v20+s11+$0x0] =	vst.idx.add.f32.msk $0xffff, v48  }
0x74: {  	v57 =	vor.u32 $0x100, v5;
	v15 =	vld [tilespmem:s14+$0x40]  }
0x75: {  	v58 =	vor.u32 $0x100, v6;
	v17 =	vld [tilespmem:s14+$0x50]  }
0x76: {  	[tilespmem:v3+s11+$0x0] =	vst.idx.add.f32.msk $0xffff, v59  }
0x77: {  	[tilespmem:v53+s11+$0x0] =	vst.idx.add.f32.msk $0xffff, v1;
	v1 =	vor.u32 $0x100, v8  }
0x78: {  	v52 =	vld [tilespmem:s14+$0x10]  }
0x79: {  	[tilespmem:v57+s11+$0x0] =	vst.idx.add.f32.msk $0xffff, v15  }
0x7a: {  	v54 =	vor.u32 $0x100, v2;
	[tilespmem:v58+s11+$0x0] =	vst.idx.add.f32.msk $0xffff, v17  }
0x7b: {  	v61 =	vld [tilespmem:s14+$0xC0]  }
0x7c: {  	[tilespmem:v1+s11+$0x0] =	vst.idx.add.f32.msk $0xffff, v19  }
0x7d: {  	v7 =	vor.u32 $0x180, v7;
	v1 =	vld [tilespmem:s14+$0x80]  }
0x7e: {  	v4 =	vor.u32 $0x180, v4;
	v62 =	vld [tilespmem:s14+$0xD0]  }
0x7f: {  	v5 =	vor.u32 $0x180, v5;
	[tilespmem:v54+s11+$0x0] =	vst.idx.add.f32.msk $0xffff, v52  }
0x80: {  	v6 =	vor.u32 $0x180, v6;
	v9 =	vld [tilespmem:s14+$0x90]  }
0x81: {  	v2 =	vor.u32 $0x180, v2;
	v63 =	vld [tilespmem:s14+$0xE0]  }
0x82: {  	[tilespmem:v7+s11+$0x0] =	vst.idx.add.f32.msk $0xffff, v1;
	v1 =	vor.u32 $0x180, v8  }
0x83: {  	[tilespmem:v4+s11+$0x0] =	vst.idx.add.f32.msk $0xffff, v60  }
0x84: {  	[tilespmem:v5+s11+$0x0] =	vst.idx.add.f32.msk $0xffff, v61  }
0x85: {  	[tilespmem:v6+s11+$0x0] =	vst.idx.add.f32.msk $0xffff, v62  }
0x86: {  	[tilespmem:v2+s11+$0x0] =	vst.idx.add.f32.msk $0xffff, v9  }
0x87: {  	s16 =	simm.s32 $0x9EC0;
	s15 =	simm.s32 $0x0;
	[tilespmem:v1+s11+$0x0] =	vst.idx.add.f32.msk $0xffff, v63  }
.LBB2_4:
0x88: {  	v1 =	vld [tilespmem:s16+$0x30];
	s15 =	sadd.s32 $0x8, s15  }
0x89: {  	v2 =	vld [tilespmem:s16+$0xFFFFFFD0];
	p0 =	slt.u32 s15, $0x268  }
0x8a: {  	v3 =	vld [tilespmem:s16+$0xFFFFFFE0]  }
0x8b: {  	v4 =	vld [tilespmem:s16+$0xFFFFFFF0]  }
0x8c: {  	v5 =	vld [tilespmem:s16+$0x0]  }
0x8d: {  	v6 =	vld [tilespmem:s16+$0x10];
	v7 =	vshll.u32 v1, $0x2  }
0x8e: {  	s14 =	sadd.s32 $0x200, s14;
	v1 =	vand.u32 $0x7F, v1;
	v8 =	vshll.u32 v2, $0x2;
	v9 =	vld [tilespmem:s16+$0x20];
	v7 =	vand.u32 $0xFFFFFE00, v7  }
0x8f: {  	v8 =	vand.u32 $0xFFFFFE00, v8;
	v10 =	vshll.u32 v3, $0x2;
	v11 =	vld [tilespmem:s14+$0xFFFFFF70];
	v1 =	vor.u32 v1, v7  }
0x90: {  	v2 =	vand.u32 $0x7F, v2;
	v7 =	vld [tilespmem:s16+$0xFFFFFFC0];
	v10 =	vand.u32 $0xFFFFFE00, v10;
	v12 =	vshll.u32 v4, $0x2  }
0x91: {  	v3 =	vand.u32 $0x7F, v3;
	v13 =	vld [tilespmem:s14+$0xFFFFFF00];
	v12 =	vand.u32 $0xFFFFFE00, v12;
	v14 =	vshll.u32 v5, $0x2  }
0x92: {  	v4 =	vand.u32 $0x7F, v4;
	v15 =	vld [tilespmem:s14+$0xFFFFFF10];
	v14 =	vand.u32 $0xFFFFFE00, v14;
	v16 =	vshll.u32 v6, $0x2  }
0x93: {  	v5 =	vand.u32 $0x7F, v5;
	v17 =	vld [tilespmem:s14+$0xFFFFFF20];
	v16 =	vand.u32 $0xFFFFFE00, v16;
	v18 =	vshll.u32 v9, $0x2  }
0x94: {  	v6 =	vand.u32 $0x7F, v6;
	v9 =	vand.u32 $0x7F, v9;
	v18 =	vand.u32 $0xFFFFFE00, v18;
	[tilespmem:v1+s11+$0x0] =	vst.idx.add.f32.msk $0xffff, v11  }
0x95: {  	v20 =	vor.u32 $0x80, v1;
	v11 =	vand.u32 $0x7F, v7;
	v7 =	vshll.u32 v7, $0x2;
	v19 =	vld [tilespmem:s14+$0xFFFFFFF0]  }
0x96: {  	v2 =	vor.u32 v2, v8;
	v3 =	vor.u32 v3, v10;
	v7 =	vand.u32 $0xFFFFFE00, v7;
	v8 =	vld [tilespmem:s14+$0xFFFFFF30]  }
0x97: {  	v4 =	vor.u32 v4, v12;
	v5 =	vor.u32 v5, v14;
	v7 =	vor.u32 v11, v7;
	v10 =	vld [tilespmem:s14+$0xFFFFFF40]  }
0x98: {  	v6 =	vor.u32 v6, v16;
	v9 =	vor.u32 v9, v18;
	v11 =	vor.u32 $0x80, v7;
	v12 =	vld [tilespmem:s14+$0xFFFFFF50]  }
0x99: {  	v14 =	vor.u32 $0x80, v2;
	v16 =	vor.u32 $0x80, v3;
	v18 =	vor.u32 $0x80, v4;
	v21 =	vld [tilespmem:s14+$0xFFFFFF60]  }
0x9a: {  	v22 =	vor.u32 $0x80, v5;
	v23 =	vor.u32 $0x80, v6;
	v24 =	vor.u32 $0x80, v9;
	[tilespmem:v20+s11+$0x0] =	vst.idx.add.f32.msk $0xffff, v19  }
0x9b: {  	v26 =	vor.u32 $0x100, v1;
	v19 =	vor.u32 $0x100, v7;
	v20 =	vor.u32 $0x100, v2;
	v25 =	vld [tilespmem:s14+$0x70]  }
0x9c: {  	v27 =	vor.u32 $0x100, v4;
	v28 =	vor.u32 $0x100, v5;
	[tilespmem:v7+s11+$0x0] =	vst.idx.add.f32.msk $0xffff, v13;
	v13 =	vor.u32 $0x100, v3  }
0x9d: {  	v29 =	vor.u32 $0x100, v9;
	v7 =	vor.u32 $0x180, v7;
	[tilespmem:v2+s11+$0x0] =	vst.idx.add.f32.msk $0xffff, v15;
	v15 =	vor.u32 $0x100, v6  }
0x9e: {  	v2 =	vor.u32 $0x180, v2;
	[tilespmem:v3+s11+$0x0] =	vst.idx.add.f32.msk $0xffff, v17;
	v3 =	vor.u32 $0x180, v3;
	v17 =	vor.u32 $0x180, v4  }
0x9f: {  	v30 =	vor.u32 $0x180, v9;
	[tilespmem:v4+s11+$0x0] =	vst.idx.add.f32.msk $0xffff, v8;
	v4 =	vor.u32 $0x180, v5;
	v8 =	vor.u32 $0x180, v6  }
0xa0: {  	[tilespmem:v26+s11+$0x0] =	vst.idx.add.f32.msk $0xffff, v25  }
0xa1: {  	v1 =	vor.u32 $0x180, v1;
	v25 =	vld [tilespmem:s14+$0xF0]  }
0xa2: {  	[tilespmem:v5+s11+$0x0] =	vst.idx.add.f32.msk $0xffff, v10  }
0xa3: {  	[tilespmem:v6+s11+$0x0] =	vst.idx.add.f32.msk $0xffff, v12  }
0xa4: {  	[tilespmem:v9+s11+$0x0] =	vst.idx.add.f32.msk $0xffff, v21  }
0xa5: {  	v5 =	vld [tilespmem:s14+$0xFFFFFF80]  }
0xa6: {  	[tilespmem:v1+s11+$0x0] =	vst.idx.add.f32.msk $0xffff, v25  }
0xa7: {  	v1 =	vld [tilespmem:s14+$0xFFFFFF90]  }
0xa8: {  	v6 =	vld [tilespmem:s14+$0xFFFFFFA0]  }
0xa9: {  	v9 =	vld [tilespmem:s14+$0xFFFFFFB0]  }
0xaa: {  	v10 =	vld [tilespmem:s14+$0xFFFFFFC0]  }
0xab: {  	v12 =	vld [tilespmem:s14+$0xFFFFFFD0]  }
0xac: {  	v21 =	vld [tilespmem:s14+$0xFFFFFFE0]  }
0xad: {  	[tilespmem:v11+s11+$0x0] =	vst.idx.add.f32.msk $0xffff, v5  }
0xae: {  	[tilespmem:v14+s11+$0x0] =	vst.idx.add.f32.msk $0xffff, v1  }
0xaf: {  	[tilespmem:v16+s11+$0x0] =	vst.idx.add.f32.msk $0xffff, v6  }
0xb0: {  	[tilespmem:v18+s11+$0x0] =	vst.idx.add.f32.msk $0xffff, v9  }
0xb1: {  	[tilespmem:v22+s11+$0x0] =	vst.idx.add.f32.msk $0xffff, v10  }
0xb2: {  	[tilespmem:v23+s11+$0x0] =	vst.idx.add.f32.msk $0xffff, v12  }
0xb3: {  	[tilespmem:v24+s11+$0x0] =	vst.idx.add.f32.msk $0xffff, v21  }
0xb4: {  	v1 =	vld [tilespmem:s14+$0x0]  }
0xb5: {  	v5 =	vld [tilespmem:s14+$0x10]  }
0xb6: {  	v6 =	vld [tilespmem:s14+$0x20]  }
0xb7: {  	v9 =	vld [tilespmem:s14+$0x30]  }
0xb8: {  	v10 =	vld [tilespmem:s14+$0x40]  }
0xb9: {  	v11 =	vld [tilespmem:s14+$0x50]  }
0xba: {  	v12 =	vld [tilespmem:s14+$0x60]  }
0xbb: {  	[tilespmem:v19+s11+$0x0] =	vst.idx.add.f32.msk $0xffff, v1  }
0xbc: {  	[tilespmem:v20+s11+$0x0] =	vst.idx.add.f32.msk $0xffff, v5  }
0xbd: {  	[tilespmem:v13+s11+$0x0] =	vst.idx.add.f32.msk $0xffff, v6  }
0xbe: {  	[tilespmem:v27+s11+$0x0] =	vst.idx.add.f32.msk $0xffff, v9  }
0xbf: {  	[tilespmem:v28+s11+$0x0] =	vst.idx.add.f32.msk $0xffff, v10  }
0xc0: {  	[tilespmem:v15+s11+$0x0] =	vst.idx.add.f32.msk $0xffff, v11  }
0xc1: {  	[tilespmem:v29+s11+$0x0] =	vst.idx.add.f32.msk $0xffff, v12  }
0xc2: {  	v1 =	vld [tilespmem:s14+$0x80]  }
0xc3: {  	v5 =	vld [tilespmem:s14+$0x90]  }
0xc4: {  	v6 =	vld [tilespmem:s14+$0xA0]  }
0xc5: {  	v9 =	vld [tilespmem:s14+$0xB0]  }
0xc6: {  	v10 =	vld [tilespmem:s14+$0xC0]  }
0xc7: {  	v11 =	vld [tilespmem:s14+$0xD0]  }
0xc8: {  	v12 =	vld [tilespmem:s14+$0xE0]  }
0xc9: {  	[tilespmem:v7+s11+$0x0] =	vst.idx.add.f32.msk $0xffff, v1  }
0xca: {  	[tilespmem:v2+s11+$0x0] =	vst.idx.add.f32.msk $0xffff, v5  }
.Ltmp1:
0xcb: {  	[tilespmem:v3+s11+$0x0] =	vst.idx.add.f32.msk $0xffff, v6;
	(pc) =	sbr.rel @p0 .LBB2_4-.Ltmp1, $4  }
0xcc: {  	[tilespmem:v17+s11+$0x0] =	vst.idx.add.f32.msk $0xffff, v9  }
0xcd: {  	[tilespmem:v4+s11+$0x0] =	vst.idx.add.f32.msk $0xffff, v10  }
0xce: {  	[tilespmem:v8+s11+$0x0] =	vst.idx.add.f32.msk $0xffff, v11  }
0xcf: {  	s16 =	sadd.s32 $0x80, s16;
	[tilespmem:v30+s11+$0x0] =	vst.idx.add.f32.msk $0xffff, v12  }
0xd0: {  	v1 =	vld [tilespmem:$0xC500];
	_ =	sdelay $0x4  }
0xd1: {  	v2 =	vshll.u32 v1, $0x2  }
0xd2: {  	v1 =	vand.u32 $0x7F, v1;
	v2 =	vand.u32 $0xFFFFFE00, v2  }
0xd3: {  	v3 =	vld [tilespmem:$0x9C00];
	v1 =	vor.u32 v1, v2;
	_ =	sdelay $0x4  }
0xd4: {  	[tilespmem:v1+s11+$0x0] =	vst.idx.add.f32.msk $0xffff, v3  }
0xd5: {  	v3 =	vor.u32 $0x80, v1;
	v2 =	vld [tilespmem:$0x9C80];
	_ =	sdelay $0x4  }
0xd6: {  	[tilespmem:v3+s11+$0x0] =	vst.idx.add.f32.msk $0xffff, v2  }
0xd7: {  	v3 =	vor.u32 $0x100, v1;
	v2 =	vld [tilespmem:$0x9D00];
	_ =	sdelay $0x4  }
0xd8: {  	[tilespmem:v3+s11+$0x0] =	vst.idx.add.f32.msk $0xffff, v2  }
0xd9: {  	v1 =	vor.u32 $0x180, v1;
	v2 =	vld [tilespmem:$0x9D80];
	_ =	sdelay $0x2  }
0xda: {  	s13 =	sadd.s32 $0x1, s13  }
0xdb: {  	p0 =	sne.s32 s13, s6  }
.Ltmp2:
0xdc: {  	[tilespmem:v1+s11+$0x0] =	vst.idx.add.f32.msk $0xffff, v2;
	(pc) =	sbr.rel @p0 .LBB2_1-.Ltmp2, $4  }
0xdd: {  	[hbm4b:s5+s7] =	stream.strided.scatter [tilespmem:s11], [sflag:$0x2], $0x2000, s8, s7, $0x38;
	[tilespmem:$0xE580] =	vst v63  }
0xde: {  	_ =	swait.ge [sflag:s12], $0x2000  }
0xdf: {  	[sflag:s12] =	ssyncset.done $0x0  }
0xe0: {  	[sflag:s12] =	ssyncadd.s32 $0xFFFFE000  }
0xe1: {  	_ =	sfence.sel $0x180000  }
0xe2: {  	[bflag:$0x0] =	sbarrier.arrive $0xFFFF  }
0xe3: {  	p0 =	sne.s32 s1, $0x0;
	_ =	strace $0x9000004D  }
0xe4: {  	s0 =	sadd.s32 @!p0 $0x100000, s0;
	[bflag:$0x2] =	sbarrier.arrive $0xFFFF  }
0xe5: {  	[sflag:s0] =	ssyncadd.tile.s32 @!p0 $0x1;
	_ =	shalt  }
.Lfunc_end2:
_tile_overlayer_lowered:
.L_overlay_start_2:
0xe6: {  	(tag) =	ssettag $0x2  }
0xe7: {  	s0 =	rddreg [dreg:$0x0];
	s2 =	stileid.u32  }
0xe8: {  	s1 =	rddreg [dreg:$0x1];
	p0 =	sne.s32 s2, $0x0  }
0xe9: {  	s3 =	rddreg [dreg:$0x2];
	[bflag:$0x3] =	sbarrier.arrive $0xFFFF;
	s2 =	simm.s32 @!p0 $0x1C02  }
0xea: {  	[timem:s3], [sflag:s2] =	dma.local @!p0 [hbm:s0], s1  }
0xeb: {  	s0 =	simm.s32 @!p0 $0x2  }
0xec: {  	_ =	swait.ge @!p0 [sflag:s0], s1  }
0xed: {  	s1 =	ssub.s32 @!p0 $0x0, s1;
	[sflag:s0] =	ssyncset.done @!p0 $0x0  }
0xee: {  	[sflag:s0] =	ssyncadd.s32 @!p0 s1  }
0xef: {  	[bflag:$0x3] =	sbarrier.arrive $0xFFFF  }
0xf0: {  	_ =	shalt  }

// kernel: kernel.19.cloned.1.call-start
scs
__scs_entry_jumppad:
0x0: {  	(pc) =	sbr.rel $0x88, $3  }
0x1: {  	(tag) =	ssettag $0x0;
	lr =	simm.s32 $0x1  }
0x2: {  	[smem:$0x3F72] =	sst lr;
	_ =	strace $0xD0000000  }
0x3: {  	_ = 	snop  }
0x4: {  	_ = 	snop  }
0x5: {  	_ = 	snop  }
0x6: {  	_ = 	snop  }
0x7: {  	_ = 	snop  }
__scs_overlays_trampoline_lowered:
0x8: {  	[smem:$0x3F81] =	sst s0  }
0x9: {  	[smem:$0x3F82] =	sst s1  }
0xa: {  	[smem:$0x3F83] =	sst s2  }
0xb: {  	[smem:$0x3F84] =	sst s3  }
0xc: {  	[smem:$0x3F85] =	sst s4  }
0xd: {  	[smem:$0x3F86] =	sst s5  }
0xe: {  	[smem:$0x3F87] =	sst s6  }
0xf: {  	[smem:$0x3F88] =	sst s7  }
0x10: {  	[smem:$0x3F89] =	sst s8  }
0x11: {  	[smem:$0x3F8A] =	sst s9;
	s0 =	simm.s32 @!p0 $0x0  }
0x12: {  	s1 =	sld [smem:$0x3F70];
	s0 =	simm.s32 @p0 $0x1  }
0x13: {  	[smem:$0x3F8B] =	sst s0;
	s0 =	simm.s32 @!p1 $0x0  }
0x14: {  	s2 =	sld [smem:$0x3F6F];
	s0 =	simm.s32 @p1 $0x1  }
0x15: {  	[smem:$0x3F8C] =	sst s0;
	s0 =	simm.s32 @!p2 $0x0  }
0x16: {  	s3 =	sld [smem:$0x3FDB];
	s0 =	simm.s32 @p2 $0x1  }
0x17: {  	s4 =	simm.s32 $0x1BF5;
	[smem:$0x3F8E] =	sst s0  }
0x18: {  	s0 =	sld [smem:$0x3F71];
	_ =	swait.ge [sflag:s4], $0x0  }
0x19: {  	s7 =	sld [smem:$0x3F72]  }
0x1a: {  	s8 =	sadd.s32 $0xFFFFE003, lr  }
0x1b: {  	s9 =	sadd.s32 $0xFFFFFEF7, lr;
	s5 =	simm.s32 $0xFFFFFFFF;
	p2 =	slt.u32 s8, $0xFFFFF086  }
0x1c: {  	p1 =	slt.u32 s9, $0xF7A;
	s5 =	simm.s32 @!p2 $0x0  }
0x1d: {  	s5 =	simm.s32 @p1 $0x1;
	p0 =	seq.s32 s7, s2  }
0x1e: {  	s7 =	smul.u32 @!p0 $0xF7A, s2;
	p2 =	seq.s32 @!p0 s5, $0x0  }
0x1f: {  	s9 =	smul.u32 $0xF7A, s1;
	s8 =	simm.s32 @!p0 $0x1BF5;
	p2 =	por !p2, p0  }
0x20: {  	[sflag:s8] =	ssyncset.s32 @!p0 $0xFFFFF086;
	s6 =	sadd.s32 @!p0 s3, s7;
	s7 =	simm.s32 @!p0 $0x108  }
0x21: {  	s3 =	sadd.s32 s3, s9;
	s6 =	sadd.s32 @!p0 $0x88, s6;
	s7 =	simm.s32 @p2 $0x1082  }
0x22: {  	[simem:s7], [sflag:s8] =	dma.local @!p0 [hbm:s6], $0xF7A  }
0x23: {  	s9 =	sor.u32 $0xD0000000, s2;
	s6 =	simm.s32 $0x108;
	_ =	swait.ge @!p0 [sflag:s8], $0x0  }
0x24: {  	s3 =	sadd.s32 $0x88, s3;
	s6 =	simm.s32 @!p1 $0x1082;
	[sflag:s4] =	ssyncset.s32 $0xFFFFF086  }
0x25: {  	[simem:s6], [sflag:s4] =	dma.local [hbm:s3], $0xF7A  }
0x26: {  	[smem:$0x3F72] =	sst s1;
	(tag) =	ssettag s2;
	_ =	strace s9  }
0x27: {  	s1 =	sld [smem:$0x3F82]  }
0x28: {  	s2 =	sld [smem:$0x3F83]  }
0x29: {  	s4 =	sld [smem:$0x3F85]  }
0x2a: {  	p0 =	seq.s32 s5, $0x0;
	s5 =	sld [smem:$0x3F86]  }
0x2b: {  	s6 =	sld [smem:$0x3F87]  }
0x2c: {  	s7 =	sld [smem:$0x3F88]  }
0x2d: {  	s3 =	simm.s32 $0x108;
	s8 =	sld [smem:$0x3F89]  }
0x2e: {  	s3 =	simm.s32 @!p0 $0x1082;
	s9 =	sld [smem:$0x3F8A]  }
0x2f: {  	lr =	sadd.s32 s0, s3;
	s0 =	sld [smem:$0x3F81]  }
0x30: {  	s3 =	sld [smem:$0x3F84]  }
0x31: {  	[smem:$0x3F8D] =	sst s10  }
0x32: {  	s10 =	sld [smem:$0x3F8B];
	_ =	sdelay $0x3  }
0x33: {  	p0 =	seq.s32 s10, $0x1;
	s10 =	sld [smem:$0x3F8D];
	_ =	sdelay $0x3  }
0x34: {  	[smem:$0x3F8D] =	sst s10  }
0x35: {  	s10 =	sld [smem:$0x3F8C];
	_ =	sdelay $0x3  }
0x36: {  	p1 =	seq.s32 s10, $0x1;
	s10 =	sld [smem:$0x3F8D];
	_ =	sdelay $0x3  }
0x37: {  	[smem:$0x3F8D] =	sst s10  }
0x38: {  	s10 =	sld [smem:$0x3F8E]  }
0x39: {  	_ = 	snop;
	(pc) =	sbr.ind lr, $3  }
0x3a: {  	_ = 	snop  }
0x3b: {  	_ = 	snop  }
0x3c: {  	p2 =	seq.s32 s10, $0x1;
	s10 =	sld [smem:$0x3F8D]  }
0x3d: {  	_ =	shalt  }
0x3e: {  	_ =	shalt  }
0x3f: {  	_ =	shalt  }
0x40: {  	_ =	shalt  }
0x41: {  	_ =	shalt  }
0x42: {  	_ =	shalt  }
0x43: {  	_ =	shalt  }
0x44: {  	_ =	shalt  }
0x45: {  	_ =	shalt  }
0x46: {  	_ =	shalt  }
0x47: {  	_ =	shalt  }
0x48: {  	_ =	shalt  }
0x49: {  	_ =	shalt  }
0x4a: {  	_ =	shalt  }
0x4b: {  	_ =	shalt  }
0x4c: {  	_ =	shalt  }
0x4d: {  	_ =	shalt  }
0x4e: {  	_ =	shalt  }
0x4f: {  	_ =	shalt  }
0x50: {  	_ =	shalt  }
0x51: {  	_ =	shalt  }
0x52: {  	_ =	shalt  }
0x53: {  	_ =	shalt  }
0x54: {  	_ =	shalt  }
0x55: {  	_ =	shalt  }
0x56: {  	_ =	shalt  }
0x57: {  	_ =	shalt  }
0x58: {  	_ =	shalt  }
0x59: {  	_ =	shalt  }
0x5a: {  	_ =	shalt  }
0x5b: {  	_ =	shalt  }
0x5c: {  	_ =	shalt  }
0x5d: {  	_ =	shalt  }
0x5e: {  	_ =	shalt  }
0x5f: {  	_ =	shalt  }
0x60: {  	_ =	shalt  }
0x61: {  	_ =	shalt  }
0x62: {  	_ =	shalt  }
0x63: {  	_ =	shalt  }
0x64: {  	_ =	shalt  }
0x65: {  	_ =	shalt  }
0x66: {  	_ =	shalt  }
0x67: {  	_ =	shalt  }
0x68: {  	_ =	shalt  }
0x69: {  	_ =	shalt  }
0x6a: {  	_ =	shalt  }
0x6b: {  	_ =	shalt  }
0x6c: {  	_ =	shalt  }
0x6d: {  	_ =	shalt  }
0x6e: {  	_ =	shalt  }
0x6f: {  	_ =	shalt  }
0x70: {  	_ =	shalt  }
0x71: {  	_ =	shalt  }
0x72: {  	_ =	shalt  }
0x73: {  	_ =	shalt  }
0x74: {  	_ =	shalt  }
0x75: {  	_ =	shalt  }
0x76: {  	_ =	shalt  }
0x77: {  	_ =	shalt  }
0x78: {  	_ =	shalt  }
0x79: {  	_ =	shalt  }
0x7a: {  	_ =	shalt  }
0x7b: {  	_ =	shalt  }
0x7c: {  	_ =	shalt  }
0x7d: {  	_ =	shalt  }
0x7e: {  	_ =	shalt  }
0x7f: {  	_ =	shalt  }
0x80: {  	_ =	shalt  }
0x81: {  	_ =	shalt  }
0x82: {  	_ =	shalt  }
0x83: {  	_ =	shalt  }
0x84: {  	_ =	shalt  }
0x85: {  	_ =	shalt  }
0x86: {  	_ =	shalt  }
0x87: {  	_ =	shalt  }
.Lfunc_end0:
.L_simem_size_0:
called_computation.3_lowered:
.L_overlay_start_0:
0x88: {  	s2 =	sld [smem:$0x3FD9]  }
0x89: {  	s3 =	sld [smem:$0x3FFE];
	_ =	sdelay $0x1  }
0x8a: {  	s1 =	srdreg.scid  }
0x8b: {  	s0 =	sand.u32 $0x1, s1  }
0x8c: {  	s17 =	sshll.u32 s0, $0xA;
	s2 =	sadd.s32 s3, s2  }
0x8d: {  	s2 =	sadd.s32 s2, s17  }
0x8e: {  	[smem:$0x3F99] =	sst s2  }
0x8f: {  	_ = 	snop  }
0x90: {  	s2 =	sld [smem:$0x3FC6];
	(tm) =	ssettm $0x1  }
0x91: {  	s18 =	sld [smem:$0x3FFB];
	_ =	sdelay $0x3  }
0x92: {  	_ =	strace s18  }
0x93: {  	s3 =	sld [smem:$0x3FFC];
	_ =	sdelay $0x3  }
0x94: {  	_ =	strace s3  }
0x95: {  	s3 =	sld [smem:$0x3FFD];
	_ =	sdelay $0x3  }
0x96: {  	_ =	strace s3  }
0x97: {  	_ =	strace $0x8FFFFFFF  }
0x98: {  	s19 =	sld [smem:$0x3FDB];
	_ =	sdelay $0x1  }
0x99: {  	s4 =	simm.s32 $_scs_section_size  }
0x9a: {  	s5 =	simm.s32 $_size__tile_overlayer_lowered;
	s6 =	simm.s32 $_tile_overlayer_lowered  }
0x9b: {  	s22 =	simm.s32 $0x1BFF;
	s21 =	sshll.u32 s6, $0x1;
	s3 =	sadd.s32 s4, s19  }
0x9c: {  	s7 =	simm.s32 $0x0;
	s20 =	sshll.u32 s5, $0x1;
	s5 =	sadd.s32 s21, s3  }
0x9d: {  	[timem:s7], [sflag:s22] =	dma.local [hbm:s5], s20  }
0x9e: {  	_ =	swait.ge [sflag:s22], s20  }
0x9f: {  	s4 =	ssub.s32 $0x0, s20;
	[sflag:s22] =	ssyncset.done $0x0  }
0xa0: {  	[sflag:s22] =	ssyncadd.s32 s4;
	_ =	sdelay $0x1  }
0xa1: {  	s23 =	simm.s32 $0x1B8B  }
0xa2: {  	_ =	swait.ge [sflag:s23], $0x1  }
0xa3: {  	[sflag:s23] =	ssyncset.done $0x0  }
0xa4: {  	s25 =	simm.s32 $0x1B8E;
	s24 =	sld [smem:$0x3FFE];
	[sflag:s23] =	ssyncadd.s32 $0xFFFFFFFF  }
0xa5: {  	s26 =	simm.s32 $execute0_lowered;
	[smem:$0x3FD2] =	sst s25  }
0xa6: {  	s5 =	sshll.u32 s26, $0x1;
	_ =	strace $0x8000004F;
	[dreg:$0x1] =	wrdreg $0xFFFFFFFF  }
0xa7: {  	s28 =	simm.s32 $_size_execute0_lowered;
	s3 =	sadd.s32 s3, s5;
	[dreg:$0x0] =	wrdreg $0x0  }
0xa8: {  	s5 =	sshll.u32 s28, $0x1;
	[dreg:$0x2] =	wrdreg s3  }
0xa9: {  	[dreg:$0x3] =	wrdreg s5  }
0xaa: {  	[dreg:$0x4] =	wrdreg $0xC0  }
0xab: {  	_ =	task [dreg:s7], $0x5FFFF  }
0xac: {  	[dreg:$0x1] =	wrdreg $0xFFFFFFFF  }
0xad: {  	[dreg:$0x0] =	wrdreg $0x60  }
0xae: {  	[dreg:$0x2] =	wrdreg s24  }
0xaf: {  	[dreg:$0x3] =	wrdreg s2  }
0xb0: {  	[dreg:$0x4] =	wrdreg $0x9  }
0xb1: {  	_ =	task.clear_ibuf [dreg:s7], $0x5FFFF;
	_ =	strace $0x9000004F  }
0xb2: {  	s29 =	simm.s32 $0x9;
	_ =	strace $0x80000051  }
0xb3: {  	_ =	swait.ge [sflag:s29], $0x1  }
0xb4: {  	[sflag:s29] =	ssyncadd.s32 $0xFFFFFFFF  }
0xb5: {  	_ =	strace $0x90000051  }
0xb6: {  	_ =	sfence  }
0xb7: {  	s30 =	sld [smem:$0x0];
	_ =	sdelay $0x2  }
0xb8: {  	s31 =	sshll.u32 s1, $0xD;
	s1 =	sshrl.u32 s1, $0x2  }
0xb9: {  	s3 =	sand.u32 $0x4000, s31;
	s1 =	sadd.s32 s1, s30  }
0xba: {  	s0 =	sor.u32 s3, s0;
	s1 =	sshll.u32 s1, $0x11  }
0xbb: {  	s0 =	sor.u32 s1, s0  }
0xbc: {  	s0 =	sadd.s32 $0x8F2B, s0  }
0xbd: {  	[sflag:s0] =	ssyncadd.remote.s32 $0x1  }
0xbe: {  	_ =	sfence.sel $0xFFFF  }
0xbf: {  	[dreg:$0x0] =	wrdreg $0xFFFFFFFF;
	(pc) =	sbr.abs _section_cstart, $3  }
0xc0: {  	[dreg:$0x1] =	wrdreg $0xFFFFFFFF  }
0xc1: {  	_ =	task.clear_ibuf [dreg:s7], $0x2FFFF;
	_ =	strace $0x9FFFFFFF  }
0xc2: {  	(tm) =	ssettm $0x7FFFFFFF  }
0xc3: {  	_ =	shalt  }
tec
execute0_lowered:
.L_overlay_start_1:
0x0: {  	(tag) =	ssettag $0x1  }
0x1: {  	s1 =	srdreg.scid  }
0x2: {  	s0 =	stileid.u32;
	s6 =	rddreg [dreg:$0x0]  }
0x3: {  	s2 =	rddreg [dreg:$0x1];
	s3 =	simm.s32 $0x0;
	s12 =	simm.s32 $0x9E00  }
0x4: {  	s13 =	simm.s32 $0xC580;
	s14 =	simm.s32 $0xCD80;
	s16 =	simm.s32 $0x11500  }
0x5: {  	s17 =	simm.s32 $0xF500;
	s18 =	simm.s32 $0x2;
	s19 =	simm.s32 $0x0  }
0x6: {  	s8 =	sand.u32 $0x1, s1;
	s4 =	smul.u32 $0x13C00, s0;
	[smem:$0x7FF] =	sst s3  }
0x7: {  	s9 =	sshll.u32 s0, $0xE;
	s5 =	sshll.u32 s8, $0x9;
	_ =	strace $0x80000050  }
0x8: {  	s10 =	ssub.s32 $0x2, s8;
	s15 =	sor.u32 s8, s0;
	s4 =	sor.u32 s5, s4  }
0x9: {  	s9 =	sor.u32 s5, s9;
	s5 =	sadd.s32 $0x56400, s6;
	s11 =	sshrl.u32 s10, $0x1  }
.Ltmp0:
0xa: {  	p0 =	sne.s32 s15, $0x0;
	s15 =	simm.s32 $0x1;
	(pc) =	sbr.rel .LBB2_1-.Ltmp0, $4  }
0xb: {  	s4 =	sshrl.u32 s4, $0x3;
	s9 =	sshrl.u32 s9, $0x3;
	s10 =	ssub.s32 s10, s11  }
0xc: {  	s11 =	simm.s32 $0x400;
	s7 =	sadd.s32 s4, s6;
	s4 =	sadd.s32 $0x5E400, s6  }
0xd: {  	s9 =	sadd.s32 s9, s6;
	s6 =	sadd.s32 $0x56600, s6;
	s7 =	sadd.s32 $0x2EC00, s7  }
0xe: {  	v0 =	vimm.f32 $0.0e+00;
	s8 =	sadd.s32 $0x7400, s9;
	s9 =	smax.u32 s10, $0x1;
	s10 =	simm.s32 $0x200  }
.LBB2_11:
0xf: {  	v16 =	vld [tilespmem:s20+$0x90]  }
0x10: {  	v17 =	vld [tilespmem:s22+$0xA0]  }
0x11: {  	v18 =	vld [tilespmem:s22+$0xB0]  }
0x12: {  	v19 =	vld [tilespmem:s22+$0xC0]  }
0x13: {  	v14 =	vmul.f32 v15, v14;
	v62 =	vld [tilespmem:s22+$0xD0]  }
0x14: {  	v63 =	vld [tilespmem:s22+$0xE0];
	v2 =	vmul.f32 v16, v2  }
0x15: {  	[tilespmem:v13+s17+$0x0] =	vst.idx.add.f32.msk $0xffff, v14;
	v1 =	vmul.f32 v17, v1  }
0x16: {  	v3 =	vmul.f32 v18, v3;
	[tilespmem:v12+s17+$0x0] =	vst.idx.add.f32.msk $0xffff, v2  }
0x17: {  	v2 =	vmul.f32 v19, v4;
	[tilespmem:v11+s17+$0x0] =	vst.idx.add.f32.msk $0xffff, v1  }
0x18: {  	v1 =	vmul.f32 v62, v5;
	[tilespmem:v7+s17+$0x0] =	vst.idx.add.f32.msk $0xffff, v3  }
0x19: {  	v3 =	vmul.f32 v63, v6;
	[tilespmem:v8+s17+$0x0] =	vst.idx.add.f32.msk $0xffff, v2  }
0x1a: {  	[tilespmem:v9+s17+$0x0] =	vst.idx.add.f32.msk $0xffff, v1  }
0x1b: {  	[tilespmem:v10+s17+$0x0] =	vst.idx.add.f32.msk $0xffff, v3  }
0x1c: {  	v1 =	vld [tilespmem:$0xF480];
	_ =	sdelay $0x6  }
0x1d: {  	v2 =	vld [tilespmem:$0xC500]  }
0x1e: {  	v3 =	vld.idx.msk [tilespmem:v1+s13+$0x0], $0xffff;
	_ =	sdelay $0x4  }
0x1f: {  	v2 =	vadd.f32 v3, v2;
	_ =	sdelay $0x1  }
0x20: {  	v3 =	vmul.f32 $9.999999770e-03, v2  }
0x21: {  	vm0 =	vgt.f32 v2, $0.0e+00  }
0x22: {  	v2 =	vsel vm0, v2, v3  }
0x23: {  	v2 =	vmul.f32 $1.442695020e+00, v2;
	_ =	sdelay $0x1  }
0x24: {  	(erf) = vpow2.f32 v2;
	_ =	sdelay $0x4  }
0x25: {  	v3 =	vld [tilespmem:$0x9C00];
	v2 =	vshll.u32 v1, $0x2  }
0x26: {  	v1 =	vand.u32 $0x7F, v1;
	v2 =	vand.u32 $0xFFFFFE00, v2  }
0x27: {  	v2 =	vor.u32 v1, v2;
	_ =	sdelay $0x1  }
0x28: {  	v1 =	vpop (erf)  }
0x29: {  	v3 =	vmul.f32 v1, v3;
	_ =	sdelay $0x1  }
0x2a: {  	[tilespmem:v2+s17+$0x0] =	vst.idx.add.f32.msk $0xffff, v3  }
0x2b: {  	v3 =	vld [tilespmem:$0x9C80];
	_ =	sdelay $0x1  }
0x2c: {  	v4 =	vor.u32 $0x80, v2;
	_ =	sdelay $0x2  }
0x2d: {  	v3 =	vmul.f32 v1, v3;
	_ =	sdelay $0x1  }
0x2e: {  	[tilespmem:v4+s17+$0x0] =	vst.idx.add.f32.msk $0xffff, v3  }
0x2f: {  	v3 =	vld [tilespmem:$0x9D00];
	_ =	sdelay $0x4  }
0x30: {  	v3 =	vmul.f32 v1, v3  }
.LBB2_12:
0x31: {  	v4 =	vor.u32 $0x100, v2;
	_ =	sdelay $0x4  }
0x32: {  	[tilespmem:v4+s17+$0x0] =	vst.idx.add.f32.msk $0xffff, v3  }
0x33: {  	v3 =	vld [tilespmem:$0x9D80];
	_ =	sdelay $0x1  }
0x34: {  	v2 =	vor.u32 $0x180, v2;
	_ =	sdelay $0x2  }
0x35: {  	v1 =	vmul.f32 v3, v1;
	_ =	sdelay $0x1  }
0x36: {  	[tilespmem:v2+s17+$0x0] =	vst.idx.add.f32.msk $0xffff, v1  }
0x37: {  	[hbm4b:s8+s10] =	stream.strided.scatter [tilespmem:s17], [sflag:$0x2], $0x2000, s11, s10, $0x38;
	[tilespmem:$0x11D00] =	vst v63  }
0x38: {  	_ =	swait.ge [sflag:s18], $0x2000  }
0x39: {  	s0 =	simm.s32 @!p0 $0x0;
	s19 =	sadd.s32 $0x1, s19;
	[sflag:s18] =	ssyncset.done $0x0  }
0x3a: {  	s1 =	simm.s32 @!p0 $0x11500;
	p1 =	sne.s32 s19, s9;
	[sflag:s18] =	ssyncadd.s32 $0xFFFFE000  }
0x3b: {  	[hbm4b:s6+s0] =	stream.linear.scatter @!p0 [tilespmem:s1], [sflag:$0x2], $0x800, $0x38;
	[tilespmem:$0x11D00] =	vst v63  }
.Ltmp1:
0x3c: {  	_ = 	snop;
	(pc) =	sbr.rel @!p1 .LBB2_13-.Ltmp1, $4  }
0x3d: {  	s0 =	simm.s32 @!p0 $0x2  }
0x3e: {  	_ =	swait.ge @!p0 [sflag:s0], $0x800  }
0x3f: {  	[sflag:s0] =	ssyncset.done @!p0 $0x0  }
0x40: {  	[sflag:s0] =	ssyncadd.s32 @!p0 $0xFFFFF800  }
.LBB2_1:
0x41: {  	[tilespmem:s3], [sflag:$0x1] =	stream.strided.gather [hbm4b:s7+s10], $0x9E00, s11, s10, $0x38;
	[tilespmem:$0x11D00] =	vst v63  }
0x42: {  	s20 =	simm.s32 $0x40;
	s21 =	simm.s32 $0x100  }
0x43: {  	[tilespmem:s12], [sflag:$0x1] =	stream.linear.gather [hbm4b:s4+s3], $0x2780, $0x38;
	[tilespmem:$0x11D00] =	vst v63  }
0x44: {  	s22 =	sand.u32 $0x70, s20;
	s21 =	sand.u32 $0x3E00, s21  }
0x45: {  	[tilespmem:s13], [sflag:$0x1] =	stream.linear.gather [hbm4b:s5+s3], $0x800, $0x38;
	[tilespmem:$0x11D00] =	vst v63  }
0x46: {  	s21 =	sor.u32 s22, s21  }
0x47: {  	[tilespmem:s14], [sflag:$0x1] =	stream.linear.gather [hbm4b:s2+s3], $0x2780, $0x38;
	[tilespmem:$0x11D00] =	vst v63  }
0x48: {  	[tilespmem:s21+$0xF680] =	vst v0  }
0x49: {  	s1 =	simm.s32 $0x10;
	s23 =	simm.s32 $0x40;
	[tilespmem:s21+$0xF500] =	vst v0  }
0x4a: {  	s24 =	simm.s32 $0x0;
	s23 =	sand.u32 $0x3E00, s23;
	s22 =	sand.u32 $0x70, s1;
	[tilespmem:s21+$0xF580] =	vst v0  }
0x4b: {  	s25 =	sand.u32 $0x1E00, s3;
	s24 =	sand.u32 $0x70, s24;
	s22 =	sor.u32 s22, s23;
	[tilespmem:s21+$0xF600] =	vst v0  }
0x4c: {  	s25 =	sor.u32 s24, s25;
	[tilespmem:s22+$0xF500] =	vst v0  }
0x4d: {  	[tilespmem:s25+$0xF500] =	vst v0  }
0x4e: {  	[tilespmem:s25+$0xF580] =	vst v0  }
0x4f: {  	[tilespmem:s25+$0xF600] =	vst v0  }
0x50: {  	[tilespmem:s25+$0xF680] =	vst v0  }
0x51: {  	s26 =	simm.s32 $0x20;
	s28 =	simm.s32 $0x80;
	[tilespmem:s22+$0xF580] =	vst v0  }
0x52: {  	s23 =	sand.u32 $0x3E00, s28;
	s21 =	sand.u32 $0x70, s26;
	[tilespmem:s22+$0xF600] =	vst v0  }
0x53: {  	[tilespmem:s22+$0xF680] =	vst v0;
	s25 =	sor.u32 s21, s23  }
0x54: {  	s29 =	simm.s32 $0x30;
	s30 =	simm.s32 $0xC0;
	[tilespmem:s25+$0xF500] =	vst v0  }
0x55: {  	s31 =	sand.u32 $0x70, s29;
	s22 =	simm.s32 $0x0;
	s23 =	sand.u32 $0x3E00, s30;
	[tilespmem:s25+$0xF580] =	vst v0  }
0x56: {  	s21 =	simm.s32 $0x11520;
	s24 =	sor.u32 s31, s23;
	[tilespmem:s25+$0xF600] =	vst v0;
	s23 =	simm.s32 $0x0  }
.LBB2_2:
0x57: {  	[tilespmem:s25+$0xF680] =	vst v0;
	s23 =	sadd.s32 $0x140, s23  }
0x58: {  	s22 =	sadd.s32 $0x5, s22;
	s20 =	sadd.s32 $0x50, s20;
	s25 =	sadd.s32 $0x100, s23;
	[tilespmem:s24+$0xF500] =	vst v0  }
0x59: {  	s26 =	sand.u32 $0x70, s20;
	p1 =	slt.u32 s22, $0x78;
	s25 =	sand.u32 $0x3E00, s25;
	[tilespmem:s24+$0xF580] =	vst v0  }
0x5a: {  	s28 =	sadd.s32 $0xFFFFFFD0, s20;
	s29 =	sadd.s32 $0x40, s23;
	s26 =	sor.u32 s26, s25;
	[tilespmem:s24+$0xF600] =	vst v0  }
0x5b: {  	s30 =	sadd.s32 $0x80, s23;
	s31 =	sadd.s32 $0xFFFFFFF0, s20;
	s25 =	sadd.s32 $0xFFFFFFE0, s20;
	[tilespmem:s26+$0xF680] =	vst v0  }
0x5c: {  	s1 =	sadd.s32 $0xFFFFFFC0, s20;
	s0 =	sadd.s32 $0xC0, s23;
	s28 =	sand.u32 $0x70, s28;
	[tilespmem:s24+$0xF680] =	vst v0  }
0x5d: {  	s1 =	sand.u32 $0x70, s1;
	s25 =	sand.u32 $0x70, s25;
	s24 =	sand.u32 $0x3E00, s29;
	[tilespmem:s26+$0xF500] =	vst v0  }
0x5e: {  	s0 =	sand.u32 $0x3E00, s0;
	s29 =	sand.u32 $0x3E00, s30;
	s30 =	sand.u32 $0x70, s31;
	[tilespmem:s26+$0xF580] =	vst v0  }
0x5f: {  	s31 =	sand.u32 $0x1E00, s23;
	s28 =	sor.u32 s28, s24;
	s25 =	sor.u32 s25, s29;
	[tilespmem:s26+$0xF600] =	vst v0  }
0x60: {  	s1 =	sor.u32 s1, s31;
	s24 =	sor.u32 s30, s0;
	[tilespmem:s28+$0xF500] =	vst v0  }
0x61: {  	[tilespmem:s1+$0xF500] =	vst v0  }
0x62: {  	[tilespmem:s1+$0xF580] =	vst v0  }
0x63: {  	[tilespmem:s1+$0xF600] =	vst v0  }
0x64: {  	[tilespmem:s1+$0xF680] =	vst v0  }
0x65: {  	[tilespmem:s28+$0xF580] =	vst v0  }
.Ltmp2:
0x66: {  	[tilespmem:s28+$0xF600] =	vst v0;
	(pc) =	sbr.rel @p1 .LBB2_2-.Ltmp2, $4  }
0x67: {  	[tilespmem:s28+$0xF680] =	vst v0  }
0x68: {  	[tilespmem:s25+$0xF500] =	vst v0  }
0x69: {  	[tilespmem:s25+$0xF580] =	vst v0  }
0x6a: {  	[tilespmem:s25+$0xF600] =	vst v0  }
0x6b: {  	[tilespmem:s25+$0xF680] =	vst v0  }
0x6c: {  	[tilespmem:s24+$0xF500] =	vst v0  }
0x6d: {  	[tilespmem:s24+$0xF580] =	vst v0  }
0x6e: {  	[tilespmem:s24+$0xF600] =	vst v0  }
0x6f: {  	[tilespmem:s24+$0xF680] =	vst v0  }
0x70: {  	[tilespmem:s21+$0xFFFFFFE0] =	vst v0  }
0x71: {  	[tilespmem:s21+$0x20] =	vst v0  }
0x72: {  	[tilespmem:s21+$0x10] =	vst v0  }
0x73: {  	s20 =	simm.s32 $0x0;
	[tilespmem:s21+$0x0] =	vst v0  }
.LBB2_4:
0x74: {  	s20 =	sadd.s32 $0x5, s20  }
0x75: {  	[tilespmem:s21+$0xFFFFFFF0] =	vst v0;
	s21 =	sadd.s32 $0x50, s21;
	p1 =	slt.u32 s20, $0x78  }
.Ltmp3:
0x76: {  	[tilespmem:s21+$0xFFFFFFE0] =	vst v0;
	(pc) =	sbr.rel @p1 .LBB2_4-.Ltmp3, $4  }
0x77: {  	_ = 	snop  }
0x78: {  	[tilespmem:s21+$0x20] =	vst v0  }
0x79: {  	[tilespmem:s21+$0x10] =	vst v0  }
0x7a: {  	[tilespmem:s21+$0x0] =	vst v0  }
0x7b: {  	[tilespmem:s21+$0xFFFFFFF0] =	vst v0  }
0x7c: {  	_ =	swait.ge [sflag:s15], $0x9E00  }
0x7d: {  	[sflag:s15] =	ssyncset.done $0x0  }
0x7e: {  	[sflag:s15] =	ssyncadd.s32 $0xFFFF6200  }
0x7f: {  	_ =	swait.ge [sflag:s15], $0x2780  }
0x80: {  	[sflag:s15] =	ssyncset.done $0x0  }
0x81: {  	[sflag:s15] =	ssyncadd.s32 $0xFFFFD880  }
0x82: {  	_ =	swait.ge [sflag:s15], $0x800  }
.Ltmp4:
0x83: {  	[sflag:s15] =	ssyncset.done $0x0;
	(pc) =	sbr.rel @!p0 .LBB2_6-.Ltmp4, $4  }
0x84: {  	[sflag:s15] =	ssyncadd.s32 $0xFFFFF800  }
0x85: {  	_ =	swait.ge [sflag:s15], $0x2780  }
0x86: {  	s20 =	simm.s32 $0x100;
	[sflag:s15] =	ssyncset.done $0x0  }
0x87: {  	s21 =	simm.s32 $0x9E40;
	s22 =	simm.s32 $0xCDC0;
	[sflag:s15] =	ssyncadd.s32 $0xFFFFD880  }
0x88: {  	v1 =	vld [tilespmem:s22+$0x30];
	_ =	sdelay $0x3  }
0x89: {  	v2 =	vld [tilespmem:s22+$0xFFFFFFD0]  }
0x8a: {  	v3 =	vld [tilespmem:s22+$0xFFFFFFE0]  }
0x8b: {  	v4 =	vld [tilespmem:s22+$0xFFFFFFF0]  }
0x8c: {  	v6 =	vld [tilespmem:s21+$0x30]  }
0x8d: {  	v5 =	vld.idx.msk [tilespmem:v1+s13+$0x0], $0xffff  }
0x8e: {  	v7 =	vld [tilespmem:s22+$0x0]  }
0x8f: {  	v8 =	vld [tilespmem:s22+$0x10]  }
0x90: {  	v9 =	vld [tilespmem:s22+$0xFFFFFFC0]  }
0x91: {  	v10 =	vld [tilespmem:s22+$0x20]  }
0x92: {  	v17 =	vld [tilespmem:s21+$0xFFFFFFD0];
	v5 =	vadd.f32 v5, v6  }
0x93: {  	v18 =	vld [tilespmem:s21+$0xFFFFFFE0]  }
0x94: {  	v20 =	vld [tilespmem:s21+$0xFFFFFFF0];
	v12 =	vmul.f32 $9.999999770e-03, v5  }
0x95: {  	v24 =	vld [tilespmem:s21+$0x0];
	vm0 =	vgt.f32 v5, $0.0e+00  }
0x96: {  	v35 =	vld [tilespmem:s21+$0x20];
	v5 =	vsel vm0, v5, v12  }
0x97: {  	v11 =	vld.idx.msk [tilespmem:v3+s13+$0x0], $0xffff;
	v5 =	vmul.f32 $1.442695020e+00, v5  }
0x98: {  	v13 =	vld.idx.msk [tilespmem:v4+s13+$0x0], $0xffff  }
0x99: {  	v14 =	vld.idx.msk [tilespmem:v7+s13+$0x0], $0xffff;
	(erf) = vpow2.f32 v5  }
0x9a: {  	v15 =	vld.idx.msk [tilespmem:v9+s13+$0x0], $0xffff  }
0x9b: {  	v19 =	vand.u32 $0x7F, v2;
	v21 =	vand.u32 $0x7F, v3;
	v23 =	vshll.u32 v1, $0x2;
	v16 =	vld.idx.msk [tilespmem:v10+s13+$0x0], $0xffff  }
0x9c: {  	v25 =	vshll.u32 v4, $0x2;
	v23 =	vand.u32 $0xFFFFFE00, v23;
	v1 =	vand.u32 $0x7F, v1;
	v5 =	vld [tilespmem:s21+$0xFFFFFFC0]  }
0x9d: {  	v44 =	vand.u32 $0x7F, v8;
	v3 =	vshll.u32 v3, $0x2;
	v23 =	vor.u32 v1, v23;
	v6 =	vld.idx.msk [tilespmem:v2+s13+$0x0], $0xffff  }
0x9e: {  	v22 =	vld [tilespmem:s20+$0xFFFFFF70];
	v1 =	vand.u32 $0xFFFFFE00, v3;
	v3 =	vand.u32 $0x7F, v4;
	v11 =	vadd.f32 v11, v18  }
0x9f: {  	v2 =	vshll.u32 v2, $0x2;
	v13 =	vadd.f32 v13, v20;
	v14 =	vadd.f32 v14, v24  }
0xa0: {  	v16 =	vadd.f32 v16, v35;
	v2 =	vand.u32 $0xFFFFFE00, v2;
	v38 =	vmul.f32 $9.999999770e-03, v11  }
0xa1: {  	vm2 =	vgt.f32 v11, $0.0e+00;
	v39 =	vmul.f32 $9.999999770e-03, v14;
	v12 =	vld.idx.msk [tilespmem:v8+s13+$0x0], $0xffff;
	v5 =	vadd.f32 v15, v5  }
0xa2: {  	vm3 =	vgt.f32 v13, $0.0e+00;
	v27 =	vmul.f32 $9.999999770e-03, v16;
	v6 =	vadd.f32 v6, v17;
	v15 =	vld [tilespmem:s21+$0x10];
	v26 =	vpop (erf)  }
0xa3: {  	vm4 =	vgt.f32 v14, $0.0e+00;
	v17 =	vmul.f32 $9.999999770e-03, v5;
	v36 =	vmul.f32 v26, v22  }
0xa4: {  	vm15 =	vgt.f32 v16, $0.0e+00;
	v37 =	vmul.f32 $9.999999770e-03, v6;
	vm13 =	vgt.f32 v5, $0.0e+00  }
0xa5: {  	v42 =	vor.u32 v19, v2;
	vm1 =	vgt.f32 v6, $0.0e+00;
	v5 =	vsel vm13, v5, v17;
	[tilespmem:v23+s17+$0x0] =	vst.idx.add.f32.msk $0xffff, v36  }
0xa6: {  	v11 =	vsel vm2, v11, v38;
	v6 =	vsel vm1, v6, v37;
	v5 =	vmul.f32 $1.442695020e+00, v5;
	v40 =	vld [tilespmem:s20+$0xFFFFFFF0]  }
0xa7: {  	v6 =	vmul.f32 $1.442695020e+00, v6;
	v12 =	vadd.f32 v12, v15;
	v15 =	vmul.f32 $9.999999770e-03, v13  }
0xa8: {  	v11 =	vmul.f32 $1.442695020e+00, v11;
	v17 =	vor.u32 $0x80, v23;
	(erf) = vpow2.f32 v5  }
0xa9: {  	v41 =	vmul.f32 $9.999999770e-03, v12;
	v13 =	vsel vm3, v13, v15;
	(erf) = vpow2.f32 v6  }
0xaa: {  	vm14 =	vgt.f32 v12, $0.0e+00;
	v13 =	vmul.f32 $1.442695020e+00, v13;
	(erf) = vpow2.f32 v11  }
0xab: {  	v43 =	vld [tilespmem:s20+$0xFFFFFF50];
	v14 =	vsel vm4, v14, v39;
	v6 =	vsel vm14, v12, v41;
	v5 =	vmul.f32 v26, v40  }
0xac: {  	v15 =	vld [tilespmem:s20+$0xFFFFFF00];
	v12 =	vmul.f32 $1.442695020e+00, v14;
	v14 =	vsel vm15, v16, v27;
	(erf) = vpow2.f32 v13  }
0xad: {  	v11 =	vshll.u32 v9, $0x2;
	v14 =	vmul.f32 $1.442695020e+00, v14;
	[tilespmem:v17+s17+$0x0] =	vst.idx.add.f32.msk $0xffff, v5;
	v5 =	vmul.f32 $1.442695020e+00, v6  }
0xae: {  	v9 =	vand.u32 $0x7F, v9;
	v11 =	vand.u32 $0xFFFFFE00, v11;
	(erf) = vpow2.f32 v12;
	v6 =	vld [tilespmem:s20+$0x70]  }
0xaf: {  	v2 =	vshll.u32 v8, $0x2;
	v12 =	vld [tilespmem:s20+$0xFFFFFF20];
	v9 =	vor.u32 v9, v11;
	(erf) = vpow2.f32 v5  }
0xb0: {  	v4 =	vand.u32 $0xFFFFFE00, v25;
	v13 =	vld [tilespmem:s20+$0xFFFFFF10];
	v5 =	vor.u32 $0x100, v23;
	(erf) = vpow2.f32 v14  }
0xb1: {  	v45 =	vld [tilespmem:s20+$0xFFFFFF60];
	v47 =	vor.u32 v3, v4;
	v46 =	vand.u32 $0xFFFFFE00, v2;
	v8 =	vor.u32 v21, v1;
	v14 =	vpop (erf)  }
0xb2: {  	v16 =	vand.u32 $0x7F, v7;
	v7 =	vshll.u32 v7, $0x2;
	v17 =	vld [tilespmem:s20+$0xFFFFFF30];
	v4 =	vmul.f32 v14, v15;
	v2 =	vpop (erf)  }
0xb3: {  	v7 =	vand.u32 $0xFFFFFE00, v7;
	v11 =	vld [tilespmem:s20+$0xFFFFFF40];
	v1 =	vpop (erf);
	v6 =	vmul.f32 v26, v6  }
0xb4: {  	v15 =	vor.u32 v16, v7;
	v12 =	vmul.f32 v1, v12;
	[tilespmem:v9+s17+$0x0] =	vst.idx.add.f32.msk $0xffff, v4  }
0xb5: {  	[tilespmem:v5+s17+$0x0] =	vst.idx.add.f32.msk $0xffff, v6;
	v5 =	vand.u32 $0x7F, v10;
	v6 =	vmul.f32 v2, v13;
	v10 =	vshll.u32 v10, $0x2  }
0xb6: {  	v3 =	vpop (erf);
	[tilespmem:v8+s17+$0x0] =	vst.idx.add.f32.msk $0xffff, v12;
	v10 =	vand.u32 $0xFFFFFE00, v10  }
0xb7: {  	v13 =	vmul.f32 v3, v17;
	v4 =	vpop (erf);
	v7 =	vld [tilespmem:s20+$0xF0];
	v10 =	vor.u32 v5, v10  }
0xb8: {  	v11 =	vmul.f32 v4, v11;
	[tilespmem:v42+s17+$0x0] =	vst.idx.add.f32.msk $0xffff, v6;
	v5 =	vpop (erf)  }
0xb9: {  	v17 =	vor.u32 $0x180, v23;
	[tilespmem:v47+s17+$0x0] =	vst.idx.add.f32.msk $0xffff, v13;
	v6 =	vpop (erf)  }
0xba: {  	[tilespmem:v15+s17+$0x0] =	vst.idx.add.f32.msk $0xffff, v11;
	v11 =	vmul.f32 v6, v45  }
0xbb: {  	v13 =	vld [tilespmem:s20+$0xFFFFFFA0]  }
0xbc: {  	v16 =	vor.u32 v44, v46;
	v7 =	vmul.f32 v7, v26;
	[tilespmem:v10+s17+$0x0] =	vst.idx.add.f32.msk $0xffff, v11  }
0xbd: {  	v11 =	vld [tilespmem:s20+$0xFFFFFF90]  }
0xbe: {  	[tilespmem:v17+s17+$0x0] =	vst.idx.add.f32.msk $0xffff, v7  }
0xbf: {  	v12 =	vmul.f32 v5, v43;
	v7 =	vld [tilespmem:s20+$0xFFFFFF80]  }
0xc0: {  	v48 =	vld [tilespmem:s20+$0xFFFFFFB0];
	v17 =	vor.u32 $0x80, v42  }
0xc1: {  	[tilespmem:v16+s17+$0x0] =	vst.idx.add.f32.msk $0xffff, v12;
	v12 =	vor.u32 $0x80, v9  }
0xc2: {  	v51 =	vor.u32 $0x80, v47;
	v52 =	vld [tilespmem:s20+$0xFFFFFFD0]  }
0xc3: {  	v49 =	vor.u32 $0x80, v8;
	v50 =	vld [tilespmem:s20+$0xFFFFFFC0];
	v11 =	vmul.f32 v2, v11  }
0xc4: {  	v55 =	vor.u32 $0x80, v16;
	v54 =	vld [tilespmem:s20+$0xFFFFFFE0];
	v7 =	vmul.f32 v14, v7  }
0xc5: {  	[tilespmem:v17+s17+$0x0] =	vst.idx.add.f32.msk $0xffff, v11;
	v11 =	vmul.f32 v3, v48  }
0xc6: {  	v53 =	vor.u32 $0x80, v15;
	[tilespmem:v12+s17+$0x0] =	vst.idx.add.f32.msk $0xffff, v7;
	v7 =	vmul.f32 v1, v13  }
0xc7: {  	[tilespmem:v51+s17+$0x0] =	vst.idx.add.f32.msk $0xffff, v11;
	v11 =	vmul.f32 v5, v52  }
0xc8: {  	v12 =	vor.u32 $0x80, v10;
	[tilespmem:v49+s17+$0x0] =	vst.idx.add.f32.msk $0xffff, v7  }
0xc9: {  	v7 =	vmul.f32 v4, v50;
	[tilespmem:v55+s17+$0x0] =	vst.idx.add.f32.msk $0xffff, v11  }
0xca: {  	v11 =	vld [tilespmem:s20+$0x10]  }
0xcb: {  	[tilespmem:v53+s17+$0x0] =	vst.idx.add.f32.msk $0xffff, v7;
	v7 =	vmul.f32 v6, v54  }
0xcc: {  	v56 =	vld [tilespmem:s20+$0x30]  }
0xcd: {  	v17 =	vor.u32 $0x100, v42;
	[tilespmem:v12+s17+$0x0] =	vst.idx.add.f32.msk $0xffff, v7  }
0xce: {  	v7 =	vld [tilespmem:s20+$0x0]  }
0xcf: {  	v59 =	vor.u32 $0x100, v47;
	v60 =	vld [tilespmem:s20+$0x50]  }
0xd0: {  	v12 =	vor.u32 $0x100, v9;
	v62 =	vld [tilespmem:s20+$0x60];
	v11 =	vmul.f32 v2, v11  }
0xd1: {  	v63 =	vor.u32 $0x100, v16;
	v13 =	vld [tilespmem:s20+$0x20]  }
0xd2: {  	v28 =	vor.u32 $0x100, v10;
	[tilespmem:v17+s17+$0x0] =	vst.idx.add.f32.msk $0xffff, v11;
	v11 =	vmul.f32 v3, v56  }
0xd3: {  	v57 =	vor.u32 $0x100, v8;
	v58 =	vld [tilespmem:s20+$0x40];
	v7 =	vmul.f32 v14, v7  }
0xd4: {  	[tilespmem:v59+s17+$0x0] =	vst.idx.add.f32.msk $0xffff, v11;
	v11 =	vmul.f32 v5, v60  }
0xd5: {  	v61 =	vor.u32 $0x100, v15;
	v17 =	vmul.f32 v6, v62;
	[tilespmem:v12+s17+$0x0] =	vst.idx.add.f32.msk $0xffff, v7  }
0xd6: {  	v7 =	vmul.f32 v1, v13;
	[tilespmem:v63+s17+$0x0] =	vst.idx.add.f32.msk $0xffff, v11  }
0xd7: {  	[tilespmem:v28+s17+$0x0] =	vst.idx.add.f32.msk $0xffff, v17  }
0xd8: {  	v10 =	vor.u32 $0x180, v10;
	[tilespmem:v57+s17+$0x0] =	vst.idx.add.f32.msk $0xffff, v7;
	v7 =	vmul.f32 v4, v58  }
0xd9: {  	v13 =	vor.u32 $0x180, v9;
	v11 =	vor.u32 $0x180, v8;
	v8 =	vor.u32 $0x180, v15;
	v15 =	vld [tilespmem:s20+$0x80]  }
0xda: {  	s23 =	simm.s32 $0x0;
	s24 =	simm.s32 $0xCE40;
	s22 =	simm.s32 $0x100;
	v12 =	vor.u32 $0x180, v42;
	v9 =	vor.u32 $0x180, v16;
	[tilespmem:v61+s17+$0x0] =	vst.idx.add.f32.msk $0xffff, v7;
	v7 =	vor.u32 $0x180, v47  }
.LBB2_10:
0xdb: {  	v36 =	vld [tilespmem:s24+$0x30];
	s23 =	sadd.s32 $0x8, s23  }
0xdc: {  	v16 =	vld [tilespmem:s24+$0xFFFFFFD0];
	p1 =	slt.u32 s23, $0x268  }
0xdd: {  	v17 =	vld [tilespmem:s24+$0xFFFFFFE0]  }
0xde: {  	v18 =	vld [tilespmem:s24+$0xFFFFFFF0]  }
0xdf: {  	v14 =	vmul.f32 v15, v14;
	v19 =	vld [tilespmem:s24+$0x0]  }
0xe0: {  	v15 =	vld [tilespmem:s24+$0x10]  }
0xe1: {  	v20 =	vand.u32 $0x7F, v16;
	v21 =	vshll.u32 v16, $0x2;
	v22 =	vld [tilespmem:s24+$0x20]  }
0xe2: {  	v23 =	vld [tilespmem:s24+$0xFFFFFFC0];
	v21 =	vand.u32 $0xFFFFFE00, v21;
	v24 =	vand.u32 $0x7F, v17;
	v25 =	vshll.u32 v17, $0x2  }
0xe3: {  	s21 =	sadd.s32 $0x80, s21;
	v25 =	vand.u32 $0xFFFFFE00, v25;
	v26 =	vand.u32 $0x7F, v18;
	v27 =	vshll.u32 v18, $0x2;
	v28 =	vld.idx.msk [tilespmem:v36+s13+$0x0], $0xffff  }
0xe4: {  	v27 =	vand.u32 $0xFFFFFE00, v27;
	v29 =	vand.u32 $0x7F, v19;
	v30 =	vshll.u32 v19, $0x2;
	v32 =	vld [tilespmem:s21+$0x30]  }
0xe5: {  	v37 =	vld.idx.msk [tilespmem:v16+s13+$0x0], $0xffff;
	v16 =	vand.u32 $0xFFFFFE00, v30;
	v38 =	vand.u32 $0x7F, v15;
	v30 =	vshll.u32 v15, $0x2  }
0xe6: {  	v39 =	vld.idx.msk [tilespmem:v17+s13+$0x0], $0xffff;
	v17 =	vand.u32 $0xFFFFFE00, v30;
	v40 =	vand.u32 $0x7F, v22;
	v30 =	vshll.u32 v22, $0x2  }
0xe7: {  	v31 =	vand.u32 $0x7F, v23;
	v33 =	vshll.u32 v23, $0x2;
	v41 =	vld.idx.msk [tilespmem:v18+s13+$0x0], $0xffff;
	v18 =	vand.u32 $0xFFFFFE00, v30  }
0xe8: {  	v30 =	vor.u32 v24, v25;
	v34 =	vand.u32 $0xFFFFFE00, v33;
	v33 =	vor.u32 v20, v21;
	v42 =	vld.idx.msk [tilespmem:v19+s13+$0x0], $0xffff  }
0xe9: {  	v35 =	vor.u32 v31, v34;
	v31 =	vor.u32 v26, v27;
	v43 =	vld.idx.msk [tilespmem:v15+s13+$0x0], $0xffff;
	v15 =	vadd.f32 v28, v32  }
0xea: {  	v34 =	vor.u32 v29, v16;
	v32 =	vor.u32 v38, v17;
	v29 =	vor.u32 v40, v18;
	v20 =	vld.idx.msk [tilespmem:v23+s13+$0x0], $0xffff  }
0xeb: {  	v26 =	vor.u32 $0x80, v35;
	v23 =	vor.u32 $0x80, v33;
	v38 =	vld.idx.msk [tilespmem:v22+s13+$0x0], $0xffff;
	v16 =	vmul.f32 $9.999999770e-03, v15  }
0xec: {  	v27 =	vor.u32 $0x80, v30;
	v24 =	vor.u32 $0x80, v31;
	vm0 =	vgt.f32 v15, $0.0e+00;
	v40 =	vld [tilespmem:s21+$0xFFFFFFC0]  }
0xed: {  	v25 =	vor.u32 $0x80, v34;
	v22 =	vor.u32 $0x80, v32;
	v44 =	vld [tilespmem:s21+$0xFFFFFFD0];
	v15 =	vsel vm0, v15, v16  }
0xee: {  	v18 =	vor.u32 $0x100, v35;
	v28 =	vor.u32 $0x80, v29;
	v45 =	vld [tilespmem:s21+$0xFFFFFFE0];
	v46 =	vmul.f32 $1.442695020e+00, v15  }
0xef: {  	v19 =	vor.u32 $0x100, v30;
	v21 =	vor.u32 $0x100, v33;
	v16 =	vor.u32 $0x100, v31;
	v47 =	vld [tilespmem:s21+$0xFFFFFFF0]  }
0xf0: {  	v17 =	vor.u32 $0x100, v34;
	v15 =	vor.u32 $0x100, v32;
	v48 =	vld [tilespmem:s21+$0x0];
	(erf) = vpow2.f32 v46  }
0xf1: {  	v46 =	vor.u32 $0x180, v35;
	v40 =	vadd.f32 v20, v40;
	v49 =	vld [tilespmem:s21+$0x10];
	v20 =	vor.u32 $0x100, v29  }
0xf2: {  	v50 =	vor.u32 $0x180, v30;
	v37 =	vadd.f32 v37, v44;
	v44 =	vor.u32 $0x180, v33;
	v51 =	vld [tilespmem:s21+$0x20]  }
0xf3: {  	vm0 =	vgt.f32 v40, $0.0e+00;
	v52 =	vmul.f32 $9.999999770e-03, v40;
	v39 =	vadd.f32 v39, v45;
	v45 =	vld [tilespmem:s20+$0x90]  }
0xf4: {  	s20 =	sadd.s32 $0x200, s20;
	vm1 =	vgt.f32 v37, $0.0e+00;
	v53 =	vmul.f32 $9.999999770e-03, v37;
	v41 =	vadd.f32 v41, v47;
	v47 =	vld [tilespmem:s22+$0xA0]  }
0xf5: {  	v55 =	vshll.u32 v36, $0x2;
	v54 =	vmul.f32 $9.999999770e-03, v39;
	v42 =	vadd.f32 v42, v48;
	v48 =	vld [tilespmem:s20+$0xFFFFFF70]  }
0xf6: {  	v36 =	vand.u32 $0x7F, v36;
	v56 =	vld [tilespmem:s20+$0xFFFFFF00];
	v43 =	vadd.f32 v43, v49;
	v49 =	vand.u32 $0xFFFFFE00, v55  }
0xf7: {  	v57 =	vmul.f32 $9.999999770e-03, v41;
	v55 =	vld [tilespmem:s20+$0xFFFFFF10];
	v38 =	vadd.f32 v38, v51;
	v36 =	vor.u32 v36, v49  }
0xf8: {  	vm2 =	vgt.f32 v39, $0.0e+00;
	v51 =	vmul.f32 $9.999999770e-03, v42;
	v49 =	vld [tilespmem:s20+$0xFFFFFF20];
	v58 =	vmul.f32 $9.999999770e-03, v43  }
0xf9: {  	vm3 =	vgt.f32 v41, $0.0e+00;
	vm4 =	vgt.f32 v42, $0.0e+00;
	v59 =	vld [tilespmem:s20+$0xFFFFFF30];
	v60 =	vmul.f32 $9.999999770e-03, v38;
	v61 =	vpop (erf)  }
0xfa: {  	vm5 =	vgt.f32 v43, $0.0e+00;
	vm6 =	vgt.f32 v38, $0.0e+00;
	v62 =	vld [tilespmem:s20+$0xFFFFFF40];
	v48 =	vmul.f32 v61, v48  }
0xfb: {  	v40 =	vsel vm0, v40, v52;
	v37 =	vsel vm1, v37, v53;
	v39 =	vsel vm2, v39, v54;
	v52 =	vld [tilespmem:s20+$0xFFFFFF50]  }
0xfc: {  	v40 =	vmul.f32 $1.442695020e+00, v40;
	v41 =	vsel vm3, v41, v57;
	v42 =	vsel vm4, v42, v51;
	[tilespmem:v36+s17+$0x0] =	vst.idx.add.f32.msk $0xffff, v48  }
0xfd: {  	v37 =	vmul.f32 $1.442695020e+00, v37;
	v43 =	vsel vm5, v43, v58;
	v38 =	vsel vm6, v38, v60;
	v48 =	vld [tilespmem:s20+$0xFFFFFFF0]  }
0xfe: {  	v39 =	vmul.f32 $1.442695020e+00, v39;
	v41 =	vmul.f32 $1.442695020e+00, v41;
	v51 =	vor.u32 $0x180, v31;
	v53 =	vld [tilespmem:s20+$0xFFFFFF60]  }
0xff: {  	v54 =	vor.u32 $0x80, v36;
	v42 =	vmul.f32 $1.442695020e+00, v42;
	v43 =	vmul.f32 $1.442695020e+00, v43;
	v57 =	vld [tilespmem:s22+$0xB0]  }
0x100: {  	v58 =	vor.u32 $0x180, v34;
	v38 =	vmul.f32 $1.442695020e+00, v38;
	(erf) = vpow2.f32 v40;
	v40 =	vld [tilespmem:s22+$0xC0]  }
0x101: {  	v2 =	vmul.f32 v45, v2;
	v60 =	vor.u32 $0x180, v32;
	(erf) = vpow2.f32 v37;
	v37 =	vld [tilespmem:s22+$0xD0]  }
0x102: {  	v45 =	vor.u32 $0x180, v29;
	v48 =	vmul.f32 v61, v48;
	(erf) = vpow2.f32 v39;
	v39 =	vld [tilespmem:s22+$0xE0];
	s22 =	smov.u32 s20  }
0x103: {  	v1 =	vmul.f32 v47, v1;
	(erf) = vpow2.f32 v41;
	[tilespmem:v13+s17+$0x0] =	vst.idx.add.f32.msk $0xffff, v14;
	v13 =	vmov v46  }
0x104: {  	[tilespmem:v54+s17+$0x0] =	vst.idx.add.f32.msk $0xffff, v48;
	(erf) = vpow2.f32 v42;
	v3 =	vmul.f32 v57, v3  }
0x105: {  	v41 =	vld [tilespmem:s20+$0x70];
	(erf) = vpow2.f32 v43;
	v4 =	vmul.f32 v40, v4  }
0x106: {  	(erf) = vpow2.f32 v38;
	[tilespmem:v12+s17+$0x0] =	vst.idx.add.f32.msk $0xffff, v2;
	v5 =	vmul.f32 v37, v5;
	v12 =	vmov v44  }
0x107: {  	v37 =	vor.u32 $0x100, v36;
	[tilespmem:v11+s17+$0x0] =	vst.idx.add.f32.msk $0xffff, v1;
	v6 =	vmul.f32 v39, v6;
	v11 =	vmov v50  }
0x108: {  	[tilespmem:v7+s17+$0x0] =	vst.idx.add.f32.msk $0xffff, v3;
	v7 =	vmov v51  }
0x109: {  	v14 =	vpop (erf);
	[tilespmem:v8+s17+$0x0] =	vst.idx.add.f32.msk $0xffff, v4;
	v8 =	vmov v58  }
0x10a: {  	v38 =	vmul.f32 v14, v56;
	v42 =	vmul.f32 v61, v41;
	v2 =	vpop (erf);
	[tilespmem:v9+s17+$0x0] =	vst.idx.add.f32.msk $0xffff, v5;
	v9 =	vmov v60  }
0x10b: {  	v39 =	vmul.f32 v2, v55;
	v1 =	vpop (erf);
	[tilespmem:v10+s17+$0x0] =	vst.idx.add.f32.msk $0xffff, v6;
	v10 =	vmov v45  }
0x10c: {  	v40 =	vmul.f32 v1, v49;
	[tilespmem:v37+s17+$0x0] =	vst.idx.add.f32.msk $0xffff, v42;
	v3 =	vpop (erf)  }
0x10d: {  	v37 =	vmul.f32 v3, v59;
	v41 =	vld [tilespmem:s20+$0xF0];
	v4 =	vpop (erf)  }
0x10e: {  	[tilespmem:v35+s17+$0x0] =	vst.idx.add.f32.msk $0xffff, v38;
	v35 =	vmul.f32 v4, v62;
	v5 =	vpop (erf)  }
0x10f: {  	v36 =	vor.u32 $0x180, v36;
	[tilespmem:v33+s17+$0x0] =	vst.idx.add.f32.msk $0xffff, v39;
	v33 =	vmul.f32 v5, v52;
	v6 =	vpop (erf)  }
0x110: {  	[tilespmem:v30+s17+$0x0] =	vst.idx.add.f32.msk $0xffff, v40;
	v30 =	vmul.f32 v6, v53  }
0x111: {  	[tilespmem:v31+s17+$0x0] =	vst.idx.add.f32.msk $0xffff, v37  }
0x112: {  	[tilespmem:v34+s17+$0x0] =	vst.idx.add.f32.msk $0xffff, v35;
	v31 =	vmul.f32 v41, v61  }
0x113: {  	[tilespmem:v32+s17+$0x0] =	vst.idx.add.f32.msk $0xffff, v33  }
0x114: {  	[tilespmem:v36+s17+$0x0] =	vst.idx.add.f32.msk $0xffff, v31  }
0x115: {  	[tilespmem:v29+s17+$0x0] =	vst.idx.add.f32.msk $0xffff, v30  }
0x116: {  	v29 =	vld [tilespmem:s20+$0xFFFFFF80]  }
0x117: {  	v30 =	vld [tilespmem:s20+$0xFFFFFF90]  }
0x118: {  	v31 =	vld [tilespmem:s20+$0xFFFFFFA0]  }
0x119: {  	v32 =	vld [tilespmem:s20+$0xFFFFFFB0]  }
0x11a: {  	v33 =	vld [tilespmem:s20+$0xFFFFFFC0]  }
0x11b: {  	v29 =	vmul.f32 v14, v29;
	v34 =	vld [tilespmem:s20+$0xFFFFFFD0]  }
0x11c: {  	v30 =	vmul.f32 v2, v30;
	v35 =	vld [tilespmem:s20+$0xFFFFFFE0]  }
0x11d: {  	[tilespmem:v26+s17+$0x0] =	vst.idx.add.f32.msk $0xffff, v29;
	v26 =	vmul.f32 v1, v31  }
0x11e: {  	[tilespmem:v23+s17+$0x0] =	vst.idx.add.f32.msk $0xffff, v30;
	v23 =	vmul.f32 v3, v32  }
0x11f: {  	[tilespmem:v27+s17+$0x0] =	vst.idx.add.f32.msk $0xffff, v26;
	v26 =	vmul.f32 v4, v33  }
0x120: {  	[tilespmem:v24+s17+$0x0] =	vst.idx.add.f32.msk $0xffff, v23;
	v23 =	vmul.f32 v5, v34  }
0x121: {  	[tilespmem:v25+s17+$0x0] =	vst.idx.add.f32.msk $0xffff, v26;
	v24 =	vmul.f32 v6, v35  }
0x122: {  	[tilespmem:v22+s17+$0x0] =	vst.idx.add.f32.msk $0xffff, v23  }
0x123: {  	[tilespmem:v28+s17+$0x0] =	vst.idx.add.f32.msk $0xffff, v24  }
0x124: {  	v22 =	vld [tilespmem:s20+$0x0]  }
0x125: {  	v23 =	vld [tilespmem:s20+$0x10]  }
0x126: {  	v24 =	vld [tilespmem:s20+$0x20]  }
0x127: {  	v25 =	vld [tilespmem:s20+$0x30]  }
0x128: {  	v26 =	vld [tilespmem:s20+$0x40]  }
0x129: {  	v22 =	vmul.f32 v14, v22;
	v27 =	vld [tilespmem:s20+$0x50]  }
0x12a: {  	v23 =	vmul.f32 v2, v23;
	v28 =	vld [tilespmem:s20+$0x60]  }
0x12b: {  	[tilespmem:v18+s17+$0x0] =	vst.idx.add.f32.msk $0xffff, v22;
	v18 =	vmul.f32 v1, v24  }
0x12c: {  	[tilespmem:v21+s17+$0x0] =	vst.idx.add.f32.msk $0xffff, v23;
	v21 =	vmul.f32 v3, v25  }
0x12d: {  	[tilespmem:v19+s17+$0x0] =	vst.idx.add.f32.msk $0xffff, v18;
	v18 =	vmul.f32 v4, v26  }
.Ltmp5:
0x12e: {  	[tilespmem:v16+s17+$0x0] =	vst.idx.add.f32.msk $0xffff, v21;
	v16 =	vmul.f32 v5, v27;
	(pc) =	sbr.rel @p1 .LBB2_10-.Ltmp5, $4  }
0x12f: {  	[tilespmem:v17+s17+$0x0] =	vst.idx.add.f32.msk $0xffff, v18;
	v17 =	vmul.f32 v6, v28  }
0x130: {  	[tilespmem:v15+s17+$0x0] =	vst.idx.add.f32.msk $0xffff, v16  }
0x131: {  	[tilespmem:v20+s17+$0x0] =	vst.idx.add.f32.msk $0xffff, v17  }
0x132: {  	s24 =	sadd.s32 $0x80, s24;
	v15 =	vld [tilespmem:s20+$0x80]  }
.Ltmp6:
0x133: {  	_ = 	snop;
	(pc) =	sbr.rel .LBB2_11-.Ltmp6, $1  }
0x134: {  	_ =	sdelay $0x3  }
.LBB2_6:
0x135: {  	v1 =	vld [tilespmem:s22+$0x30];
	_ =	sdelay $0x6  }
0x136: {  	v3 =	vld [tilespmem:s21+$0x30]  }
0x137: {  	v2 =	vld.idx.msk [tilespmem:v1+s13+$0x0], $0xffff  }
0x138: {  	v7 =	vld [tilespmem:s22+$0xFFFFFFD0]  }
0x139: {  	v8 =	vld [tilespmem:s22+$0xFFFFFFE0]  }
0x13a: {  	v11 =	vld [tilespmem:s22+$0xFFFFFFC0]  }
0x13b: {  	v9 =	vld [tilespmem:s22+$0xFFFFFFF0]  }
0x13c: {  	v10 =	vld [tilespmem:s22+$0x0];
	v2 =	vadd.f32 v2, v3  }
0x13d: {  	v12 =	vld [tilespmem:s22+$0x10]  }
0x13e: {  	v13 =	vld [tilespmem:s22+$0x20];
	v3 =	vmul.f32 $9.999999770e-03, v2  }
0x13f: {  	v15 =	vld [tilespmem:s21+$0xFFFFFFD0];
	vm0 =	vgt.f32 v2, $0.0e+00  }
0x140: {  	v16 =	vld [tilespmem:s21+$0xFFFFFFE0];
	v2 =	vsel vm0, v2, v3  }
0x141: {  	v4 =	vld.idx.msk [tilespmem:v7+s13+$0x0], $0xffff;
	v2 =	vmul.f32 $1.442695020e+00, v2  }
0x142: {  	v14 =	vld.idx.msk [tilespmem:v11+s13+$0x0], $0xffff  }
0x143: {  	(erf) = vpow2.f32 v2;
	v2 =	vld [tilespmem:s21+$0xFFFFFFC0]  }
0x144: {  	v18 =	vld [tilespmem:s21+$0xFFFFFFF0]  }
0x145: {  	v5 =	vld.idx.msk [tilespmem:v8+s13+$0x0], $0xffff  }
0x146: {  	v19 =	vld [tilespmem:s21+$0x0];
	s0 =	simm.s32 $0xCE40  }
0x147: {  	v50 =	vld [tilespmem:s0+$0x0]  }
0x148: {  	v4 =	vadd.f32 v4, v15;
	v3 =	vld.idx.msk [tilespmem:v9+s13+$0x0], $0xffff;
	v2 =	vadd.f32 v14, v2  }
0x149: {  	v52 =	vld [tilespmem:s0+$0x20]  }
0x14a: {  	v6 =	vld.idx.msk [tilespmem:v10+s13+$0x0], $0xffff;
	v5 =	vadd.f32 v5, v16;
	v22 =	vmul.f32 $9.999999770e-03, v4;
	v16 =	vmul.f32 $9.999999770e-03, v2  }
0x14b: {  	v17 =	vld.idx.msk [tilespmem:v12+s13+$0x0], $0xffff;
	vm1 =	vgt.f32 v4, $0.0e+00;
	vm15 =	vgt.f32 v2, $0.0e+00  }
0x14c: {  	v23 =	vshll.u32 v1, $0x2;
	v4 =	vsel vm1, v4, v22;
	v14 =	vld [tilespmem:s21+$0x10];
	v2 =	vsel vm15, v2, v16  }
0x14d: {  	v3 =	vadd.f32 v3, v18;
	v18 =	vmul.f32 $9.999999770e-03, v5;
	v21 =	vpop (erf);
	v2 =	vmul.f32 $1.442695020e+00, v2  }
0x14e: {  	v23 =	vand.u32 $0xFFFFFE00, v23;
	vm2 =	vgt.f32 v5, $0.0e+00;
	v4 =	vmul.f32 $1.442695020e+00, v4;
	[tilespmem:v1+s16+$0x0] =	vst.idx.add.f32.msk $0xffff, v21  }
0x14f: {  	v6 =	vadd.f32 v6, v19;
	v5 =	vsel vm2, v5, v18;
	v19 =	vld [tilespmem:s20+$0xFFFFFF70];
	(erf) = vpow2.f32 v2  }
0x150: {  	v51 =	vld [tilespmem:s0+$0x10];
	v5 =	vmul.f32 $1.442695020e+00, v5;
	v1 =	vand.u32 $0x7F, v1;
	(erf) = vpow2.f32 v4  }
0x151: {  	v20 =	vld.idx.msk [tilespmem:v13+s13+$0x0], $0xffff;
	v14 =	vadd.f32 v17, v14;
	v17 =	vor.u32 v1, v23  }
0x152: {  	v15 =	vld [tilespmem:s21+$0x20];
	v24 =	vmul.f32 $9.999999770e-03, v3;
	(erf) = vpow2.f32 v5  }
0x153: {  	v31 =	vld.idx.msk [tilespmem:v50+s13+$0x0], $0xffff;
	vm4 =	vgt.f32 v6, $0.0e+00;
	vm3 =	vgt.f32 v3, $0.0e+00;
	v1 =	vmul.f32 $9.999999770e-03, v6  }
0x154: {  	v55 =	vld.idx.msk [tilespmem:v52+s13+$0x0], $0xffff;
	s21 =	simm.s32 $0x9EC0;
	v3 =	vsel vm3, v3, v24;
	v16 =	vmul.f32 $9.999999770e-03, v14;
	v19 =	vmul.f32 v21, v19  }
0x155: {  	v29 =	vld [tilespmem:s21+$0x30];
	vm6 =	vgt.f32 v14, $0.0e+00;
	v2 =	vmul.f32 $1.442695020e+00, v3;
	v1 =	vsel vm4, v6, v1  }
0x156: {  	v4 =	vsel vm6, v14, v16;
	v1 =	vmul.f32 $1.442695020e+00, v1;
	[tilespmem:v17+s17+$0x0] =	vst.idx.add.f32.msk $0xffff, v19  }
0x157: {  	v15 =	vadd.f32 v20, v15;
	v4 =	vmul.f32 $1.442695020e+00, v4;
	(erf) = vpow2.f32 v2;
	v3 =	vld [tilespmem:s20+$0xFFFFFFF0]  }
0x158: {  	v57 =	vld [tilespmem:s21+$0x20];
	(erf) = vpow2.f32 v1;
	v6 =	vpop (erf)  }
0x159: {  	v20 =	vmul.f32 $9.999999770e-03, v15;
	v5 =	vpop (erf);
	[tilespmem:v11+s16+$0x0] =	vst.idx.add.f32.msk $0xffff, v6  }
0x15a: {  	vm7 =	vgt.f32 v15, $0.0e+00;
	v2 =	vor.u32 $0x80, v17;
	[tilespmem:v7+s16+$0x0] =	vst.idx.add.f32.msk $0xffff, v5  }
0x15b: {  	v1 =	vsel vm7, v15, v20;
	(erf) = vpow2.f32 v4;
	v4 =	vpop (erf);
	v20 =	vld [tilespmem:s20+$0xFFFFFF00]  }
0x15c: {  	v3 =	vmul.f32 v21, v3;
	[tilespmem:v8+s16+$0x0] =	vst.idx.add.f32.msk $0xffff, v4  }
0x15d: {  	v22 =	vor.u32 $0x180, v17;
	v15 =	vor.u32 $0x100, v17;
	v17 =	vshll.u32 v11, $0x2;
	v24 =	vld [tilespmem:s20+$0xFFFFFF10]  }
0x15e: {  	v1 =	vmul.f32 $1.442695020e+00, v1;
	v17 =	vand.u32 $0xFFFFFE00, v17;
	v11 =	vand.u32 $0x7F, v11;
	v26 =	vld [tilespmem:s20+$0xFFFFFF20]  }
0x15f: {  	v27 =	vor.u32 v11, v17;
	[tilespmem:v2+s17+$0x0] =	vst.idx.add.f32.msk $0xffff, v3  }
0x160: {  	(erf) = vpow2.f32 v1;
	v14 =	vld [tilespmem:s20+$0x70];
	v3 =	vpop (erf)  }
0x161: {  	v2 =	vpop (erf);
	[tilespmem:v9+s16+$0x0] =	vst.idx.add.f32.msk $0xffff, v3  }
0x162: {  	v33 =	vmul.f32 v6, v20;
	[tilespmem:v10+s16+$0x0] =	vst.idx.add.f32.msk $0xffff, v2  }
0x163: {  	v32 =	vld [tilespmem:s20+$0xFFFFFF30]  }
0x164: {  	[tilespmem:v27+s17+$0x0] =	vst.idx.add.f32.msk $0xffff, v33  }
0x165: {  	v33 =	vld.idx.msk [tilespmem:v51+s13+$0x0], $0xffff  }
0x166: {  	v1 =	vpop (erf);
	v39 =	vld [tilespmem:s20+$0xFFFFFF80];
	v14 =	vmul.f32 v14, v21  }
0x167: {  	v18 =	vshll.u32 v9, $0x2;
	[tilespmem:v12+s16+$0x0] =	vst.idx.add.f32.msk $0xffff, v1  }
0x168: {  	v23 =	vand.u32 $0xFFFFFE00, v18;
	v41 =	vor.u32 $0x80, v27;
	[tilespmem:v15+s17+$0x0] =	vst.idx.add.f32.msk $0xffff, v14  }
0x169: {  	v19 =	vand.u32 $0x7F, v8;
	v14 =	vand.u32 $0x7F, v7;
	v7 =	vshll.u32 v7, $0x2;
	v15 =	vpop (erf);
	v16 =	vld [tilespmem:s20+$0xF0]  }
0x16a: {  	v8 =	vshll.u32 v8, $0x2;
	v9 =	vand.u32 $0x7F, v9;
	v7 =	vand.u32 $0xFFFFFE00, v7;
	[tilespmem:v13+s16+$0x0] =	vst.idx.add.f32.msk $0xffff, v15  }
0x16b: {  	v18 =	vor.u32 v14, v7;
	v14 =	vor.u32 v9, v23;
	v20 =	vld [tilespmem:s20+$0xFFFFFF60];
	v9 =	vmul.f32 v6, v39  }
0x16c: {  	v17 =	vshll.u32 v12, $0x2;
	v8 =	vand.u32 $0xFFFFFE00, v8;
	v39 =	vld [tilespmem:s21+$0x0]  }
0x16d: {  	v7 =	vand.u32 $0x7F, v12;
	v12 =	vand.u32 $0xFFFFFE00, v17;
	v17 =	vor.u32 v19, v8;
	[tilespmem:v41+s17+$0x0] =	vst.idx.add.f32.msk $0xffff, v9  }
0x16e: {  	v41 =	vld [tilespmem:s21+$0x10]  }
0x16f: {  	v34 =	vmul.f32 v5, v24;
	v48 =	vld [tilespmem:s20+$0x0]  }
0x170: {  	v7 =	vor.u32 v7, v12;
	v12 =	vmul.f32 v4, v26;
	v16 =	vmul.f32 v16, v21;
	v21 =	vld [tilespmem:s20+$0xFFFFFF40]  }
0x171: {  	v35 =	vmul.f32 v3, v32;
	[tilespmem:v18+s17+$0x0] =	vst.idx.add.f32.msk $0xffff, v34  }
0x172: {  	[tilespmem:v17+s17+$0x0] =	vst.idx.add.f32.msk $0xffff, v12  }
0x173: {  	v19 =	vshll.u32 v13, $0x2;
	[tilespmem:v14+s17+$0x0] =	vst.idx.add.f32.msk $0xffff, v35  }
0x174: {  	v8 =	vand.u32 $0x7F, v13;
	v19 =	vand.u32 $0xFFFFFE00, v19;
	v35 =	vld [tilespmem:s21+$0xFFFFFFC0]  }
0x175: {  	v25 =	vand.u32 $0x7F, v10;
	v10 =	vshll.u32 v10, $0x2;
	v8 =	vor.u32 v8, v19;
	[tilespmem:v22+s17+$0x0] =	vst.idx.add.f32.msk $0xffff, v16  }
0x176: {  	v10 =	vand.u32 $0xFFFFFE00, v10;
	v16 =	vld [tilespmem:s20+$0xFFFFFF50]  }
0x177: {  	v13 =	vor.u32 v25, v10;
	v40 =	vld [tilespmem:s20+$0xFFFFFF90]  }
0x178: {  	v38 =	vmul.f32 v15, v20;
	v12 =	vld [tilespmem:s20+$0xFFFFFFA0]  }
0x179: {  	v19 =	vld [tilespmem:s20+$0xFFFFFFB0]  }
0x17a: {  	v49 =	vor.u32 $0x100, v27;
	[tilespmem:v8+s17+$0x0] =	vst.idx.add.f32.msk $0xffff, v38;
	v36 =	vmul.f32 v2, v21  }
0x17b: {  	v38 =	vld [tilespmem:s21+$0xFFFFFFF0]  }
0x17c: {  	[tilespmem:v13+s17+$0x0] =	vst.idx.add.f32.msk $0xffff, v36  }
0x17d: {  	v9 =	vmul.f32 v48, v6;
	v21 =	vld [tilespmem:s20+$0xFFFFFFC0]  }
0x17e: {  	v25 =	vld [tilespmem:s20+$0xFFFFFFE0]  }
0x17f: {  	v24 =	vor.u32 $0x80, v13;
	[tilespmem:v49+s17+$0x0] =	vst.idx.add.f32.msk $0xffff, v9  }
0x180: {  	v42 =	vmul.f32 v4, v12;
	v12 =	vld [tilespmem:s0+$0xFFFFFFF0]  }
0x181: {  	v20 =	vor.u32 $0x80, v17;
	v37 =	vmul.f32 v1, v16;
	v36 =	vld [tilespmem:s21+$0xFFFFFFD0]  }
0x182: {  	v22 =	vor.u32 $0x80, v14;
	v60 =	vld [tilespmem:s20+$0x80];
	v45 =	vmul.f32 v2, v21  }
0x183: {  	[tilespmem:v7+s17+$0x0] =	vst.idx.add.f32.msk $0xffff, v37  }
0x184: {  	[tilespmem:v24+s17+$0x0] =	vst.idx.add.f32.msk $0xffff, v45  }
0x185: {  	v44 =	vmul.f32 v3, v19;
	v24 =	vld [tilespmem:s0+$0x30]  }
0x186: {  	v43 =	vor.u32 $0x80, v8;
	[tilespmem:v20+s17+$0x0] =	vst.idx.add.f32.msk $0xffff, v42  }
0x187: {  	v16 =	vor.u32 $0x80, v18;
	[tilespmem:v22+s17+$0x0] =	vst.idx.add.f32.msk $0xffff, v44  }
0x188: {  	v37 =	vld [tilespmem:s21+$0xFFFFFFE0]  }
0x189: {  	v47 =	vmul.f32 v15, v25;
	v23 =	vld [tilespmem:s20+$0xFFFFFFD0]  }
0x18a: {  	v10 =	vmul.f32 v5, v40;
	v22 =	vld [tilespmem:s20+$0x30]  }
0x18b: {  	[tilespmem:v43+s17+$0x0] =	vst.idx.add.f32.msk $0xffff, v47  }
0x18c: {  	[tilespmem:v16+s17+$0x0] =	vst.idx.add.f32.msk $0xffff, v10  }
0x18d: {  	v28 =	vld.idx.msk [tilespmem:v24+s13+$0x0], $0xffff  }
0x18e: {  	v20 =	vld [tilespmem:s20+$0x10]  }
0x18f: {  	v27 =	vor.u32 $0x180, v27;
	v43 =	vld [tilespmem:s0+$0xFFFFFFD0]  }
0x190: {  	v16 =	vld [tilespmem:s0+$0xFFFFFFE0]  }
0x191: {  	v59 =	vld [tilespmem:s20+$0x60]  }
0x192: {  	v26 =	vor.u32 $0x80, v7;
	v6 =	vmul.f32 v60, v6;
	v21 =	vld [tilespmem:s20+$0x20];
	v28 =	vadd.f32 v28, v29  }
0x193: {  	v30 =	vmul.f32 v20, v5;
	v20 =	vld [tilespmem:s0+$0xFFFFFFC0]  }
0x194: {  	[tilespmem:v27+s17+$0x0] =	vst.idx.add.f32.msk $0xffff, v6;
	v32 =	vmul.f32 $9.999999770e-03, v28  }
0x195: {  	v56 =	vor.u32 $0x100, v17;
	v46 =	vmul.f32 v1, v23;
	v54 =	vld.idx.msk [tilespmem:v12+s13+$0x0], $0xffff;
	vm8 =	vgt.f32 v28, $0.0e+00  }
0x196: {  	v23 =	vld [tilespmem:s20+$0x40];
	v28 =	vsel vm8, v28, v32  }
0x197: {  	[tilespmem:v26+s17+$0x0] =	vst.idx.add.f32.msk $0xffff, v46;
	v26 =	vor.u32 $0x100, v18;
	v28 =	vmul.f32 $1.442695020e+00, v28  }
0x198: {  	v25 =	vld [tilespmem:s20+$0x50];
	v21 =	vmul.f32 v21, v4  }
0x199: {  	v40 =	vor.u32 $0x100, v14;
	v53 =	vld.idx.msk [tilespmem:v16+s13+$0x0], $0xffff;
	(erf) = vpow2.f32 v28  }
0x19a: {  	[tilespmem:v56+s17+$0x0] =	vst.idx.add.f32.msk $0xffff, v21  }
0x19b: {  	v42 =	vor.u32 $0x100, v13;
	v34 =	vld.idx.msk [tilespmem:v20+s13+$0x0], $0xffff  }
0x19c: {  	v33 =	vadd.f32 v33, v41;
	v22 =	vmul.f32 v22, v3;
	[tilespmem:v26+s17+$0x0] =	vst.idx.add.f32.msk $0xffff, v30  }
0x19d: {  	v58 =	vor.u32 $0x100, v8;
	v17 =	vor.u32 $0x180, v17;
	v21 =	vor.u32 $0x100, v7;
	v26 =	vld.idx.msk [tilespmem:v43+s13+$0x0], $0xffff  }
0x19e: {  	vm14 =	vgt.f32 v33, $0.0e+00;
	v14 =	vor.u32 $0x180, v14;
	[tilespmem:v40+s17+$0x0] =	vst.idx.add.f32.msk $0xffff, v22;
	v23 =	vmul.f32 v23, v2  }
0x19f: {  	v13 =	vor.u32 $0x180, v13;
	v22 =	vadd.f32 v31, v39;
	v25 =	vmul.f32 v25, v1;
	v27 =	vld [tilespmem:s20+$0x90]  }
0x1a0: {  	v18 =	vor.u32 $0x180, v18;
	[tilespmem:v42+s17+$0x0] =	vst.idx.add.f32.msk $0xffff, v23;
	v30 =	vadd.f32 v53, v37;
	v34 =	vadd.f32 v34, v35  }
0x1a1: {  	vm13 =	vgt.f32 v22, $0.0e+00;
	v63 =	vshll.u32 v24, $0x2;
	v23 =	vmul.f32 v59, v15;
	v42 =	vld [tilespmem:s20+$0xC0]  }
0x1a2: {  	[tilespmem:v21+s17+$0x0] =	vst.idx.add.f32.msk $0xffff, v25;
	v26 =	vadd.f32 v26, v36;
	v21 =	vmul.f32 $9.999999770e-03, v30;
	v61 =	vmul.f32 $9.999999770e-03, v34;
	v62 =	vpop (erf)  }
0x1a3: {  	s22 =	simm.s32 $0x300;
	vm11 =	vgt.f32 v30, $0.0e+00;
	v29 =	vadd.f32 v54, v38;
	vm9 =	vgt.f32 v34, $0.0e+00;
	[tilespmem:v24+s16+$0x0] =	vst.idx.add.f32.msk $0xffff, v62  }
0x1a4: {  	v5 =	vmul.f32 v27, v5;
	v40 =	vmul.f32 $9.999999770e-03, v26;
	v31 =	vsel vm9, v34, v61;
	v39 =	vld [tilespmem:s22+$0xFFFFFF70]  }
0x1a5: {  	[tilespmem:v58+s17+$0x0] =	vst.idx.add.f32.msk $0xffff, v23;
	v35 =	vand.u32 $0xFFFFFE00, v63;
	v6 =	vmul.f32 $1.442695020e+00, v31;
	v24 =	vand.u32 $0x7F, v24  }
0x1a6: {  	v27 =	vld [tilespmem:s20+$0xD0];
	vm10 =	vgt.f32 v26, $0.0e+00;
	v21 =	vsel vm11, v30, v21;
	v24 =	vor.u32 v24, v35  }
0x1a7: {  	v2 =	vmul.f32 v42, v2;
	v23 =	vsel vm10, v26, v40;
	(erf) = vpow2.f32 v6;
	v6 =	vld [tilespmem:s20+$0xA0]  }
0x1a8: {  	v25 =	vmul.f32 $9.999999770e-03, v29;
	vm12 =	vgt.f32 v29, $0.0e+00;
	v23 =	vmul.f32 $1.442695020e+00, v23  }
0x1a9: {  	[tilespmem:v18+s17+$0x0] =	vst.idx.add.f32.msk $0xffff, v5;
	v5 =	vor.u32 $0x180, v7;
	v26 =	vmul.f32 $9.999999770e-03, v22;
	v41 =	vmul.f32 v62, v39  }
0x1aa: {  	v21 =	vmul.f32 $1.442695020e+00, v21;
	v25 =	vsel vm12, v29, v25;
	(erf) = vpow2.f32 v23;
	v23 =	vld [tilespmem:s20+$0xB0]  }
0x1ab: {  	v22 =	vsel vm13, v22, v26;
	v26 =	vmul.f32 $9.999999770e-03, v33;
	v25 =	vmul.f32 $1.442695020e+00, v25;
	[tilespmem:v24+s17+$0x0] =	vst.idx.add.f32.msk $0xffff, v41  }
0x1ac: {  	v32 =	vadd.f32 v55, v57;
	v1 =	vmul.f32 v27, v1;
	v4 =	vmul.f32 v6, v4;
	v6 =	vld [tilespmem:s22+$0xFFFFFFF0]  }
0x1ad: {  	[tilespmem:v13+s17+$0x0] =	vst.idx.add.f32.msk $0xffff, v2;
	v7 =	vmul.f32 $1.442695020e+00, v22;
	(erf) = vpow2.f32 v21;
	v21 =	vsel vm14, v33, v26  }
0x1ae: {  	vm15 =	vgt.f32 v32, $0.0e+00;
	[tilespmem:v5+s17+$0x0] =	vst.idx.add.f32.msk $0xffff, v1;
	v26 =	vmul.f32 $9.999999770e-03, v32;
	v18 =	vmul.f32 $1.442695020e+00, v21  }
0x1af: {  	(erf) = vpow2.f32 v25;
	v21 =	vld [tilespmem:s20+$0xE0];
	v3 =	vmul.f32 v23, v3;
	v22 =	vor.u32 $0x80, v24  }
0x1b0: {  	(erf) = vpow2.f32 v7;
	[tilespmem:v17+s17+$0x0] =	vst.idx.add.f32.msk $0xffff, v4;
	v4 =	vsel vm15, v32, v26  }
0x1b1: {  	[tilespmem:v14+s17+$0x0] =	vst.idx.add.f32.msk $0xffff, v3;
	v3 =	vmul.f32 $1.442695020e+00, v4;
	v7 =	vpop (erf);
	v4 =	vmul.f32 v62, v6  }
0x1b2: {  	[tilespmem:v20+s16+$0x0] =	vst.idx.add.f32.msk $0xffff, v7  }
0x1b3: {  	(erf) = vpow2.f32 v18;
	v1 =	vld [tilespmem:s22+$0xFFFFFF00]  }
0x1b4: {  	[tilespmem:v22+s17+$0x0] =	vst.idx.add.f32.msk $0xffff, v4  }
0x1b5: {  	(erf) = vpow2.f32 v3;
	v3 =	vld [tilespmem:s22+$0x70];
	v4 =	vpop (erf)  }
0x1b6: {  	v5 =	vpop (erf);
	[tilespmem:v43+s16+$0x0] =	vst.idx.add.f32.msk $0xffff, v4  }
0x1b7: {  	[tilespmem:v16+s16+$0x0] =	vst.idx.add.f32.msk $0xffff, v5  }
0x1b8: {  	v13 =	vor.u32 $0x100, v24;
	v18 =	vor.u32 $0x180, v24;
	v6 =	vpop (erf);
	v24 =	vld [tilespmem:s22+$0xFFFFFF10]  }
0x1b9: {  	[tilespmem:v12+s16+$0x0] =	vst.idx.add.f32.msk $0xffff, v6  }
0x1ba: {  	v23 =	vshll.u32 v20, $0x2;
	v2 =	vpop (erf);
	v25 =	vld [tilespmem:s22+$0xFFFFFF20]  }
0x1bb: {  	v23 =	vand.u32 $0xFFFFFE00, v23;
	v14 =	vshll.u32 v43, $0x2;
	v20 =	vand.u32 $0x7F, v20;
	[tilespmem:v50+s16+$0x0] =	vst.idx.add.f32.msk $0xffff, v2  }
0x1bc: {  	v19 =	vand.u32 $0x7F, v43;
	v14 =	vand.u32 $0xFFFFFE00, v14;
	v20 =	vor.u32 v20, v23;
	v17 =	vpop (erf);
	v26 =	vld [tilespmem:s22+$0xFFFFFF30]  }
0x1bd: {  	v14 =	vor.u32 v19, v14;
	v23 =	vshll.u32 v12, $0x2;
	v3 =	vmul.f32 v3, v62;
	[tilespmem:v51+s16+$0x0] =	vst.idx.add.f32.msk $0xffff, v17  }
0x1be: {  	v23 =	vand.u32 $0xFFFFFE00, v23;
	v22 =	vand.u32 $0x7F, v16;
	v12 =	vand.u32 $0x7F, v12;
	v19 =	vld [tilespmem:s22+$0xFFFFFF40]  }
0x1bf: {  	v16 =	vshll.u32 v16, $0x2;
	v23 =	vor.u32 v12, v23;
	v12 =	vmul.f32 v7, v1;
	[tilespmem:v13+s17+$0x0] =	vst.idx.add.f32.msk $0xffff, v3  }
0x1c0: {  	v11 =	vshll.u32 v50, $0x2;
	v16 =	vand.u32 $0xFFFFFE00, v16;
	v13 =	vld [tilespmem:s22+$0xF0]  }
0x1c1: {  	v11 =	vand.u32 $0xFFFFFE00, v11;
	v22 =	vor.u32 v22, v16;
	[tilespmem:v20+s17+$0x0] =	vst.idx.add.f32.msk $0xffff, v12  }
0x1c2: {  	v16 =	vand.u32 $0x7F, v50;
	v1 =	vshll.u32 v51, $0x2;
	v44 =	vmul.f32 v4, v24;
	v47 =	vld [tilespmem:s22+$0xFFFFFF80];
	v3 =	vpop (erf)  }
0x1c3: {  	v10 =	vand.u32 $0x7F, v51;
	v27 =	vor.u32 v16, v11;
	v1 =	vand.u32 $0xFFFFFE00, v1;
	[tilespmem:v52+s16+$0x0] =	vst.idx.add.f32.msk $0xffff, v3  }
0x1c4: {  	v10 =	vor.u32 v10, v1;
	v1 =	vmul.f32 v6, v26;
	[tilespmem:v14+s17+$0x0] =	vst.idx.add.f32.msk $0xffff, v44  }
0x1c5: {  	v16 =	vld [tilespmem:s22+$0xFFFFFF60];
	v13 =	vmul.f32 v13, v62  }
0x1c6: {  	v12 =	vshll.u32 v52, $0x2;
	[tilespmem:v23+s17+$0x0] =	vst.idx.add.f32.msk $0xffff, v1  }
0x1c7: {  	v45 =	vand.u32 $0xFFFFFE00, v12;
	v12 =	vmul.f32 v2, v19;
	[tilespmem:v18+s17+$0x0] =	vst.idx.add.f32.msk $0xffff, v13  }
0x1c8: {  	v13 =	vld [tilespmem:s22+$0xFFFFFF50]  }
0x1c9: {  	v9 =	vand.u32 $0x7F, v52;
	v48 =	vor.u32 $0x80, v20;
	[tilespmem:v27+s17+$0x0] =	vst.idx.add.f32.msk $0xffff, v12;
	v18 =	vmul.f32 v5, v25  }
0x1ca: {  	v26 =	vor.u32 v9, v45;
	v19 =	vld [tilespmem:s22+$0xFFFFFFB0]  }
0x1cb: {  	[tilespmem:v22+s17+$0x0] =	vst.idx.add.f32.msk $0xffff, v18  }
0x1cc: {  	v11 =	vmul.f32 v7, v47;
	v12 =	vmul.f32 v3, v16;
	v16 =	vld [tilespmem:s22+$0xFFFFFFA0]  }
0x1cd: {  	v46 =	vmul.f32 v17, v13;
	v13 =	vld [tilespmem:s22+$0xFFFFFF90]  }
0x1ce: {  	v1 =	vor.u32 $0x80, v22;
	[tilespmem:v48+s17+$0x0] =	vst.idx.add.f32.msk $0xffff, v11  }
0x1cf: {  	[tilespmem:v26+s17+$0x0] =	vst.idx.add.f32.msk $0xffff, v12;
	v12 =	vor.u32 $0x80, v14  }
0x1d0: {  	v18 =	vld [tilespmem:s22+$0xFFFFFFC0]  }
0x1d1: {  	v24 =	vor.u32 $0x80, v23;
	[tilespmem:v10+s17+$0x0] =	vst.idx.add.f32.msk $0xffff, v46;
	v50 =	vmul.f32 v5, v16  }
0x1d2: {  	v49 =	vld [tilespmem:s22+$0xFFFFFFD0];
	v13 =	vmul.f32 v4, v13  }
0x1d3: {  	[tilespmem:v1+s17+$0x0] =	vst.idx.add.f32.msk $0xffff, v50  }
0x1d4: {  	v16 =	vmul.f32 v6, v19;
	[tilespmem:v12+s17+$0x0] =	vst.idx.add.f32.msk $0xffff, v13  }
0x1d5: {  	v12 =	vor.u32 $0x80, v27;
	v13 =	vld [tilespmem:s22+$0xFFFFFFE0]  }
0x1d6: {  	v19 =	vor.u32 $0x80, v10;
	[tilespmem:v24+s17+$0x0] =	vst.idx.add.f32.msk $0xffff, v16  }
0x1d7: {  	v51 =	vor.u32 $0x80, v26;
	v1 =	vld [tilespmem:s22+$0x0]  }
0x1d8: {  	v16 =	vmul.f32 v2, v18;
	v52 =	vld [tilespmem:s22+$0x20]  }
0x1d9: {  	v24 =	vor.u32 $0x100, v20;
	v9 =	vmul.f32 v17, v49;
	v18 =	vld [tilespmem:s22+$0x10]  }
0x1da: {  	[tilespmem:v12+s17+$0x0] =	vst.idx.add.f32.msk $0xffff, v16;
	v12 =	vmul.f32 v3, v13  }
0x1db: {  	[tilespmem:v19+s17+$0x0] =	vst.idx.add.f32.msk $0xffff, v9  }
0x1dc: {  	v53 =	vmul.f32 v1, v7;
	v1 =	vor.u32 $0x100, v22;
	[tilespmem:v51+s17+$0x0] =	vst.idx.add.f32.msk $0xffff, v12  }
0x1dd: {  	v15 =	vmul.f32 v21, v15;
	v54 =	vld [tilespmem:s22+$0x30];
	v13 =	vor.u32 $0x100, v14;
	[tilespmem:$0x1FFF0] =	vst v1  }
0x1de: {  	v59 =	vor.u32 $0x180, v14;
	v58 =	vor.u32 $0x180, v20;
	v63 =	vor.u32 $0x100, v23;
	[tilespmem:v24+s17+$0x0] =	vst.idx.add.f32.msk $0xffff, v53  }
0x1df: {  	v61 =	vor.u32 $0x100, v26;
	v60 =	vor.u32 $0x180, v26;
	v62 =	vor.u32 $0x100, v27;
	v24 =	vld [tilespmem:s22+$0x40]  }
0x1e0: {  	v48 =	vor.u32 $0x180, v8;
	v20 =	vor.u32 $0x180, v10;
	v55 =	vmul.f32 v18, v4;
	v25 =	vld [tilespmem:s22+$0x50]  }
0x1e1: {  	v49 =	vor.u32 $0x180, v23;
	v19 =	vor.u32 $0x180, v27;
	v47 =	vmul.f32 v52, v5;
	v26 =	vld [tilespmem:s22+$0x60]  }
0x1e2: {  	s23 =	simm.s32 $0x8;
	s24 =	simm.s32 $0xCEC0;
	s20 =	simm.s32 $0x300;
	v46 =	vmul.f32 v54, v6;
	v16 =	vor.u32 $0x100, v10;
	v18 =	vor.u32 $0x180, v22;
	[tilespmem:v13+s17+$0x0] =	vst.idx.add.f32.msk $0xffff, v55  }
.LBB2_7:
0x1e3: {  	v45 =	vld [tilespmem:s24+$0x30]  }
0x1e4: {  	v34 =	vld [tilespmem:s24+$0xFFFFFFD0]  }
0x1e5: {  	v35 =	vld [tilespmem:s24+$0xFFFFFFE0]  }
0x1e6: {  	v36 =	vld [tilespmem:s24+$0xFFFFFFF0]  }
0x1e7: {  	v33 =	vld [tilespmem:s24+$0x0]  }
0x1e8: {  	v32 =	vld [tilespmem:s24+$0x10]  }
0x1e9: {  	v31 =	vld [tilespmem:s24+$0x20]  }
0x1ea: {  	v44 =	vld [tilespmem:s24+$0xFFFFFFC0];
	s21 =	sadd.s32 $0x80, s21  }
0x1eb: {  	[tilespmem:$0x1FF80] =	vst v48;
	v38 =	vld [tilespmem:s21+$0x30]  }
0x1ec: {  	[tilespmem:$0x1FFB0] =	vst v20;
	v20 =	vmov v60;
	v60 =	vld [tilespmem:s21+$0xFFFFFFE0];
	v48 =	vmul.f32 v24, v2  }
0x1ed: {  	[tilespmem:$0x1FF90] =	vst v49;
	v49 =	vmul.f32 v25, v17;
	v50 =	vmul.f32 v26, v3;
	v22 =	vand.u32 $0x7F, v34;
	v28 =	vld.idx.msk [tilespmem:v45+s13+$0x0], $0xffff  }
0x1ee: {  	v23 =	vshll.u32 v34, $0x2;
	v24 =	vand.u32 $0x7F, v35;
	v25 =	vshll.u32 v35, $0x2;
	v52 =	vld.idx.msk [tilespmem:v35+s13+$0x0], $0xffff  }
0x1ef: {  	v9 =	vld [tilespmem:s21+$0x0];
	v26 =	vand.u32 $0x7F, v36;
	v27 =	vshll.u32 v36, $0x2;
	v37 =	vshll.u32 v32, $0x2  }
0x1f0: {  	v14 =	vld [tilespmem:s21+$0x20];
	v54 =	vand.u32 $0x7F, v31;
	v57 =	vshll.u32 v31, $0x2;
	v40 =	vand.u32 $0x7F, v44  }
0x1f1: {  	v39 =	vshll.u32 v44, $0x2;
	v23 =	vand.u32 $0xFFFFFE00, v23;
	v25 =	vand.u32 $0xFFFFFE00, v25;
	v51 =	vld.idx.msk [tilespmem:v34+s13+$0x0], $0xffff  }
0x1f2: {  	v42 =	vand.u32 $0xFFFFFE00, v39;
	v39 =	vor.u32 v22, v23;
	v55 =	vld.idx.msk [tilespmem:v36+s13+$0x0], $0xffff;
	v22 =	vadd.f32 v28, v38  }
0x1f3: {  	v21 =	vmovc v62;
	v27 =	vand.u32 $0xFFFFFE00, v27;
	v56 =	vand.u32 $0xFFFFFE00, v57;
	v52 =	vadd.f32 v52, v60;
	v60 =	vld [tilespmem:$0x1FFF0]  }
0x1f4: {  	v53 =	vand.u32 $0xFFFFFE00, v37;
	v38 =	vor.u32 v54, v56;
	v56 =	vld [tilespmem:s21+$0xFFFFFFD0];
	v23 =	vmul.f32 $9.999999770e-03, v22  }
0x1f5: {  	v37 =	vor.u32 v24, v25;
	v43 =	vor.u32 v40, v42;
	v57 =	vld.idx.msk [tilespmem:v33+s13+$0x0], $0xffff;
	vm0 =	vgt.f32 v22, $0.0e+00  }
0x1f6: {  	v41 =	vand.u32 $0x7F, v32;
	v40 =	vor.u32 v26, v27;
	v24 =	vmovc v58;
	v58 =	vld.idx.msk [tilespmem:v32+s13+$0x0], $0xffff;
	v23 =	vsel vm0, v22, v23  }
0x1f7: {  	v41 =	vor.u32 v41, v53;
	v26 =	vmovc v18;
	v53 =	vld.idx.msk [tilespmem:v31+s13+$0x0], $0xffff;
	v18 =	vmov v61;
	v61 =	vmul.f32 $1.442695020e+00, v23  }
0x1f8: {  	v1 =	vor.u32 $0x80, v39;
	[tilespmem:v21+s17+$0x0] =	vst.idx.add.f32.msk $0xffff, v48  }
0x1f9: {  	v25 =	vmovc v59;
	v59 =	vld.idx.msk [tilespmem:v44+s13+$0x0], $0xffff;
	[tilespmem:$0x1FFC0] =	vst v1;
	v1 =	vor.u32 $0x80, v40;
	v51 =	vadd.f32 v51, v56;
	(erf) = vpow2.f32 v61  }
0x1fa: {  	v54 =	vld [tilespmem:s21+$0xFFFFFFC0]  }
0x1fb: {  	[tilespmem:v60+s17+$0x0] =	vst.idx.add.f32.msk $0xffff, v47;
	v47 =	vmul.f32 $9.999999770e-03, v51  }
0x1fc: {  	[tilespmem:$0x1FFD0] =	vst v1;
	v1 =	vmov v16;
	v16 =	vmov v63;
	v61 =	vld [tilespmem:s21+$0x10];
	vm1 =	vgt.f32 v51, $0.0e+00  }
0x1fd: {  	v47 =	vsel vm1, v51, v47;
	v51 =	vld [tilespmem:s22+$0x90]  }
0x1fe: {  	v48 =	vld [tilespmem:s22+$0x80]  }
0x1ff: {  	[tilespmem:$0x1FFA0] =	vst v19;
	v63 =	vld [tilespmem:s21+$0xFFFFFFF0];
	v54 =	vadd.f32 v59, v54  }
0x200: {  	v19 =	vmov v15;
	v62 =	vor.u32 $0x100, v37;
	v9 =	vadd.f32 v57, v9;
	[tilespmem:v18+s17+$0x0] =	vst.idx.add.f32.msk $0xffff, v50  }
0x201: {  	v12 =	vor.u32 $0x100, v38;
	[tilespmem:v16+s17+$0x0] =	vst.idx.add.f32.msk $0xffff, v46;
	v15 =	vmul.f32 $9.999999770e-03, v54;
	v60 =	vmovc v62;
	v46 =	vadd.f32 v58, v61  }
0x202: {  	vm13 =	vgt.f32 v54, $0.0e+00;
	[tilespmem:$0x1FFF0] =	vst v60;
	v58 =	vmul.f32 $9.999999770e-03, v9;
	v4 =	vmul.f32 v51, v4;
	v50 =	vpop (erf)  }
0x203: {  	vm4 =	vgt.f32 v9, $0.0e+00;
	v61 =	vmovc v12;
	v12 =	vsel vm13, v54, v15;
	v15 =	vmul.f32 $9.999999770e-03, v46;
	[tilespmem:v45+s16+$0x0] =	vst.idx.add.f32.msk $0xffff, v50  }
0x204: {  	v60 =	vshll.u32 v45, $0x2;
	vm14 =	vgt.f32 v46, $0.0e+00;
	v9 =	vsel vm4, v9, v58;
	[tilespmem:v25+s17+$0x0] =	vst.idx.add.f32.msk $0xffff, v4  }
0x205: {  	v58 =	vsel vm14, v46, v15;
	v46 =	vand.u32 $0xFFFFFE00, v60;
	v45 =	vand.u32 $0x7F, v45;
	v4 =	vld [tilespmem:$0x1FF90]  }
0x206: {  	v7 =	vmul.f32 v48, v7;
	v45 =	vor.u32 v45, v46;
	v46 =	vld [tilespmem:s20+$0xB0]  }
0x207: {  	v14 =	vadd.f32 v53, v14;
	v53 =	vld [tilespmem:s20+$0xC0]  }
0x208: {  	v30 =	vshll.u32 v33, $0x2;
	v8 =	vor.u32 $0x80, v41;
	[tilespmem:v24+s17+$0x0] =	vst.idx.add.f32.msk $0xffff, v7;
	s22 =	sadd.s32 $0x200, s22  }
0x209: {  	v29 =	vand.u32 $0x7F, v33;
	v30 =	vand.u32 $0xFFFFFE00, v30;
	[tilespmem:$0x1FFE0] =	vst v8;
	v12 =	vmul.f32 $1.442695020e+00, v12;
	v15 =	vld [tilespmem:s22+$0xFFFFFF70]  }
0x20a: {  	v42 =	vor.u32 v29, v30;
	v8 =	vor.u32 $0x100, v40;
	[tilespmem:v1+s17+$0x0] =	vst.idx.add.f32.msk $0xffff, v49  }
0x20b: {  	v55 =	vadd.f32 v55, v63;
	v1 =	vld [tilespmem:$0x1FF80];
	(erf) = vpow2.f32 v12;
	v6 =	vmul.f32 v46, v6  }
0x20c: {  	v10 =	vor.u32 $0x100, v42;
	v63 =	vmov v8;
	v8 =	vmul.f32 $9.999999770e-03, v52;
	v49 =	vld [tilespmem:s20+$0xA0]  }
0x20d: {  	vm2 =	vgt.f32 v52, $0.0e+00;
	v62 =	vmov v10;
	v10 =	vmul.f32 $9.999999770e-03, v55;
	[tilespmem:v4+s17+$0x0] =	vst.idx.add.f32.msk $0xffff, v6  }
0x20e: {  	v8 =	vsel vm2, v52, v8;
	v47 =	vmul.f32 $1.442695020e+00, v47;
	v15 =	vmul.f32 v50, v15;
	v4 =	vld [tilespmem:$0x1FFA0]  }
0x20f: {  	vm3 =	vgt.f32 v55, $0.0e+00;
	v8 =	vmul.f32 $1.442695020e+00, v8;
	v12 =	vld [tilespmem:s20+$0xE0]  }
0x210: {  	v10 =	vsel vm3, v55, v10;
	(erf) = vpow2.f32 v47;
	[tilespmem:v45+s17+$0x0] =	vst.idx.add.f32.msk $0xffff, v15  }
0x211: {  	v10 =	vmul.f32 $1.442695020e+00, v10;
	(erf) = vpow2.f32 v8;
	v8 =	vld [tilespmem:s22+$0xFFFFFFF0]  }
0x212: {  	v55 =	vld [tilespmem:s20+$0xD0];
	v5 =	vmul.f32 v49, v5  }
0x213: {  	[tilespmem:v1+s17+$0x0] =	vst.idx.add.f32.msk $0xffff, v19;
	(erf) = vpow2.f32 v10;
	v47 =	vor.u32 $0x80, v45  }
0x214: {  	v2 =	vmul.f32 v53, v2;
	[tilespmem:v26+s17+$0x0] =	vst.idx.add.f32.msk $0xffff, v5;
	v7 =	vpop (erf)  }
0x215: {  	[tilespmem:v44+s16+$0x0] =	vst.idx.add.f32.msk $0xffff, v7  }
0x216: {  	v15 =	vmul.f32 v12, v3;
	v3 =	vmul.f32 v50, v8;
	[tilespmem:v4+s17+$0x0] =	vst.idx.add.f32.msk $0xffff, v2  }
0x217: {  	v2 =	vld [tilespmem:$0x1FFB0]  }
0x218: {  	[tilespmem:v47+s17+$0x0] =	vst.idx.add.f32.msk $0xffff, v3  }
0x219: {  	v9 =	vmul.f32 $1.442695020e+00, v9;
	v4 =	vpop (erf);
	v8 =	vld [tilespmem:s22+$0x70]  }
0x21a: {  	v11 =	vor.u32 $0x100, v41;
	vm15 =	vgt.f32 v14, $0.0e+00;
	v57 =	vmul.f32 $9.999999770e-03, v14;
	[tilespmem:v34+s16+$0x0] =	vst.idx.add.f32.msk $0xffff, v4  }
0x21b: {  	v16 =	vmov v11;
	v11 =	vmul.f32 $1.442695020e+00, v58;
	(erf) = vpow2.f32 v9;
	v5 =	vpop (erf);
	v34 =	vld [tilespmem:s22+$0xFFFFFF00]  }
0x21c: {  	v14 =	vsel vm15, v14, v57;
	v57 =	vor.u32 $0x180, v41;
	v6 =	vpop (erf);
	[tilespmem:v35+s16+$0x0] =	vst.idx.add.f32.msk $0xffff, v5  }
0x21d: {  	v48 =	vmovc v20;
	v20 =	vmov v57;
	v57 =	vor.u32 $0x100, v45;
	(erf) = vpow2.f32 v11;
	[tilespmem:v36+s16+$0x0] =	vst.idx.add.f32.msk $0xffff, v6  }
0x21e: {  	v14 =	vmul.f32 $1.442695020e+00, v14;
	v36 =	vld [tilespmem:s22+$0xFFFFFF10]  }
0x21f: {  	v13 =	vor.u32 $0x180, v37;
	v1 =	vmul.f32 v55, v17;
	v12 =	vld [tilespmem:s22+$0xFFFFFF20]  }
0x220: {  	v18 =	vmov v13;
	(erf) = vpow2.f32 v14;
	v13 =	vld [tilespmem:s22+$0xFFFFFF30];
	v8 =	vmul.f32 v8, v50  }
0x221: {  	v9 =	vmul.f32 v7, v34;
	[tilespmem:v2+s17+$0x0] =	vst.idx.add.f32.msk $0xffff, v1  }
0x222: {  	[tilespmem:v57+s17+$0x0] =	vst.idx.add.f32.msk $0xffff, v8  }
0x223: {  	[tilespmem:v43+s17+$0x0] =	vst.idx.add.f32.msk $0xffff, v9  }
0x224: {  	v2 =	vpop (erf);
	v1 =	vld [tilespmem:$0x1FFC0]  }
0x225: {  	[tilespmem:v33+s16+$0x0] =	vst.idx.add.f32.msk $0xffff, v2  }
0x226: {  	v17 =	vpop (erf);
	v8 =	vld [tilespmem:s22+$0xF0]  }
0x227: {  	v35 =	vor.u32 $0x180, v45;
	v45 =	vmul.f32 v5, v12;
	[tilespmem:v32+s16+$0x0] =	vst.idx.add.f32.msk $0xffff, v17  }
0x228: {  	v14 =	vld [tilespmem:s22+$0xFFFFFF40]  }
0x229: {  	v3 =	vpop (erf);
	[tilespmem:v37+s17+$0x0] =	vst.idx.add.f32.msk $0xffff, v45  }
0x22a: {  	[tilespmem:v31+s16+$0x0] =	vst.idx.add.f32.msk $0xffff, v3  }
0x22b: {  	v44 =	vld [tilespmem:s22+$0xFFFFFF50];
	v8 =	vmul.f32 v8, v50  }
0x22c: {  	v46 =	vmul.f32 v6, v13;
	v12 =	vld [tilespmem:s22+$0xFFFFFF60]  }
0x22d: {  	[tilespmem:v35+s17+$0x0] =	vst.idx.add.f32.msk $0xffff, v8;
	v8 =	vmul.f32 v4, v36  }
0x22e: {  	[tilespmem:v40+s17+$0x0] =	vst.idx.add.f32.msk $0xffff, v46  }
0x22f: {  	[tilespmem:v39+s17+$0x0] =	vst.idx.add.f32.msk $0xffff, v8;
	v8 =	vmul.f32 v2, v14  }
0x230: {  	v50 =	vld [tilespmem:s22+$0xFFFFFF90]  }
0x231: {  	[tilespmem:v42+s17+$0x0] =	vst.idx.add.f32.msk $0xffff, v8;
	v8 =	vmul.f32 v3, v12  }
0x232: {  	v51 =	vld [tilespmem:s22+$0xFFFFFFA0]  }
0x233: {  	[tilespmem:v38+s17+$0x0] =	vst.idx.add.f32.msk $0xffff, v8  }
0x234: {  	v52 =	vor.u32 $0x180, v40;
	v8 =	vld [tilespmem:s22+$0xFFFFFF80]  }
0x235: {  	v49 =	vmov v52;
	v52 =	vld [tilespmem:s22+$0xFFFFFFB0];
	v9 =	vmul.f32 v4, v50  }
0x236: {  	v28 =	vor.u32 $0x80, v43;
	v12 =	vld [tilespmem:s22+$0xFFFFFFC0]  }
0x237: {  	v47 =	vmul.f32 v17, v44;
	[tilespmem:v1+s17+$0x0] =	vst.idx.add.f32.msk $0xffff, v9  }
0x238: {  	v29 =	vor.u32 $0x80, v37;
	v1 =	vld [tilespmem:$0x1FFD0]  }
0x239: {  	[tilespmem:v41+s17+$0x0] =	vst.idx.add.f32.msk $0xffff, v47;
	v8 =	vmul.f32 v7, v8  }
0x23a: {  	v27 =	vor.u32 $0x80, v42;
	v14 =	vld [tilespmem:s22+$0xFFFFFFE0]  }
0x23b: {  	[tilespmem:v28+s17+$0x0] =	vst.idx.add.f32.msk $0xffff, v8;
	v8 =	vmul.f32 v5, v51  }
0x23c: {  	v13 =	vld [tilespmem:s22+$0xFFFFFFD0]  }
0x23d: {  	v30 =	vor.u32 $0x80, v38;
	[tilespmem:v29+s17+$0x0] =	vst.idx.add.f32.msk $0xffff, v8;
	v8 =	vmul.f32 v2, v12  }
0x23e: {  	v53 =	vmul.f32 v6, v52;
	v55 =	vld [tilespmem:s22+$0x10]  }
0x23f: {  	[tilespmem:v27+s17+$0x0] =	vst.idx.add.f32.msk $0xffff, v8  }
0x240: {  	v8 =	vmul.f32 v3, v14;
	[tilespmem:v1+s17+$0x0] =	vst.idx.add.f32.msk $0xffff, v53  }
0x241: {  	v59 =	vor.u32 $0x180, v43;
	v1 =	vld [tilespmem:$0x1FFE0]  }
0x242: {  	v23 =	vor.u32 $0x100, v39;
	[tilespmem:v30+s17+$0x0] =	vst.idx.add.f32.msk $0xffff, v8  }
0x243: {  	v56 =	vor.u32 $0x180, v39;
	v8 =	vld [tilespmem:s22+$0x0]  }
0x244: {  	v58 =	vmov v59;
	v59 =	vmov v56;
	v56 =	vld [tilespmem:s22+$0x20]  }
0x245: {  	s23 =	sadd.s32 $0x8, s23;
	v22 =	vor.u32 $0x100, v43;
	v9 =	vmul.f32 v55, v4;
	v24 =	vld [tilespmem:s22+$0x40]  }
0x246: {  	p1 =	slt.u32 s23, $0x268;
	v54 =	vor.u32 $0x180, v42;
	v57 =	vld [tilespmem:s22+$0x30]  }
.Ltmp7:
0x247: {  	v19 =	vmov v54;
	v54 =	vmul.f32 v17, v13;
	[tilespmem:v23+s17+$0x0] =	vst.idx.add.f32.msk $0xffff, v9;
	(pc) =	sbr.rel @p1 .LBB2_7-.Ltmp7, $4  }
0x248: {  	v26 =	vld [tilespmem:s22+$0x60];
	v8 =	vmul.f32 v8, v7  }
0x249: {  	[tilespmem:v1+s17+$0x0] =	vst.idx.add.f32.msk $0xffff, v54  }
0x24a: {  	[tilespmem:v22+s17+$0x0] =	vst.idx.add.f32.msk $0xffff, v8  }
0x24b: {  	s24 =	sadd.s32 $0x80, s24;
	v60 =	vor.u32 $0x180, v38;
	s20 =	smov.u32 s22;
	v47 =	vmul.f32 v56, v5;
	v46 =	vmul.f32 v57, v6;
	v25 =	vld [tilespmem:s22+$0x50]  }
0x24c: {  	_ =	sdelay $0x2  }
0x24d: {  	v1 =	vld [tilespmem:$0x1FFF0]  }
0x24e: {  	v8 =	vmul.f32 v24, v2;
	[tilespmem:v48+s17+$0x0] =	vst.idx.add.f32.msk $0xffff, v15  }
0x24f: {  	[tilespmem:v63+s17+$0x0] =	vst.idx.add.f32.msk $0xffff, v46  }
0x250: {  	[tilespmem:v62+s17+$0x0] =	vst.idx.add.f32.msk $0xffff, v8  }
0x251: {  	v10 =	vmul.f32 v26, v3;
	v62 =	vld [tilespmem:s22+$0x90]  }
0x252: {  	v11 =	vld [tilespmem:s20+$0xB0]  }
0x253: {  	[tilespmem:v61+s17+$0x0] =	vst.idx.add.f32.msk $0xffff, v10  }
0x254: {  	v61 =	vld [tilespmem:s22+$0x80]  }
0x255: {  	v12 =	vld [tilespmem:s20+$0xC0];
	v9 =	vmul.f32 v25, v17  }
0x256: {  	v14 =	vld [tilespmem:s20+$0xE0]  }
0x257: {  	[tilespmem:v16+s17+$0x0] =	vst.idx.add.f32.msk $0xffff, v9  }
0x258: {  	v13 =	vld [tilespmem:s20+$0xD0]  }
0x259: {  	v4 =	vmul.f32 v62, v4;
	[tilespmem:v1+s17+$0x0] =	vst.idx.add.f32.msk $0xffff, v47  }
0x25a: {  	v6 =	vmul.f32 v11, v6;
	v63 =	vld [tilespmem:s20+$0xA0]  }
0x25b: {  	v7 =	vmul.f32 v61, v7;
	[tilespmem:v59+s17+$0x0] =	vst.idx.add.f32.msk $0xffff, v4  }
0x25c: {  	v2 =	vmul.f32 v12, v2;
	[tilespmem:v49+s17+$0x0] =	vst.idx.add.f32.msk $0xffff, v6  }
0x25d: {  	v3 =	vmul.f32 v14, v3;
	[tilespmem:v58+s17+$0x0] =	vst.idx.add.f32.msk $0xffff, v7  }
0x25e: {  	[tilespmem:v19+s17+$0x0] =	vst.idx.add.f32.msk $0xffff, v2;
	v1 =	vmul.f32 v13, v17  }
0x25f: {  	[tilespmem:v60+s17+$0x0] =	vst.idx.add.f32.msk $0xffff, v3;
	v5 =	vmul.f32 v63, v5  }
0x260: {  	[tilespmem:v20+s17+$0x0] =	vst.idx.add.f32.msk $0xffff, v1  }
0x261: {  	[tilespmem:v18+s17+$0x0] =	vst.idx.add.f32.msk $0xffff, v5  }
0x262: {  	v2 =	vld [tilespmem:$0xF480];
	_ =	sdelay $0x6  }
0x263: {  	v1 =	vld [tilespmem:$0xC500]  }
0x264: {  	v3 =	vld.idx.msk [tilespmem:v2+s13+$0x0], $0xffff;
	_ =	sdelay $0x4  }
0x265: {  	v1 =	vadd.f32 v3, v1;
	_ =	sdelay $0x1  }
0x266: {  	v3 =	vmul.f32 $9.999999770e-03, v1  }
0x267: {  	vm0 =	vgt.f32 v1, $0.0e+00  }
0x268: {  	v1 =	vsel vm0, v1, v3  }
0x269: {  	v1 =	vmul.f32 $1.442695020e+00, v1;
	_ =	sdelay $0x1  }
0x26a: {  	(erf) = vpow2.f32 v1;
	_ =	sdelay $0x8  }
0x26b: {  	v1 =	vpop (erf)  }
0x26c: {  	[tilespmem:v2+s16+$0x0] =	vst.idx.add.f32.msk $0xffff, v1  }
0x26d: {  	v4 =	vshll.u32 v2, $0x2;
	v3 =	vld [tilespmem:$0x9C00]  }
0x26e: {  	v4 =	vand.u32 $0xFFFFFE00, v4;
	v2 =	vand.u32 $0x7F, v2  }
0x26f: {  	v2 =	vor.u32 v2, v4;
	_ =	sdelay $0x2  }
0x270: {  	v3 =	vmul.f32 v1, v3;
	_ =	sdelay $0x1  }
0x271: {  	[tilespmem:v2+s17+$0x0] =	vst.idx.add.f32.msk $0xffff, v3  }
0x272: {  	v3 =	vld [tilespmem:$0x9C80];
	_ =	sdelay $0x1  }
0x273: {  	v4 =	vor.u32 $0x80, v2;
	_ =	sdelay $0x2  }
0x274: {  	v3 =	vmul.f32 v1, v3;
	_ =	sdelay $0x1  }
0x275: {  	[tilespmem:v4+s17+$0x0] =	vst.idx.add.f32.msk $0xffff, v3  }
0x276: {  	v3 =	vld [tilespmem:$0x9D00]  }
.Ltmp8:
0x277: {  	_ = 	snop;
	(pc) =	sbr.rel .LBB2_12-.Ltmp8, $2  }
0x278: {  	_ =	sdelay $0x2  }
0x279: {  	v3 =	vmul.f32 v3, v1  }
.LBB2_13:
0x27a: {  	_ =	sfence.sel $0x180000  }
0x27b: {  	[bflag:$0x0] =	sbarrier.arrive $0xFFFF  }
0x27c: {  	_ =	strace $0x90000050  }
0x27d: {  	s0 =	stileid.u32;
	[bflag:$0x2] =	sbarrier.arrive $0xFFFF  }
0x27e: {  	p0 =	sne.s32 s0, $0x0;
	s0 =	rddreg [dreg:$0x2]  }
0x27f: {  	s0 =	sadd.s32 @!p0 $0x100000, s0  }
0x280: {  	[sflag:s0] =	ssyncadd.tile.s32 @!p0 $0x1;
	_ =	shalt  }
.Lfunc_end2:
_tile_overlayer_lowered:
.L_overlay_start_2:
0x281: {  	(tag) =	ssettag $0x2  }
0x282: {  	s0 =	rddreg [dreg:$0x0];
	s2 =	stileid.u32  }
0x283: {  	s1 =	rddreg [dreg:$0x1];
	p0 =	sne.s32 s2, $0x0  }
0x284: {  	s3 =	rddreg [dreg:$0x2];
	[bflag:$0x3] =	sbarrier.arrive $0xFFFF;
	s2 =	simm.s32 @!p0 $0x1C02  }
0x285: {  	[timem:s3], [sflag:s2] =	dma.local @!p0 [hbm:s0], s1  }
0x286: {  	s0 =	simm.s32 @!p0 $0x2  }
0x287: {  	_ =	swait.ge @!p0 [sflag:s0], s1  }
0x288: {  	s1 =	ssub.s32 @!p0 $0x0, s1;
	[sflag:s0] =	ssyncset.done @!p0 $0x0  }
0x289: {  	[sflag:s0] =	ssyncadd.s32 @!p0 s1  }
0x28a: {  	[bflag:$0x3] =	sbarrier.arrive $0xFFFF  }
0x28b: {  	_ =	shalt  }

</sc_bundles>
